<compile_context>
chip_gen: v7x
topology: tpu7x:2x2x1
jax: 0.10.2.dev20260603
libtpu: 0.0.44.dev20260713+nightly
codegen_flags: <defaults>
</compile_context>

<pallas_src>
import numpy as np
import jax
import jax.numpy as jnp
from jax import lax
from jax.experimental import pallas as pl
from jax.experimental.pallas import tpu as pltpu
from jax.experimental.pallas import tpu_sc as plsc

_N_TOKENS = 16384
_N_EXPERTS = 64
_NC = 2
_NS = 16
_NW = _NC * _NS
_L = 16

_N_SC = 8192
_N_TC = _N_TOKENS - _N_SC
_RW = _N_SC // _NW
_CHUNKS = _RW // _L
_ST = 128
_SLABS = _RW // _ST
_SCHUNKS = _ST // _L
_TB = 512
_LN2 = float(np.log(2.0))


def _vlog(s):
    bits = lax.bitcast_convert_type(s, jnp.int32)
    k = (bits >> 23) - 127
    f = lax.bitcast_convert_type((bits & 0x007FFFFF) | 0x3F800000, jnp.float32)
    t = (f - 1.0) / (f + 1.0)
    t2 = t * t
    lf = 2.0 * t * (1.0 + t2 * (1.0 / 3.0 + t2 * (0.2 + t2 * (1.0 / 7.0 + t2 * (1.0 / 9.0)))))
    return k.astype(jnp.float32) * _LN2 + lf


def _sc_body(x_hbm, cnt_hbm, prob_hbm, z_hbm, xa, xb, ptmp, rcpbuf, pout, cacc,
             zbuf, sema, semb):
    wid = lax.axis_index("s") * _NC + lax.axis_index("c")
    t_base = wid * _RW

    lane = lax.iota(jnp.int32, _L)
    zero16 = jnp.zeros((_L,), jnp.float32)
    ones16 = jnp.ones((_L,), jnp.float32)
    for e in range(_N_EXPERTS):
        cacc[e, :] = zero16

    bufs = [xa, xb]
    sems = [sema, semb]
    pend = pltpu.async_copy(x_hbm.at[:, pl.ds(t_base, _ST)], xa, sema)

    zacc = zero16
    for sl in range(_SLABS):
        pend.wait()
        if sl + 1 < _SLABS:
            pend = pltpu.async_copy(
                x_hbm.at[:, pl.ds(t_base + (sl + 1) * _ST, _ST)],
                bufs[(sl + 1) % 2], sems[(sl + 1) % 2])
        buf = bufs[sl % 2]

        def chunk_body(c, zacc, buf=buf, sl=sl):
            t0 = c * _L
            tg = sl * _ST + t0
            s = None
            best = None
            for g in range(8):
                xs = [(buf[8 * g + j, pl.ds(t0, _L)], 8 * g + j) for j in range(8)]
                nodes = [(x, jnp.full((_L,), e, jnp.int32)) for x, e in xs]
                while len(nodes) > 1:
                    nxt = []
                    for a in range(0, len(nodes), 2):
                        (va, ia), (vb, ib) = nodes[a], nodes[a + 1]
                        upd = vb > va
                        nxt.append((jnp.where(upd, vb, va), jnp.where(upd, ib, ia)))
                    nodes = nxt
                gv, gi = nodes[0]
                if best is None:
                    best, besti = gv, gi
                else:
                    upd = gv > best
                    best = jnp.where(upd, gv, best)
                    besti = jnp.where(upd, gi, besti)
                ps = [jnp.exp(x) for x, _ in xs]
                for j in range(8):
                    ptmp[8 * g + j, pl.ds(tg, _L)] = ps[j]
                gs = ((ps[0] + ps[1]) + (ps[2] + ps[3])) + ((ps[4] + ps[5]) + (ps[6] + ps[7]))
                s = gs if s is None else s + gs
            plsc.addupdate_scatter(cacc, [besti, lane], ones16)
            logz = _vlog(s)
            rcpbuf[pl.ds(tg, _L)] = 1.0 / s
            return zacc + logz * logz

        zacc = lax.fori_loop(0, _SCHUNKS, chunk_body, zacc)

    zbuf[:] = zacc

    for eblk in range(8):
        def blk_body(c, accs, eblk=eblk):
            t0 = c * _L
            rcp = rcpbuf[pl.ds(t0, _L)]
            return tuple(
                acc + rcp * ptmp[8 * eblk + j, pl.ds(t0, _L)]
                for j, acc in enumerate(accs)
            )
        accs = lax.fori_loop(0, _CHUNKS, blk_body, (zero16,) * 8)
        for j in range(8):
            pout[8 * eblk + j, :] = accs[j]

    pltpu.sync_copy(cacc, cnt_hbm.at[wid])
    pltpu.sync_copy(pout, prob_hbm.at[wid])
    pltpu.sync_copy(zbuf, z_hbm.at[wid])


_sc_main = pl.kernel(
    _sc_body,
    out_type=(
        jax.ShapeDtypeStruct((_NW, _N_EXPERTS, _L), jnp.float32),
        jax.ShapeDtypeStruct((_NW, _N_EXPERTS, _L), jnp.float32),
        jax.ShapeDtypeStruct((_NW, _L), jnp.float32),
    ),
    mesh=plsc.VectorSubcoreMesh(core_axis_name="c", subcore_axis_name="s"),
    compiler_params=pltpu.CompilerParams(
        needs_layout_passes=False, use_tc_tiling_on_sc=True
    ),
    scratch_types=[
        pltpu.VMEM((_N_EXPERTS, _ST), jnp.float32),
        pltpu.VMEM((_N_EXPERTS, _ST), jnp.float32),
        pltpu.VMEM((_N_EXPERTS, _RW), jnp.float32),
        pltpu.VMEM((_RW,), jnp.float32),
        pltpu.VMEM((_N_EXPERTS, _L), jnp.float32),
        pltpu.VMEM((_N_EXPERTS, _L), jnp.float32),
        pltpu.VMEM((_L,), jnp.float32),
        pltpu.SemaphoreType.DMA,
        pltpu.SemaphoreType.DMA,
    ],
)


def _tc_body(x_ref, cnt_ref, prob_ref, z_ref):
    i = pl.program_id(0)
    x = x_ref[...]
    e = jnp.exp(x)
    s = jnp.sum(e, axis=0, keepdims=True)
    logz = jnp.log(s)
    p = e * (1.0 / s)
    m = jnp.max(x, axis=0, keepdims=True)
    iot = lax.broadcasted_iota(jnp.int32, (_N_EXPERTS, _TB), 0)
    cand = jnp.where(x == m, iot, _N_EXPERTS)
    am = jnp.min(cand, axis=0, keepdims=True)
    onehot = (iot == am).astype(jnp.float32)

    @pl.when(i == 0)
    def _init():
        cnt_ref[...] = jnp.zeros_like(cnt_ref)
        prob_ref[...] = jnp.zeros_like(prob_ref)
        z_ref[...] = jnp.zeros_like(z_ref)

    cnt_ref[...] += onehot
    prob_ref[...] += p
    z_ref[...] += logz * logz


_tc_share = pl.pallas_call(
    _tc_body,
    grid=(_N_TC // _TB,),
    in_specs=[pl.BlockSpec((_N_EXPERTS, _TB), lambda i: (0, (_N_SC // _TB) + i))],
    out_specs=(
        pl.BlockSpec((_N_EXPERTS, _TB), lambda i: (0, 0)),
        pl.BlockSpec((_N_EXPERTS, _TB), lambda i: (0, 0)),
        pl.BlockSpec((1, _TB), lambda i: (0, 0)),
    ),
    out_shape=(
        jax.ShapeDtypeStruct((_N_EXPERTS, _TB), jnp.float32),
        jax.ShapeDtypeStruct((_N_EXPERTS, _TB), jnp.float32),
        jax.ShapeDtypeStruct((1, _TB), jnp.float32),
    ),
)


def _fin_body(cnt_sc_ref, prob_sc_ref, z_sc_ref, cnt_tc_ref, prob_tc_ref,
              z_tc_ref, out_ref):
    csum = (jnp.sum(jnp.sum(cnt_sc_ref[...], axis=0), axis=1)
            + jnp.sum(cnt_tc_ref[...], axis=1))
    psum = (jnp.sum(jnp.sum(prob_sc_ref[...], axis=0), axis=1)
            + jnp.sum(prob_tc_ref[...], axis=1))
    z_loss = (jnp.sum(z_sc_ref[...]) + jnp.sum(z_tc_ref[...])) / _N_TOKENS
    aux = jnp.sum((csum / _N_TOKENS) * (psum / _N_TOKENS)) * _N_EXPERTS
    out_ref[...] = jnp.reshape(0.001 * z_loss + 0.001 * aux, (1, 1))


_finisher = pl.pallas_call(
    _fin_body,
    out_shape=jax.ShapeDtypeStruct((1, 1), jnp.float32),
)


def kernel(router_logits, attention_mask):
    del attention_mask
    xt = router_logits.T
    cnt_sc, prob_sc, z_sc = _sc_main(xt)
    cnt_tc, prob_tc, z_tc = _tc_share(xt)
    return _finisher(cnt_sc, prob_sc, z_sc, cnt_tc, prob_tc, z_tc)[0, 0]

# --- scband reference (transcript-rebuilt; emitter-appended) ---
"""Pipeline reference for scband-switch-router-loss-72353019068893 (READ-ONLY COPY).

The authoritative reference and input builder live on the scoring server;
editing this copy changes nothing except your own understanding.
"""

import jax, jax.numpy as jnp
import numpy as np

NUM_EXPERTS = 64
Z_LOSS_COEF = 0.001
AUX_LOSS_COEF = 0.001
NUM_TOKENS = 16384


def setup_inputs(seed: int = 0) -> dict:
    key = jax.random.key(seed)
    k1, k2 = jax.random.split(key)
    router_logits = jax.random.normal(k1, (NUM_TOKENS, NUM_EXPERTS), dtype=jnp.float32)
    attention_mask = jnp.ones((4, 4096), dtype=jnp.int32)
    return {"router_logits": router_logits, "attention_mask": attention_mask}


def reference(router_logits, attention_mask):
    # z-loss: mean of squared logsumexp over experts
    log_z = jax.nn.logsumexp(router_logits, axis=-1)
    z_loss = jnp.sum(log_z ** 2) / router_logits.shape[0]
    # load-balancing aux loss (Switch Transformer)
    router_probs = jax.nn.softmax(router_logits, axis=-1)
    expert_index = jnp.argmax(router_probs, axis=-1)
    expert_mask = jax.nn.one_hot(expert_index, NUM_EXPERTS, dtype=jnp.float32)
    tokens_per_group_and_expert = jnp.mean(expert_mask, axis=0)
    router_prob_per_group_and_expert = jnp.mean(router_probs, axis=0)
    aux_loss = jnp.mean(tokens_per_group_and_expert * router_prob_per_group_and_expert) * (NUM_EXPERTS ** 2)
    return Z_LOSS_COEF * z_loss + AUX_LOSS_COEF * aux_loss

if __name__ == "__main__":
    import jax
    _d = setup_inputs()
    print(jax.jit(kernel)(*tuple(_d.values())))

</pallas_src>

<mosaic_0001>
#map = affine_map<(d0, d1) -> (0, 0)>
#map1 = affine_map<(d0, d1) -> (0, 0, 0)>
module attributes {stable_mosaic.version = 14 : i64} {
  func.func @_sc_body(%arg0: i32, %arg1: i32, %arg2: memref<64x16384xf32, #tpu.memory_space<hbm>>, %arg3: memref<32x64x16xf32, #tpu.memory_space<hbm>>, %arg4: memref<32x64x16xf32, #tpu.memory_space<hbm>>, %arg5: memref<32x16xf32, #tpu.memory_space<hbm>>, %arg6: memref<64x128xf32, #tpu.memory_space<vmem>>, %arg7: memref<64x128xf32, #tpu.memory_space<vmem>>, %arg8: memref<64x256xf32, #tpu.memory_space<vmem>>, %arg9: memref<256xf32, #tpu.memory_space<vmem>>, %arg10: memref<64x16xf32, #tpu.memory_space<vmem>>, %arg11: memref<64x16xf32, #tpu.memory_space<vmem>>, %arg12: memref<16xf32, #tpu.memory_space<vmem>>, %arg13: memref<!tpu.dma_semaphore, #tpu.memory_space<semaphore_mem>>, %arg14: memref<!tpu.dma_semaphore, #tpu.memory_space<semaphore_mem>>) attributes {dimension_semantics = [#tpu.dimension_semantics<core_parallel>, #tpu.dimension_semantics<subcore_parallel>], iteration_bounds = array<i64: 2, 16>, scalar_prefetch = 0 : i64, scratch_operands = 9 : i64, tpu.core_type = #tpu.core_type<sc_vector_subcore>, window_params = [{transform_indices = #map}, {transform_indices = #map1}, {transform_indices = #map1}, {transform_indices = #map}]} {
    %mul3A = arith.constant 2 : i32
    %mul3A_0 = arith.muli %arg1, %mul3A : i32
    %add3A = arith.addi %mul3A_0, %arg0 : i32
    %mul3A_1 = arith.constant 256 : i32
    %mul3A_2 = arith.muli %add3A, %mul3A_1 : i32
    %iota3A = tpu.iota {dimensions = array<i32: 0>} : vector<16xi32>
    %broadcast_in_dim3A = arith.constant 0.000000e+00 : f32
    %broadcast_in_dim3A_3 = vector.broadcast %broadcast_in_dim3A : f32 to vector<16xf32>
    %broadcast_in_dim3A_4 = arith.constant 1.000000e+00 : f32
    %broadcast_in_dim3A_5 = vector.broadcast %broadcast_in_dim3A_4 : f32 to vector<16xf32>
    %swap3A = arith.constant 0 : i32
    %swap3A_6 = arith.index_cast %swap3A : i32 to index
    %swap3A_7 = arith.constant 0 : index
    %swap3A_8 = tpu.vector_load %arg11[%swap3A_6, %swap3A_7] {strides = array<i32>} : memref<64x16xf32, #tpu.memory_space<vmem>>, vector<16xf32>,
    tpu.vector_store %arg11[%swap3A_6, %swap3A_7], %broadcast_in_dim3A_3 {strides = array<i32>} : memref<64x16xf32, #tpu.memory_space<vmem>>, vector<16xf32>,
    %swap3A_9 = arith.constant 1 : i32
    %swap3A_10 = arith.index_cast %swap3A_9 : i32 to index
    %swap3A_11 = arith.constant 0 : index
    %swap3A_12 = tpu.vector_load %arg11[%swap3A_10, %swap3A_11] {strides = array<i32>} : memref<64x16xf32, #tpu.memory_space<vmem>>, vector<16xf32>,
    tpu.vector_store %arg11[%swap3A_10, %swap3A_11], %broadcast_in_dim3A_3 {strides = array<i32>} : memref<64x16xf32, #tpu.memory_space<vmem>>, vector<16xf32>,
    %swap3A_13 = arith.constant 2 : i32
    %swap3A_14 = arith.index_cast %swap3A_13 : i32 to index
    %swap3A_15 = arith.constant 0 : index
    %swap3A_16 = tpu.vector_load %arg11[%swap3A_14, %swap3A_15] {strides = array<i32>} : memref<64x16xf32, #tpu.memory_space<vmem>>, vector<16xf32>,
    tpu.vector_store %arg11[%swap3A_14, %swap3A_15], %broadcast_in_dim3A_3 {strides = array<i32>} : memref<64x16xf32, #tpu.memory_space<vmem>>, vector<16xf32>,
    %swap3A_17 = arith.constant 3 : i32
    %swap3A_18 = arith.index_cast %swap3A_17 : i32 to index
    %swap3A_19 = arith.constant 0 : index
    %swap3A_20 = tpu.vector_load %arg11[%swap3A_18, %swap3A_19] {strides = array<i32>} : memref<64x16xf32, #tpu.memory_space<vmem>>, vector<16xf32>,
    tpu.vector_store %arg11[%swap3A_18, %swap3A_19], %broadcast_in_dim3A_3 {strides = array<i32>} : memref<64x16xf32, #tpu.memory_space<vmem>>, vector<16xf32>,
    %swap3A_21 = arith.constant 4 : i32
    %swap3A_22 = arith.index_cast %swap3A_21 : i32 to index
    %swap3A_23 = arith.constant 0 : index
    %swap3A_24 = tpu.vector_load %arg11[%swap3A_22, %swap3A_23] {strides = array<i32>} : memref<64x16xf32, #tpu.memory_space<vmem>>, vector<16xf32>,
    tpu.vector_store %arg11[%swap3A_22, %swap3A_23], %broadcast_in_dim3A_3 {strides = array<i32>} : memref<64x16xf32, #tpu.memory_space<vmem>>, vector<16xf32>,
    %swap3A_25 = arith.constant 5 : i32
    %swap3A_26 = arith.index_cast %swap3A_25 : i32 to index
    %swap3A_27 = arith.constant 0 : index
    %swap3A_28 = tpu.vector_load %arg11[%swap3A_26, %swap3A_27] {strides = array<i32>} : memref<64x16xf32, #tpu.memory_space<vmem>>, vector<16xf32>,
    tpu.vector_store %arg11[%swap3A_26, %swap3A_27], %broadcast_in_dim3A_3 {strides = array<i32>} : memref<64x16xf32, #tpu.memory_space<vmem>>, vector<16xf32>,
    %swap3A_29 = arith.constant 6 : i32
    %swap3A_30 = arith.index_cast %swap3A_29 : i32 to index
    %swap3A_31 = arith.constant 0 : index
    %swap3A_32 = tpu.vector_load %arg11[%swap3A_30, %swap3A_31] {strides = array<i32>} : memref<64x16xf32, #tpu.memory_space<vmem>>, vector<16xf32>,
    tpu.vector_store %arg11[%swap3A_30, %swap3A_31], %broadcast_in_dim3A_3 {strides = array<i32>} : memref<64x16xf32, #tpu.memory_space<vmem>>, vector<16xf32>,
    %swap3A_33 = arith.constant 7 : i32
    %swap3A_34 = arith.index_cast %swap3A_33 : i32 to index
    %swap3A_35 = arith.constant 0 : index
    %swap3A_36 = tpu.vector_load %arg11[%swap3A_34, %swap3A_35] {strides = array<i32>} : memref<64x16xf32, #tpu.memory_space<vmem>>, vector<16xf32>,
    tpu.vector_store %arg11[%swap3A_34, %swap3A_35], %broadcast_in_dim3A_3 {strides = array<i32>} : memref<64x16xf32, #tpu.memory_space<vmem>>, vector<16xf32>,
    %swap3A_37 = arith.constant 8 : i32
    %swap3A_38 = arith.index_cast %swap3A_37 : i32 to index
    %swap3A_39 = arith.constant 0 : index
    %swap3A_40 = tpu.vector_load %arg11[%swap3A_38, %swap3A_39] {strides = array<i32>} : memref<64x16xf32, #tpu.memory_space<vmem>>, vector<16xf32>,
    tpu.vector_store %arg11[%swap3A_38, %swap3A_39], %broadcast_in_dim3A_3 {strides = array<i32>} : memref<64x16xf32, #tpu.memory_space<vmem>>, vector<16xf32>,
    %swap3A_41 = arith.constant 9 : i32
    %swap3A_42 = arith.index_cast %swap3A_41 : i32 to index
    %swap3A_43 = arith.constant 0 : index
    %swap3A_44 = tpu.vector_load %arg11[%swap3A_42, %swap3A_43] {strides = array<i32>} : memref<64x16xf32, #tpu.memory_space<vmem>>, vector<16xf32>,
    tpu.vector_store %arg11[%swap3A_42, %swap3A_43], %broadcast_in_dim3A_3 {strides = array<i32>} : memref<64x16xf32, #tpu.memory_space<vmem>>, vector<16xf32>,
    %swap3A_45 = arith.constant 10 : i32
    %swap3A_46 = arith.index_cast %swap3A_45 : i32 to index
    %swap3A_47 = arith.constant 0 : index
    %swap3A_48 = tpu.vector_load %arg11[%swap3A_46, %swap3A_47] {strides = array<i32>} : memref<64x16xf32, #tpu.memory_space<vmem>>, vector<16xf32>,
    tpu.vector_store %arg11[%swap3A_46, %swap3A_47], %broadcast_in_dim3A_3 {strides = array<i32>} : memref<64x16xf32, #tpu.memory_space<vmem>>, vector<16xf32>,
    %swap3A_49 = arith.constant 11 : i32
    %swap3A_50 = arith.index_cast %swap3A_49 : i32 to index
    %swap3A_51 = arith.constant 0 : index
    %swap3A_52 = tpu.vector_load %arg11[%swap3A_50, %swap3A_51] {strides = array<i32>} : memref<64x16xf32, #tpu.memory_space<vmem>>, vector<16xf32>,
    tpu.vector_store %arg11[%swap3A_50, %swap3A_51], %broadcast_in_dim3A_3 {strides = array<i32>} : memref<64x16xf32, #tpu.memory_space<vmem>>, vector<16xf32>,
    %swap3A_53 = arith.constant 12 : i32
    %swap3A_54 = arith.index_cast %swap3A_53 : i32 to index
    %swap3A_55 = arith.constant 0 : index
    %swap3A_56 = tpu.vector_load %arg11[%swap3A_54, %swap3A_55] {strides = array<i32>} : memref<64x16xf32, #tpu.memory_space<vmem>>, vector<16xf32>,
    tpu.vector_store %arg11[%swap3A_54, %swap3A_55], %broadcast_in_dim3A_3 {strides = array<i32>} : memref<64x16xf32, #tpu.memory_space<vmem>>, vector<16xf32>,
    %swap3A_57 = arith.constant 13 : i32
    %swap3A_58 = arith.index_cast %swap3A_57 : i32 to index
    %swap3A_59 = arith.constant 0 : index
    %swap3A_60 = tpu.vector_load %arg11[%swap3A_58, %swap3A_59] {strides = array<i32>} : memref<64x16xf32, #tpu.memory_space<vmem>>, vector<16xf32>,
    tpu.vector_store %arg11[%swap3A_58, %swap3A_59], %broadcast_in_dim3A_3 {strides = array<i32>} : memref<64x16xf32, #tpu.memory_space<vmem>>, vector<16xf32>,
    %swap3A_61 = arith.constant 14 : i32
    %swap3A_62 = arith.index_cast %swap3A_61 : i32 to index
    %swap3A_63 = arith.constant 0 : index
    %swap3A_64 = tpu.vector_load %arg11[%swap3A_62, %swap3A_63] {strides = array<i32>} : memref<64x16xf32, #tpu.memory_space<vmem>>, vector<16xf32>,
    tpu.vector_store %arg11[%swap3A_62, %swap3A_63], %broadcast_in_dim3A_3 {strides = array<i32>} : memref<64x16xf32, #tpu.memory_space<vmem>>, vector<16xf32>,
    %swap3A_65 = arith.constant 15 : i32
    %swap3A_66 = arith.index_cast %swap3A_65 : i32 to index
    %swap3A_67 = arith.constant 0 : index
    %swap3A_68 = tpu.vector_load %arg11[%swap3A_66, %swap3A_67] {strides = array<i32>} : memref<64x16xf32, #tpu.memory_space<vmem>>, vector<16xf32>,
    tpu.vector_store %arg11[%swap3A_66, %swap3A_67], %broadcast_in_dim3A_3 {strides = array<i32>} : memref<64x16xf32, #tpu.memory_space<vmem>>, vector<16xf32>,
    %swap3A_69 = arith.constant 16 : i32
    %swap3A_70 = arith.index_cast %swap3A_69 : i32 to index
    %swap3A_71 = arith.constant 0 : index
    %swap3A_72 = tpu.vector_load %arg11[%swap3A_70, %swap3A_71] {strides = array<i32>} : memref<64x16xf32, #tpu.memory_space<vmem>>, vector<16xf32>,
    tpu.vector_store %arg11[%swap3A_70, %swap3A_71], %broadcast_in_dim3A_3 {strides = array<i32>} : memref<64x16xf32, #tpu.memory_space<vmem>>, vector<16xf32>,
    %swap3A_73 = arith.constant 17 : i32
    %swap3A_74 = arith.index_cast %swap3A_73 : i32 to index
    %swap3A_75 = arith.constant 0 : index
    %swap3A_76 = tpu.vector_load %arg11[%swap3A_74, %swap3A_75] {strides = array<i32>} : memref<64x16xf32, #tpu.memory_space<vmem>>, vector<16xf32>,
    tpu.vector_store %arg11[%swap3A_74, %swap3A_75], %broadcast_in_dim3A_3 {strides = array<i32>} : memref<64x16xf32, #tpu.memory_space<vmem>>, vector<16xf32>,
    %swap3A_77 = arith.constant 18 : i32
    %swap3A_78 = arith.index_cast %swap3A_77 : i32 to index
    %swap3A_79 = arith.constant 0 : index
    %swap3A_80 = tpu.vector_load %arg11[%swap3A_78, %swap3A_79] {strides = array<i32>} : memref<64x16xf32, #tpu.memory_space<vmem>>, vector<16xf32>,
    tpu.vector_store %arg11[%swap3A_78, %swap3A_79], %broadcast_in_dim3A_3 {strides = array<i32>} : memref<64x16xf32, #tpu.memory_space<vmem>>, vector<16xf32>,
    %swap3A_81 = arith.constant 19 : i32
    %swap3A_82 = arith.index_cast %swap3A_81 : i32 to index
    %swap3A_83 = arith.constant 0 : index
    %swap3A_84 = tpu.vector_load %arg11[%swap3A_82, %swap3A_83] {strides = array<i32>} : memref<64x16xf32, #tpu.memory_space<vmem>>, vector<16xf32>,
    tpu.vector_store %arg11[%swap3A_82, %swap3A_83], %broadcast_in_dim3A_3 {strides = array<i32>} : memref<64x16xf32, #tpu.memory_space<vmem>>, vector<16xf32>,
    %swap3A_85 = arith.constant 20 : i32
    %swap3A_86 = arith.index_cast %swap3A_85 : i32 to index
    %swap3A_87 = arith.constant 0 : index
    %swap3A_88 = tpu.vector_load %arg11[%swap3A_86, %swap3A_87] {strides = array<i32>} : memref<64x16xf32, #tpu.memory_space<vmem>>, vector<16xf32>,
    tpu.vector_store %arg11[%swap3A_86, %swap3A_87], %broadcast_in_dim3A_3 {strides = array<i32>} : memref<64x16xf32, #tpu.memory_space<vmem>>, vector<16xf32>,
    %swap3A_89 = arith.constant 21 : i32
    %swap3A_90 = arith.index_cast %swap3A_89 : i32 to index
    %swap3A_91 = arith.constant 0 : index
    %swap3A_92 = tpu.vector_load %arg11[%swap3A_90, %swap3A_91] {strides = array<i32>} : memref<64x16xf32, #tpu.memory_space<vmem>>, vector<16xf32>,
    tpu.vector_store %arg11[%swap3A_90, %swap3A_91], %broadcast_in_dim3A_3 {strides = array<i32>} : memref<64x16xf32, #tpu.memory_space<vmem>>, vector<16xf32>,
    %swap3A_93 = arith.constant 22 : i32
    %swap3A_94 = arith.index_cast %swap3A_93 : i32 to index
    %swap3A_95 = arith.constant 0 : index
    %swap3A_96 = tpu.vector_load %arg11[%swap3A_94, %swap3A_95] {strides = array<i32>} : memref<64x16xf32, #tpu.memory_space<vmem>>, vector<16xf32>,
    tpu.vector_store %arg11[%swap3A_94, %swap3A_95], %broadcast_in_dim3A_3 {strides = array<i32>} : memref<64x16xf32, #tpu.memory_space<vmem>>, vector<16xf32>,
    %swap3A_97 = arith.constant 23 : i32
    %swap3A_98 = arith.index_cast %swap3A_97 : i32 to index
    %swap3A_99 = arith.constant 0 : index
    %swap3A_100 = tpu.vector_load %arg11[%swap3A_98, %swap3A_99] {strides = array<i32>} : memref<64x16xf32, #tpu.memory_space<vmem>>, vector<16xf32>,
    tpu.vector_store %arg11[%swap3A_98, %swap3A_99], %broadcast_in_dim3A_3 {strides = array<i32>} : memref<64x16xf32, #tpu.memory_space<vmem>>, vector<16xf32>,
    %swap3A_101 = arith.constant 24 : i32
    %swap3A_102 = arith.index_cast %swap3A_101 : i32 to index
    %swap3A_103 = arith.constant 0 : index
    %swap3A_104 = tpu.vector_load %arg11[%swap3A_102, %swap3A_103] {strides = array<i32>} : memref<64x16xf32, #tpu.memory_space<vmem>>, vector<16xf32>,
    tpu.vector_store %arg11[%swap3A_102, %swap3A_103], %broadcast_in_dim3A_3 {strides = array<i32>} : memref<64x16xf32, #tpu.memory_space<vmem>>, vector<16xf32>,
    %swap3A_105 = arith.constant 25 : i32
    %swap3A_106 = arith.index_cast %swap3A_105 : i32 to index
    %swap3A_107 = arith.constant 0 : index
    %swap3A_108 = tpu.vector_load %arg11[%swap3A_106, %swap3A_107] {strides = array<i32>} : memref<64x16xf32, #tpu.memory_space<vmem>>, vector<16xf32>,
    tpu.vector_store %arg11[%swap3A_106, %swap3A_107], %broadcast_in_dim3A_3 {strides = array<i32>} : memref<64x16xf32, #tpu.memory_space<vmem>>, vector<16xf32>,
    %swap3A_109 = arith.constant 26 : i32
    %swap3A_110 = arith.index_cast %swap3A_109 : i32 to index
    %swap3A_111 = arith.constant 0 : index
    %swap3A_112 = tpu.vector_load %arg11[%swap3A_110, %swap3A_111] {strides = array<i32>} : memref<64x16xf32, #tpu.memory_space<vmem>>, vector<16xf32>,
    tpu.vector_store %arg11[%swap3A_110, %swap3A_111], %broadcast_in_dim3A_3 {strides = array<i32>} : memref<64x16xf32, #tpu.memory_space<vmem>>, vector<16xf32>,
    %swap3A_113 = arith.constant 27 : i32
    %swap3A_114 = arith.index_cast %swap3A_113 : i32 to index
    %swap3A_115 = arith.constant 0 : index
    %swap3A_116 = tpu.vector_load %arg11[%swap3A_114, %swap3A_115] {strides = array<i32>} : memref<64x16xf32, #tpu.memory_space<vmem>>, vector<16xf32>,
    tpu.vector_store %arg11[%swap3A_114, %swap3A_115], %broadcast_in_dim3A_3 {strides = array<i32>} : memref<64x16xf32, #tpu.memory_space<vmem>>, vector<16xf32>,
    %swap3A_117 = arith.constant 28 : i32
    %swap3A_118 = arith.index_cast %swap3A_117 : i32 to index
    %swap3A_119 = arith.constant 0 : index
    %swap3A_120 = tpu.vector_load %arg11[%swap3A_118, %swap3A_119] {strides = array<i32>} : memref<64x16xf32, #tpu.memory_space<vmem>>, vector<16xf32>,
    tpu.vector_store %arg11[%swap3A_118, %swap3A_119], %broadcast_in_dim3A_3 {strides = array<i32>} : memref<64x16xf32, #tpu.memory_space<vmem>>, vector<16xf32>,
    %swap3A_121 = arith.constant 29 : i32
    %swap3A_122 = arith.index_cast %swap3A_121 : i32 to index
    %swap3A_123 = arith.constant 0 : index
    %swap3A_124 = tpu.vector_load %arg11[%swap3A_122, %swap3A_123] {strides = array<i32>} : memref<64x16xf32, #tpu.memory_space<vmem>>, vector<16xf32>,
    tpu.vector_store %arg11[%swap3A_122, %swap3A_123], %broadcast_in_dim3A_3 {strides = array<i32>} : memref<64x16xf32, #tpu.memory_space<vmem>>, vector<16xf32>,
    %swap3A_125 = arith.constant 30 : i32
    %swap3A_126 = arith.index_cast %swap3A_125 : i32 to index
    %swap3A_127 = arith.constant 0 : index
    %swap3A_128 = tpu.vector_load %arg11[%swap3A_126, %swap3A_127] {strides = array<i32>} : memref<64x16xf32, #tpu.memory_space<vmem>>, vector<16xf32>,
    tpu.vector_store %arg11[%swap3A_126, %swap3A_127], %broadcast_in_dim3A_3 {strides = array<i32>} : memref<64x16xf32, #tpu.memory_space<vmem>>, vector<16xf32>,
    %swap3A_129 = arith.constant 31 : i32
    %swap3A_130 = arith.index_cast %swap3A_129 : i32 to index
    %swap3A_131 = arith.constant 0 : index
    %swap3A_132 = tpu.vector_load %arg11[%swap3A_130, %swap3A_131] {strides = array<i32>} : memref<64x16xf32, #tpu.memory_space<vmem>>, vector<16xf32>,
    tpu.vector_store %arg11[%swap3A_130, %swap3A_131], %broadcast_in_dim3A_3 {strides = array<i32>} : memref<64x16xf32, #tpu.memory_space<vmem>>, vector<16xf32>,
    %swap3A_133 = arith.constant 32 : i32
    %swap3A_134 = arith.index_cast %swap3A_133 : i32 to index
    %swap3A_135 = arith.constant 0 : index
    %swap3A_136 = tpu.vector_load %arg11[%swap3A_134, %swap3A_135] {strides = array<i32>} : memref<64x16xf32, #tpu.memory_space<vmem>>, vector<16xf32>,
    tpu.vector_store %arg11[%swap3A_134, %swap3A_135], %broadcast_in_dim3A_3 {strides = array<i32>} : memref<64x16xf32, #tpu.memory_space<vmem>>, vector<16xf32>,
    %swap3A_137 = arith.constant 33 : i32
    %swap3A_138 = arith.index_cast %swap3A_137 : i32 to index
    %swap3A_139 = arith.constant 0 : index
    %swap3A_140 = tpu.vector_load %arg11[%swap3A_138, %swap3A_139] {strides = array<i32>} : memref<64x16xf32, #tpu.memory_space<vmem>>, vector<16xf32>,
    tpu.vector_store %arg11[%swap3A_138, %swap3A_139], %broadcast_in_dim3A_3 {strides = array<i32>} : memref<64x16xf32, #tpu.memory_space<vmem>>, vector<16xf32>,
    %swap3A_141 = arith.constant 34 : i32
    %swap3A_142 = arith.index_cast %swap3A_141 : i32 to index
    %swap3A_143 = arith.constant 0 : index
    %swap3A_144 = tpu.vector_load %arg11[%swap3A_142, %swap3A_143] {strides = array<i32>} : memref<64x16xf32, #tpu.memory_space<vmem>>, vector<16xf32>,
    tpu.vector_store %arg11[%swap3A_142, %swap3A_143], %broadcast_in_dim3A_3 {strides = array<i32>} : memref<64x16xf32, #tpu.memory_space<vmem>>, vector<16xf32>,
    %swap3A_145 = arith.constant 35 : i32
    %swap3A_146 = arith.index_cast %swap3A_145 : i32 to index
    %swap3A_147 = arith.constant 0 : index
    %swap3A_148 = tpu.vector_load %arg11[%swap3A_146, %swap3A_147] {strides = array<i32>} : memref<64x16xf32, #tpu.memory_space<vmem>>, vector<16xf32>,
    tpu.vector_store %arg11[%swap3A_146, %swap3A_147], %broadcast_in_dim3A_3 {strides = array<i32>} : memref<64x16xf32, #tpu.memory_space<vmem>>, vector<16xf32>,
    %swap3A_149 = arith.constant 36 : i32
    %swap3A_150 = arith.index_cast %swap3A_149 : i32 to index
    %swap3A_151 = arith.constant 0 : index
    %swap3A_152 = tpu.vector_load %arg11[%swap3A_150, %swap3A_151] {strides = array<i32>} : memref<64x16xf32, #tpu.memory_space<vmem>>, vector<16xf32>,
    tpu.vector_store %arg11[%swap3A_150, %swap3A_151], %broadcast_in_dim3A_3 {strides = array<i32>} : memref<64x16xf32, #tpu.memory_space<vmem>>, vector<16xf32>,
    %swap3A_153 = arith.constant 37 : i32
    %swap3A_154 = arith.index_cast %swap3A_153 : i32 to index
    %swap3A_155 = arith.constant 0 : index
    %swap3A_156 = tpu.vector_load %arg11[%swap3A_154, %swap3A_155] {strides = array<i32>} : memref<64x16xf32, #tpu.memory_space<vmem>>, vector<16xf32>,
    tpu.vector_store %arg11[%swap3A_154, %swap3A_155], %broadcast_in_dim3A_3 {strides = array<i32>} : memref<64x16xf32, #tpu.memory_space<vmem>>, vector<16xf32>,
    %swap3A_157 = arith.constant 38 : i32
    %swap3A_158 = arith.index_cast %swap3A_157 : i32 to index
    %swap3A_159 = arith.constant 0 : index
    %swap3A_160 = tpu.vector_load %arg11[%swap3A_158, %swap3A_159] {strides = array<i32>} : memref<64x16xf32, #tpu.memory_space<vmem>>, vector<16xf32>,
    tpu.vector_store %arg11[%swap3A_158, %swap3A_159], %broadcast_in_dim3A_3 {strides = array<i32>} : memref<64x16xf32, #tpu.memory_space<vmem>>, vector<16xf32>,
    %swap3A_161 = arith.constant 39 : i32
    %swap3A_162 = arith.index_cast %swap3A_161 : i32 to index
    %swap3A_163 = arith.constant 0 : index
    %swap3A_164 = tpu.vector_load %arg11[%swap3A_162, %swap3A_163] {strides = array<i32>} : memref<64x16xf32, #tpu.memory_space<vmem>>, vector<16xf32>,
    tpu.vector_store %arg11[%swap3A_162, %swap3A_163], %broadcast_in_dim3A_3 {strides = array<i32>} : memref<64x16xf32, #tpu.memory_space<vmem>>, vector<16xf32>,
    %swap3A_165 = arith.constant 40 : i32
    %swap3A_166 = arith.index_cast %swap3A_165 : i32 to index
    %swap3A_167 = arith.constant 0 : index
    %swap3A_168 = tpu.vector_load %arg11[%swap3A_166, %swap3A_167] {strides = array<i32>} : memref<64x16xf32, #tpu.memory_space<vmem>>, vector<16xf32>,
    tpu.vector_store %arg11[%swap3A_166, %swap3A_167], %broadcast_in_dim3A_3 {strides = array<i32>} : memref<64x16xf32, #tpu.memory_space<vmem>>, vector<16xf32>,
    %swap3A_169 = arith.constant 41 : i32
    %swap3A_170 = arith.index_cast %swap3A_169 : i32 to index
    %swap3A_171 = arith.constant 0 : index
    %swap3A_172 = tpu.vector_load %arg11[%swap3A_170, %swap3A_171] {strides = array<i32>} : memref<64x16xf32, #tpu.memory_space<vmem>>, vector<16xf32>,
    tpu.vector_store %arg11[%swap3A_170, %swap3A_171], %broadcast_in_dim3A_3 {strides = array<i32>} : memref<64x16xf32, #tpu.memory_space<vmem>>, vector<16xf32>,
    %swap3A_173 = arith.constant 42 : i32
    %swap3A_174 = arith.index_cast %swap3A_173 : i32 to index
    %swap3A_175 = arith.constant 0 : index
    %swap3A_176 = tpu.vector_load %arg11[%swap3A_174, %swap3A_175] {strides = array<i32>} : memref<64x16xf32, #tpu.memory_space<vmem>>, vector<16xf32>,
    tpu.vector_store %arg11[%swap3A_174, %swap3A_175], %broadcast_in_dim3A_3 {strides = array<i32>} : memref<64x16xf32, #tpu.memory_space<vmem>>, vector<16xf32>,
    %swap3A_177 = arith.constant 43 : i32
    %swap3A_178 = arith.index_cast %swap3A_177 : i32 to index
    %swap3A_179 = arith.constant 0 : index
    %swap3A_180 = tpu.vector_load %arg11[%swap3A_178, %swap3A_179] {strides = array<i32>} : memref<64x16xf32, #tpu.memory_space<vmem>>, vector<16xf32>,
    tpu.vector_store %arg11[%swap3A_178, %swap3A_179], %broadcast_in_dim3A_3 {strides = array<i32>} : memref<64x16xf32, #tpu.memory_space<vmem>>, vector<16xf32>,
    %swap3A_181 = arith.constant 44 : i32
    %swap3A_182 = arith.index_cast %swap3A_181 : i32 to index
    %swap3A_183 = arith.constant 0 : index
    %swap3A_184 = tpu.vector_load %arg11[%swap3A_182, %swap3A_183] {strides = array<i32>} : memref<64x16xf32, #tpu.memory_space<vmem>>, vector<16xf32>,
    tpu.vector_store %arg11[%swap3A_182, %swap3A_183], %broadcast_in_dim3A_3 {strides = array<i32>} : memref<64x16xf32, #tpu.memory_space<vmem>>, vector<16xf32>,
    %swap3A_185 = arith.constant 45 : i32
    %swap3A_186 = arith.index_cast %swap3A_185 : i32 to index
    %swap3A_187 = arith.constant 0 : index
    %swap3A_188 = tpu.vector_load %arg11[%swap3A_186, %swap3A_187] {strides = array<i32>} : memref<64x16xf32, #tpu.memory_space<vmem>>, vector<16xf32>,
    tpu.vector_store %arg11[%swap3A_186, %swap3A_187], %broadcast_in_dim3A_3 {strides = array<i32>} : memref<64x16xf32, #tpu.memory_space<vmem>>, vector<16xf32>,
    %swap3A_189 = arith.constant 46 : i32
    %swap3A_190 = arith.index_cast %swap3A_189 : i32 to index
    %swap3A_191 = arith.constant 0 : index
    %swap3A_192 = tpu.vector_load %arg11[%swap3A_190, %swap3A_191] {strides = array<i32>} : memref<64x16xf32, #tpu.memory_space<vmem>>, vector<16xf32>,
    tpu.vector_store %arg11[%swap3A_190, %swap3A_191], %broadcast_in_dim3A_3 {strides = array<i32>} : memref<64x16xf32, #tpu.memory_space<vmem>>, vector<16xf32>,
    %swap3A_193 = arith.constant 47 : i32
    %swap3A_194 = arith.index_cast %swap3A_193 : i32 to index
    %swap3A_195 = arith.constant 0 : index
    %swap3A_196 = tpu.vector_load %arg11[%swap3A_194, %swap3A_195] {strides = array<i32>} : memref<64x16xf32, #tpu.memory_space<vmem>>, vector<16xf32>,
    tpu.vector_store %arg11[%swap3A_194, %swap3A_195], %broadcast_in_dim3A_3 {strides = array<i32>} : memref<64x16xf32, #tpu.memory_space<vmem>>, vector<16xf32>,
    %swap3A_197 = arith.constant 48 : i32
    %swap3A_198 = arith.index_cast %swap3A_197 : i32 to index
    %swap3A_199 = arith.constant 0 : index
    %swap3A_200 = tpu.vector_load %arg11[%swap3A_198, %swap3A_199] {strides = array<i32>} : memref<64x16xf32, #tpu.memory_space<vmem>>, vector<16xf32>,
    tpu.vector_store %arg11[%swap3A_198, %swap3A_199], %broadcast_in_dim3A_3 {strides = array<i32>} : memref<64x16xf32, #tpu.memory_space<vmem>>, vector<16xf32>,
    %swap3A_201 = arith.constant 49 : i32
    %swap3A_202 = arith.index_cast %swap3A_201 : i32 to index
    %swap3A_203 = arith.constant 0 : index
    %swap3A_204 = tpu.vector_load %arg11[%swap3A_202, %swap3A_203] {strides = array<i32>} : memref<64x16xf32, #tpu.memory_space<vmem>>, vector<16xf32>,
    tpu.vector_store %arg11[%swap3A_202, %swap3A_203], %broadcast_in_dim3A_3 {strides = array<i32>} : memref<64x16xf32, #tpu.memory_space<vmem>>, vector<16xf32>,
    %swap3A_205 = arith.constant 50 : i32
    %swap3A_206 = arith.index_cast %swap3A_205 : i32 to index
    %swap3A_207 = arith.constant 0 : index
    %swap3A_208 = tpu.vector_load %arg11[%swap3A_206, %swap3A_207] {strides = array<i32>} : memref<64x16xf32, #tpu.memory_space<vmem>>, vector<16xf32>,
    tpu.vector_store %arg11[%swap3A_206, %swap3A_207], %broadcast_in_dim3A_3 {strides = array<i32>} : memref<64x16xf32, #tpu.memory_space<vmem>>, vector<16xf32>,
    %swap3A_209 = arith.constant 51 : i32
    %swap3A_210 = arith.index_cast %swap3A_209 : i32 to index
    %swap3A_211 = arith.constant 0 : index
    %swap3A_212 = tpu.vector_load %arg11[%swap3A_210, %swap3A_211] {strides = array<i32>} : memref<64x16xf32, #tpu.memory_space<vmem>>, vector<16xf32>,
    tpu.vector_store %arg11[%swap3A_210, %swap3A_211], %broadcast_in_dim3A_3 {strides = array<i32>} : memref<64x16xf32, #tpu.memory_space<vmem>>, vector<16xf32>,
    %swap3A_213 = arith.constant 52 : i32
    %swap3A_214 = arith.index_cast %swap3A_213 : i32 to index
    %swap3A_215 = arith.constant 0 : index
    %swap3A_216 = tpu.vector_load %arg11[%swap3A_214, %swap3A_215] {strides = array<i32>} : memref<64x16xf32, #tpu.memory_space<vmem>>, vector<16xf32>,
    tpu.vector_store %arg11[%swap3A_214, %swap3A_215], %broadcast_in_dim3A_3 {strides = array<i32>} : memref<64x16xf32, #tpu.memory_space<vmem>>, vector<16xf32>,
    %swap3A_217 = arith.constant 53 : i32
    %swap3A_218 = arith.index_cast %swap3A_217 : i32 to index
    %swap3A_219 = arith.constant 0 : index
    %swap3A_220 = tpu.vector_load %arg11[%swap3A_218, %swap3A_219] {strides = array<i32>} : memref<64x16xf32, #tpu.memory_space<vmem>>, vector<16xf32>,
    tpu.vector_store %arg11[%swap3A_218, %swap3A_219], %broadcast_in_dim3A_3 {strides = array<i32>} : memref<64x16xf32, #tpu.memory_space<vmem>>, vector<16xf32>,
    %swap3A_221 = arith.constant 54 : i32
    %swap3A_222 = arith.index_cast %swap3A_221 : i32 to index
    %swap3A_223 = arith.constant 0 : index
    %swap3A_224 = tpu.vector_load %arg11[%swap3A_222, %swap3A_223] {strides = array<i32>} : memref<64x16xf32, #tpu.memory_space<vmem>>, vector<16xf32>,
    tpu.vector_store %arg11[%swap3A_222, %swap3A_223], %broadcast_in_dim3A_3 {strides = array<i32>} : memref<64x16xf32, #tpu.memory_space<vmem>>, vector<16xf32>,
    %swap3A_225 = arith.constant 55 : i32
    %swap3A_226 = arith.index_cast %swap3A_225 : i32 to index
    %swap3A_227 = arith.constant 0 : index
    %swap3A_228 = tpu.vector_load %arg11[%swap3A_226, %swap3A_227] {strides = array<i32>} : memref<64x16xf32, #tpu.memory_space<vmem>>, vector<16xf32>,
    tpu.vector_store %arg11[%swap3A_226, %swap3A_227], %broadcast_in_dim3A_3 {strides = array<i32>} : memref<64x16xf32, #tpu.memory_space<vmem>>, vector<16xf32>,
    %swap3A_229 = arith.constant 56 : i32
    %swap3A_230 = arith.index_cast %swap3A_229 : i32 to index
    %swap3A_231 = arith.constant 0 : index
    %swap3A_232 = tpu.vector_load %arg11[%swap3A_230, %swap3A_231] {strides = array<i32>} : memref<64x16xf32, #tpu.memory_space<vmem>>, vector<16xf32>,
    tpu.vector_store %arg11[%swap3A_230, %swap3A_231], %broadcast_in_dim3A_3 {strides = array<i32>} : memref<64x16xf32, #tpu.memory_space<vmem>>, vector<16xf32>,
    %swap3A_233 = arith.constant 57 : i32
    %swap3A_234 = arith.index_cast %swap3A_233 : i32 to index
    %swap3A_235 = arith.constant 0 : index
    %swap3A_236 = tpu.vector_load %arg11[%swap3A_234, %swap3A_235] {strides = array<i32>} : memref<64x16xf32, #tpu.memory_space<vmem>>, vector<16xf32>,
    tpu.vector_store %arg11[%swap3A_234, %swap3A_235], %broadcast_in_dim3A_3 {strides = array<i32>} : memref<64x16xf32, #tpu.memory_space<vmem>>, vector<16xf32>,
    %swap3A_237 = arith.constant 58 : i32
    %swap3A_238 = arith.index_cast %swap3A_237 : i32 to index
    %swap3A_239 = arith.constant 0 : index
    %swap3A_240 = tpu.vector_load %arg11[%swap3A_238, %swap3A_239] {strides = array<i32>} : memref<64x16xf32, #tpu.memory_space<vmem>>, vector<16xf32>,
    tpu.vector_store %arg11[%swap3A_238, %swap3A_239], %broadcast_in_dim3A_3 {strides = array<i32>} : memref<64x16xf32, #tpu.memory_space<vmem>>, vector<16xf32>,
    %swap3A_241 = arith.constant 59 : i32
    %swap3A_242 = arith.index_cast %swap3A_241 : i32 to index
    %swap3A_243 = arith.constant 0 : index
    %swap3A_244 = tpu.vector_load %arg11[%swap3A_242, %swap3A_243] {strides = array<i32>} : memref<64x16xf32, #tpu.memory_space<vmem>>, vector<16xf32>,
    tpu.vector_store %arg11[%swap3A_242, %swap3A_243], %broadcast_in_dim3A_3 {strides = array<i32>} : memref<64x16xf32, #tpu.memory_space<vmem>>, vector<16xf32>,
    %swap3A_245 = arith.constant 60 : i32
    %swap3A_246 = arith.index_cast %swap3A_245 : i32 to index
    %swap3A_247 = arith.constant 0 : index
    %swap3A_248 = tpu.vector_load %arg11[%swap3A_246, %swap3A_247] {strides = array<i32>} : memref<64x16xf32, #tpu.memory_space<vmem>>, vector<16xf32>,
    tpu.vector_store %arg11[%swap3A_246, %swap3A_247], %broadcast_in_dim3A_3 {strides = array<i32>} : memref<64x16xf32, #tpu.memory_space<vmem>>, vector<16xf32>,
    %swap3A_249 = arith.constant 61 : i32
    %swap3A_250 = arith.index_cast %swap3A_249 : i32 to index
    %swap3A_251 = arith.constant 0 : index
    %swap3A_252 = tpu.vector_load %arg11[%swap3A_250, %swap3A_251] {strides = array<i32>} : memref<64x16xf32, #tpu.memory_space<vmem>>, vector<16xf32>,
    tpu.vector_store %arg11[%swap3A_250, %swap3A_251], %broadcast_in_dim3A_3 {strides = array<i32>} : memref<64x16xf32, #tpu.memory_space<vmem>>, vector<16xf32>,
    %swap3A_253 = arith.constant 62 : i32
    %swap3A_254 = arith.index_cast %swap3A_253 : i32 to index
    %swap3A_255 = arith.constant 0 : index
    %swap3A_256 = tpu.vector_load %arg11[%swap3A_254, %swap3A_255] {strides = array<i32>} : memref<64x16xf32, #tpu.memory_space<vmem>>, vector<16xf32>,
    tpu.vector_store %arg11[%swap3A_254, %swap3A_255], %broadcast_in_dim3A_3 {strides = array<i32>} : memref<64x16xf32, #tpu.memory_space<vmem>>, vector<16xf32>,
    %swap3A_257 = arith.constant 63 : i32
    %swap3A_258 = arith.index_cast %swap3A_257 : i32 to index
    %swap3A_259 = arith.constant 0 : index
    %swap3A_260 = tpu.vector_load %arg11[%swap3A_258, %swap3A_259] {strides = array<i32>} : memref<64x16xf32, #tpu.memory_space<vmem>>, vector<16xf32>,
    tpu.vector_store %arg11[%swap3A_258, %swap3A_259], %broadcast_in_dim3A_3 {strides = array<i32>} : memref<64x16xf32, #tpu.memory_space<vmem>>, vector<16xf32>,
    %dma_start3A = arith.constant 0 : i32
    %dma_start3A_261 = tpu.memref_slice %arg2[%dma_start3A, %mul3A_2] : memref<64x16384xf32, #tpu.memory_space<hbm>> -> memref<64x128xf32, #tpu.memory_space<hbm>>
    %dma_start3A_262 = arith.constant 0 : i32
    %dma_start3A_263 = tpu.memref_slice %arg2[%dma_start3A_262, %mul3A_2] : memref<64x16384xf32, #tpu.memory_space<hbm>> -> memref<64x128xf32, #tpu.memory_space<hbm>>
    tpu.enqueue_dma source(%dma_start3A_263 : memref<64x128xf32, #tpu.memory_space<hbm>>) target(%arg6 : memref<64x128xf32, #tpu.memory_space<vmem>>) target_semaphore(%arg13 : memref<!tpu.dma_semaphore, #tpu.memory_space<semaphore_mem>>)
    %dma_wait3A = arith.constant 0 : i32
    %dma_wait3A_264 = tpu.memref_slice %arg2[%dma_wait3A, %mul3A_2] : memref<64x16384xf32, #tpu.memory_space<hbm>> -> memref<64x128xf32, #tpu.memory_space<hbm>>
    %dma_wait3A_265 = arith.constant 0 : i32
    %dma_wait3A_266 = tpu.memref_slice %arg2[%dma_wait3A_265, %mul3A_2] : memref<64x16384xf32, #tpu.memory_space<hbm>> -> memref<64x128xf32, #tpu.memory_space<hbm>>
    tpu.wait_dma2 semaphore(%arg13 : memref<!tpu.dma_semaphore, #tpu.memory_space<semaphore_mem>>) src(%dma_wait3A_266 : memref<64x128xf32, #tpu.memory_space<hbm>>) dst(%arg6 : memref<64x128xf32, #tpu.memory_space<vmem>>)
    %add3A_267 = arith.constant 128 : i32
    %add3A_268 = arith.addi %mul3A_2, %add3A_267 : i32
    %dma_start3A_269 = arith.constant 0 : i32
    %dma_start3A_270 = tpu.memref_slice %arg2[%dma_start3A_269, %add3A_268] : memref<64x16384xf32, #tpu.memory_space<hbm>> -> memref<64x128xf32, #tpu.memory_space<hbm>>
    %dma_start3A_271 = arith.constant 0 : i32
    %dma_start3A_272 = tpu.memref_slice %arg2[%dma_start3A_271, %add3A_268] : memref<64x16384xf32, #tpu.memory_space<hbm>> -> memref<64x128xf32, #tpu.memory_space<hbm>>
    tpu.enqueue_dma source(%dma_start3A_272 : memref<64x128xf32, #tpu.memory_space<hbm>>) target(%arg7 : memref<64x128xf32, #tpu.memory_space<vmem>>) target_semaphore(%arg14 : memref<!tpu.dma_semaphore, #tpu.memory_space<semaphore_mem>>)
    %scan3A = arith.constant 0 : i32
    %scan3A_273 = arith.constant 8 : i32
    %scan3A_274 = arith.addi %scan3A, %scan3A_273 : i32
    %scan3A_275 = arith.constant 1 : i32
    %scan3A_276 = scf.for %scan3A_594 = %scan3A to %scan3A_274 step %scan3A_275 iter_args(%scan3A_595 = %broadcast_in_dim3A_3) -> (vector<16xf32>)  : i32 {
      %mul3A_596 = arith.constant 16 : i32
      %mul3A_597 = arith.muli %scan3A_594, %mul3A_596 : i32
      %add3A_598 = arith.constant 0 : i32
      %add3A_599 = arith.addi %add3A_598, %mul3A_597 : i32
      %get3A = arith.constant 0 : i32
      %get3A_600 = arith.index_cast %get3A : i32 to index
      %get3A_601 = arith.index_cast %mul3A_597 : i32 to index
      %get3A_602 = tpu.vector_load %arg6[%get3A_600, %get3A_601] {strides = array<i32>} : memref<64x128xf32, #tpu.memory_space<vmem>>, vector<16xf32>,
      %get3A_603 = arith.constant 1 : i32
      %get3A_604 = arith.index_cast %get3A_603 : i32 to index
      %get3A_605 = arith.index_cast %mul3A_597 : i32 to index
      %get3A_606 = tpu.vector_load %arg6[%get3A_604, %get3A_605] {strides = array<i32>} : memref<64x128xf32, #tpu.memory_space<vmem>>, vector<16xf32>,
      %get3A_607 = arith.constant 2 : i32
      %get3A_608 = arith.index_cast %get3A_607 : i32 to index
      %get3A_609 = arith.index_cast %mul3A_597 : i32 to index
      %get3A_610 = tpu.vector_load %arg6[%get3A_608, %get3A_609] {strides = array<i32>} : memref<64x128xf32, #tpu.memory_space<vmem>>, vector<16xf32>,
      %get3A_611 = arith.constant 3 : i32
      %get3A_612 = arith.index_cast %get3A_611 : i32 to index
      %get3A_613 = arith.index_cast %mul3A_597 : i32 to index
      %get3A_614 = tpu.vector_load %arg6[%get3A_612, %get3A_613] {strides = array<i32>} : memref<64x128xf32, #tpu.memory_space<vmem>>, vector<16xf32>,
      %get3A_615 = arith.constant 4 : i32
      %get3A_616 = arith.index_cast %get3A_615 : i32 to index
      %get3A_617 = arith.index_cast %mul3A_597 : i32 to index
      %get3A_618 = tpu.vector_load %arg6[%get3A_616, %get3A_617] {strides = array<i32>} : memref<64x128xf32, #tpu.memory_space<vmem>>, vector<16xf32>,
      %get3A_619 = arith.constant 5 : i32
      %get3A_620 = arith.index_cast %get3A_619 : i32 to index
      %get3A_621 = arith.index_cast %mul3A_597 : i32 to index
      %get3A_622 = tpu.vector_load %arg6[%get3A_620, %get3A_621] {strides = array<i32>} : memref<64x128xf32, #tpu.memory_space<vmem>>, vector<16xf32>,
      %get3A_623 = arith.constant 6 : i32
      %get3A_624 = arith.index_cast %get3A_623 : i32 to index
      %get3A_625 = arith.index_cast %mul3A_597 : i32 to index
      %get3A_626 = tpu.vector_load %arg6[%get3A_624, %get3A_625] {strides = array<i32>} : memref<64x128xf32, #tpu.memory_space<vmem>>, vector<16xf32>,
      %get3A_627 = arith.constant 7 : i32
      %get3A_628 = arith.index_cast %get3A_627 : i32 to index
      %get3A_629 = arith.index_cast %mul3A_597 : i32 to index
      %get3A_630 = tpu.vector_load %arg6[%get3A_628, %get3A_629] {strides = array<i32>} : memref<64x128xf32, #tpu.memory_space<vmem>>, vector<16xf32>,
      %broadcast_in_dim3A_631 = arith.constant 0 : i32
      %broadcast_in_dim3A_632 = vector.broadcast %broadcast_in_dim3A_631 : i32 to vector<16xi32>
      %broadcast_in_dim3A_633 = arith.constant 1 : i32
      %broadcast_in_dim3A_634 = vector.broadcast %broadcast_in_dim3A_633 : i32 to vector<16xi32>
      %broadcast_in_dim3A_635 = arith.constant 2 : i32
      %broadcast_in_dim3A_636 = vector.broadcast %broadcast_in_dim3A_635 : i32 to vector<16xi32>
      %broadcast_in_dim3A_637 = arith.constant 3 : i32
      %broadcast_in_dim3A_638 = vector.broadcast %broadcast_in_dim3A_637 : i32 to vector<16xi32>
      %broadcast_in_dim3A_639 = arith.constant 4 : i32
      %broadcast_in_dim3A_640 = vector.broadcast %broadcast_in_dim3A_639 : i32 to vector<16xi32>
      %broadcast_in_dim3A_641 = arith.constant 5 : i32
      %broadcast_in_dim3A_642 = vector.broadcast %broadcast_in_dim3A_641 : i32 to vector<16xi32>
      %broadcast_in_dim3A_643 = arith.constant 6 : i32
      %broadcast_in_dim3A_644 = vector.broadcast %broadcast_in_dim3A_643 : i32 to vector<16xi32>
      %broadcast_in_dim3A_645 = arith.constant 7 : i32
      %broadcast_in_dim3A_646 = vector.broadcast %broadcast_in_dim3A_645 : i32 to vector<16xi32>
      %gt3A = arith.cmpf ogt, %get3A_606, %get3A_602 : vector<16xf32>
      %select_n3A = arith.select %gt3A, %get3A_606, %get3A_602 : vector<16xi1>, vector<16xf32>
      %select_n3A_647 = arith.select %gt3A, %broadcast_in_dim3A_634, %broadcast_in_dim3A_632 : vector<16xi1>, vector<16xi32>
      %gt3A_648 = arith.cmpf ogt, %get3A_614, %get3A_610 : vector<16xf32>
      %select_n3A_649 = arith.select %gt3A_648, %get3A_614, %get3A_610 : vector<16xi1>, vector<16xf32>
      %select_n3A_650 = arith.select %gt3A_648, %broadcast_in_dim3A_638, %broadcast_in_dim3A_636 : vector<16xi1>, vector<16xi32>
      %gt3A_651 = arith.cmpf ogt, %get3A_622, %get3A_618 : vector<16xf32>
      %select_n3A_652 = arith.select %gt3A_651, %get3A_622, %get3A_618 : vector<16xi1>, vector<16xf32>
      %select_n3A_653 = arith.select %gt3A_651, %broadcast_in_dim3A_642, %broadcast_in_dim3A_640 : vector<16xi1>, vector<16xi32>
      %gt3A_654 = arith.cmpf ogt, %get3A_630, %get3A_626 : vector<16xf32>
      %select_n3A_655 = arith.select %gt3A_654, %get3A_630, %get3A_626 : vector<16xi1>, vector<16xf32>
      %select_n3A_656 = arith.select %gt3A_654, %broadcast_in_dim3A_646, %broadcast_in_dim3A_644 : vector<16xi1>, vector<16xi32>
      %gt3A_657 = arith.cmpf ogt, %select_n3A_649, %select_n3A : vector<16xf32>
      %select_n3A_658 = arith.select %gt3A_657, %select_n3A_649, %select_n3A : vector<16xi1>, vector<16xf32>
      %select_n3A_659 = arith.select %gt3A_657, %select_n3A_650, %select_n3A_647 : vector<16xi1>, vector<16xi32>
      %gt3A_660 = arith.cmpf ogt, %select_n3A_655, %select_n3A_652 : vector<16xf32>
      %select_n3A_661 = arith.select %gt3A_660, %select_n3A_655, %select_n3A_652 : vector<16xi1>, vector<16xf32>
      %select_n3A_662 = arith.select %gt3A_660, %select_n3A_656, %select_n3A_653 : vector<16xi1>, vector<16xi32>
      %gt3A_663 = arith.cmpf ogt, %select_n3A_661, %select_n3A_658 : vector<16xf32>
      %select_n3A_664 = arith.select %gt3A_663, %select_n3A_661, %select_n3A_658 : vector<16xi1>, vector<16xf32>
      %select_n3A_665 = arith.select %gt3A_663, %select_n3A_662, %select_n3A_659 : vector<16xi1>, vector<16xi32>
      %exp3A = math.exp %get3A_602 : vector<16xf32>
      %exp3A_666 = math.exp %get3A_606 : vector<16xf32>
      %exp3A_667 = math.exp %get3A_610 : vector<16xf32>
      %exp3A_668 = math.exp %get3A_614 : vector<16xf32>
      %exp3A_669 = math.exp %get3A_618 : vector<16xf32>
      %exp3A_670 = math.exp %get3A_622 : vector<16xf32>
      %exp3A_671 = math.exp %get3A_626 : vector<16xf32>
      %exp3A_672 = math.exp %get3A_630 : vector<16xf32>
      %swap3A_673 = arith.constant 0 : i32
      %swap3A_674 = arith.index_cast %swap3A_673 : i32 to index
      %swap3A_675 = arith.index_cast %add3A_599 : i32 to index
      %swap3A_676 = tpu.vector_load %arg8[%swap3A_674, %swap3A_675] {strides = array<i32>} : memref<64x256xf32, #tpu.memory_space<vmem>>, vector<16xf32>,
      tpu.vector_store %arg8[%swap3A_674, %swap3A_675], %exp3A {strides = array<i32>} : memref<64x256xf32, #tpu.memory_space<vmem>>, vector<16xf32>,
      %swap3A_677 = arith.constant 1 : i32
      %swap3A_678 = arith.index_cast %swap3A_677 : i32 to index
      %swap3A_679 = arith.index_cast %add3A_599 : i32 to index
      %swap3A_680 = tpu.vector_load %arg8[%swap3A_678, %swap3A_679] {strides = array<i32>} : memref<64x256xf32, #tpu.memory_space<vmem>>, vector<16xf32>,
      tpu.vector_store %arg8[%swap3A_678, %swap3A_679], %exp3A_666 {strides = array<i32>} : memref<64x256xf32, #tpu.memory_space<vmem>>, vector<16xf32>,
      %swap3A_681 = arith.constant 2 : i32
      %swap3A_682 = arith.index_cast %swap3A_681 : i32 to index
      %swap3A_683 = arith.index_cast %add3A_599 : i32 to index
      %swap3A_684 = tpu.vector_load %arg8[%swap3A_682, %swap3A_683] {strides = array<i32>} : memref<64x256xf32, #tpu.memory_space<vmem>>, vector<16xf32>,
      tpu.vector_store %arg8[%swap3A_682, %swap3A_683], %exp3A_667 {strides = array<i32>} : memref<64x256xf32, #tpu.memory_space<vmem>>, vector<16xf32>,
      %swap3A_685 = arith.constant 3 : i32
      %swap3A_686 = arith.index_cast %swap3A_685 : i32 to index
      %swap3A_687 = arith.index_cast %add3A_599 : i32 to index
      %swap3A_688 = tpu.vector_load %arg8[%swap3A_686, %swap3A_687] {strides = array<i32>} : memref<64x256xf32, #tpu.memory_space<vmem>>, vector<16xf32>,
      tpu.vector_store %arg8[%swap3A_686, %swap3A_687], %exp3A_668 {strides = array<i32>} : memref<64x256xf32, #tpu.memory_space<vmem>>, vector<16xf32>,
      %swap3A_689 = arith.constant 4 : i32
      %swap3A_690 = arith.index_cast %swap3A_689 : i32 to index
      %swap3A_691 = arith.index_cast %add3A_599 : i32 to index
      %swap3A_692 = tpu.vector_load %arg8[%swap3A_690, %swap3A_691] {strides = array<i32>} : memref<64x256xf32, #tpu.memory_space<vmem>>, vector<16xf32>,
      tpu.vector_store %arg8[%swap3A_690, %swap3A_691], %exp3A_669 {strides = array<i32>} : memref<64x256xf32, #tpu.memory_space<vmem>>, vector<16xf32>,
      %swap3A_693 = arith.constant 5 : i32
      %swap3A_694 = arith.index_cast %swap3A_693 : i32 to index
      %swap3A_695 = arith.index_cast %add3A_599 : i32 to index
      %swap3A_696 = tpu.vector_load %arg8[%swap3A_694, %swap3A_695] {strides = array<i32>} : memref<64x256xf32, #tpu.memory_space<vmem>>, vector<16xf32>,
      tpu.vector_store %arg8[%swap3A_694, %swap3A_695], %exp3A_670 {strides = array<i32>} : memref<64x256xf32, #tpu.memory_space<vmem>>, vector<16xf32>,
      %swap3A_697 = arith.constant 6 : i32
      %swap3A_698 = arith.index_cast %swap3A_697 : i32 to index
      %swap3A_699 = arith.index_cast %add3A_599 : i32 to index
      %swap3A_700 = tpu.vector_load %arg8[%swap3A_698, %swap3A_699] {strides = array<i32>} : memref<64x256xf32, #tpu.memory_space<vmem>>, vector<16xf32>,
      tpu.vector_store %arg8[%swap3A_698, %swap3A_699], %exp3A_671 {strides = array<i32>} : memref<64x256xf32, #tpu.memory_space<vmem>>, vector<16xf32>,
      %swap3A_701 = arith.constant 7 : i32
      %swap3A_702 = arith.index_cast %swap3A_701 : i32 to index
      %swap3A_703 = arith.index_cast %add3A_599 : i32 to index
      %swap3A_704 = tpu.vector_load %arg8[%swap3A_702, %swap3A_703] {strides = array<i32>} : memref<64x256xf32, #tpu.memory_space<vmem>>, vector<16xf32>,
      tpu.vector_store %arg8[%swap3A_702, %swap3A_703], %exp3A_672 {strides = array<i32>} : memref<64x256xf32, #tpu.memory_space<vmem>>, vector<16xf32>,
      %add3A_705 = arith.addf %exp3A, %exp3A_666 : vector<16xf32>
      %add3A_706 = arith.addf %exp3A_667, %exp3A_668 : vector<16xf32>
      %add3A_707 = arith.addf %add3A_705, %add3A_706 : vector<16xf32>
      %add3A_708 = arith.addf %exp3A_669, %exp3A_670 : vector<16xf32>
      %add3A_709 = arith.addf %exp3A_671, %exp3A_672 : vector<16xf32>
      %add3A_710 = arith.addf %add3A_708, %add3A_709 : vector<16xf32>
      %add3A_711 = arith.addf %add3A_707, %add3A_710 : vector<16xf32>
      %get3A_712 = arith.constant 8 : i32
      %get3A_713 = arith.index_cast %get3A_712 : i32 to index
      %get3A_714 = arith.index_cast %mul3A_597 : i32 to index
      %get3A_715 = tpu.vector_load %arg6[%get3A_713, %get3A_714] {strides = array<i32>} : memref<64x128xf32, #tpu.memory_space<vmem>>, vector<16xf32>,
      %get3A_716 = arith.constant 9 : i32
      %get3A_717 = arith.index_cast %get3A_716 : i32 to index
      %get3A_718 = arith.index_cast %mul3A_597 : i32 to index
      %get3A_719 = tpu.vector_load %arg6[%get3A_717, %get3A_718] {strides = array<i32>} : memref<64x128xf32, #tpu.memory_space<vmem>>, vector<16xf32>,
      %get3A_720 = arith.constant 10 : i32
      %get3A_721 = arith.index_cast %get3A_720 : i32 to index
      %get3A_722 = arith.index_cast %mul3A_597 : i32 to index
      %get3A_723 = tpu.vector_load %arg6[%get3A_721, %get3A_722] {strides = array<i32>} : memref<64x128xf32, #tpu.memory_space<vmem>>, vector<16xf32>,
      %get3A_724 = arith.constant 11 : i32
      %get3A_725 = arith.index_cast %get3A_724 : i32 to index
      %get3A_726 = arith.index_cast %mul3A_597 : i32 to index
      %get3A_727 = tpu.vector_load %arg6[%get3A_725, %get3A_726] {strides = array<i32>} : memref<64x128xf32, #tpu.memory_space<vmem>>, vector<16xf32>,
      %get3A_728 = arith.constant 12 : i32
      %get3A_729 = arith.index_cast %get3A_728 : i32 to index
      %get3A_730 = arith.index_cast %mul3A_597 : i32 to index
      %get3A_731 = tpu.vector_load %arg6[%get3A_729, %get3A_730] {strides = array<i32>} : memref<64x128xf32, #tpu.memory_space<vmem>>, vector<16xf32>,
      %get3A_732 = arith.constant 13 : i32
      %get3A_733 = arith.index_cast %get3A_732 : i32 to index
      %get3A_734 = arith.index_cast %mul3A_597 : i32 to index
      %get3A_735 = tpu.vector_load %arg6[%get3A_733, %get3A_734] {strides = array<i32>} : memref<64x128xf32, #tpu.memory_space<vmem>>, vector<16xf32>,
      %get3A_736 = arith.constant 14 : i32
      %get3A_737 = arith.index_cast %get3A_736 : i32 to index
      %get3A_738 = arith.index_cast %mul3A_597 : i32 to index
      %get3A_739 = tpu.vector_load %arg6[%get3A_737, %get3A_738] {strides = array<i32>} : memref<64x128xf32, #tpu.memory_space<vmem>>, vector<16xf32>,
      %get3A_740 = arith.constant 15 : i32
      %get3A_741 = arith.index_cast %get3A_740 : i32 to index
      %get3A_742 = arith.index_cast %mul3A_597 : i32 to index
      %get3A_743 = tpu.vector_load %arg6[%get3A_741, %get3A_742] {strides = array<i32>} : memref<64x128xf32, #tpu.memory_space<vmem>>, vector<16xf32>,
      %broadcast_in_dim3A_744 = arith.constant 8 : i32
      %broadcast_in_dim3A_745 = vector.broadcast %broadcast_in_dim3A_744 : i32 to vector<16xi32>
      %broadcast_in_dim3A_746 = arith.constant 9 : i32
      %broadcast_in_dim3A_747 = vector.broadcast %broadcast_in_dim3A_746 : i32 to vector<16xi32>
      %broadcast_in_dim3A_748 = arith.constant 10 : i32
      %broadcast_in_dim3A_749 = vector.broadcast %broadcast_in_dim3A_748 : i32 to vector<16xi32>
      %broadcast_in_dim3A_750 = arith.constant 11 : i32
      %broadcast_in_dim3A_751 = vector.broadcast %broadcast_in_dim3A_750 : i32 to vector<16xi32>
      %broadcast_in_dim3A_752 = arith.constant 12 : i32
      %broadcast_in_dim3A_753 = vector.broadcast %broadcast_in_dim3A_752 : i32 to vector<16xi32>
      %broadcast_in_dim3A_754 = arith.constant 13 : i32
      %broadcast_in_dim3A_755 = vector.broadcast %broadcast_in_dim3A_754 : i32 to vector<16xi32>
      %broadcast_in_dim3A_756 = arith.constant 14 : i32
      %broadcast_in_dim3A_757 = vector.broadcast %broadcast_in_dim3A_756 : i32 to vector<16xi32>
      %broadcast_in_dim3A_758 = arith.constant 15 : i32
      %broadcast_in_dim3A_759 = vector.broadcast %broadcast_in_dim3A_758 : i32 to vector<16xi32>
      %gt3A_760 = arith.cmpf ogt, %get3A_719, %get3A_715 : vector<16xf32>
      %select_n3A_761 = arith.select %gt3A_760, %get3A_719, %get3A_715 : vector<16xi1>, vector<16xf32>
      %select_n3A_762 = arith.select %gt3A_760, %broadcast_in_dim3A_747, %broadcast_in_dim3A_745 : vector<16xi1>, vector<16xi32>
      %gt3A_763 = arith.cmpf ogt, %get3A_727, %get3A_723 : vector<16xf32>
      %select_n3A_764 = arith.select %gt3A_763, %get3A_727, %get3A_723 : vector<16xi1>, vector<16xf32>
      %select_n3A_765 = arith.select %gt3A_763, %broadcast_in_dim3A_751, %broadcast_in_dim3A_749 : vector<16xi1>, vector<16xi32>
      %gt3A_766 = arith.cmpf ogt, %get3A_735, %get3A_731 : vector<16xf32>
      %select_n3A_767 = arith.select %gt3A_766, %get3A_735, %get3A_731 : vector<16xi1>, vector<16xf32>
      %select_n3A_768 = arith.select %gt3A_766, %broadcast_in_dim3A_755, %broadcast_in_dim3A_753 : vector<16xi1>, vector<16xi32>
      %gt3A_769 = arith.cmpf ogt, %get3A_743, %get3A_739 : vector<16xf32>
      %select_n3A_770 = arith.select %gt3A_769, %get3A_743, %get3A_739 : vector<16xi1>, vector<16xf32>
      %select_n3A_771 = arith.select %gt3A_769, %broadcast_in_dim3A_759, %broadcast_in_dim3A_757 : vector<16xi1>, vector<16xi32>
      %gt3A_772 = arith.cmpf ogt, %select_n3A_764, %select_n3A_761 : vector<16xf32>
      %select_n3A_773 = arith.select %gt3A_772, %select_n3A_764, %select_n3A_761 : vector<16xi1>, vector<16xf32>
      %select_n3A_774 = arith.select %gt3A_772, %select_n3A_765, %select_n3A_762 : vector<16xi1>, vector<16xi32>
      %gt3A_775 = arith.cmpf ogt, %select_n3A_770, %select_n3A_767 : vector<16xf32>
      %select_n3A_776 = arith.select %gt3A_775, %select_n3A_770, %select_n3A_767 : vector<16xi1>, vector<16xf32>
      %select_n3A_777 = arith.select %gt3A_775, %select_n3A_771, %select_n3A_768 : vector<16xi1>, vector<16xi32>
      %gt3A_778 = arith.cmpf ogt, %select_n3A_776, %select_n3A_773 : vector<16xf32>
      %select_n3A_779 = arith.select %gt3A_778, %select_n3A_776, %select_n3A_773 : vector<16xi1>, vector<16xf32>
      %select_n3A_780 = arith.select %gt3A_778, %select_n3A_777, %select_n3A_774 : vector<16xi1>, vector<16xi32>
      %gt3A_781 = arith.cmpf ogt, %select_n3A_779, %select_n3A_664 : vector<16xf32>
      %select_n3A_782 = arith.select %gt3A_781, %select_n3A_779, %select_n3A_664 : vector<16xi1>, vector<16xf32>
      %select_n3A_783 = arith.select %gt3A_781, %select_n3A_780, %select_n3A_665 : vector<16xi1>, vector<16xi32>
      %exp3A_784 = math.exp %get3A_715 : vector<16xf32>
      %exp3A_785 = math.exp %get3A_719 : vector<16xf32>
      %exp3A_786 = math.exp %get3A_723 : vector<16xf32>
      %exp3A_787 = math.exp %get3A_727 : vector<16xf32>
      %exp3A_788 = math.exp %get3A_731 : vector<16xf32>
      %exp3A_789 = math.exp %get3A_735 : vector<16xf32>
      %exp3A_790 = math.exp %get3A_739 : vector<16xf32>
      %exp3A_791 = math.exp %get3A_743 : vector<16xf32>
      %swap3A_792 = arith.constant 8 : i32
      %swap3A_793 = arith.index_cast %swap3A_792 : i32 to index
      %swap3A_794 = arith.index_cast %add3A_599 : i32 to index
      %swap3A_795 = tpu.vector_load %arg8[%swap3A_793, %swap3A_794] {strides = array<i32>} : memref<64x256xf32, #tpu.memory_space<vmem>>, vector<16xf32>,
      tpu.vector_store %arg8[%swap3A_793, %swap3A_794], %exp3A_784 {strides = array<i32>} : memref<64x256xf32, #tpu.memory_space<vmem>>, vector<16xf32>,
      %swap3A_796 = arith.constant 9 : i32
      %swap3A_797 = arith.index_cast %swap3A_796 : i32 to index
      %swap3A_798 = arith.index_cast %add3A_599 : i32 to index
      %swap3A_799 = tpu.vector_load %arg8[%swap3A_797, %swap3A_798] {strides = array<i32>} : memref<64x256xf32, #tpu.memory_space<vmem>>, vector<16xf32>,
      tpu.vector_store %arg8[%swap3A_797, %swap3A_798], %exp3A_785 {strides = array<i32>} : memref<64x256xf32, #tpu.memory_space<vmem>>, vector<16xf32>,
      %swap3A_800 = arith.constant 10 : i32
      %swap3A_801 = arith.index_cast %swap3A_800 : i32 to index
      %swap3A_802 = arith.index_cast %add3A_599 : i32 to index
      %swap3A_803 = tpu.vector_load %arg8[%swap3A_801, %swap3A_802] {strides = array<i32>} : memref<64x256xf32, #tpu.memory_space<vmem>>, vector<16xf32>,
      tpu.vector_store %arg8[%swap3A_801, %swap3A_802], %exp3A_786 {strides = array<i32>} : memref<64x256xf32, #tpu.memory_space<vmem>>, vector<16xf32>,
      %swap3A_804 = arith.constant 11 : i32
      %swap3A_805 = arith.index_cast %swap3A_804 : i32 to index
      %swap3A_806 = arith.index_cast %add3A_599 : i32 to index
      %swap3A_807 = tpu.vector_load %arg8[%swap3A_805, %swap3A_806] {strides = array<i32>} : memref<64x256xf32, #tpu.memory_space<vmem>>, vector<16xf32>,
      tpu.vector_store %arg8[%swap3A_805, %swap3A_806], %exp3A_787 {strides = array<i32>} : memref<64x256xf32, #tpu.memory_space<vmem>>, vector<16xf32>,
      %swap3A_808 = arith.constant 12 : i32
      %swap3A_809 = arith.index_cast %swap3A_808 : i32 to index
      %swap3A_810 = arith.index_cast %add3A_599 : i32 to index
      %swap3A_811 = tpu.vector_load %arg8[%swap3A_809, %swap3A_810] {strides = array<i32>} : memref<64x256xf32, #tpu.memory_space<vmem>>, vector<16xf32>,
      tpu.vector_store %arg8[%swap3A_809, %swap3A_810], %exp3A_788 {strides = array<i32>} : memref<64x256xf32, #tpu.memory_space<vmem>>, vector<16xf32>,
      %swap3A_812 = arith.constant 13 : i32
      %swap3A_813 = arith.index_cast %swap3A_812 : i32 to index
      %swap3A_814 = arith.index_cast %add3A_599 : i32 to index
      %swap3A_815 = tpu.vector_load %arg8[%swap3A_813, %swap3A_814] {strides = array<i32>} : memref<64x256xf32, #tpu.memory_space<vmem>>, vector<16xf32>,
      tpu.vector_store %arg8[%swap3A_813, %swap3A_814], %exp3A_789 {strides = array<i32>} : memref<64x256xf32, #tpu.memory_space<vmem>>, vector<16xf32>,
      %swap3A_816 = arith.constant 14 : i32
      %swap3A_817 = arith.index_cast %swap3A_816 : i32 to index
      %swap3A_818 = arith.index_cast %add3A_599 : i32 to index
      %swap3A_819 = tpu.vector_load %arg8[%swap3A_817, %swap3A_818] {strides = array<i32>} : memref<64x256xf32, #tpu.memory_space<vmem>>, vector<16xf32>,
      tpu.vector_store %arg8[%swap3A_817, %swap3A_818], %exp3A_790 {strides = array<i32>} : memref<64x256xf32, #tpu.memory_space<vmem>>, vector<16xf32>,
      %swap3A_820 = arith.constant 15 : i32
      %swap3A_821 = arith.index_cast %swap3A_820 : i32 to index
      %swap3A_822 = arith.index_cast %add3A_599 : i32 to index
      %swap3A_823 = tpu.vector_load %arg8[%swap3A_821, %swap3A_822] {strides = array<i32>} : memref<64x256xf32, #tpu.memory_space<vmem>>, vector<16xf32>,
      tpu.vector_store %arg8[%swap3A_821, %swap3A_822], %exp3A_791 {strides = array<i32>} : memref<64x256xf32, #tpu.memory_space<vmem>>, vector<16xf32>,
      %add3A_824 = arith.addf %exp3A_784, %exp3A_785 : vector<16xf32>
      %add3A_825 = arith.addf %exp3A_786, %exp3A_787 : vector<16xf32>
      %add3A_826 = arith.addf %add3A_824, %add3A_825 : vector<16xf32>
      %add3A_827 = arith.addf %exp3A_788, %exp3A_789 : vector<16xf32>
      %add3A_828 = arith.addf %exp3A_790, %exp3A_791 : vector<16xf32>
      %add3A_829 = arith.addf %add3A_827, %add3A_828 : vector<16xf32>
      %add3A_830 = arith.addf %add3A_826, %add3A_829 : vector<16xf32>
      %add3A_831 = arith.addf %add3A_711, %add3A_830 : vector<16xf32>
      %get3A_832 = arith.constant 16 : i32
      %get3A_833 = arith.index_cast %get3A_832 : i32 to index
      %get3A_834 = arith.index_cast %mul3A_597 : i32 to index
      %get3A_835 = tpu.vector_load %arg6[%get3A_833, %get3A_834] {strides = array<i32>} : memref<64x128xf32, #tpu.memory_space<vmem>>, vector<16xf32>,
      %get3A_836 = arith.constant 17 : i32
      %get3A_837 = arith.index_cast %get3A_836 : i32 to index
      %get3A_838 = arith.index_cast %mul3A_597 : i32 to index
      %get3A_839 = tpu.vector_load %arg6[%get3A_837, %get3A_838] {strides = array<i32>} : memref<64x128xf32, #tpu.memory_space<vmem>>, vector<16xf32>,
      %get3A_840 = arith.constant 18 : i32
      %get3A_841 = arith.index_cast %get3A_840 : i32 to index
      %get3A_842 = arith.index_cast %mul3A_597 : i32 to index
      %get3A_843 = tpu.vector_load %arg6[%get3A_841, %get3A_842] {strides = array<i32>} : memref<64x128xf32, #tpu.memory_space<vmem>>, vector<16xf32>,
      %get3A_844 = arith.constant 19 : i32
      %get3A_845 = arith.index_cast %get3A_844 : i32 to index
      %get3A_846 = arith.index_cast %mul3A_597 : i32 to index
      %get3A_847 = tpu.vector_load %arg6[%get3A_845, %get3A_846] {strides = array<i32>} : memref<64x128xf32, #tpu.memory_space<vmem>>, vector<16xf32>,
      %get3A_848 = arith.constant 20 : i32
      %get3A_849 = arith.index_cast %get3A_848 : i32 to index
      %get3A_850 = arith.index_cast %mul3A_597 : i32 to index
      %get3A_851 = tpu.vector_load %arg6[%get3A_849, %get3A_850] {strides = array<i32>} : memref<64x128xf32, #tpu.memory_space<vmem>>, vector<16xf32>,
      %get3A_852 = arith.constant 21 : i32
      %get3A_853 = arith.index_cast %get3A_852 : i32 to index
      %get3A_854 = arith.index_cast %mul3A_597 : i32 to index
      %get3A_855 = tpu.vector_load %arg6[%get3A_853, %get3A_854] {strides = array<i32>} : memref<64x128xf32, #tpu.memory_space<vmem>>, vector<16xf32>,
      %get3A_856 = arith.constant 22 : i32
      %get3A_857 = arith.index_cast %get3A_856 : i32 to index
      %get3A_858 = arith.index_cast %mul3A_597 : i32 to index
      %get3A_859 = tpu.vector_load %arg6[%get3A_857, %get3A_858] {strides = array<i32>} : memref<64x128xf32, #tpu.memory_space<vmem>>, vector<16xf32>,
      %get3A_860 = arith.constant 23 : i32
      %get3A_861 = arith.index_cast %get3A_860 : i32 to index
      %get3A_862 = arith.index_cast %mul3A_597 : i32 to index
      %get3A_863 = tpu.vector_load %arg6[%get3A_861, %get3A_862] {strides = array<i32>} : memref<64x128xf32, #tpu.memory_space<vmem>>, vector<16xf32>,
      %broadcast_in_dim3A_864 = arith.constant 16 : i32
      %broadcast_in_dim3A_865 = vector.broadcast %broadcast_in_dim3A_864 : i32 to vector<16xi32>
      %broadcast_in_dim3A_866 = arith.constant 17 : i32
      %broadcast_in_dim3A_867 = vector.broadcast %broadcast_in_dim3A_866 : i32 to vector<16xi32>
      %broadcast_in_dim3A_868 = arith.constant 18 : i32
      %broadcast_in_dim3A_869 = vector.broadcast %broadcast_in_dim3A_868 : i32 to vector<16xi32>
      %broadcast_in_dim3A_870 = arith.constant 19 : i32
      %broadcast_in_dim3A_871 = vector.broadcast %broadcast_in_dim3A_870 : i32 to vector<16xi32>
      %broadcast_in_dim3A_872 = arith.constant 20 : i32
      %broadcast_in_dim3A_873 = vector.broadcast %broadcast_in_dim3A_872 : i32 to vector<16xi32>
      %broadcast_in_dim3A_874 = arith.constant 21 : i32
      %broadcast_in_dim3A_875 = vector.broadcast %broadcast_in_dim3A_874 : i32 to vector<16xi32>
      %broadcast_in_dim3A_876 = arith.constant 22 : i32
      %broadcast_in_dim3A_877 = vector.broadcast %broadcast_in_dim3A_876 : i32 to vector<16xi32>
      %broadcast_in_dim3A_878 = arith.constant 23 : i32
      %broadcast_in_dim3A_879 = vector.broadcast %broadcast_in_dim3A_878 : i32 to vector<16xi32>
      %gt3A_880 = arith.cmpf ogt, %get3A_839, %get3A_835 : vector<16xf32>
      %select_n3A_881 = arith.select %gt3A_880, %get3A_839, %get3A_835 : vector<16xi1>, vector<16xf32>
      %select_n3A_882 = arith.select %gt3A_880, %broadcast_in_dim3A_867, %broadcast_in_dim3A_865 : vector<16xi1>, vector<16xi32>
      %gt3A_883 = arith.cmpf ogt, %get3A_847, %get3A_843 : vector<16xf32>
      %select_n3A_884 = arith.select %gt3A_883, %get3A_847, %get3A_843 : vector<16xi1>, vector<16xf32>
      %select_n3A_885 = arith.select %gt3A_883, %broadcast_in_dim3A_871, %broadcast_in_dim3A_869 : vector<16xi1>, vector<16xi32>
      %gt3A_886 = arith.cmpf ogt, %get3A_855, %get3A_851 : vector<16xf32>
      %select_n3A_887 = arith.select %gt3A_886, %get3A_855, %get3A_851 : vector<16xi1>, vector<16xf32>
      %select_n3A_888 = arith.select %gt3A_886, %broadcast_in_dim3A_875, %broadcast_in_dim3A_873 : vector<16xi1>, vector<16xi32>
      %gt3A_889 = arith.cmpf ogt, %get3A_863, %get3A_859 : vector<16xf32>
      %select_n3A_890 = arith.select %gt3A_889, %get3A_863, %get3A_859 : vector<16xi1>, vector<16xf32>
      %select_n3A_891 = arith.select %gt3A_889, %broadcast_in_dim3A_879, %broadcast_in_dim3A_877 : vector<16xi1>, vector<16xi32>
      %gt3A_892 = arith.cmpf ogt, %select_n3A_884, %select_n3A_881 : vector<16xf32>
      %select_n3A_893 = arith.select %gt3A_892, %select_n3A_884, %select_n3A_881 : vector<16xi1>, vector<16xf32>
      %select_n3A_894 = arith.select %gt3A_892, %select_n3A_885, %select_n3A_882 : vector<16xi1>, vector<16xi32>
      %gt3A_895 = arith.cmpf ogt, %select_n3A_890, %select_n3A_887 : vector<16xf32>
      %select_n3A_896 = arith.select %gt3A_895, %select_n3A_890, %select_n3A_887 : vector<16xi1>, vector<16xf32>
      %select_n3A_897 = arith.select %gt3A_895, %select_n3A_891, %select_n3A_888 : vector<16xi1>, vector<16xi32>
      %gt3A_898 = arith.cmpf ogt, %select_n3A_896, %select_n3A_893 : vector<16xf32>
      %select_n3A_899 = arith.select %gt3A_898, %select_n3A_896, %select_n3A_893 : vector<16xi1>, vector<16xf32>
      %select_n3A_900 = arith.select %gt3A_898, %select_n3A_897, %select_n3A_894 : vector<16xi1>, vector<16xi32>
      %gt3A_901 = arith.cmpf ogt, %select_n3A_899, %select_n3A_782 : vector<16xf32>
      %select_n3A_902 = arith.select %gt3A_901, %select_n3A_899, %select_n3A_782 : vector<16xi1>, vector<16xf32>
      %select_n3A_903 = arith.select %gt3A_901, %select_n3A_900, %select_n3A_783 : vector<16xi1>, vector<16xi32>
      %exp3A_904 = math.exp %get3A_835 : vector<16xf32>
      %exp3A_905 = math.exp %get3A_839 : vector<16xf32>
      %exp3A_906 = math.exp %get3A_843 : vector<16xf32>
      %exp3A_907 = math.exp %get3A_847 : vector<16xf32>
      %exp3A_908 = math.exp %get3A_851 : vector<16xf32>
      %exp3A_909 = math.exp %get3A_855 : vector<16xf32>
      %exp3A_910 = math.exp %get3A_859 : vector<16xf32>
      %exp3A_911 = math.exp %get3A_863 : vector<16xf32>
      %swap3A_912 = arith.constant 16 : i32
      %swap3A_913 = arith.index_cast %swap3A_912 : i32 to index
      %swap3A_914 = arith.index_cast %add3A_599 : i32 to index
      %swap3A_915 = tpu.vector_load %arg8[%swap3A_913, %swap3A_914] {strides = array<i32>} : memref<64x256xf32, #tpu.memory_space<vmem>>, vector<16xf32>,
      tpu.vector_store %arg8[%swap3A_913, %swap3A_914], %exp3A_904 {strides = array<i32>} : memref<64x256xf32, #tpu.memory_space<vmem>>, vector<16xf32>,
      %swap3A_916 = arith.constant 17 : i32
      %swap3A_917 = arith.index_cast %swap3A_916 : i32 to index
      %swap3A_918 = arith.index_cast %add3A_599 : i32 to index
      %swap3A_919 = tpu.vector_load %arg8[%swap3A_917, %swap3A_918] {strides = array<i32>} : memref<64x256xf32, #tpu.memory_space<vmem>>, vector<16xf32>,
      tpu.vector_store %arg8[%swap3A_917, %swap3A_918], %exp3A_905 {strides = array<i32>} : memref<64x256xf32, #tpu.memory_space<vmem>>, vector<16xf32>,
      %swap3A_920 = arith.constant 18 : i32
      %swap3A_921 = arith.index_cast %swap3A_920 : i32 to index
      %swap3A_922 = arith.index_cast %add3A_599 : i32 to index
      %swap3A_923 = tpu.vector_load %arg8[%swap3A_921, %swap3A_922] {strides = array<i32>} : memref<64x256xf32, #tpu.memory_space<vmem>>, vector<16xf32>,
      tpu.vector_store %arg8[%swap3A_921, %swap3A_922], %exp3A_906 {strides = array<i32>} : memref<64x256xf32, #tpu.memory_space<vmem>>, vector<16xf32>,
      %swap3A_924 = arith.constant 19 : i32
      %swap3A_925 = arith.index_cast %swap3A_924 : i32 to index
      %swap3A_926 = arith.index_cast %add3A_599 : i32 to index
      %swap3A_927 = tpu.vector_load %arg8[%swap3A_925, %swap3A_926] {strides = array<i32>} : memref<64x256xf32, #tpu.memory_space<vmem>>, vector<16xf32>,
      tpu.vector_store %arg8[%swap3A_925, %swap3A_926], %exp3A_907 {strides = array<i32>} : memref<64x256xf32, #tpu.memory_space<vmem>>, vector<16xf32>,
      %swap3A_928 = arith.constant 20 : i32
      %swap3A_929 = arith.index_cast %swap3A_928 : i32 to index
      %swap3A_930 = arith.index_cast %add3A_599 : i32 to index
      %swap3A_931 = tpu.vector_load %arg8[%swap3A_929, %swap3A_930] {strides = array<i32>} : memref<64x256xf32, #tpu.memory_space<vmem>>, vector<16xf32>,
      tpu.vector_store %arg8[%swap3A_929, %swap3A_930], %exp3A_908 {strides = array<i32>} : memref<64x256xf32, #tpu.memory_space<vmem>>, vector<16xf32>,
      %swap3A_932 = arith.constant 21 : i32
      %swap3A_933 = arith.index_cast %swap3A_932 : i32 to index
      %swap3A_934 = arith.index_cast %add3A_599 : i32 to index
      %swap3A_935 = tpu.vector_load %arg8[%swap3A_933, %swap3A_934] {strides = array<i32>} : memref<64x256xf32, #tpu.memory_space<vmem>>, vector<16xf32>,
      tpu.vector_store %arg8[%swap3A_933, %swap3A_934], %exp3A_909 {strides = array<i32>} : memref<64x256xf32, #tpu.memory_space<vmem>>, vector<16xf32>,
      %swap3A_936 = arith.constant 22 : i32
      %swap3A_937 = arith.index_cast %swap3A_936 : i32 to index
      %swap3A_938 = arith.index_cast %add3A_599 : i32 to index
      %swap3A_939 = tpu.vector_load %arg8[%swap3A_937, %swap3A_938] {strides = array<i32>} : memref<64x256xf32, #tpu.memory_space<vmem>>, vector<16xf32>,
      tpu.vector_store %arg8[%swap3A_937, %swap3A_938], %exp3A_910 {strides = array<i32>} : memref<64x256xf32, #tpu.memory_space<vmem>>, vector<16xf32>,
      %swap3A_940 = arith.constant 23 : i32
      %swap3A_941 = arith.index_cast %swap3A_940 : i32 to index
      %swap3A_942 = arith.index_cast %add3A_599 : i32 to index
      %swap3A_943 = tpu.vector_load %arg8[%swap3A_941, %swap3A_942] {strides = array<i32>} : memref<64x256xf32, #tpu.memory_space<vmem>>, vector<16xf32>,
      tpu.vector_store %arg8[%swap3A_941, %swap3A_942], %exp3A_911 {strides = array<i32>} : memref<64x256xf32, #tpu.memory_space<vmem>>, vector<16xf32>,
      %add3A_944 = arith.addf %exp3A_904, %exp3A_905 : vector<16xf32>
      %add3A_945 = arith.addf %exp3A_906, %exp3A_907 : vector<16xf32>
      %add3A_946 = arith.addf %add3A_944, %add3A_945 : vector<16xf32>
      %add3A_947 = arith.addf %exp3A_908, %exp3A_909 : vector<16xf32>
      %add3A_948 = arith.addf %exp3A_910, %exp3A_911 : vector<16xf32>
      %add3A_949 = arith.addf %add3A_947, %add3A_948 : vector<16xf32>
      %add3A_950 = arith.addf %add3A_946, %add3A_949 : vector<16xf32>
      %add3A_951 = arith.addf %add3A_831, %add3A_950 : vector<16xf32>
      %get3A_952 = arith.constant 24 : i32
      %get3A_953 = arith.index_cast %get3A_952 : i32 to index
      %get3A_954 = arith.index_cast %mul3A_597 : i32 to index
      %get3A_955 = tpu.vector_load %arg6[%get3A_953, %get3A_954] {strides = array<i32>} : memref<64x128xf32, #tpu.memory_space<vmem>>, vector<16xf32>,
      %get3A_956 = arith.constant 25 : i32
      %get3A_957 = arith.index_cast %get3A_956 : i32 to index
      %get3A_958 = arith.index_cast %mul3A_597 : i32 to index
      %get3A_959 = tpu.vector_load %arg6[%get3A_957, %get3A_958] {strides = array<i32>} : memref<64x128xf32, #tpu.memory_space<vmem>>, vector<16xf32>,
      %get3A_960 = arith.constant 26 : i32
      %get3A_961 = arith.index_cast %get3A_960 : i32 to index
      %get3A_962 = arith.index_cast %mul3A_597 : i32 to index
      %get3A_963 = tpu.vector_load %arg6[%get3A_961, %get3A_962] {strides = array<i32>} : memref<64x128xf32, #tpu.memory_space<vmem>>, vector<16xf32>,
      %get3A_964 = arith.constant 27 : i32
      %get3A_965 = arith.index_cast %get3A_964 : i32 to index
      %get3A_966 = arith.index_cast %mul3A_597 : i32 to index
      %get3A_967 = tpu.vector_load %arg6[%get3A_965, %get3A_966] {strides = array<i32>} : memref<64x128xf32, #tpu.memory_space<vmem>>, vector<16xf32>,
      %get3A_968 = arith.constant 28 : i32
      %get3A_969 = arith.index_cast %get3A_968 : i32 to index
      %get3A_970 = arith.index_cast %mul3A_597 : i32 to index
      %get3A_971 = tpu.vector_load %arg6[%get3A_969, %get3A_970] {strides = array<i32>} : memref<64x128xf32, #tpu.memory_space<vmem>>, vector<16xf32>,
      %get3A_972 = arith.constant 29 : i32
      %get3A_973 = arith.index_cast %get3A_972 : i32 to index
      %get3A_974 = arith.index_cast %mul3A_597 : i32 to index
      %get3A_975 = tpu.vector_load %arg6[%get3A_973, %get3A_974] {strides = array<i32>} : memref<64x128xf32, #tpu.memory_space<vmem>>, vector<16xf32>,
      %get3A_976 = arith.constant 30 : i32
      %get3A_977 = arith.index_cast %get3A_976 : i32 to index
      %get3A_978 = arith.index_cast %mul3A_597 : i32 to index
      %get3A_979 = tpu.vector_load %arg6[%get3A_977, %get3A_978] {strides = array<i32>} : memref<64x128xf32, #tpu.memory_space<vmem>>, vector<16xf32>,
      %get3A_980 = arith.constant 31 : i32
      %get3A_981 = arith.index_cast %get3A_980 : i32 to index
      %get3A_982 = arith.index_cast %mul3A_597 : i32 to index
      %get3A_983 = tpu.vector_load %arg6[%get3A_981, %get3A_982] {strides = array<i32>} : memref<64x128xf32, #tpu.memory_space<vmem>>, vector<16xf32>,
      %broadcast_in_dim3A_984 = arith.constant 24 : i32
      %broadcast_in_dim3A_985 = vector.broadcast %broadcast_in_dim3A_984 : i32 to vector<16xi32>
      %broadcast_in_dim3A_986 = arith.constant 25 : i32
      %broadcast_in_dim3A_987 = vector.broadcast %broadcast_in_dim3A_986 : i32 to vector<16xi32>
      %broadcast_in_dim3A_988 = arith.constant 26 : i32
      %broadcast_in_dim3A_989 = vector.broadcast %broadcast_in_dim3A_988 : i32 to vector<16xi32>
      %broadcast_in_dim3A_990 = arith.constant 27 : i32
      %broadcast_in_dim3A_991 = vector.broadcast %broadcast_in_dim3A_990 : i32 to vector<16xi32>
      %broadcast_in_dim3A_992 = arith.constant 28 : i32
      %broadcast_in_dim3A_993 = vector.broadcast %broadcast_in_dim3A_992 : i32 to vector<16xi32>
      %broadcast_in_dim3A_994 = arith.constant 29 : i32
      %broadcast_in_dim3A_995 = vector.broadcast %broadcast_in_dim3A_994 : i32 to vector<16xi32>
      %broadcast_in_dim3A_996 = arith.constant 30 : i32
      %broadcast_in_dim3A_997 = vector.broadcast %broadcast_in_dim3A_996 : i32 to vector<16xi32>
      %broadcast_in_dim3A_998 = arith.constant 31 : i32
      %broadcast_in_dim3A_999 = vector.broadcast %broadcast_in_dim3A_998 : i32 to vector<16xi32>
      %gt3A_1000 = arith.cmpf ogt, %get3A_959, %get3A_955 : vector<16xf32>
      %select_n3A_1001 = arith.select %gt3A_1000, %get3A_959, %get3A_955 : vector<16xi1>, vector<16xf32>
      %select_n3A_1002 = arith.select %gt3A_1000, %broadcast_in_dim3A_987, %broadcast_in_dim3A_985 : vector<16xi1>, vector<16xi32>
      %gt3A_1003 = arith.cmpf ogt, %get3A_967, %get3A_963 : vector<16xf32>
      %select_n3A_1004 = arith.select %gt3A_1003, %get3A_967, %get3A_963 : vector<16xi1>, vector<16xf32>
      %select_n3A_1005 = arith.select %gt3A_1003, %broadcast_in_dim3A_991, %broadcast_in_dim3A_989 : vector<16xi1>, vector<16xi32>
      %gt3A_1006 = arith.cmpf ogt, %get3A_975, %get3A_971 : vector<16xf32>
      %select_n3A_1007 = arith.select %gt3A_1006, %get3A_975, %get3A_971 : vector<16xi1>, vector<16xf32>
      %select_n3A_1008 = arith.select %gt3A_1006, %broadcast_in_dim3A_995, %broadcast_in_dim3A_993 : vector<16xi1>, vector<16xi32>
      %gt3A_1009 = arith.cmpf ogt, %get3A_983, %get3A_979 : vector<16xf32>
      %select_n3A_1010 = arith.select %gt3A_1009, %get3A_983, %get3A_979 : vector<16xi1>, vector<16xf32>
      %select_n3A_1011 = arith.select %gt3A_1009, %broadcast_in_dim3A_999, %broadcast_in_dim3A_997 : vector<16xi1>, vector<16xi32>
      %gt3A_1012 = arith.cmpf ogt, %select_n3A_1004, %select_n3A_1001 : vector<16xf32>
      %select_n3A_1013 = arith.select %gt3A_1012, %select_n3A_1004, %select_n3A_1001 : vector<16xi1>, vector<16xf32>
      %select_n3A_1014 = arith.select %gt3A_1012, %select_n3A_1005, %select_n3A_1002 : vector<16xi1>, vector<16xi32>
      %gt3A_1015 = arith.cmpf ogt, %select_n3A_1010, %select_n3A_1007 : vector<16xf32>
      %select_n3A_1016 = arith.select %gt3A_1015, %select_n3A_1010, %select_n3A_1007 : vector<16xi1>, vector<16xf32>
      %select_n3A_1017 = arith.select %gt3A_1015, %select_n3A_1011, %select_n3A_1008 : vector<16xi1>, vector<16xi32>
      %gt3A_1018 = arith.cmpf ogt, %select_n3A_1016, %select_n3A_1013 : vector<16xf32>
      %select_n3A_1019 = arith.select %gt3A_1018, %select_n3A_1016, %select_n3A_1013 : vector<16xi1>, vector<16xf32>
      %select_n3A_1020 = arith.select %gt3A_1018, %select_n3A_1017, %select_n3A_1014 : vector<16xi1>, vector<16xi32>
      %gt3A_1021 = arith.cmpf ogt, %select_n3A_1019, %select_n3A_902 : vector<16xf32>
      %select_n3A_1022 = arith.select %gt3A_1021, %select_n3A_1019, %select_n3A_902 : vector<16xi1>, vector<16xf32>
      %select_n3A_1023 = arith.select %gt3A_1021, %select_n3A_1020, %select_n3A_903 : vector<16xi1>, vector<16xi32>
      %exp3A_1024 = math.exp %get3A_955 : vector<16xf32>
      %exp3A_1025 = math.exp %get3A_959 : vector<16xf32>
      %exp3A_1026 = math.exp %get3A_963 : vector<16xf32>
      %exp3A_1027 = math.exp %get3A_967 : vector<16xf32>
      %exp3A_1028 = math.exp %get3A_971 : vector<16xf32>
      %exp3A_1029 = math.exp %get3A_975 : vector<16xf32>
      %exp3A_1030 = math.exp %get3A_979 : vector<16xf32>
      %exp3A_1031 = math.exp %get3A_983 : vector<16xf32>
      %swap3A_1032 = arith.constant 24 : i32
      %swap3A_1033 = arith.index_cast %swap3A_1032 : i32 to index
      %swap3A_1034 = arith.index_cast %add3A_599 : i32 to index
      %swap3A_1035 = tpu.vector_load %arg8[%swap3A_1033, %swap3A_1034] {strides = array<i32>} : memref<64x256xf32, #tpu.memory_space<vmem>>, vector<16xf32>,
      tpu.vector_store %arg8[%swap3A_1033, %swap3A_1034], %exp3A_1024 {strides = array<i32>} : memref<64x256xf32, #tpu.memory_space<vmem>>, vector<16xf32>,
      %swap3A_1036 = arith.constant 25 : i32
      %swap3A_1037 = arith.index_cast %swap3A_1036 : i32 to index
      %swap3A_1038 = arith.index_cast %add3A_599 : i32 to index
      %swap3A_1039 = tpu.vector_load %arg8[%swap3A_1037, %swap3A_1038] {strides = array<i32>} : memref<64x256xf32, #tpu.memory_space<vmem>>, vector<16xf32>,
      tpu.vector_store %arg8[%swap3A_1037, %swap3A_1038], %exp3A_1025 {strides = array<i32>} : memref<64x256xf32, #tpu.memory_space<vmem>>, vector<16xf32>,
      %swap3A_1040 = arith.constant 26 : i32
      %swap3A_1041 = arith.index_cast %swap3A_1040 : i32 to index
      %swap3A_1042 = arith.index_cast %add3A_599 : i32 to index
      %swap3A_1043 = tpu.vector_load %arg8[%swap3A_1041, %swap3A_1042] {strides = array<i32>} : memref<64x256xf32, #tpu.memory_space<vmem>>, vector<16xf32>,
      tpu.vector_store %arg8[%swap3A_1041, %swap3A_1042], %exp3A_1026 {strides = array<i32>} : memref<64x256xf32, #tpu.memory_space<vmem>>, vector<16xf32>,
      %swap3A_1044 = arith.constant 27 : i32
      %swap3A_1045 = arith.index_cast %swap3A_1044 : i32 to index
      %swap3A_1046 = arith.index_cast %add3A_599 : i32 to index
      %swap3A_1047 = tpu.vector_load %arg8[%swap3A_1045, %swap3A_1046] {strides = array<i32>} : memref<64x256xf32, #tpu.memory_space<vmem>>, vector<16xf32>,
      tpu.vector_store %arg8[%swap3A_1045, %swap3A_1046], %exp3A_1027 {strides = array<i32>} : memref<64x256xf32, #tpu.memory_space<vmem>>, vector<16xf32>,
      %swap3A_1048 = arith.constant 28 : i32
      %swap3A_1049 = arith.index_cast %swap3A_1048 : i32 to index
      %swap3A_1050 = arith.index_cast %add3A_599 : i32 to index
      %swap3A_1051 = tpu.vector_load %arg8[%swap3A_1049, %swap3A_1050] {strides = array<i32>} : memref<64x256xf32, #tpu.memory_space<vmem>>, vector<16xf32>,
      tpu.vector_store %arg8[%swap3A_1049, %swap3A_1050], %exp3A_1028 {strides = array<i32>} : memref<64x256xf32, #tpu.memory_space<vmem>>, vector<16xf32>,
      %swap3A_1052 = arith.constant 29 : i32
      %swap3A_1053 = arith.index_cast %swap3A_1052 : i32 to index
      %swap3A_1054 = arith.index_cast %add3A_599 : i32 to index
      %swap3A_1055 = tpu.vector_load %arg8[%swap3A_1053, %swap3A_1054] {strides = array<i32>} : memref<64x256xf32, #tpu.memory_space<vmem>>, vector<16xf32>,
      tpu.vector_store %arg8[%swap3A_1053, %swap3A_1054], %exp3A_1029 {strides = array<i32>} : memref<64x256xf32, #tpu.memory_space<vmem>>, vector<16xf32>,
      %swap3A_1056 = arith.constant 30 : i32
      %swap3A_1057 = arith.index_cast %swap3A_1056 : i32 to index
      %swap3A_1058 = arith.index_cast %add3A_599 : i32 to index
      %swap3A_1059 = tpu.vector_load %arg8[%swap3A_1057, %swap3A_1058] {strides = array<i32>} : memref<64x256xf32, #tpu.memory_space<vmem>>, vector<16xf32>,
      tpu.vector_store %arg8[%swap3A_1057, %swap3A_1058], %exp3A_1030 {strides = array<i32>} : memref<64x256xf32, #tpu.memory_space<vmem>>, vector<16xf32>,
      %swap3A_1060 = arith.constant 31 : i32
      %swap3A_1061 = arith.index_cast %swap3A_1060 : i32 to index
      %swap3A_1062 = arith.index_cast %add3A_599 : i32 to index
      %swap3A_1063 = tpu.vector_load %arg8[%swap3A_1061, %swap3A_1062] {strides = array<i32>} : memref<64x256xf32, #tpu.memory_space<vmem>>, vector<16xf32>,
      tpu.vector_store %arg8[%swap3A_1061, %swap3A_1062], %exp3A_1031 {strides = array<i32>} : memref<64x256xf32, #tpu.memory_space<vmem>>, vector<16xf32>,
      %add3A_1064 = arith.addf %exp3A_1024, %exp3A_1025 : vector<16xf32>
      %add3A_1065 = arith.addf %exp3A_1026, %exp3A_1027 : vector<16xf32>
      %add3A_1066 = arith.addf %add3A_1064, %add3A_1065 : vector<16xf32>
      %add3A_1067 = arith.addf %exp3A_1028, %exp3A_1029 : vector<16xf32>
      %add3A_1068 = arith.addf %exp3A_1030, %exp3A_1031 : vector<16xf32>
      %add3A_1069 = arith.addf %add3A_1067, %add3A_1068 : vector<16xf32>
      %add3A_1070 = arith.addf %add3A_1066, %add3A_1069 : vector<16xf32>
      %add3A_1071 = arith.addf %add3A_951, %add3A_1070 : vector<16xf32>
      %get3A_1072 = arith.constant 32 : i32
      %get3A_1073 = arith.index_cast %get3A_1072 : i32 to index
      %get3A_1074 = arith.index_cast %mul3A_597 : i32 to index
      %get3A_1075 = tpu.vector_load %arg6[%get3A_1073, %get3A_1074] {strides = array<i32>} : memref<64x128xf32, #tpu.memory_space<vmem>>, vector<16xf32>,
      %get3A_1076 = arith.constant 33 : i32
      %get3A_1077 = arith.index_cast %get3A_1076 : i32 to index
      %get3A_1078 = arith.index_cast %mul3A_597 : i32 to index
      %get3A_1079 = tpu.vector_load %arg6[%get3A_1077, %get3A_1078] {strides = array<i32>} : memref<64x128xf32, #tpu.memory_space<vmem>>, vector<16xf32>,
      %get3A_1080 = arith.constant 34 : i32
      %get3A_1081 = arith.index_cast %get3A_1080 : i32 to index
      %get3A_1082 = arith.index_cast %mul3A_597 : i32 to index
      %get3A_1083 = tpu.vector_load %arg6[%get3A_1081, %get3A_1082] {strides = array<i32>} : memref<64x128xf32, #tpu.memory_space<vmem>>, vector<16xf32>,
      %get3A_1084 = arith.constant 35 : i32
      %get3A_1085 = arith.index_cast %get3A_1084 : i32 to index
      %get3A_1086 = arith.index_cast %mul3A_597 : i32 to index
      %get3A_1087 = tpu.vector_load %arg6[%get3A_1085, %get3A_1086] {strides = array<i32>} : memref<64x128xf32, #tpu.memory_space<vmem>>, vector<16xf32>,
      %get3A_1088 = arith.constant 36 : i32
      %get3A_1089 = arith.index_cast %get3A_1088 : i32 to index
      %get3A_1090 = arith.index_cast %mul3A_597 : i32 to index
      %get3A_1091 = tpu.vector_load %arg6[%get3A_1089, %get3A_1090] {strides = array<i32>} : memref<64x128xf32, #tpu.memory_space<vmem>>, vector<16xf32>,
      %get3A_1092 = arith.constant 37 : i32
      %get3A_1093 = arith.index_cast %get3A_1092 : i32 to index
      %get3A_1094 = arith.index_cast %mul3A_597 : i32 to index
      %get3A_1095 = tpu.vector_load %arg6[%get3A_1093, %get3A_1094] {strides = array<i32>} : memref<64x128xf32, #tpu.memory_space<vmem>>, vector<16xf32>,
      %get3A_1096 = arith.constant 38 : i32
      %get3A_1097 = arith.index_cast %get3A_1096 : i32 to index
      %get3A_1098 = arith.index_cast %mul3A_597 : i32 to index
      %get3A_1099 = tpu.vector_load %arg6[%get3A_1097, %get3A_1098] {strides = array<i32>} : memref<64x128xf32, #tpu.memory_space<vmem>>, vector<16xf32>,
      %get3A_1100 = arith.constant 39 : i32
      %get3A_1101 = arith.index_cast %get3A_1100 : i32 to index
      %get3A_1102 = arith.index_cast %mul3A_597 : i32 to index
      %get3A_1103 = tpu.vector_load %arg6[%get3A_1101, %get3A_1102] {strides = array<i32>} : memref<64x128xf32, #tpu.memory_space<vmem>>, vector<16xf32>,
      %broadcast_in_dim3A_1104 = arith.constant 32 : i32
      %broadcast_in_dim3A_1105 = vector.broadcast %broadcast_in_dim3A_1104 : i32 to vector<16xi32>
      %broadcast_in_dim3A_1106 = arith.constant 33 : i32
      %broadcast_in_dim3A_1107 = vector.broadcast %broadcast_in_dim3A_1106 : i32 to vector<16xi32>
      %broadcast_in_dim3A_1108 = arith.constant 34 : i32
      %broadcast_in_dim3A_1109 = vector.broadcast %broadcast_in_dim3A_1108 : i32 to vector<16xi32>
      %broadcast_in_dim3A_1110 = arith.constant 35 : i32
      %broadcast_in_dim3A_1111 = vector.broadcast %broadcast_in_dim3A_1110 : i32 to vector<16xi32>
      %broadcast_in_dim3A_1112 = arith.constant 36 : i32
      %broadcast_in_dim3A_1113 = vector.broadcast %broadcast_in_dim3A_1112 : i32 to vector<16xi32>
      %broadcast_in_dim3A_1114 = arith.constant 37 : i32
      %broadcast_in_dim3A_1115 = vector.broadcast %broadcast_in_dim3A_1114 : i32 to vector<16xi32>
      %broadcast_in_dim3A_1116 = arith.constant 38 : i32
      %broadcast_in_dim3A_1117 = vector.broadcast %broadcast_in_dim3A_1116 : i32 to vector<16xi32>
      %broadcast_in_dim3A_1118 = arith.constant 39 : i32
      %broadcast_in_dim3A_1119 = vector.broadcast %broadcast_in_dim3A_1118 : i32 to vector<16xi32>
      %gt3A_1120 = arith.cmpf ogt, %get3A_1079, %get3A_1075 : vector<16xf32>
      %select_n3A_1121 = arith.select %gt3A_1120, %get3A_1079, %get3A_1075 : vector<16xi1>, vector<16xf32>
      %select_n3A_1122 = arith.select %gt3A_1120, %broadcast_in_dim3A_1107, %broadcast_in_dim3A_1105 : vector<16xi1>, vector<16xi32>
      %gt3A_1123 = arith.cmpf ogt, %get3A_1087, %get3A_1083 : vector<16xf32>
      %select_n3A_1124 = arith.select %gt3A_1123, %get3A_1087, %get3A_1083 : vector<16xi1>, vector<16xf32>
      %select_n3A_1125 = arith.select %gt3A_1123, %broadcast_in_dim3A_1111, %broadcast_in_dim3A_1109 : vector<16xi1>, vector<16xi32>
      %gt3A_1126 = arith.cmpf ogt, %get3A_1095, %get3A_1091 : vector<16xf32>
      %select_n3A_1127 = arith.select %gt3A_1126, %get3A_1095, %get3A_1091 : vector<16xi1>, vector<16xf32>
      %select_n3A_1128 = arith.select %gt3A_1126, %broadcast_in_dim3A_1115, %broadcast_in_dim3A_1113 : vector<16xi1>, vector<16xi32>
      %gt3A_1129 = arith.cmpf ogt, %get3A_1103, %get3A_1099 : vector<16xf32>
      %select_n3A_1130 = arith.select %gt3A_1129, %get3A_1103, %get3A_1099 : vector<16xi1>, vector<16xf32>
      %select_n3A_1131 = arith.select %gt3A_1129, %broadcast_in_dim3A_1119, %broadcast_in_dim3A_1117 : vector<16xi1>, vector<16xi32>
      %gt3A_1132 = arith.cmpf ogt, %select_n3A_1124, %select_n3A_1121 : vector<16xf32>
      %select_n3A_1133 = arith.select %gt3A_1132, %select_n3A_1124, %select_n3A_1121 : vector<16xi1>, vector<16xf32>
      %select_n3A_1134 = arith.select %gt3A_1132, %select_n3A_1125, %select_n3A_1122 : vector<16xi1>, vector<16xi32>
      %gt3A_1135 = arith.cmpf ogt, %select_n3A_1130, %select_n3A_1127 : vector<16xf32>
      %select_n3A_1136 = arith.select %gt3A_1135, %select_n3A_1130, %select_n3A_1127 : vector<16xi1>, vector<16xf32>
      %select_n3A_1137 = arith.select %gt3A_1135, %select_n3A_1131, %select_n3A_1128 : vector<16xi1>, vector<16xi32>
      %gt3A_1138 = arith.cmpf ogt, %select_n3A_1136, %select_n3A_1133 : vector<16xf32>
      %select_n3A_1139 = arith.select %gt3A_1138, %select_n3A_1136, %select_n3A_1133 : vector<16xi1>, vector<16xf32>
      %select_n3A_1140 = arith.select %gt3A_1138, %select_n3A_1137, %select_n3A_1134 : vector<16xi1>, vector<16xi32>
      %gt3A_1141 = arith.cmpf ogt, %select_n3A_1139, %select_n3A_1022 : vector<16xf32>
      %select_n3A_1142 = arith.select %gt3A_1141, %select_n3A_1139, %select_n3A_1022 : vector<16xi1>, vector<16xf32>
      %select_n3A_1143 = arith.select %gt3A_1141, %select_n3A_1140, %select_n3A_1023 : vector<16xi1>, vector<16xi32>
      %exp3A_1144 = math.exp %get3A_1075 : vector<16xf32>
      %exp3A_1145 = math.exp %get3A_1079 : vector<16xf32>
      %exp3A_1146 = math.exp %get3A_1083 : vector<16xf32>
      %exp3A_1147 = math.exp %get3A_1087 : vector<16xf32>
      %exp3A_1148 = math.exp %get3A_1091 : vector<16xf32>
      %exp3A_1149 = math.exp %get3A_1095 : vector<16xf32>
      %exp3A_1150 = math.exp %get3A_1099 : vector<16xf32>
      %exp3A_1151 = math.exp %get3A_1103 : vector<16xf32>
      %swap3A_1152 = arith.constant 32 : i32
      %swap3A_1153 = arith.index_cast %swap3A_1152 : i32 to index
      %swap3A_1154 = arith.index_cast %add3A_599 : i32 to index
      %swap3A_1155 = tpu.vector_load %arg8[%swap3A_1153, %swap3A_1154] {strides = array<i32>} : memref<64x256xf32, #tpu.memory_space<vmem>>, vector<16xf32>,
      tpu.vector_store %arg8[%swap3A_1153, %swap3A_1154], %exp3A_1144 {strides = array<i32>} : memref<64x256xf32, #tpu.memory_space<vmem>>, vector<16xf32>,
      %swap3A_1156 = arith.constant 33 : i32
      %swap3A_1157 = arith.index_cast %swap3A_1156 : i32 to index
      %swap3A_1158 = arith.index_cast %add3A_599 : i32 to index
      %swap3A_1159 = tpu.vector_load %arg8[%swap3A_1157, %swap3A_1158] {strides = array<i32>} : memref<64x256xf32, #tpu.memory_space<vmem>>, vector<16xf32>,
      tpu.vector_store %arg8[%swap3A_1157, %swap3A_1158], %exp3A_1145 {strides = array<i32>} : memref<64x256xf32, #tpu.memory_space<vmem>>, vector<16xf32>,
      %swap3A_1160 = arith.constant 34 : i32
      %swap3A_1161 = arith.index_cast %swap3A_1160 : i32 to index
      %swap3A_1162 = arith.index_cast %add3A_599 : i32 to index
      %swap3A_1163 = tpu.vector_load %arg8[%swap3A_1161, %swap3A_1162] {strides = array<i32>} : memref<64x256xf32, #tpu.memory_space<vmem>>, vector<16xf32>,
      tpu.vector_store %arg8[%swap3A_1161, %swap3A_1162], %exp3A_1146 {strides = array<i32>} : memref<64x256xf32, #tpu.memory_space<vmem>>, vector<16xf32>,
      %swap3A_1164 = arith.constant 35 : i32
      %swap3A_1165 = arith.index_cast %swap3A_1164 : i32 to index
      %swap3A_1166 = arith.index_cast %add3A_599 : i32 to index
      %swap3A_1167 = tpu.vector_load %arg8[%swap3A_1165, %swap3A_1166] {strides = array<i32>} : memref<64x256xf32, #tpu.memory_space<vmem>>, vector<16xf32>,
      tpu.vector_store %arg8[%swap3A_1165, %swap3A_1166], %exp3A_1147 {strides = array<i32>} : memref<64x256xf32, #tpu.memory_space<vmem>>, vector<16xf32>,
      %swap3A_1168 = arith.constant 36 : i32
      %swap3A_1169 = arith.index_cast %swap3A_1168 : i32 to index
      %swap3A_1170 = arith.index_cast %add3A_599 : i32 to index
      %swap3A_1171 = tpu.vector_load %arg8[%swap3A_1169, %swap3A_1170] {strides = array<i32>} : memref<64x256xf32, #tpu.memory_space<vmem>>, vector<16xf32>,
      tpu.vector_store %arg8[%swap3A_1169, %swap3A_1170], %exp3A_1148 {strides = array<i32>} : memref<64x256xf32, #tpu.memory_space<vmem>>, vector<16xf32>,
      %swap3A_1172 = arith.constant 37 : i32
      %swap3A_1173 = arith.index_cast %swap3A_1172 : i32 to index
      %swap3A_1174 = arith.index_cast %add3A_599 : i32 to index
      %swap3A_1175 = tpu.vector_load %arg8[%swap3A_1173, %swap3A_1174] {strides = array<i32>} : memref<64x256xf32, #tpu.memory_space<vmem>>, vector<16xf32>,
      tpu.vector_store %arg8[%swap3A_1173, %swap3A_1174], %exp3A_1149 {strides = array<i32>} : memref<64x256xf32, #tpu.memory_space<vmem>>, vector<16xf32>,
      %swap3A_1176 = arith.constant 38 : i32
      %swap3A_1177 = arith.index_cast %swap3A_1176 : i32 to index
      %swap3A_1178 = arith.index_cast %add3A_599 : i32 to index
      %swap3A_1179 = tpu.vector_load %arg8[%swap3A_1177, %swap3A_1178] {strides = array<i32>} : memref<64x256xf32, #tpu.memory_space<vmem>>, vector<16xf32>,
      tpu.vector_store %arg8[%swap3A_1177, %swap3A_1178], %exp3A_1150 {strides = array<i32>} : memref<64x256xf32, #tpu.memory_space<vmem>>, vector<16xf32>,
      %swap3A_1180 = arith.constant 39 : i32
      %swap3A_1181 = arith.index_cast %swap3A_1180 : i32 to index
      %swap3A_1182 = arith.index_cast %add3A_599 : i32 to index
      %swap3A_1183 = tpu.vector_load %arg8[%swap3A_1181, %swap3A_1182] {strides = array<i32>} : memref<64x256xf32, #tpu.memory_space<vmem>>, vector<16xf32>,
      tpu.vector_store %arg8[%swap3A_1181, %swap3A_1182], %exp3A_1151 {strides = array<i32>} : memref<64x256xf32, #tpu.memory_space<vmem>>, vector<16xf32>,
      %add3A_1184 = arith.addf %exp3A_1144, %exp3A_1145 : vector<16xf32>
      %add3A_1185 = arith.addf %exp3A_1146, %exp3A_1147 : vector<16xf32>
      %add3A_1186 = arith.addf %add3A_1184, %add3A_1185 : vector<16xf32>
      %add3A_1187 = arith.addf %exp3A_1148, %exp3A_1149 : vector<16xf32>
      %add3A_1188 = arith.addf %exp3A_1150, %exp3A_1151 : vector<16xf32>
      %add3A_1189 = arith.addf %add3A_1187, %add3A_1188 : vector<16xf32>
      %add3A_1190 = arith.addf %add3A_1186, %add3A_1189 : vector<16xf32>
      %add3A_1191 = arith.addf %add3A_1071, %add3A_1190 : vector<16xf32>
      %get3A_1192 = arith.constant 40 : i32
      %get3A_1193 = arith.index_cast %get3A_1192 : i32 to index
      %get3A_1194 = arith.index_cast %mul3A_597 : i32 to index
      %get3A_1195 = tpu.vector_load %arg6[%get3A_1193, %get3A_1194] {strides = array<i32>} : memref<64x128xf32, #tpu.memory_space<vmem>>, vector<16xf32>,
      %get3A_1196 = arith.constant 41 : i32
      %get3A_1197 = arith.index_cast %get3A_1196 : i32 to index
      %get3A_1198 = arith.index_cast %mul3A_597 : i32 to index
      %get3A_1199 = tpu.vector_load %arg6[%get3A_1197, %get3A_1198] {strides = array<i32>} : memref<64x128xf32, #tpu.memory_space<vmem>>, vector<16xf32>,
      %get3A_1200 = arith.constant 42 : i32
      %get3A_1201 = arith.index_cast %get3A_1200 : i32 to index
      %get3A_1202 = arith.index_cast %mul3A_597 : i32 to index
      %get3A_1203 = tpu.vector_load %arg6[%get3A_1201, %get3A_1202] {strides = array<i32>} : memref<64x128xf32, #tpu.memory_space<vmem>>, vector<16xf32>,
      %get3A_1204 = arith.constant 43 : i32
      %get3A_1205 = arith.index_cast %get3A_1204 : i32 to index
      %get3A_1206 = arith.index_cast %mul3A_597 : i32 to index
      %get3A_1207 = tpu.vector_load %arg6[%get3A_1205, %get3A_1206] {strides = array<i32>} : memref<64x128xf32, #tpu.memory_space<vmem>>, vector<16xf32>,
      %get3A_1208 = arith.constant 44 : i32
      %get3A_1209 = arith.index_cast %get3A_1208 : i32 to index
      %get3A_1210 = arith.index_cast %mul3A_597 : i32 to index
      %get3A_1211 = tpu.vector_load %arg6[%get3A_1209, %get3A_1210] {strides = array<i32>} : memref<64x128xf32, #tpu.memory_space<vmem>>, vector<16xf32>,
      %get3A_1212 = arith.constant 45 : i32
      %get3A_1213 = arith.index_cast %get3A_1212 : i32 to index
      %get3A_1214 = arith.index_cast %mul3A_597 : i32 to index
      %get3A_1215 = tpu.vector_load %arg6[%get3A_1213, %get3A_1214] {strides = array<i32>} : memref<64x128xf32, #tpu.memory_space<vmem>>, vector<16xf32>,
      %get3A_1216 = arith.constant 46 : i32
      %get3A_1217 = arith.index_cast %get3A_1216 : i32 to index
      %get3A_1218 = arith.index_cast %mul3A_597 : i32 to index
      %get3A_1219 = tpu.vector_load %arg6[%get3A_1217, %get3A_1218] {strides = array<i32>} : memref<64x128xf32, #tpu.memory_space<vmem>>, vector<16xf32>,
      %get3A_1220 = arith.constant 47 : i32
      %get3A_1221 = arith.index_cast %get3A_1220 : i32 to index
      %get3A_1222 = arith.index_cast %mul3A_597 : i32 to index
      %get3A_1223 = tpu.vector_load %arg6[%get3A_1221, %get3A_1222] {strides = array<i32>} : memref<64x128xf32, #tpu.memory_space<vmem>>, vector<16xf32>,
      %broadcast_in_dim3A_1224 = arith.constant 40 : i32
      %broadcast_in_dim3A_1225 = vector.broadcast %broadcast_in_dim3A_1224 : i32 to vector<16xi32>
      %broadcast_in_dim3A_1226 = arith.constant 41 : i32
      %broadcast_in_dim3A_1227 = vector.broadcast %broadcast_in_dim3A_1226 : i32 to vector<16xi32>
      %broadcast_in_dim3A_1228 = arith.constant 42 : i32
      %broadcast_in_dim3A_1229 = vector.broadcast %broadcast_in_dim3A_1228 : i32 to vector<16xi32>
      %broadcast_in_dim3A_1230 = arith.constant 43 : i32
      %broadcast_in_dim3A_1231 = vector.broadcast %broadcast_in_dim3A_1230 : i32 to vector<16xi32>
      %broadcast_in_dim3A_1232 = arith.constant 44 : i32
      %broadcast_in_dim3A_1233 = vector.broadcast %broadcast_in_dim3A_1232 : i32 to vector<16xi32>
      %broadcast_in_dim3A_1234 = arith.constant 45 : i32
      %broadcast_in_dim3A_1235 = vector.broadcast %broadcast_in_dim3A_1234 : i32 to vector<16xi32>
      %broadcast_in_dim3A_1236 = arith.constant 46 : i32
      %broadcast_in_dim3A_1237 = vector.broadcast %broadcast_in_dim3A_1236 : i32 to vector<16xi32>
      %broadcast_in_dim3A_1238 = arith.constant 47 : i32
      %broadcast_in_dim3A_1239 = vector.broadcast %broadcast_in_dim3A_1238 : i32 to vector<16xi32>
      %gt3A_1240 = arith.cmpf ogt, %get3A_1199, %get3A_1195 : vector<16xf32>
      %select_n3A_1241 = arith.select %gt3A_1240, %get3A_1199, %get3A_1195 : vector<16xi1>, vector<16xf32>
      %select_n3A_1242 = arith.select %gt3A_1240, %broadcast_in_dim3A_1227, %broadcast_in_dim3A_1225 : vector<16xi1>, vector<16xi32>
      %gt3A_1243 = arith.cmpf ogt, %get3A_1207, %get3A_1203 : vector<16xf32>
      %select_n3A_1244 = arith.select %gt3A_1243, %get3A_1207, %get3A_1203 : vector<16xi1>, vector<16xf32>
      %select_n3A_1245 = arith.select %gt3A_1243, %broadcast_in_dim3A_1231, %broadcast_in_dim3A_1229 : vector<16xi1>, vector<16xi32>
      %gt3A_1246 = arith.cmpf ogt, %get3A_1215, %get3A_1211 : vector<16xf32>
      %select_n3A_1247 = arith.select %gt3A_1246, %get3A_1215, %get3A_1211 : vector<16xi1>, vector<16xf32>
      %select_n3A_1248 = arith.select %gt3A_1246, %broadcast_in_dim3A_1235, %broadcast_in_dim3A_1233 : vector<16xi1>, vector<16xi32>
      %gt3A_1249 = arith.cmpf ogt, %get3A_1223, %get3A_1219 : vector<16xf32>
      %select_n3A_1250 = arith.select %gt3A_1249, %get3A_1223, %get3A_1219 : vector<16xi1>, vector<16xf32>
      %select_n3A_1251 = arith.select %gt3A_1249, %broadcast_in_dim3A_1239, %broadcast_in_dim3A_1237 : vector<16xi1>, vector<16xi32>
      %gt3A_1252 = arith.cmpf ogt, %select_n3A_1244, %select_n3A_1241 : vector<16xf32>
      %select_n3A_1253 = arith.select %gt3A_1252, %select_n3A_1244, %select_n3A_1241 : vector<16xi1>, vector<16xf32>
      %select_n3A_1254 = arith.select %gt3A_1252, %select_n3A_1245, %select_n3A_1242 : vector<16xi1>, vector<16xi32>
      %gt3A_1255 = arith.cmpf ogt, %select_n3A_1250, %select_n3A_1247 : vector<16xf32>
      %select_n3A_1256 = arith.select %gt3A_1255, %select_n3A_1250, %select_n3A_1247 : vector<16xi1>, vector<16xf32>
      %select_n3A_1257 = arith.select %gt3A_1255, %select_n3A_1251, %select_n3A_1248 : vector<16xi1>, vector<16xi32>
      %gt3A_1258 = arith.cmpf ogt, %select_n3A_1256, %select_n3A_1253 : vector<16xf32>
      %select_n3A_1259 = arith.select %gt3A_1258, %select_n3A_1256, %select_n3A_1253 : vector<16xi1>, vector<16xf32>
      %select_n3A_1260 = arith.select %gt3A_1258, %select_n3A_1257, %select_n3A_1254 : vector<16xi1>, vector<16xi32>
      %gt3A_1261 = arith.cmpf ogt, %select_n3A_1259, %select_n3A_1142 : vector<16xf32>
      %select_n3A_1262 = arith.select %gt3A_1261, %select_n3A_1259, %select_n3A_1142 : vector<16xi1>, vector<16xf32>
      %select_n3A_1263 = arith.select %gt3A_1261, %select_n3A_1260, %select_n3A_1143 : vector<16xi1>, vector<16xi32>
      %exp3A_1264 = math.exp %get3A_1195 : vector<16xf32>
      %exp3A_1265 = math.exp %get3A_1199 : vector<16xf32>
      %exp3A_1266 = math.exp %get3A_1203 : vector<16xf32>
      %exp3A_1267 = math.exp %get3A_1207 : vector<16xf32>
      %exp3A_1268 = math.exp %get3A_1211 : vector<16xf32>
      %exp3A_1269 = math.exp %get3A_1215 : vector<16xf32>
      %exp3A_1270 = math.exp %get3A_1219 : vector<16xf32>
      %exp3A_1271 = math.exp %get3A_1223 : vector<16xf32>
      %swap3A_1272 = arith.constant 40 : i32
      %swap3A_1273 = arith.index_cast %swap3A_1272 : i32 to index
      %swap3A_1274 = arith.index_cast %add3A_599 : i32 to index
      %swap3A_1275 = tpu.vector_load %arg8[%swap3A_1273, %swap3A_1274] {strides = array<i32>} : memref<64x256xf32, #tpu.memory_space<vmem>>, vector<16xf32>,
      tpu.vector_store %arg8[%swap3A_1273, %swap3A_1274], %exp3A_1264 {strides = array<i32>} : memref<64x256xf32, #tpu.memory_space<vmem>>, vector<16xf32>,
      %swap3A_1276 = arith.constant 41 : i32
      %swap3A_1277 = arith.index_cast %swap3A_1276 : i32 to index
      %swap3A_1278 = arith.index_cast %add3A_599 : i32 to index
      %swap3A_1279 = tpu.vector_load %arg8[%swap3A_1277, %swap3A_1278] {strides = array<i32>} : memref<64x256xf32, #tpu.memory_space<vmem>>, vector<16xf32>,
      tpu.vector_store %arg8[%swap3A_1277, %swap3A_1278], %exp3A_1265 {strides = array<i32>} : memref<64x256xf32, #tpu.memory_space<vmem>>, vector<16xf32>,
      %swap3A_1280 = arith.constant 42 : i32
      %swap3A_1281 = arith.index_cast %swap3A_1280 : i32 to index
      %swap3A_1282 = arith.index_cast %add3A_599 : i32 to index
      %swap3A_1283 = tpu.vector_load %arg8[%swap3A_1281, %swap3A_1282] {strides = array<i32>} : memref<64x256xf32, #tpu.memory_space<vmem>>, vector<16xf32>,
      tpu.vector_store %arg8[%swap3A_1281, %swap3A_1282], %exp3A_1266 {strides = array<i32>} : memref<64x256xf32, #tpu.memory_space<vmem>>, vector<16xf32>,
      %swap3A_1284 = arith.constant 43 : i32
      %swap3A_1285 = arith.index_cast %swap3A_1284 : i32 to index
      %swap3A_1286 = arith.index_cast %add3A_599 : i32 to index
      %swap3A_1287 = tpu.vector_load %arg8[%swap3A_1285, %swap3A_1286] {strides = array<i32>} : memref<64x256xf32, #tpu.memory_space<vmem>>, vector<16xf32>,
      tpu.vector_store %arg8[%swap3A_1285, %swap3A_1286], %exp3A_1267 {strides = array<i32>} : memref<64x256xf32, #tpu.memory_space<vmem>>, vector<16xf32>,
      %swap3A_1288 = arith.constant 44 : i32
      %swap3A_1289 = arith.index_cast %swap3A_1288 : i32 to index
      %swap3A_1290 = arith.index_cast %add3A_599 : i32 to index
      %swap3A_1291 = tpu.vector_load %arg8[%swap3A_1289, %swap3A_1290] {strides = array<i32>} : memref<64x256xf32, #tpu.memory_space<vmem>>, vector<16xf32>,
      tpu.vector_store %arg8[%swap3A_1289, %swap3A_1290], %exp3A_1268 {strides = array<i32>} : memref<64x256xf32, #tpu.memory_space<vmem>>, vector<16xf32>,
      %swap3A_1292 = arith.constant 45 : i32
      %swap3A_1293 = arith.index_cast %swap3A_1292 : i32 to index
      %swap3A_1294 = arith.index_cast %add3A_599 : i32 to index
      %swap3A_1295 = tpu.vector_load %arg8[%swap3A_1293, %swap3A_1294] {strides = array<i32>} : memref<64x256xf32, #tpu.memory_space<vmem>>, vector<16xf32>,
      tpu.vector_store %arg8[%swap3A_1293, %swap3A_1294], %exp3A_1269 {strides = array<i32>} : memref<64x256xf32, #tpu.memory_space<vmem>>, vector<16xf32>,
      %swap3A_1296 = arith.constant 46 : i32
      %swap3A_1297 = arith.index_cast %swap3A_1296 : i32 to index
      %swap3A_1298 = arith.index_cast %add3A_599 : i32 to index
      %swap3A_1299 = tpu.vector_load %arg8[%swap3A_1297, %swap3A_1298] {strides = array<i32>} : memref<64x256xf32, #tpu.memory_space<vmem>>, vector<16xf32>,
      tpu.vector_store %arg8[%swap3A_1297, %swap3A_1298], %exp3A_1270 {strides = array<i32>} : memref<64x256xf32, #tpu.memory_space<vmem>>, vector<16xf32>,
      %swap3A_1300 = arith.constant 47 : i32
      %swap3A_1301 = arith.index_cast %swap3A_1300 : i32 to index
      %swap3A_1302 = arith.index_cast %add3A_599 : i32 to index
      %swap3A_1303 = tpu.vector_load %arg8[%swap3A_1301, %swap3A_1302] {strides = array<i32>} : memref<64x256xf32, #tpu.memory_space<vmem>>, vector<16xf32>,
      tpu.vector_store %arg8[%swap3A_1301, %swap3A_1302], %exp3A_1271 {strides = array<i32>} : memref<64x256xf32, #tpu.memory_space<vmem>>, vector<16xf32>,
      %add3A_1304 = arith.addf %exp3A_1264, %exp3A_1265 : vector<16xf32>
      %add3A_1305 = arith.addf %exp3A_1266, %exp3A_1267 : vector<16xf32>
      %add3A_1306 = arith.addf %add3A_1304, %add3A_1305 : vector<16xf32>
      %add3A_1307 = arith.addf %exp3A_1268, %exp3A_1269 : vector<16xf32>
      %add3A_1308 = arith.addf %exp3A_1270, %exp3A_1271 : vector<16xf32>
      %add3A_1309 = arith.addf %add3A_1307, %add3A_1308 : vector<16xf32>
      %add3A_1310 = arith.addf %add3A_1306, %add3A_1309 : vector<16xf32>
      %add3A_1311 = arith.addf %add3A_1191, %add3A_1310 : vector<16xf32>
      %get3A_1312 = arith.constant 48 : i32
      %get3A_1313 = arith.index_cast %get3A_1312 : i32 to index
      %get3A_1314 = arith.index_cast %mul3A_597 : i32 to index
      %get3A_1315 = tpu.vector_load %arg6[%get3A_1313, %get3A_1314] {strides = array<i32>} : memref<64x128xf32, #tpu.memory_space<vmem>>, vector<16xf32>,
      %get3A_1316 = arith.constant 49 : i32
      %get3A_1317 = arith.index_cast %get3A_1316 : i32 to index
      %get3A_1318 = arith.index_cast %mul3A_597 : i32 to index
      %get3A_1319 = tpu.vector_load %arg6[%get3A_1317, %get3A_1318] {strides = array<i32>} : memref<64x128xf32, #tpu.memory_space<vmem>>, vector<16xf32>,
      %get3A_1320 = arith.constant 50 : i32
      %get3A_1321 = arith.index_cast %get3A_1320 : i32 to index
      %get3A_1322 = arith.index_cast %mul3A_597 : i32 to index
      %get3A_1323 = tpu.vector_load %arg6[%get3A_1321, %get3A_1322] {strides = array<i32>} : memref<64x128xf32, #tpu.memory_space<vmem>>, vector<16xf32>,
      %get3A_1324 = arith.constant 51 : i32
      %get3A_1325 = arith.index_cast %get3A_1324 : i32 to index
      %get3A_1326 = arith.index_cast %mul3A_597 : i32 to index
      %get3A_1327 = tpu.vector_load %arg6[%get3A_1325, %get3A_1326] {strides = array<i32>} : memref<64x128xf32, #tpu.memory_space<vmem>>, vector<16xf32>,
      %get3A_1328 = arith.constant 52 : i32
      %get3A_1329 = arith.index_cast %get3A_1328 : i32 to index
      %get3A_1330 = arith.index_cast %mul3A_597 : i32 to index
      %get3A_1331 = tpu.vector_load %arg6[%get3A_1329, %get3A_1330] {strides = array<i32>} : memref<64x128xf32, #tpu.memory_space<vmem>>, vector<16xf32>,
      %get3A_1332 = arith.constant 53 : i32
      %get3A_1333 = arith.index_cast %get3A_1332 : i32 to index
      %get3A_1334 = arith.index_cast %mul3A_597 : i32 to index
      %get3A_1335 = tpu.vector_load %arg6[%get3A_1333, %get3A_1334] {strides = array<i32>} : memref<64x128xf32, #tpu.memory_space<vmem>>, vector<16xf32>,
      %get3A_1336 = arith.constant 54 : i32
      %get3A_1337 = arith.index_cast %get3A_1336 : i32 to index
      %get3A_1338 = arith.index_cast %mul3A_597 : i32 to index
      %get3A_1339 = tpu.vector_load %arg6[%get3A_1337, %get3A_1338] {strides = array<i32>} : memref<64x128xf32, #tpu.memory_space<vmem>>, vector<16xf32>,
      %get3A_1340 = arith.constant 55 : i32
      %get3A_1341 = arith.index_cast %get3A_1340 : i32 to index
      %get3A_1342 = arith.index_cast %mul3A_597 : i32 to index
      %get3A_1343 = tpu.vector_load %arg6[%get3A_1341, %get3A_1342] {strides = array<i32>} : memref<64x128xf32, #tpu.memory_space<vmem>>, vector<16xf32>,
      %broadcast_in_dim3A_1344 = arith.constant 48 : i32
      %broadcast_in_dim3A_1345 = vector.broadcast %broadcast_in_dim3A_1344 : i32 to vector<16xi32>
      %broadcast_in_dim3A_1346 = arith.constant 49 : i32
      %broadcast_in_dim3A_1347 = vector.broadcast %broadcast_in_dim3A_1346 : i32 to vector<16xi32>
      %broadcast_in_dim3A_1348 = arith.constant 50 : i32
      %broadcast_in_dim3A_1349 = vector.broadcast %broadcast_in_dim3A_1348 : i32 to vector<16xi32>
      %broadcast_in_dim3A_1350 = arith.constant 51 : i32
      %broadcast_in_dim3A_1351 = vector.broadcast %broadcast_in_dim3A_1350 : i32 to vector<16xi32>
      %broadcast_in_dim3A_1352 = arith.constant 52 : i32
      %broadcast_in_dim3A_1353 = vector.broadcast %broadcast_in_dim3A_1352 : i32 to vector<16xi32>
      %broadcast_in_dim3A_1354 = arith.constant 53 : i32
      %broadcast_in_dim3A_1355 = vector.broadcast %broadcast_in_dim3A_1354 : i32 to vector<16xi32>
      %broadcast_in_dim3A_1356 = arith.constant 54 : i32
      %broadcast_in_dim3A_1357 = vector.broadcast %broadcast_in_dim3A_1356 : i32 to vector<16xi32>
      %broadcast_in_dim3A_1358 = arith.constant 55 : i32
      %broadcast_in_dim3A_1359 = vector.broadcast %broadcast_in_dim3A_1358 : i32 to vector<16xi32>
      %gt3A_1360 = arith.cmpf ogt, %get3A_1319, %get3A_1315 : vector<16xf32>
      %select_n3A_1361 = arith.select %gt3A_1360, %get3A_1319, %get3A_1315 : vector<16xi1>, vector<16xf32>
      %select_n3A_1362 = arith.select %gt3A_1360, %broadcast_in_dim3A_1347, %broadcast_in_dim3A_1345 : vector<16xi1>, vector<16xi32>
      %gt3A_1363 = arith.cmpf ogt, %get3A_1327, %get3A_1323 : vector<16xf32>
      %select_n3A_1364 = arith.select %gt3A_1363, %get3A_1327, %get3A_1323 : vector<16xi1>, vector<16xf32>
      %select_n3A_1365 = arith.select %gt3A_1363, %broadcast_in_dim3A_1351, %broadcast_in_dim3A_1349 : vector<16xi1>, vector<16xi32>
      %gt3A_1366 = arith.cmpf ogt, %get3A_1335, %get3A_1331 : vector<16xf32>
      %select_n3A_1367 = arith.select %gt3A_1366, %get3A_1335, %get3A_1331 : vector<16xi1>, vector<16xf32>
      %select_n3A_1368 = arith.select %gt3A_1366, %broadcast_in_dim3A_1355, %broadcast_in_dim3A_1353 : vector<16xi1>, vector<16xi32>
      %gt3A_1369 = arith.cmpf ogt, %get3A_1343, %get3A_1339 : vector<16xf32>
      %select_n3A_1370 = arith.select %gt3A_1369, %get3A_1343, %get3A_1339 : vector<16xi1>, vector<16xf32>
      %select_n3A_1371 = arith.select %gt3A_1369, %broadcast_in_dim3A_1359, %broadcast_in_dim3A_1357 : vector<16xi1>, vector<16xi32>
      %gt3A_1372 = arith.cmpf ogt, %select_n3A_1364, %select_n3A_1361 : vector<16xf32>
      %select_n3A_1373 = arith.select %gt3A_1372, %select_n3A_1364, %select_n3A_1361 : vector<16xi1>, vector<16xf32>
      %select_n3A_1374 = arith.select %gt3A_1372, %select_n3A_1365, %select_n3A_1362 : vector<16xi1>, vector<16xi32>
      %gt3A_1375 = arith.cmpf ogt, %select_n3A_1370, %select_n3A_1367 : vector<16xf32>
      %select_n3A_1376 = arith.select %gt3A_1375, %select_n3A_1370, %select_n3A_1367 : vector<16xi1>, vector<16xf32>
      %select_n3A_1377 = arith.select %gt3A_1375, %select_n3A_1371, %select_n3A_1368 : vector<16xi1>, vector<16xi32>
      %gt3A_1378 = arith.cmpf ogt, %select_n3A_1376, %select_n3A_1373 : vector<16xf32>
      %select_n3A_1379 = arith.select %gt3A_1378, %select_n3A_1376, %select_n3A_1373 : vector<16xi1>, vector<16xf32>
      %select_n3A_1380 = arith.select %gt3A_1378, %select_n3A_1377, %select_n3A_1374 : vector<16xi1>, vector<16xi32>
      %gt3A_1381 = arith.cmpf ogt, %select_n3A_1379, %select_n3A_1262 : vector<16xf32>
      %select_n3A_1382 = arith.select %gt3A_1381, %select_n3A_1379, %select_n3A_1262 : vector<16xi1>, vector<16xf32>
      %select_n3A_1383 = arith.select %gt3A_1381, %select_n3A_1380, %select_n3A_1263 : vector<16xi1>, vector<16xi32>
      %exp3A_1384 = math.exp %get3A_1315 : vector<16xf32>
      %exp3A_1385 = math.exp %get3A_1319 : vector<16xf32>
      %exp3A_1386 = math.exp %get3A_1323 : vector<16xf32>
      %exp3A_1387 = math.exp %get3A_1327 : vector<16xf32>
      %exp3A_1388 = math.exp %get3A_1331 : vector<16xf32>
      %exp3A_1389 = math.exp %get3A_1335 : vector<16xf32>
      %exp3A_1390 = math.exp %get3A_1339 : vector<16xf32>
      %exp3A_1391 = math.exp %get3A_1343 : vector<16xf32>
      %swap3A_1392 = arith.constant 48 : i32
      %swap3A_1393 = arith.index_cast %swap3A_1392 : i32 to index
      %swap3A_1394 = arith.index_cast %add3A_599 : i32 to index
      %swap3A_1395 = tpu.vector_load %arg8[%swap3A_1393, %swap3A_1394] {strides = array<i32>} : memref<64x256xf32, #tpu.memory_space<vmem>>, vector<16xf32>,
      tpu.vector_store %arg8[%swap3A_1393, %swap3A_1394], %exp3A_1384 {strides = array<i32>} : memref<64x256xf32, #tpu.memory_space<vmem>>, vector<16xf32>,
      %swap3A_1396 = arith.constant 49 : i32
      %swap3A_1397 = arith.index_cast %swap3A_1396 : i32 to index
      %swap3A_1398 = arith.index_cast %add3A_599 : i32 to index
      %swap3A_1399 = tpu.vector_load %arg8[%swap3A_1397, %swap3A_1398] {strides = array<i32>} : memref<64x256xf32, #tpu.memory_space<vmem>>, vector<16xf32>,
      tpu.vector_store %arg8[%swap3A_1397, %swap3A_1398], %exp3A_1385 {strides = array<i32>} : memref<64x256xf32, #tpu.memory_space<vmem>>, vector<16xf32>,
      %swap3A_1400 = arith.constant 50 : i32
      %swap3A_1401 = arith.index_cast %swap3A_1400 : i32 to index
      %swap3A_1402 = arith.index_cast %add3A_599 : i32 to index
      %swap3A_1403 = tpu.vector_load %arg8[%swap3A_1401, %swap3A_1402] {strides = array<i32>} : memref<64x256xf32, #tpu.memory_space<vmem>>, vector<16xf32>,
      tpu.vector_store %arg8[%swap3A_1401, %swap3A_1402], %exp3A_1386 {strides = array<i32>} : memref<64x256xf32, #tpu.memory_space<vmem>>, vector<16xf32>,
      %swap3A_1404 = arith.constant 51 : i32
      %swap3A_1405 = arith.index_cast %swap3A_1404 : i32 to index
      %swap3A_1406 = arith.index_cast %add3A_599 : i32 to index
      %swap3A_1407 = tpu.vector_load %arg8[%swap3A_1405, %swap3A_1406] {strides = array<i32>} : memref<64x256xf32, #tpu.memory_space<vmem>>, vector<16xf32>,
      tpu.vector_store %arg8[%swap3A_1405, %swap3A_1406], %exp3A_1387 {strides = array<i32>} : memref<64x256xf32, #tpu.memory_space<vmem>>, vector<16xf32>,
      %swap3A_1408 = arith.constant 52 : i32
      %swap3A_1409 = arith.index_cast %swap3A_1408 : i32 to index
      %swap3A_1410 = arith.index_cast %add3A_599 : i32 to index
      %swap3A_1411 = tpu.vector_load %arg8[%swap3A_1409, %swap3A_1410] {strides = array<i32>} : memref<64x256xf32, #tpu.memory_space<vmem>>, vector<16xf32>,
      tpu.vector_store %arg8[%swap3A_1409, %swap3A_1410], %exp3A_1388 {strides = array<i32>} : memref<64x256xf32, #tpu.memory_space<vmem>>, vector<16xf32>,
      %swap3A_1412 = arith.constant 53 : i32
      %swap3A_1413 = arith.index_cast %swap3A_1412 : i32 to index
      %swap3A_1414 = arith.index_cast %add3A_599 : i32 to index
      %swap3A_1415 = tpu.vector_load %arg8[%swap3A_1413, %swap3A_1414] {strides = array<i32>} : memref<64x256xf32, #tpu.memory_space<vmem>>, vector<16xf32>,
      tpu.vector_store %arg8[%swap3A_1413, %swap3A_1414], %exp3A_1389 {strides = array<i32>} : memref<64x256xf32, #tpu.memory_space<vmem>>, vector<16xf32>,
      %swap3A_1416 = arith.constant 54 : i32
      %swap3A_1417 = arith.index_cast %swap3A_1416 : i32 to index
      %swap3A_1418 = arith.index_cast %add3A_599 : i32 to index
      %swap3A_1419 = tpu.vector_load %arg8[%swap3A_1417, %swap3A_1418] {strides = array<i32>} : memref<64x256xf32, #tpu.memory_space<vmem>>, vector<16xf32>,
      tpu.vector_store %arg8[%swap3A_1417, %swap3A_1418], %exp3A_1390 {strides = array<i32>} : memref<64x256xf32, #tpu.memory_space<vmem>>, vector<16xf32>,
      %swap3A_1420 = arith.constant 55 : i32
      %swap3A_1421 = arith.index_cast %swap3A_1420 : i32 to index
      %swap3A_1422 = arith.index_cast %add3A_599 : i32 to index
      %swap3A_1423 = tpu.vector_load %arg8[%swap3A_1421, %swap3A_1422] {strides = array<i32>} : memref<64x256xf32, #tpu.memory_space<vmem>>, vector<16xf32>,
      tpu.vector_store %arg8[%swap3A_1421, %swap3A_1422], %exp3A_1391 {strides = array<i32>} : memref<64x256xf32, #tpu.memory_space<vmem>>, vector<16xf32>,
      %add3A_1424 = arith.addf %exp3A_1384, %exp3A_1385 : vector<16xf32>
      %add3A_1425 = arith.addf %exp3A_1386, %exp3A_1387 : vector<16xf32>
      %add3A_1426 = arith.addf %add3A_1424, %add3A_1425 : vector<16xf32>
      %add3A_1427 = arith.addf %exp3A_1388, %exp3A_1389 : vector<16xf32>
      %add3A_1428 = arith.addf %exp3A_1390, %exp3A_1391 : vector<16xf32>
      %add3A_1429 = arith.addf %add3A_1427, %add3A_1428 : vector<16xf32>
      %add3A_1430 = arith.addf %add3A_1426, %add3A_1429 : vector<16xf32>
      %add3A_1431 = arith.addf %add3A_1311, %add3A_1430 : vector<16xf32>
      %get3A_1432 = arith.constant 56 : i32
      %get3A_1433 = arith.index_cast %get3A_1432 : i32 to index
      %get3A_1434 = arith.index_cast %mul3A_597 : i32 to index
      %get3A_1435 = tpu.vector_load %arg6[%get3A_1433, %get3A_1434] {strides = array<i32>} : memref<64x128xf32, #tpu.memory_space<vmem>>, vector<16xf32>,
      %get3A_1436 = arith.constant 57 : i32
      %get3A_1437 = arith.index_cast %get3A_1436 : i32 to index
      %get3A_1438 = arith.index_cast %mul3A_597 : i32 to index
      %get3A_1439 = tpu.vector_load %arg6[%get3A_1437, %get3A_1438] {strides = array<i32>} : memref<64x128xf32, #tpu.memory_space<vmem>>, vector<16xf32>,
      %get3A_1440 = arith.constant 58 : i32
      %get3A_1441 = arith.index_cast %get3A_1440 : i32 to index
      %get3A_1442 = arith.index_cast %mul3A_597 : i32 to index
      %get3A_1443 = tpu.vector_load %arg6[%get3A_1441, %get3A_1442] {strides = array<i32>} : memref<64x128xf32, #tpu.memory_space<vmem>>, vector<16xf32>,
      %get3A_1444 = arith.constant 59 : i32
      %get3A_1445 = arith.index_cast %get3A_1444 : i32 to index
      %get3A_1446 = arith.index_cast %mul3A_597 : i32 to index
      %get3A_1447 = tpu.vector_load %arg6[%get3A_1445, %get3A_1446] {strides = array<i32>} : memref<64x128xf32, #tpu.memory_space<vmem>>, vector<16xf32>,
      %get3A_1448 = arith.constant 60 : i32
      %get3A_1449 = arith.index_cast %get3A_1448 : i32 to index
      %get3A_1450 = arith.index_cast %mul3A_597 : i32 to index
      %get3A_1451 = tpu.vector_load %arg6[%get3A_1449, %get3A_1450] {strides = array<i32>} : memref<64x128xf32, #tpu.memory_space<vmem>>, vector<16xf32>,
      %get3A_1452 = arith.constant 61 : i32
      %get3A_1453 = arith.index_cast %get3A_1452 : i32 to index
      %get3A_1454 = arith.index_cast %mul3A_597 : i32 to index
      %get3A_1455 = tpu.vector_load %arg6[%get3A_1453, %get3A_1454] {strides = array<i32>} : memref<64x128xf32, #tpu.memory_space<vmem>>, vector<16xf32>,
      %get3A_1456 = arith.constant 62 : i32
      %get3A_1457 = arith.index_cast %get3A_1456 : i32 to index
      %get3A_1458 = arith.index_cast %mul3A_597 : i32 to index
      %get3A_1459 = tpu.vector_load %arg6[%get3A_1457, %get3A_1458] {strides = array<i32>} : memref<64x128xf32, #tpu.memory_space<vmem>>, vector<16xf32>,
      %get3A_1460 = arith.constant 63 : i32
      %get3A_1461 = arith.index_cast %get3A_1460 : i32 to index
      %get3A_1462 = arith.index_cast %mul3A_597 : i32 to index
      %get3A_1463 = tpu.vector_load %arg6[%get3A_1461, %get3A_1462] {strides = array<i32>} : memref<64x128xf32, #tpu.memory_space<vmem>>, vector<16xf32>,
      %broadcast_in_dim3A_1464 = arith.constant 56 : i32
      %broadcast_in_dim3A_1465 = vector.broadcast %broadcast_in_dim3A_1464 : i32 to vector<16xi32>
      %broadcast_in_dim3A_1466 = arith.constant 57 : i32
      %broadcast_in_dim3A_1467 = vector.broadcast %broadcast_in_dim3A_1466 : i32 to vector<16xi32>
      %broadcast_in_dim3A_1468 = arith.constant 58 : i32
      %broadcast_in_dim3A_1469 = vector.broadcast %broadcast_in_dim3A_1468 : i32 to vector<16xi32>
      %broadcast_in_dim3A_1470 = arith.constant 59 : i32
      %broadcast_in_dim3A_1471 = vector.broadcast %broadcast_in_dim3A_1470 : i32 to vector<16xi32>
      %broadcast_in_dim3A_1472 = arith.constant 60 : i32
      %broadcast_in_dim3A_1473 = vector.broadcast %broadcast_in_dim3A_1472 : i32 to vector<16xi32>
      %broadcast_in_dim3A_1474 = arith.constant 61 : i32
      %broadcast_in_dim3A_1475 = vector.broadcast %broadcast_in_dim3A_1474 : i32 to vector<16xi32>
      %broadcast_in_dim3A_1476 = arith.constant 62 : i32
      %broadcast_in_dim3A_1477 = vector.broadcast %broadcast_in_dim3A_1476 : i32 to vector<16xi32>
      %broadcast_in_dim3A_1478 = arith.constant 63 : i32
      %broadcast_in_dim3A_1479 = vector.broadcast %broadcast_in_dim3A_1478 : i32 to vector<16xi32>
      %gt3A_1480 = arith.cmpf ogt, %get3A_1439, %get3A_1435 : vector<16xf32>
      %select_n3A_1481 = arith.select %gt3A_1480, %get3A_1439, %get3A_1435 : vector<16xi1>, vector<16xf32>
      %select_n3A_1482 = arith.select %gt3A_1480, %broadcast_in_dim3A_1467, %broadcast_in_dim3A_1465 : vector<16xi1>, vector<16xi32>
      %gt3A_1483 = arith.cmpf ogt, %get3A_1447, %get3A_1443 : vector<16xf32>
      %select_n3A_1484 = arith.select %gt3A_1483, %get3A_1447, %get3A_1443 : vector<16xi1>, vector<16xf32>
      %select_n3A_1485 = arith.select %gt3A_1483, %broadcast_in_dim3A_1471, %broadcast_in_dim3A_1469 : vector<16xi1>, vector<16xi32>
      %gt3A_1486 = arith.cmpf ogt, %get3A_1455, %get3A_1451 : vector<16xf32>
      %select_n3A_1487 = arith.select %gt3A_1486, %get3A_1455, %get3A_1451 : vector<16xi1>, vector<16xf32>
      %select_n3A_1488 = arith.select %gt3A_1486, %broadcast_in_dim3A_1475, %broadcast_in_dim3A_1473 : vector<16xi1>, vector<16xi32>
      %gt3A_1489 = arith.cmpf ogt, %get3A_1463, %get3A_1459 : vector<16xf32>
      %select_n3A_1490 = arith.select %gt3A_1489, %get3A_1463, %get3A_1459 : vector<16xi1>, vector<16xf32>
      %select_n3A_1491 = arith.select %gt3A_1489, %broadcast_in_dim3A_1479, %broadcast_in_dim3A_1477 : vector<16xi1>, vector<16xi32>
      %gt3A_1492 = arith.cmpf ogt, %select_n3A_1484, %select_n3A_1481 : vector<16xf32>
      %select_n3A_1493 = arith.select %gt3A_1492, %select_n3A_1484, %select_n3A_1481 : vector<16xi1>, vector<16xf32>
      %select_n3A_1494 = arith.select %gt3A_1492, %select_n3A_1485, %select_n3A_1482 : vector<16xi1>, vector<16xi32>
      %gt3A_1495 = arith.cmpf ogt, %select_n3A_1490, %select_n3A_1487 : vector<16xf32>
      %select_n3A_1496 = arith.select %gt3A_1495, %select_n3A_1490, %select_n3A_1487 : vector<16xi1>, vector<16xf32>
      %select_n3A_1497 = arith.select %gt3A_1495, %select_n3A_1491, %select_n3A_1488 : vector<16xi1>, vector<16xi32>
      %gt3A_1498 = arith.cmpf ogt, %select_n3A_1496, %select_n3A_1493 : vector<16xf32>
      %select_n3A_1499 = arith.select %gt3A_1498, %select_n3A_1496, %select_n3A_1493 : vector<16xi1>, vector<16xf32>
      %select_n3A_1500 = arith.select %gt3A_1498, %select_n3A_1497, %select_n3A_1494 : vector<16xi1>, vector<16xi32>
      %gt3A_1501 = arith.cmpf ogt, %select_n3A_1499, %select_n3A_1382 : vector<16xf32>
      %select_n3A_1502 = arith.select %gt3A_1501, %select_n3A_1499, %select_n3A_1382 : vector<16xi1>, vector<16xf32>
      %select_n3A_1503 = arith.select %gt3A_1501, %select_n3A_1500, %select_n3A_1383 : vector<16xi1>, vector<16xi32>
      %exp3A_1504 = math.exp %get3A_1435 : vector<16xf32>
      %exp3A_1505 = math.exp %get3A_1439 : vector<16xf32>
      %exp3A_1506 = math.exp %get3A_1443 : vector<16xf32>
      %exp3A_1507 = math.exp %get3A_1447 : vector<16xf32>
      %exp3A_1508 = math.exp %get3A_1451 : vector<16xf32>
      %exp3A_1509 = math.exp %get3A_1455 : vector<16xf32>
      %exp3A_1510 = math.exp %get3A_1459 : vector<16xf32>
      %exp3A_1511 = math.exp %get3A_1463 : vector<16xf32>
      %swap3A_1512 = arith.constant 56 : i32
      %swap3A_1513 = arith.index_cast %swap3A_1512 : i32 to index
      %swap3A_1514 = arith.index_cast %add3A_599 : i32 to index
      %swap3A_1515 = tpu.vector_load %arg8[%swap3A_1513, %swap3A_1514] {strides = array<i32>} : memref<64x256xf32, #tpu.memory_space<vmem>>, vector<16xf32>,
      tpu.vector_store %arg8[%swap3A_1513, %swap3A_1514], %exp3A_1504 {strides = array<i32>} : memref<64x256xf32, #tpu.memory_space<vmem>>, vector<16xf32>,
      %swap3A_1516 = arith.constant 57 : i32
      %swap3A_1517 = arith.index_cast %swap3A_1516 : i32 to index
      %swap3A_1518 = arith.index_cast %add3A_599 : i32 to index
      %swap3A_1519 = tpu.vector_load %arg8[%swap3A_1517, %swap3A_1518] {strides = array<i32>} : memref<64x256xf32, #tpu.memory_space<vmem>>, vector<16xf32>,
      tpu.vector_store %arg8[%swap3A_1517, %swap3A_1518], %exp3A_1505 {strides = array<i32>} : memref<64x256xf32, #tpu.memory_space<vmem>>, vector<16xf32>,
      %swap3A_1520 = arith.constant 58 : i32
      %swap3A_1521 = arith.index_cast %swap3A_1520 : i32 to index
      %swap3A_1522 = arith.index_cast %add3A_599 : i32 to index
      %swap3A_1523 = tpu.vector_load %arg8[%swap3A_1521, %swap3A_1522] {strides = array<i32>} : memref<64x256xf32, #tpu.memory_space<vmem>>, vector<16xf32>,
      tpu.vector_store %arg8[%swap3A_1521, %swap3A_1522], %exp3A_1506 {strides = array<i32>} : memref<64x256xf32, #tpu.memory_space<vmem>>, vector<16xf32>,
      %swap3A_1524 = arith.constant 59 : i32
      %swap3A_1525 = arith.index_cast %swap3A_1524 : i32 to index
      %swap3A_1526 = arith.index_cast %add3A_599 : i32 to index
      %swap3A_1527 = tpu.vector_load %arg8[%swap3A_1525, %swap3A_1526] {strides = array<i32>} : memref<64x256xf32, #tpu.memory_space<vmem>>, vector<16xf32>,
      tpu.vector_store %arg8[%swap3A_1525, %swap3A_1526], %exp3A_1507 {strides = array<i32>} : memref<64x256xf32, #tpu.memory_space<vmem>>, vector<16xf32>,
      %swap3A_1528 = arith.constant 60 : i32
      %swap3A_1529 = arith.index_cast %swap3A_1528 : i32 to index
      %swap3A_1530 = arith.index_cast %add3A_599 : i32 to index
      %swap3A_1531 = tpu.vector_load %arg8[%swap3A_1529, %swap3A_1530] {strides = array<i32>} : memref<64x256xf32, #tpu.memory_space<vmem>>, vector<16xf32>,
      tpu.vector_store %arg8[%swap3A_1529, %swap3A_1530], %exp3A_1508 {strides = array<i32>} : memref<64x256xf32, #tpu.memory_space<vmem>>, vector<16xf32>,
      %swap3A_1532 = arith.constant 61 : i32
      %swap3A_1533 = arith.index_cast %swap3A_1532 : i32 to index
      %swap3A_1534 = arith.index_cast %add3A_599 : i32 to index
      %swap3A_1535 = tpu.vector_load %arg8[%swap3A_1533, %swap3A_1534] {strides = array<i32>} : memref<64x256xf32, #tpu.memory_space<vmem>>, vector<16xf32>,
      tpu.vector_store %arg8[%swap3A_1533, %swap3A_1534], %exp3A_1509 {strides = array<i32>} : memref<64x256xf32, #tpu.memory_space<vmem>>, vector<16xf32>,
      %swap3A_1536 = arith.constant 62 : i32
      %swap3A_1537 = arith.index_cast %swap3A_1536 : i32 to index
      %swap3A_1538 = arith.index_cast %add3A_599 : i32 to index
      %swap3A_1539 = tpu.vector_load %arg8[%swap3A_1537, %swap3A_1538] {strides = array<i32>} : memref<64x256xf32, #tpu.memory_space<vmem>>, vector<16xf32>,
      tpu.vector_store %arg8[%swap3A_1537, %swap3A_1538], %exp3A_1510 {strides = array<i32>} : memref<64x256xf32, #tpu.memory_space<vmem>>, vector<16xf32>,
      %swap3A_1540 = arith.constant 63 : i32
      %swap3A_1541 = arith.index_cast %swap3A_1540 : i32 to index
      %swap3A_1542 = arith.index_cast %add3A_599 : i32 to index
      %swap3A_1543 = tpu.vector_load %arg8[%swap3A_1541, %swap3A_1542] {strides = array<i32>} : memref<64x256xf32, #tpu.memory_space<vmem>>, vector<16xf32>,
      tpu.vector_store %arg8[%swap3A_1541, %swap3A_1542], %exp3A_1511 {strides = array<i32>} : memref<64x256xf32, #tpu.memory_space<vmem>>, vector<16xf32>,
      %add3A_1544 = arith.addf %exp3A_1504, %exp3A_1505 : vector<16xf32>
      %add3A_1545 = arith.addf %exp3A_1506, %exp3A_1507 : vector<16xf32>
      %add3A_1546 = arith.addf %add3A_1544, %add3A_1545 : vector<16xf32>
      %add3A_1547 = arith.addf %exp3A_1508, %exp3A_1509 : vector<16xf32>
      %add3A_1548 = arith.addf %exp3A_1510, %exp3A_1511 : vector<16xf32>
      %add3A_1549 = arith.addf %add3A_1547, %add3A_1548 : vector<16xf32>
      %add3A_1550 = arith.addf %add3A_1546, %add3A_1549 : vector<16xf32>
      %add3A_1551 = arith.addf %add3A_1431, %add3A_1550 : vector<16xf32>
      tpu.vector_store_idx %arg11[%select_n3A_1503, %iota3A], %broadcast_in_dim3A_5 {add = true} : memref<64x16xf32, #tpu.memory_space<vmem>>[vector<16xi32>, vector<16xi32>], vector<16xf32>,
      %bitcast_convert_type3A = tpu.bitcast %add3A_1551 : vector<16xf32> -> vector<16xi32>
      %shift_right_arithmetic3A = arith.constant 23 : i32
      %shift_right_arithmetic3A_1552 = vector.broadcast %shift_right_arithmetic3A : i32 to vector<16xi32>
      %shift_right_arithmetic3A_1553 = arith.shrsi %bitcast_convert_type3A, %shift_right_arithmetic3A_1552 : vector<16xi32>
      %sub3A = arith.constant 127 : i32
      %sub3A_1554 = vector.broadcast %sub3A : i32 to vector<16xi32>
      %sub3A_1555 = arith.subi %shift_right_arithmetic3A_1553, %sub3A_1554 : vector<16xi32>
      %and3A = arith.constant 8388607 : i32
      %and3A_1556 = vector.broadcast %and3A : i32 to vector<16xi32>
      %and3A_1557 = arith.andi %bitcast_convert_type3A, %and3A_1556 : vector<16xi32>
      %or3A = arith.constant 1065353216 : i32
      %or3A_1558 = vector.broadcast %or3A : i32 to vector<16xi32>
      %or3A_1559 = arith.ori %and3A_1557, %or3A_1558 : vector<16xi32>
      %bitcast_convert_type3A_1560 = tpu.bitcast %or3A_1559 : vector<16xi32> -> vector<16xf32>
      %sub3A_1561 = arith.constant 1.000000e+00 : f32
      %sub3A_1562 = vector.broadcast %sub3A_1561 : f32 to vector<16xf32>
      %sub3A_1563 = arith.subf %bitcast_convert_type3A_1560, %sub3A_1562 : vector<16xf32>
      %add3A_1564 = arith.constant 1.000000e+00 : f32
      %add3A_1565 = vector.broadcast %add3A_1564 : f32 to vector<16xf32>
      %add3A_1566 = arith.addf %bitcast_convert_type3A_1560, %add3A_1565 : vector<16xf32>
      %div3A = arith.divf %sub3A_1563, %add3A_1566 : vector<16xf32>
      %mul3A_1567 = arith.mulf %div3A, %div3A : vector<16xf32>
      %mul3A_1568 = arith.constant 2.000000e+00 : f32
      %mul3A_1569 = vector.broadcast %mul3A_1568 : f32 to vector<16xf32>
      %mul3A_1570 = arith.mulf %mul3A_1569, %div3A : vector<16xf32>
      %mul3A_1571 = arith.constant 0.111111112 : f32
      %mul3A_1572 = vector.broadcast %mul3A_1571 : f32 to vector<16xf32>
      %mul3A_1573 = arith.mulf %mul3A_1567, %mul3A_1572 : vector<16xf32>
      %add3A_1574 = arith.constant 0.142857149 : f32
      %add3A_1575 = vector.broadcast %add3A_1574 : f32 to vector<16xf32>
      %add3A_1576 = arith.addf %add3A_1575, %mul3A_1573 : vector<16xf32>
      %mul3A_1577 = arith.mulf %mul3A_1567, %add3A_1576 : vector<16xf32>
      %add3A_1578 = arith.constant 2.000000e-01 : f32
      %add3A_1579 = vector.broadcast %add3A_1578 : f32 to vector<16xf32>
      %add3A_1580 = arith.addf %add3A_1579, %mul3A_1577 : vector<16xf32>
      %mul3A_1581 = arith.mulf %mul3A_1567, %add3A_1580 : vector<16xf32>
      %add3A_1582 = arith.constant 0.333333343 : f32
      %add3A_1583 = vector.broadcast %add3A_1582 : f32 to vector<16xf32>
      %add3A_1584 = arith.addf %add3A_1583, %mul3A_1581 : vector<16xf32>
      %mul3A_1585 = arith.mulf %mul3A_1567, %add3A_1584 : vector<16xf32>
      %add3A_1586 = arith.constant 1.000000e+00 : f32
      %add3A_1587 = vector.broadcast %add3A_1586 : f32 to vector<16xf32>
      %add3A_1588 = arith.addf %add3A_1587, %mul3A_1585 : vector<16xf32>
      %mul3A_1589 = arith.mulf %mul3A_1570, %add3A_1588 : vector<16xf32>
      %convert_element_type3A = arith.sitofp %sub3A_1555 : vector<16xi32> to vector<16xf32>
      %mul3A_1590 = arith.constant 0.693147182 : f32
      %mul3A_1591 = vector.broadcast %mul3A_1590 : f32 to vector<16xf32>
      %mul3A_1592 = arith.mulf %convert_element_type3A, %mul3A_1591 : vector<16xf32>
      %add3A_1593 = arith.addf %mul3A_1592, %mul3A_1589 : vector<16xf32>
      %div3A_1594 = arith.constant 1.000000e+00 : f32
      %div3A_1595 = vector.broadcast %div3A_1594 : f32 to vector<16xf32>
      %div3A_1596 = arith.divf %div3A_1595, %add3A_1551 : vector<16xf32>
      %swap3A_1597 = arith.index_cast %add3A_599 : i32 to index
      %swap3A_1598 = tpu.vector_load %arg9[%swap3A_1597] {strides = array<i32>} : memref<256xf32, #tpu.memory_space<vmem>>, vector<16xf32>,
      tpu.vector_store %arg9[%swap3A_1597], %div3A_1596 {strides = array<i32>} : memref<256xf32, #tpu.memory_space<vmem>>, vector<16xf32>,
      %mul3A_1599 = arith.mulf %add3A_1593, %add3A_1593 : vector<16xf32>
      %add3A_1600 = arith.addf %scan3A_595, %mul3A_1599 : vector<16xf32>
      scf.yield %add3A_1600 : vector<16xf32>
    }
    %scan3A_277 = arith.constant 8 : i32
    %dma_wait3A_278 = arith.constant 0 : i32
    %dma_wait3A_279 = tpu.memref_slice %arg2[%dma_wait3A_278, %add3A_268] : memref<64x16384xf32, #tpu.memory_space<hbm>> -> memref<64x128xf32, #tpu.memory_space<hbm>>
    %dma_wait3A_280 = arith.constant 0 : i32
    %dma_wait3A_281 = tpu.memref_slice %arg2[%dma_wait3A_280, %add3A_268] : memref<64x16384xf32, #tpu.memory_space<hbm>> -> memref<64x128xf32, #tpu.memory_space<hbm>>
    tpu.wait_dma2 semaphore(%arg14 : memref<!tpu.dma_semaphore, #tpu.memory_space<semaphore_mem>>) src(%dma_wait3A_281 : memref<64x128xf32, #tpu.memory_space<hbm>>) dst(%arg7 : memref<64x128xf32, #tpu.memory_space<vmem>>)
    %scan3A_282 = arith.constant 0 : i32
    %scan3A_283 = arith.constant 8 : i32
    %scan3A_284 = arith.addi %scan3A_282, %scan3A_283 : i32
    %scan3A_285 = arith.constant 1 : i32
    %scan3A_286 = scf.for %scan3A_594 = %scan3A_282 to %scan3A_284 step %scan3A_285 iter_args(%scan3A_595 = %scan3A_276) -> (vector<16xf32>)  : i32 {
      %mul3A_596 = arith.constant 16 : i32
      %mul3A_597 = arith.muli %scan3A_594, %mul3A_596 : i32
      %add3A_598 = arith.constant 128 : i32
      %add3A_599 = arith.addi %add3A_598, %mul3A_597 : i32
      %get3A = arith.constant 0 : i32
      %get3A_600 = arith.index_cast %get3A : i32 to index
      %get3A_601 = arith.index_cast %mul3A_597 : i32 to index
      %get3A_602 = tpu.vector_load %arg7[%get3A_600, %get3A_601] {strides = array<i32>} : memref<64x128xf32, #tpu.memory_space<vmem>>, vector<16xf32>,
      %get3A_603 = arith.constant 1 : i32
      %get3A_604 = arith.index_cast %get3A_603 : i32 to index
      %get3A_605 = arith.index_cast %mul3A_597 : i32 to index
      %get3A_606 = tpu.vector_load %arg7[%get3A_604, %get3A_605] {strides = array<i32>} : memref<64x128xf32, #tpu.memory_space<vmem>>, vector<16xf32>,
      %get3A_607 = arith.constant 2 : i32
      %get3A_608 = arith.index_cast %get3A_607 : i32 to index
      %get3A_609 = arith.index_cast %mul3A_597 : i32 to index
      %get3A_610 = tpu.vector_load %arg7[%get3A_608, %get3A_609] {strides = array<i32>} : memref<64x128xf32, #tpu.memory_space<vmem>>, vector<16xf32>,
      %get3A_611 = arith.constant 3 : i32
      %get3A_612 = arith.index_cast %get3A_611 : i32 to index
      %get3A_613 = arith.index_cast %mul3A_597 : i32 to index
      %get3A_614 = tpu.vector_load %arg7[%get3A_612, %get3A_613] {strides = array<i32>} : memref<64x128xf32, #tpu.memory_space<vmem>>, vector<16xf32>,
      %get3A_615 = arith.constant 4 : i32
      %get3A_616 = arith.index_cast %get3A_615 : i32 to index
      %get3A_617 = arith.index_cast %mul3A_597 : i32 to index
      %get3A_618 = tpu.vector_load %arg7[%get3A_616, %get3A_617] {strides = array<i32>} : memref<64x128xf32, #tpu.memory_space<vmem>>, vector<16xf32>,
      %get3A_619 = arith.constant 5 : i32
      %get3A_620 = arith.index_cast %get3A_619 : i32 to index
      %get3A_621 = arith.index_cast %mul3A_597 : i32 to index
      %get3A_622 = tpu.vector_load %arg7[%get3A_620, %get3A_621] {strides = array<i32>} : memref<64x128xf32, #tpu.memory_space<vmem>>, vector<16xf32>,
      %get3A_623 = arith.constant 6 : i32
      %get3A_624 = arith.index_cast %get3A_623 : i32 to index
      %get3A_625 = arith.index_cast %mul3A_597 : i32 to index
      %get3A_626 = tpu.vector_load %arg7[%get3A_624, %get3A_625] {strides = array<i32>} : memref<64x128xf32, #tpu.memory_space<vmem>>, vector<16xf32>,
      %get3A_627 = arith.constant 7 : i32
      %get3A_628 = arith.index_cast %get3A_627 : i32 to index
      %get3A_629 = arith.index_cast %mul3A_597 : i32 to index
      %get3A_630 = tpu.vector_load %arg7[%get3A_628, %get3A_629] {strides = array<i32>} : memref<64x128xf32, #tpu.memory_space<vmem>>, vector<16xf32>,
      %broadcast_in_dim3A_631 = arith.constant 0 : i32
      %broadcast_in_dim3A_632 = vector.broadcast %broadcast_in_dim3A_631 : i32 to vector<16xi32>
      %broadcast_in_dim3A_633 = arith.constant 1 : i32
      %broadcast_in_dim3A_634 = vector.broadcast %broadcast_in_dim3A_633 : i32 to vector<16xi32>
      %broadcast_in_dim3A_635 = arith.constant 2 : i32
      %broadcast_in_dim3A_636 = vector.broadcast %broadcast_in_dim3A_635 : i32 to vector<16xi32>
      %broadcast_in_dim3A_637 = arith.constant 3 : i32
      %broadcast_in_dim3A_638 = vector.broadcast %broadcast_in_dim3A_637 : i32 to vector<16xi32>
      %broadcast_in_dim3A_639 = arith.constant 4 : i32
      %broadcast_in_dim3A_640 = vector.broadcast %broadcast_in_dim3A_639 : i32 to vector<16xi32>
      %broadcast_in_dim3A_641 = arith.constant 5 : i32
      %broadcast_in_dim3A_642 = vector.broadcast %broadcast_in_dim3A_641 : i32 to vector<16xi32>
      %broadcast_in_dim3A_643 = arith.constant 6 : i32
      %broadcast_in_dim3A_644 = vector.broadcast %broadcast_in_dim3A_643 : i32 to vector<16xi32>
      %broadcast_in_dim3A_645 = arith.constant 7 : i32
      %broadcast_in_dim3A_646 = vector.broadcast %broadcast_in_dim3A_645 : i32 to vector<16xi32>
      %gt3A = arith.cmpf ogt, %get3A_606, %get3A_602 : vector<16xf32>
      %select_n3A = arith.select %gt3A, %get3A_606, %get3A_602 : vector<16xi1>, vector<16xf32>
      %select_n3A_647 = arith.select %gt3A, %broadcast_in_dim3A_634, %broadcast_in_dim3A_632 : vector<16xi1>, vector<16xi32>
      %gt3A_648 = arith.cmpf ogt, %get3A_614, %get3A_610 : vector<16xf32>
      %select_n3A_649 = arith.select %gt3A_648, %get3A_614, %get3A_610 : vector<16xi1>, vector<16xf32>
      %select_n3A_650 = arith.select %gt3A_648, %broadcast_in_dim3A_638, %broadcast_in_dim3A_636 : vector<16xi1>, vector<16xi32>
      %gt3A_651 = arith.cmpf ogt, %get3A_622, %get3A_618 : vector<16xf32>
      %select_n3A_652 = arith.select %gt3A_651, %get3A_622, %get3A_618 : vector<16xi1>, vector<16xf32>
      %select_n3A_653 = arith.select %gt3A_651, %broadcast_in_dim3A_642, %broadcast_in_dim3A_640 : vector<16xi1>, vector<16xi32>
      %gt3A_654 = arith.cmpf ogt, %get3A_630, %get3A_626 : vector<16xf32>
      %select_n3A_655 = arith.select %gt3A_654, %get3A_630, %get3A_626 : vector<16xi1>, vector<16xf32>
      %select_n3A_656 = arith.select %gt3A_654, %broadcast_in_dim3A_646, %broadcast_in_dim3A_644 : vector<16xi1>, vector<16xi32>
      %gt3A_657 = arith.cmpf ogt, %select_n3A_649, %select_n3A : vector<16xf32>
      %select_n3A_658 = arith.select %gt3A_657, %select_n3A_649, %select_n3A : vector<16xi1>, vector<16xf32>
      %select_n3A_659 = arith.select %gt3A_657, %select_n3A_650, %select_n3A_647 : vector<16xi1>, vector<16xi32>
      %gt3A_660 = arith.cmpf ogt, %select_n3A_655, %select_n3A_652 : vector<16xf32>
      %select_n3A_661 = arith.select %gt3A_660, %select_n3A_655, %select_n3A_652 : vector<16xi1>, vector<16xf32>
      %select_n3A_662 = arith.select %gt3A_660, %select_n3A_656, %select_n3A_653 : vector<16xi1>, vector<16xi32>
      %gt3A_663 = arith.cmpf ogt, %select_n3A_661, %select_n3A_658 : vector<16xf32>
      %select_n3A_664 = arith.select %gt3A_663, %select_n3A_661, %select_n3A_658 : vector<16xi1>, vector<16xf32>
      %select_n3A_665 = arith.select %gt3A_663, %select_n3A_662, %select_n3A_659 : vector<16xi1>, vector<16xi32>
      %exp3A = math.exp %get3A_602 : vector<16xf32>
      %exp3A_666 = math.exp %get3A_606 : vector<16xf32>
      %exp3A_667 = math.exp %get3A_610 : vector<16xf32>
      %exp3A_668 = math.exp %get3A_614 : vector<16xf32>
      %exp3A_669 = math.exp %get3A_618 : vector<16xf32>
      %exp3A_670 = math.exp %get3A_622 : vector<16xf32>
      %exp3A_671 = math.exp %get3A_626 : vector<16xf32>
      %exp3A_672 = math.exp %get3A_630 : vector<16xf32>
      %swap3A_673 = arith.constant 0 : i32
      %swap3A_674 = arith.index_cast %swap3A_673 : i32 to index
      %swap3A_675 = arith.index_cast %add3A_599 : i32 to index
      %swap3A_676 = tpu.vector_load %arg8[%swap3A_674, %swap3A_675] {strides = array<i32>} : memref<64x256xf32, #tpu.memory_space<vmem>>, vector<16xf32>,
      tpu.vector_store %arg8[%swap3A_674, %swap3A_675], %exp3A {strides = array<i32>} : memref<64x256xf32, #tpu.memory_space<vmem>>, vector<16xf32>,
      %swap3A_677 = arith.constant 1 : i32
      %swap3A_678 = arith.index_cast %swap3A_677 : i32 to index
      %swap3A_679 = arith.index_cast %add3A_599 : i32 to index
      %swap3A_680 = tpu.vector_load %arg8[%swap3A_678, %swap3A_679] {strides = array<i32>} : memref<64x256xf32, #tpu.memory_space<vmem>>, vector<16xf32>,
      tpu.vector_store %arg8[%swap3A_678, %swap3A_679], %exp3A_666 {strides = array<i32>} : memref<64x256xf32, #tpu.memory_space<vmem>>, vector<16xf32>,
      %swap3A_681 = arith.constant 2 : i32
      %swap3A_682 = arith.index_cast %swap3A_681 : i32 to index
      %swap3A_683 = arith.index_cast %add3A_599 : i32 to index
      %swap3A_684 = tpu.vector_load %arg8[%swap3A_682, %swap3A_683] {strides = array<i32>} : memref<64x256xf32, #tpu.memory_space<vmem>>, vector<16xf32>,
      tpu.vector_store %arg8[%swap3A_682, %swap3A_683], %exp3A_667 {strides = array<i32>} : memref<64x256xf32, #tpu.memory_space<vmem>>, vector<16xf32>,
      %swap3A_685 = arith.constant 3 : i32
      %swap3A_686 = arith.index_cast %swap3A_685 : i32 to index
      %swap3A_687 = arith.index_cast %add3A_599 : i32 to index
      %swap3A_688 = tpu.vector_load %arg8[%swap3A_686, %swap3A_687] {strides = array<i32>} : memref<64x256xf32, #tpu.memory_space<vmem>>, vector<16xf32>,
      tpu.vector_store %arg8[%swap3A_686, %swap3A_687], %exp3A_668 {strides = array<i32>} : memref<64x256xf32, #tpu.memory_space<vmem>>, vector<16xf32>,
      %swap3A_689 = arith.constant 4 : i32
      %swap3A_690 = arith.index_cast %swap3A_689 : i32 to index
      %swap3A_691 = arith.index_cast %add3A_599 : i32 to index
      %swap3A_692 = tpu.vector_load %arg8[%swap3A_690, %swap3A_691] {strides = array<i32>} : memref<64x256xf32, #tpu.memory_space<vmem>>, vector<16xf32>,
      tpu.vector_store %arg8[%swap3A_690, %swap3A_691], %exp3A_669 {strides = array<i32>} : memref<64x256xf32, #tpu.memory_space<vmem>>, vector<16xf32>,
      %swap3A_693 = arith.constant 5 : i32
      %swap3A_694 = arith.index_cast %swap3A_693 : i32 to index
      %swap3A_695 = arith.index_cast %add3A_599 : i32 to index
      %swap3A_696 = tpu.vector_load %arg8[%swap3A_694, %swap3A_695] {strides = array<i32>} : memref<64x256xf32, #tpu.memory_space<vmem>>, vector<16xf32>,
      tpu.vector_store %arg8[%swap3A_694, %swap3A_695], %exp3A_670 {strides = array<i32>} : memref<64x256xf32, #tpu.memory_space<vmem>>, vector<16xf32>,
      %swap3A_697 = arith.constant 6 : i32
      %swap3A_698 = arith.index_cast %swap3A_697 : i32 to index
      %swap3A_699 = arith.index_cast %add3A_599 : i32 to index
      %swap3A_700 = tpu.vector_load %arg8[%swap3A_698, %swap3A_699] {strides = array<i32>} : memref<64x256xf32, #tpu.memory_space<vmem>>, vector<16xf32>,
      tpu.vector_store %arg8[%swap3A_698, %swap3A_699], %exp3A_671 {strides = array<i32>} : memref<64x256xf32, #tpu.memory_space<vmem>>, vector<16xf32>,
      %swap3A_701 = arith.constant 7 : i32
      %swap3A_702 = arith.index_cast %swap3A_701 : i32 to index
      %swap3A_703 = arith.index_cast %add3A_599 : i32 to index
      %swap3A_704 = tpu.vector_load %arg8[%swap3A_702, %swap3A_703] {strides = array<i32>} : memref<64x256xf32, #tpu.memory_space<vmem>>, vector<16xf32>,
      tpu.vector_store %arg8[%swap3A_702, %swap3A_703], %exp3A_672 {strides = array<i32>} : memref<64x256xf32, #tpu.memory_space<vmem>>, vector<16xf32>,
      %add3A_705 = arith.addf %exp3A, %exp3A_666 : vector<16xf32>
      %add3A_706 = arith.addf %exp3A_667, %exp3A_668 : vector<16xf32>
      %add3A_707 = arith.addf %add3A_705, %add3A_706 : vector<16xf32>
      %add3A_708 = arith.addf %exp3A_669, %exp3A_670 : vector<16xf32>
      %add3A_709 = arith.addf %exp3A_671, %exp3A_672 : vector<16xf32>
      %add3A_710 = arith.addf %add3A_708, %add3A_709 : vector<16xf32>
      %add3A_711 = arith.addf %add3A_707, %add3A_710 : vector<16xf32>
      %get3A_712 = arith.constant 8 : i32
      %get3A_713 = arith.index_cast %get3A_712 : i32 to index
      %get3A_714 = arith.index_cast %mul3A_597 : i32 to index
      %get3A_715 = tpu.vector_load %arg7[%get3A_713, %get3A_714] {strides = array<i32>} : memref<64x128xf32, #tpu.memory_space<vmem>>, vector<16xf32>,
      %get3A_716 = arith.constant 9 : i32
      %get3A_717 = arith.index_cast %get3A_716 : i32 to index
      %get3A_718 = arith.index_cast %mul3A_597 : i32 to index
      %get3A_719 = tpu.vector_load %arg7[%get3A_717, %get3A_718] {strides = array<i32>} : memref<64x128xf32, #tpu.memory_space<vmem>>, vector<16xf32>,
      %get3A_720 = arith.constant 10 : i32
      %get3A_721 = arith.index_cast %get3A_720 : i32 to index
      %get3A_722 = arith.index_cast %mul3A_597 : i32 to index
      %get3A_723 = tpu.vector_load %arg7[%get3A_721, %get3A_722] {strides = array<i32>} : memref<64x128xf32, #tpu.memory_space<vmem>>, vector<16xf32>,
      %get3A_724 = arith.constant 11 : i32
      %get3A_725 = arith.index_cast %get3A_724 : i32 to index
      %get3A_726 = arith.index_cast %mul3A_597 : i32 to index
      %get3A_727 = tpu.vector_load %arg7[%get3A_725, %get3A_726] {strides = array<i32>} : memref<64x128xf32, #tpu.memory_space<vmem>>, vector<16xf32>,
      %get3A_728 = arith.constant 12 : i32
      %get3A_729 = arith.index_cast %get3A_728 : i32 to index
      %get3A_730 = arith.index_cast %mul3A_597 : i32 to index
      %get3A_731 = tpu.vector_load %arg7[%get3A_729, %get3A_730] {strides = array<i32>} : memref<64x128xf32, #tpu.memory_space<vmem>>, vector<16xf32>,
      %get3A_732 = arith.constant 13 : i32
      %get3A_733 = arith.index_cast %get3A_732 : i32 to index
      %get3A_734 = arith.index_cast %mul3A_597 : i32 to index
      %get3A_735 = tpu.vector_load %arg7[%get3A_733, %get3A_734] {strides = array<i32>} : memref<64x128xf32, #tpu.memory_space<vmem>>, vector<16xf32>,
      %get3A_736 = arith.constant 14 : i32
      %get3A_737 = arith.index_cast %get3A_736 : i32 to index
      %get3A_738 = arith.index_cast %mul3A_597 : i32 to index
      %get3A_739 = tpu.vector_load %arg7[%get3A_737, %get3A_738] {strides = array<i32>} : memref<64x128xf32, #tpu.memory_space<vmem>>, vector<16xf32>,
      %get3A_740 = arith.constant 15 : i32
      %get3A_741 = arith.index_cast %get3A_740 : i32 to index
      %get3A_742 = arith.index_cast %mul3A_597 : i32 to index
      %get3A_743 = tpu.vector_load %arg7[%get3A_741, %get3A_742] {strides = array<i32>} : memref<64x128xf32, #tpu.memory_space<vmem>>, vector<16xf32>,
      %broadcast_in_dim3A_744 = arith.constant 8 : i32
      %broadcast_in_dim3A_745 = vector.broadcast %broadcast_in_dim3A_744 : i32 to vector<16xi32>
      %broadcast_in_dim3A_746 = arith.constant 9 : i32
      %broadcast_in_dim3A_747 = vector.broadcast %broadcast_in_dim3A_746 : i32 to vector<16xi32>
      %broadcast_in_dim3A_748 = arith.constant 10 : i32
      %broadcast_in_dim3A_749 = vector.broadcast %broadcast_in_dim3A_748 : i32 to vector<16xi32>
      %broadcast_in_dim3A_750 = arith.constant 11 : i32
      %broadcast_in_dim3A_751 = vector.broadcast %broadcast_in_dim3A_750 : i32 to vector<16xi32>
      %broadcast_in_dim3A_752 = arith.constant 12 : i32
      %broadcast_in_dim3A_753 = vector.broadcast %broadcast_in_dim3A_752 : i32 to vector<16xi32>
      %broadcast_in_dim3A_754 = arith.constant 13 : i32
      %broadcast_in_dim3A_755 = vector.broadcast %broadcast_in_dim3A_754 : i32 to vector<16xi32>
      %broadcast_in_dim3A_756 = arith.constant 14 : i32
      %broadcast_in_dim3A_757 = vector.broadcast %broadcast_in_dim3A_756 : i32 to vector<16xi32>
      %broadcast_in_dim3A_758 = arith.constant 15 : i32
      %broadcast_in_dim3A_759 = vector.broadcast %broadcast_in_dim3A_758 : i32 to vector<16xi32>
      %gt3A_760 = arith.cmpf ogt, %get3A_719, %get3A_715 : vector<16xf32>
      %select_n3A_761 = arith.select %gt3A_760, %get3A_719, %get3A_715 : vector<16xi1>, vector<16xf32>
      %select_n3A_762 = arith.select %gt3A_760, %broadcast_in_dim3A_747, %broadcast_in_dim3A_745 : vector<16xi1>, vector<16xi32>
      %gt3A_763 = arith.cmpf ogt, %get3A_727, %get3A_723 : vector<16xf32>
      %select_n3A_764 = arith.select %gt3A_763, %get3A_727, %get3A_723 : vector<16xi1>, vector<16xf32>
      %select_n3A_765 = arith.select %gt3A_763, %broadcast_in_dim3A_751, %broadcast_in_dim3A_749 : vector<16xi1>, vector<16xi32>
      %gt3A_766 = arith.cmpf ogt, %get3A_735, %get3A_731 : vector<16xf32>
      %select_n3A_767 = arith.select %gt3A_766, %get3A_735, %get3A_731 : vector<16xi1>, vector<16xf32>
      %select_n3A_768 = arith.select %gt3A_766, %broadcast_in_dim3A_755, %broadcast_in_dim3A_753 : vector<16xi1>, vector<16xi32>
      %gt3A_769 = arith.cmpf ogt, %get3A_743, %get3A_739 : vector<16xf32>
      %select_n3A_770 = arith.select %gt3A_769, %get3A_743, %get3A_739 : vector<16xi1>, vector<16xf32>
      %select_n3A_771 = arith.select %gt3A_769, %broadcast_in_dim3A_759, %broadcast_in_dim3A_757 : vector<16xi1>, vector<16xi32>
      %gt3A_772 = arith.cmpf ogt, %select_n3A_764, %select_n3A_761 : vector<16xf32>
      %select_n3A_773 = arith.select %gt3A_772, %select_n3A_764, %select_n3A_761 : vector<16xi1>, vector<16xf32>
      %select_n3A_774 = arith.select %gt3A_772, %select_n3A_765, %select_n3A_762 : vector<16xi1>, vector<16xi32>
      %gt3A_775 = arith.cmpf ogt, %select_n3A_770, %select_n3A_767 : vector<16xf32>
      %select_n3A_776 = arith.select %gt3A_775, %select_n3A_770, %select_n3A_767 : vector<16xi1>, vector<16xf32>
      %select_n3A_777 = arith.select %gt3A_775, %select_n3A_771, %select_n3A_768 : vector<16xi1>, vector<16xi32>
      %gt3A_778 = arith.cmpf ogt, %select_n3A_776, %select_n3A_773 : vector<16xf32>
      %select_n3A_779 = arith.select %gt3A_778, %select_n3A_776, %select_n3A_773 : vector<16xi1>, vector<16xf32>
      %select_n3A_780 = arith.select %gt3A_778, %select_n3A_777, %select_n3A_774 : vector<16xi1>, vector<16xi32>
      %gt3A_781 = arith.cmpf ogt, %select_n3A_779, %select_n3A_664 : vector<16xf32>
      %select_n3A_782 = arith.select %gt3A_781, %select_n3A_779, %select_n3A_664 : vector<16xi1>, vector<16xf32>
      %select_n3A_783 = arith.select %gt3A_781, %select_n3A_780, %select_n3A_665 : vector<16xi1>, vector<16xi32>
      %exp3A_784 = math.exp %get3A_715 : vector<16xf32>
      %exp3A_785 = math.exp %get3A_719 : vector<16xf32>
      %exp3A_786 = math.exp %get3A_723 : vector<16xf32>
      %exp3A_787 = math.exp %get3A_727 : vector<16xf32>
      %exp3A_788 = math.exp %get3A_731 : vector<16xf32>
      %exp3A_789 = math.exp %get3A_735 : vector<16xf32>
      %exp3A_790 = math.exp %get3A_739 : vector<16xf32>
      %exp3A_791 = math.exp %get3A_743 : vector<16xf32>
      %swap3A_792 = arith.constant 8 : i32
      %swap3A_793 = arith.index_cast %swap3A_792 : i32 to index
      %swap3A_794 = arith.index_cast %add3A_599 : i32 to index
      %swap3A_795 = tpu.vector_load %arg8[%swap3A_793, %swap3A_794] {strides = array<i32>} : memref<64x256xf32, #tpu.memory_space<vmem>>, vector<16xf32>,
      tpu.vector_store %arg8[%swap3A_793, %swap3A_794], %exp3A_784 {strides = array<i32>} : memref<64x256xf32, #tpu.memory_space<vmem>>, vector<16xf32>,
      %swap3A_796 = arith.constant 9 : i32
      %swap3A_797 = arith.index_cast %swap3A_796 : i32 to index
      %swap3A_798 = arith.index_cast %add3A_599 : i32 to index
      %swap3A_799 = tpu.vector_load %arg8[%swap3A_797, %swap3A_798] {strides = array<i32>} : memref<64x256xf32, #tpu.memory_space<vmem>>, vector<16xf32>,
      tpu.vector_store %arg8[%swap3A_797, %swap3A_798], %exp3A_785 {strides = array<i32>} : memref<64x256xf32, #tpu.memory_space<vmem>>, vector<16xf32>,
      %swap3A_800 = arith.constant 10 : i32
      %swap3A_801 = arith.index_cast %swap3A_800 : i32 to index
      %swap3A_802 = arith.index_cast %add3A_599 : i32 to index
      %swap3A_803 = tpu.vector_load %arg8[%swap3A_801, %swap3A_802] {strides = array<i32>} : memref<64x256xf32, #tpu.memory_space<vmem>>, vector<16xf32>,
      tpu.vector_store %arg8[%swap3A_801, %swap3A_802], %exp3A_786 {strides = array<i32>} : memref<64x256xf32, #tpu.memory_space<vmem>>, vector<16xf32>,
      %swap3A_804 = arith.constant 11 : i32
      %swap3A_805 = arith.index_cast %swap3A_804 : i32 to index
      %swap3A_806 = arith.index_cast %add3A_599 : i32 to index
      %swap3A_807 = tpu.vector_load %arg8[%swap3A_805, %swap3A_806] {strides = array<i32>} : memref<64x256xf32, #tpu.memory_space<vmem>>, vector<16xf32>,
      tpu.vector_store %arg8[%swap3A_805, %swap3A_806], %exp3A_787 {strides = array<i32>} : memref<64x256xf32, #tpu.memory_space<vmem>>, vector<16xf32>,
      %swap3A_808 = arith.constant 12 : i32
      %swap3A_809 = arith.index_cast %swap3A_808 : i32 to index
      %swap3A_810 = arith.index_cast %add3A_599 : i32 to index
      %swap3A_811 = tpu.vector_load %arg8[%swap3A_809, %swap3A_810] {strides = array<i32>} : memref<64x256xf32, #tpu.memory_space<vmem>>, vector<16xf32>,
      tpu.vector_store %arg8[%swap3A_809, %swap3A_810], %exp3A_788 {strides = array<i32>} : memref<64x256xf32, #tpu.memory_space<vmem>>, vector<16xf32>,
      %swap3A_812 = arith.constant 13 : i32
      %swap3A_813 = arith.index_cast %swap3A_812 : i32 to index
      %swap3A_814 = arith.index_cast %add3A_599 : i32 to index
      %swap3A_815 = tpu.vector_load %arg8[%swap3A_813, %swap3A_814] {strides = array<i32>} : memref<64x256xf32, #tpu.memory_space<vmem>>, vector<16xf32>,
      tpu.vector_store %arg8[%swap3A_813, %swap3A_814], %exp3A_789 {strides = array<i32>} : memref<64x256xf32, #tpu.memory_space<vmem>>, vector<16xf32>,
      %swap3A_816 = arith.constant 14 : i32
      %swap3A_817 = arith.index_cast %swap3A_816 : i32 to index
      %swap3A_818 = arith.index_cast %add3A_599 : i32 to index
      %swap3A_819 = tpu.vector_load %arg8[%swap3A_817, %swap3A_818] {strides = array<i32>} : memref<64x256xf32, #tpu.memory_space<vmem>>, vector<16xf32>,
      tpu.vector_store %arg8[%swap3A_817, %swap3A_818], %exp3A_790 {strides = array<i32>} : memref<64x256xf32, #tpu.memory_space<vmem>>, vector<16xf32>,
      %swap3A_820 = arith.constant 15 : i32
      %swap3A_821 = arith.index_cast %swap3A_820 : i32 to index
      %swap3A_822 = arith.index_cast %add3A_599 : i32 to index
      %swap3A_823 = tpu.vector_load %arg8[%swap3A_821, %swap3A_822] {strides = array<i32>} : memref<64x256xf32, #tpu.memory_space<vmem>>, vector<16xf32>,
      tpu.vector_store %arg8[%swap3A_821, %swap3A_822], %exp3A_791 {strides = array<i32>} : memref<64x256xf32, #tpu.memory_space<vmem>>, vector<16xf32>,
      %add3A_824 = arith.addf %exp3A_784, %exp3A_785 : vector<16xf32>
      %add3A_825 = arith.addf %exp3A_786, %exp3A_787 : vector<16xf32>
      %add3A_826 = arith.addf %add3A_824, %add3A_825 : vector<16xf32>
      %add3A_827 = arith.addf %exp3A_788, %exp3A_789 : vector<16xf32>
      %add3A_828 = arith.addf %exp3A_790, %exp3A_791 : vector<16xf32>
      %add3A_829 = arith.addf %add3A_827, %add3A_828 : vector<16xf32>
      %add3A_830 = arith.addf %add3A_826, %add3A_829 : vector<16xf32>
      %add3A_831 = arith.addf %add3A_711, %add3A_830 : vector<16xf32>
      %get3A_832 = arith.constant 16 : i32
      %get3A_833 = arith.index_cast %get3A_832 : i32 to index
      %get3A_834 = arith.index_cast %mul3A_597 : i32 to index
      %get3A_835 = tpu.vector_load %arg7[%get3A_833, %get3A_834] {strides = array<i32>} : memref<64x128xf32, #tpu.memory_space<vmem>>, vector<16xf32>,
      %get3A_836 = arith.constant 17 : i32
      %get3A_837 = arith.index_cast %get3A_836 : i32 to index
      %get3A_838 = arith.index_cast %mul3A_597 : i32 to index
      %get3A_839 = tpu.vector_load %arg7[%get3A_837, %get3A_838] {strides = array<i32>} : memref<64x128xf32, #tpu.memory_space<vmem>>, vector<16xf32>,
      %get3A_840 = arith.constant 18 : i32
      %get3A_841 = arith.index_cast %get3A_840 : i32 to index
      %get3A_842 = arith.index_cast %mul3A_597 : i32 to index
      %get3A_843 = tpu.vector_load %arg7[%get3A_841, %get3A_842] {strides = array<i32>} : memref<64x128xf32, #tpu.memory_space<vmem>>, vector<16xf32>,
      %get3A_844 = arith.constant 19 : i32
      %get3A_845 = arith.index_cast %get3A_844 : i32 to index
      %get3A_846 = arith.index_cast %mul3A_597 : i32 to index
      %get3A_847 = tpu.vector_load %arg7[%get3A_845, %get3A_846] {strides = array<i32>} : memref<64x128xf32, #tpu.memory_space<vmem>>, vector<16xf32>,
      %get3A_848 = arith.constant 20 : i32
      %get3A_849 = arith.index_cast %get3A_848 : i32 to index
      %get3A_850 = arith.index_cast %mul3A_597 : i32 to index
      %get3A_851 = tpu.vector_load %arg7[%get3A_849, %get3A_850] {strides = array<i32>} : memref<64x128xf32, #tpu.memory_space<vmem>>, vector<16xf32>,
      %get3A_852 = arith.constant 21 : i32
      %get3A_853 = arith.index_cast %get3A_852 : i32 to index
      %get3A_854 = arith.index_cast %mul3A_597 : i32 to index
      %get3A_855 = tpu.vector_load %arg7[%get3A_853, %get3A_854] {strides = array<i32>} : memref<64x128xf32, #tpu.memory_space<vmem>>, vector<16xf32>,
      %get3A_856 = arith.constant 22 : i32
      %get3A_857 = arith.index_cast %get3A_856 : i32 to index
      %get3A_858 = arith.index_cast %mul3A_597 : i32 to index
      %get3A_859 = tpu.vector_load %arg7[%get3A_857, %get3A_858] {strides = array<i32>} : memref<64x128xf32, #tpu.memory_space<vmem>>, vector<16xf32>,
      %get3A_860 = arith.constant 23 : i32
      %get3A_861 = arith.index_cast %get3A_860 : i32 to index
      %get3A_862 = arith.index_cast %mul3A_597 : i32 to index
      %get3A_863 = tpu.vector_load %arg7[%get3A_861, %get3A_862] {strides = array<i32>} : memref<64x128xf32, #tpu.memory_space<vmem>>, vector<16xf32>,
      %broadcast_in_dim3A_864 = arith.constant 16 : i32
      %broadcast_in_dim3A_865 = vector.broadcast %broadcast_in_dim3A_864 : i32 to vector<16xi32>
      %broadcast_in_dim3A_866 = arith.constant 17 : i32
      %broadcast_in_dim3A_867 = vector.broadcast %broadcast_in_dim3A_866 : i32 to vector<16xi32>
      %broadcast_in_dim3A_868 = arith.constant 18 : i32
      %broadcast_in_dim3A_869 = vector.broadcast %broadcast_in_dim3A_868 : i32 to vector<16xi32>
      %broadcast_in_dim3A_870 = arith.constant 19 : i32
      %broadcast_in_dim3A_871 = vector.broadcast %broadcast_in_dim3A_870 : i32 to vector<16xi32>
      %broadcast_in_dim3A_872 = arith.constant 20 : i32
      %broadcast_in_dim3A_873 = vector.broadcast %broadcast_in_dim3A_872 : i32 to vector<16xi32>
      %broadcast_in_dim3A_874 = arith.constant 21 : i32
      %broadcast_in_dim3A_875 = vector.broadcast %broadcast_in_dim3A_874 : i32 to vector<16xi32>
      %broadcast_in_dim3A_876 = arith.constant 22 : i32
      %broadcast_in_dim3A_877 = vector.broadcast %broadcast_in_dim3A_876 : i32 to vector<16xi32>
      %broadcast_in_dim3A_878 = arith.constant 23 : i32
      %broadcast_in_dim3A_879 = vector.broadcast %broadcast_in_dim3A_878 : i32 to vector<16xi32>
      %gt3A_880 = arith.cmpf ogt, %get3A_839, %get3A_835 : vector<16xf32>
      %select_n3A_881 = arith.select %gt3A_880, %get3A_839, %get3A_835 : vector<16xi1>, vector<16xf32>
      %select_n3A_882 = arith.select %gt3A_880, %broadcast_in_dim3A_867, %broadcast_in_dim3A_865 : vector<16xi1>, vector<16xi32>
      %gt3A_883 = arith.cmpf ogt, %get3A_847, %get3A_843 : vector<16xf32>
      %select_n3A_884 = arith.select %gt3A_883, %get3A_847, %get3A_843 : vector<16xi1>, vector<16xf32>
      %select_n3A_885 = arith.select %gt3A_883, %broadcast_in_dim3A_871, %broadcast_in_dim3A_869 : vector<16xi1>, vector<16xi32>
      %gt3A_886 = arith.cmpf ogt, %get3A_855, %get3A_851 : vector<16xf32>
      %select_n3A_887 = arith.select %gt3A_886, %get3A_855, %get3A_851 : vector<16xi1>, vector<16xf32>
      %select_n3A_888 = arith.select %gt3A_886, %broadcast_in_dim3A_875, %broadcast_in_dim3A_873 : vector<16xi1>, vector<16xi32>
      %gt3A_889 = arith.cmpf ogt, %get3A_863, %get3A_859 : vector<16xf32>
      %select_n3A_890 = arith.select %gt3A_889, %get3A_863, %get3A_859 : vector<16xi1>, vector<16xf32>
      %select_n3A_891 = arith.select %gt3A_889, %broadcast_in_dim3A_879, %broadcast_in_dim3A_877 : vector<16xi1>, vector<16xi32>
      %gt3A_892 = arith.cmpf ogt, %select_n3A_884, %select_n3A_881 : vector<16xf32>
      %select_n3A_893 = arith.select %gt3A_892, %select_n3A_884, %select_n3A_881 : vector<16xi1>, vector<16xf32>
      %select_n3A_894 = arith.select %gt3A_892, %select_n3A_885, %select_n3A_882 : vector<16xi1>, vector<16xi32>
      %gt3A_895 = arith.cmpf ogt, %select_n3A_890, %select_n3A_887 : vector<16xf32>
      %select_n3A_896 = arith.select %gt3A_895, %select_n3A_890, %select_n3A_887 : vector<16xi1>, vector<16xf32>
      %select_n3A_897 = arith.select %gt3A_895, %select_n3A_891, %select_n3A_888 : vector<16xi1>, vector<16xi32>
      %gt3A_898 = arith.cmpf ogt, %select_n3A_896, %select_n3A_893 : vector<16xf32>
      %select_n3A_899 = arith.select %gt3A_898, %select_n3A_896, %select_n3A_893 : vector<16xi1>, vector<16xf32>
      %select_n3A_900 = arith.select %gt3A_898, %select_n3A_897, %select_n3A_894 : vector<16xi1>, vector<16xi32>
      %gt3A_901 = arith.cmpf ogt, %select_n3A_899, %select_n3A_782 : vector<16xf32>
      %select_n3A_902 = arith.select %gt3A_901, %select_n3A_899, %select_n3A_782 : vector<16xi1>, vector<16xf32>
      %select_n3A_903 = arith.select %gt3A_901, %select_n3A_900, %select_n3A_783 : vector<16xi1>, vector<16xi32>
      %exp3A_904 = math.exp %get3A_835 : vector<16xf32>
      %exp3A_905 = math.exp %get3A_839 : vector<16xf32>
      %exp3A_906 = math.exp %get3A_843 : vector<16xf32>
      %exp3A_907 = math.exp %get3A_847 : vector<16xf32>
      %exp3A_908 = math.exp %get3A_851 : vector<16xf32>
      %exp3A_909 = math.exp %get3A_855 : vector<16xf32>
      %exp3A_910 = math.exp %get3A_859 : vector<16xf32>
      %exp3A_911 = math.exp %get3A_863 : vector<16xf32>
      %swap3A_912 = arith.constant 16 : i32
      %swap3A_913 = arith.index_cast %swap3A_912 : i32 to index
      %swap3A_914 = arith.index_cast %add3A_599 : i32 to index
      %swap3A_915 = tpu.vector_load %arg8[%swap3A_913, %swap3A_914] {strides = array<i32>} : memref<64x256xf32, #tpu.memory_space<vmem>>, vector<16xf32>,
      tpu.vector_store %arg8[%swap3A_913, %swap3A_914], %exp3A_904 {strides = array<i32>} : memref<64x256xf32, #tpu.memory_space<vmem>>, vector<16xf32>,
      %swap3A_916 = arith.constant 17 : i32
      %swap3A_917 = arith.index_cast %swap3A_916 : i32 to index
      %swap3A_918 = arith.index_cast %add3A_599 : i32 to index
      %swap3A_919 = tpu.vector_load %arg8[%swap3A_917, %swap3A_918] {strides = array<i32>} : memref<64x256xf32, #tpu.memory_space<vmem>>, vector<16xf32>,
      tpu.vector_store %arg8[%swap3A_917, %swap3A_918], %exp3A_905 {strides = array<i32>} : memref<64x256xf32, #tpu.memory_space<vmem>>, vector<16xf32>,
      %swap3A_920 = arith.constant 18 : i32
      %swap3A_921 = arith.index_cast %swap3A_920 : i32 to index
      %swap3A_922 = arith.index_cast %add3A_599 : i32 to index
      %swap3A_923 = tpu.vector_load %arg8[%swap3A_921, %swap3A_922] {strides = array<i32>} : memref<64x256xf32, #tpu.memory_space<vmem>>, vector<16xf32>,
      tpu.vector_store %arg8[%swap3A_921, %swap3A_922], %exp3A_906 {strides = array<i32>} : memref<64x256xf32, #tpu.memory_space<vmem>>, vector<16xf32>,
      %swap3A_924 = arith.constant 19 : i32
      %swap3A_925 = arith.index_cast %swap3A_924 : i32 to index
      %swap3A_926 = arith.index_cast %add3A_599 : i32 to index
      %swap3A_927 = tpu.vector_load %arg8[%swap3A_925, %swap3A_926] {strides = array<i32>} : memref<64x256xf32, #tpu.memory_space<vmem>>, vector<16xf32>,
      tpu.vector_store %arg8[%swap3A_925, %swap3A_926], %exp3A_907 {strides = array<i32>} : memref<64x256xf32, #tpu.memory_space<vmem>>, vector<16xf32>,
      %swap3A_928 = arith.constant 20 : i32
      %swap3A_929 = arith.index_cast %swap3A_928 : i32 to index
      %swap3A_930 = arith.index_cast %add3A_599 : i32 to index
      %swap3A_931 = tpu.vector_load %arg8[%swap3A_929, %swap3A_930] {strides = array<i32>} : memref<64x256xf32, #tpu.memory_space<vmem>>, vector<16xf32>,
      tpu.vector_store %arg8[%swap3A_929, %swap3A_930], %exp3A_908 {strides = array<i32>} : memref<64x256xf32, #tpu.memory_space<vmem>>, vector<16xf32>,
      %swap3A_932 = arith.constant 21 : i32
      %swap3A_933 = arith.index_cast %swap3A_932 : i32 to index
      %swap3A_934 = arith.index_cast %add3A_599 : i32 to index
      %swap3A_935 = tpu.vector_load %arg8[%swap3A_933, %swap3A_934] {strides = array<i32>} : memref<64x256xf32, #tpu.memory_space<vmem>>, vector<16xf32>,
      tpu.vector_store %arg8[%swap3A_933, %swap3A_934], %exp3A_909 {strides = array<i32>} : memref<64x256xf32, #tpu.memory_space<vmem>>, vector<16xf32>,
      %swap3A_936 = arith.constant 22 : i32
      %swap3A_937 = arith.index_cast %swap3A_936 : i32 to index
      %swap3A_938 = arith.index_cast %add3A_599 : i32 to index
      %swap3A_939 = tpu.vector_load %arg8[%swap3A_937, %swap3A_938] {strides = array<i32>} : memref<64x256xf32, #tpu.memory_space<vmem>>, vector<16xf32>,
      tpu.vector_store %arg8[%swap3A_937, %swap3A_938], %exp3A_910 {strides = array<i32>} : memref<64x256xf32, #tpu.memory_space<vmem>>, vector<16xf32>,
      %swap3A_940 = arith.constant 23 : i32
      %swap3A_941 = arith.index_cast %swap3A_940 : i32 to index
      %swap3A_942 = arith.index_cast %add3A_599 : i32 to index
      %swap3A_943 = tpu.vector_load %arg8[%swap3A_941, %swap3A_942] {strides = array<i32>} : memref<64x256xf32, #tpu.memory_space<vmem>>, vector<16xf32>,
      tpu.vector_store %arg8[%swap3A_941, %swap3A_942], %exp3A_911 {strides = array<i32>} : memref<64x256xf32, #tpu.memory_space<vmem>>, vector<16xf32>,
      %add3A_944 = arith.addf %exp3A_904, %exp3A_905 : vector<16xf32>
      %add3A_945 = arith.addf %exp3A_906, %exp3A_907 : vector<16xf32>
      %add3A_946 = arith.addf %add3A_944, %add3A_945 : vector<16xf32>
      %add3A_947 = arith.addf %exp3A_908, %exp3A_909 : vector<16xf32>
      %add3A_948 = arith.addf %exp3A_910, %exp3A_911 : vector<16xf32>
      %add3A_949 = arith.addf %add3A_947, %add3A_948 : vector<16xf32>
      %add3A_950 = arith.addf %add3A_946, %add3A_949 : vector<16xf32>
      %add3A_951 = arith.addf %add3A_831, %add3A_950 : vector<16xf32>
      %get3A_952 = arith.constant 24 : i32
      %get3A_953 = arith.index_cast %get3A_952 : i32 to index
      %get3A_954 = arith.index_cast %mul3A_597 : i32 to index
      %get3A_955 = tpu.vector_load %arg7[%get3A_953, %get3A_954] {strides = array<i32>} : memref<64x128xf32, #tpu.memory_space<vmem>>, vector<16xf32>,
      %get3A_956 = arith.constant 25 : i32
      %get3A_957 = arith.index_cast %get3A_956 : i32 to index
      %get3A_958 = arith.index_cast %mul3A_597 : i32 to index
      %get3A_959 = tpu.vector_load %arg7[%get3A_957, %get3A_958] {strides = array<i32>} : memref<64x128xf32, #tpu.memory_space<vmem>>, vector<16xf32>,
      %get3A_960 = arith.constant 26 : i32
      %get3A_961 = arith.index_cast %get3A_960 : i32 to index
      %get3A_962 = arith.index_cast %mul3A_597 : i32 to index
      %get3A_963 = tpu.vector_load %arg7[%get3A_961, %get3A_962] {strides = array<i32>} : memref<64x128xf32, #tpu.memory_space<vmem>>, vector<16xf32>,
      %get3A_964 = arith.constant 27 : i32
      %get3A_965 = arith.index_cast %get3A_964 : i32 to index
      %get3A_966 = arith.index_cast %mul3A_597 : i32 to index
      %get3A_967 = tpu.vector_load %arg7[%get3A_965, %get3A_966] {strides = array<i32>} : memref<64x128xf32, #tpu.memory_space<vmem>>, vector<16xf32>,
      %get3A_968 = arith.constant 28 : i32
      %get3A_969 = arith.index_cast %get3A_968 : i32 to index
      %get3A_970 = arith.index_cast %mul3A_597 : i32 to index
      %get3A_971 = tpu.vector_load %arg7[%get3A_969, %get3A_970] {strides = array<i32>} : memref<64x128xf32, #tpu.memory_space<vmem>>, vector<16xf32>,
      %get3A_972 = arith.constant 29 : i32
      %get3A_973 = arith.index_cast %get3A_972 : i32 to index
      %get3A_974 = arith.index_cast %mul3A_597 : i32 to index
      %get3A_975 = tpu.vector_load %arg7[%get3A_973, %get3A_974] {strides = array<i32>} : memref<64x128xf32, #tpu.memory_space<vmem>>, vector<16xf32>,
      %get3A_976 = arith.constant 30 : i32
      %get3A_977 = arith.index_cast %get3A_976 : i32 to index
      %get3A_978 = arith.index_cast %mul3A_597 : i32 to index
      %get3A_979 = tpu.vector_load %arg7[%get3A_977, %get3A_978] {strides = array<i32>} : memref<64x128xf32, #tpu.memory_space<vmem>>, vector<16xf32>,
      %get3A_980 = arith.constant 31 : i32
      %get3A_981 = arith.index_cast %get3A_980 : i32 to index
      %get3A_982 = arith.index_cast %mul3A_597 : i32 to index
      %get3A_983 = tpu.vector_load %arg7[%get3A_981, %get3A_982] {strides = array<i32>} : memref<64x128xf32, #tpu.memory_space<vmem>>, vector<16xf32>,
      %broadcast_in_dim3A_984 = arith.constant 24 : i32
      %broadcast_in_dim3A_985 = vector.broadcast %broadcast_in_dim3A_984 : i32 to vector<16xi32>
      %broadcast_in_dim3A_986 = arith.constant 25 : i32
      %broadcast_in_dim3A_987 = vector.broadcast %broadcast_in_dim3A_986 : i32 to vector<16xi32>
      %broadcast_in_dim3A_988 = arith.constant 26 : i32
      %broadcast_in_dim3A_989 = vector.broadcast %broadcast_in_dim3A_988 : i32 to vector<16xi32>
      %broadcast_in_dim3A_990 = arith.constant 27 : i32
      %broadcast_in_dim3A_991 = vector.broadcast %broadcast_in_dim3A_990 : i32 to vector<16xi32>
      %broadcast_in_dim3A_992 = arith.constant 28 : i32
      %broadcast_in_dim3A_993 = vector.broadcast %broadcast_in_dim3A_992 : i32 to vector<16xi32>
      %broadcast_in_dim3A_994 = arith.constant 29 : i32
      %broadcast_in_dim3A_995 = vector.broadcast %broadcast_in_dim3A_994 : i32 to vector<16xi32>
      %broadcast_in_dim3A_996 = arith.constant 30 : i32
      %broadcast_in_dim3A_997 = vector.broadcast %broadcast_in_dim3A_996 : i32 to vector<16xi32>
      %broadcast_in_dim3A_998 = arith.constant 31 : i32
      %broadcast_in_dim3A_999 = vector.broadcast %broadcast_in_dim3A_998 : i32 to vector<16xi32>
      %gt3A_1000 = arith.cmpf ogt, %get3A_959, %get3A_955 : vector<16xf32>
      %select_n3A_1001 = arith.select %gt3A_1000, %get3A_959, %get3A_955 : vector<16xi1>, vector<16xf32>
      %select_n3A_1002 = arith.select %gt3A_1000, %broadcast_in_dim3A_987, %broadcast_in_dim3A_985 : vector<16xi1>, vector<16xi32>
      %gt3A_1003 = arith.cmpf ogt, %get3A_967, %get3A_963 : vector<16xf32>
      %select_n3A_1004 = arith.select %gt3A_1003, %get3A_967, %get3A_963 : vector<16xi1>, vector<16xf32>
      %select_n3A_1005 = arith.select %gt3A_1003, %broadcast_in_dim3A_991, %broadcast_in_dim3A_989 : vector<16xi1>, vector<16xi32>
      %gt3A_1006 = arith.cmpf ogt, %get3A_975, %get3A_971 : vector<16xf32>
      %select_n3A_1007 = arith.select %gt3A_1006, %get3A_975, %get3A_971 : vector<16xi1>, vector<16xf32>
      %select_n3A_1008 = arith.select %gt3A_1006, %broadcast_in_dim3A_995, %broadcast_in_dim3A_993 : vector<16xi1>, vector<16xi32>
      %gt3A_1009 = arith.cmpf ogt, %get3A_983, %get3A_979 : vector<16xf32>
      %select_n3A_1010 = arith.select %gt3A_1009, %get3A_983, %get3A_979 : vector<16xi1>, vector<16xf32>
      %select_n3A_1011 = arith.select %gt3A_1009, %broadcast_in_dim3A_999, %broadcast_in_dim3A_997 : vector<16xi1>, vector<16xi32>
      %gt3A_1012 = arith.cmpf ogt, %select_n3A_1004, %select_n3A_1001 : vector<16xf32>
      %select_n3A_1013 = arith.select %gt3A_1012, %select_n3A_1004, %select_n3A_1001 : vector<16xi1>, vector<16xf32>
      %select_n3A_1014 = arith.select %gt3A_1012, %select_n3A_1005, %select_n3A_1002 : vector<16xi1>, vector<16xi32>
      %gt3A_1015 = arith.cmpf ogt, %select_n3A_1010, %select_n3A_1007 : vector<16xf32>
      %select_n3A_1016 = arith.select %gt3A_1015, %select_n3A_1010, %select_n3A_1007 : vector<16xi1>, vector<16xf32>
      %select_n3A_1017 = arith.select %gt3A_1015, %select_n3A_1011, %select_n3A_1008 : vector<16xi1>, vector<16xi32>
      %gt3A_1018 = arith.cmpf ogt, %select_n3A_1016, %select_n3A_1013 : vector<16xf32>
      %select_n3A_1019 = arith.select %gt3A_1018, %select_n3A_1016, %select_n3A_1013 : vector<16xi1>, vector<16xf32>
      %select_n3A_1020 = arith.select %gt3A_1018, %select_n3A_1017, %select_n3A_1014 : vector<16xi1>, vector<16xi32>
      %gt3A_1021 = arith.cmpf ogt, %select_n3A_1019, %select_n3A_902 : vector<16xf32>
      %select_n3A_1022 = arith.select %gt3A_1021, %select_n3A_1019, %select_n3A_902 : vector<16xi1>, vector<16xf32>
      %select_n3A_1023 = arith.select %gt3A_1021, %select_n3A_1020, %select_n3A_903 : vector<16xi1>, vector<16xi32>
      %exp3A_1024 = math.exp %get3A_955 : vector<16xf32>
      %exp3A_1025 = math.exp %get3A_959 : vector<16xf32>
      %exp3A_1026 = math.exp %get3A_963 : vector<16xf32>
      %exp3A_1027 = math.exp %get3A_967 : vector<16xf32>
      %exp3A_1028 = math.exp %get3A_971 : vector<16xf32>
      %exp3A_1029 = math.exp %get3A_975 : vector<16xf32>
      %exp3A_1030 = math.exp %get3A_979 : vector<16xf32>
      %exp3A_1031 = math.exp %get3A_983 : vector<16xf32>
      %swap3A_1032 = arith.constant 24 : i32
      %swap3A_1033 = arith.index_cast %swap3A_1032 : i32 to index
      %swap3A_1034 = arith.index_cast %add3A_599 : i32 to index
      %swap3A_1035 = tpu.vector_load %arg8[%swap3A_1033, %swap3A_1034] {strides = array<i32>} : memref<64x256xf32, #tpu.memory_space<vmem>>, vector<16xf32>,
      tpu.vector_store %arg8[%swap3A_1033, %swap3A_1034], %exp3A_1024 {strides = array<i32>} : memref<64x256xf32, #tpu.memory_space<vmem>>, vector<16xf32>,
      %swap3A_1036 = arith.constant 25 : i32
      %swap3A_1037 = arith.index_cast %swap3A_1036 : i32 to index
      %swap3A_1038 = arith.index_cast %add3A_599 : i32 to index
      %swap3A_1039 = tpu.vector_load %arg8[%swap3A_1037, %swap3A_1038] {strides = array<i32>} : memref<64x256xf32, #tpu.memory_space<vmem>>, vector<16xf32>,
      tpu.vector_store %arg8[%swap3A_1037, %swap3A_1038], %exp3A_1025 {strides = array<i32>} : memref<64x256xf32, #tpu.memory_space<vmem>>, vector<16xf32>,
      %swap3A_1040 = arith.constant 26 : i32
      %swap3A_1041 = arith.index_cast %swap3A_1040 : i32 to index
      %swap3A_1042 = arith.index_cast %add3A_599 : i32 to index
      %swap3A_1043 = tpu.vector_load %arg8[%swap3A_1041, %swap3A_1042] {strides = array<i32>} : memref<64x256xf32, #tpu.memory_space<vmem>>, vector<16xf32>,
      tpu.vector_store %arg8[%swap3A_1041, %swap3A_1042], %exp3A_1026 {strides = array<i32>} : memref<64x256xf32, #tpu.memory_space<vmem>>, vector<16xf32>,
      %swap3A_1044 = arith.constant 27 : i32
      %swap3A_1045 = arith.index_cast %swap3A_1044 : i32 to index
      %swap3A_1046 = arith.index_cast %add3A_599 : i32 to index
      %swap3A_1047 = tpu.vector_load %arg8[%swap3A_1045, %swap3A_1046] {strides = array<i32>} : memref<64x256xf32, #tpu.memory_space<vmem>>, vector<16xf32>,
      tpu.vector_store %arg8[%swap3A_1045, %swap3A_1046], %exp3A_1027 {strides = array<i32>} : memref<64x256xf32, #tpu.memory_space<vmem>>, vector<16xf32>,
      %swap3A_1048 = arith.constant 28 : i32
      %swap3A_1049 = arith.index_cast %swap3A_1048 : i32 to index
      %swap3A_1050 = arith.index_cast %add3A_599 : i32 to index
      %swap3A_1051 = tpu.vector_load %arg8[%swap3A_1049, %swap3A_1050] {strides = array<i32>} : memref<64x256xf32, #tpu.memory_space<vmem>>, vector<16xf32>,
      tpu.vector_store %arg8[%swap3A_1049, %swap3A_1050], %exp3A_1028 {strides = array<i32>} : memref<64x256xf32, #tpu.memory_space<vmem>>, vector<16xf32>,
      %swap3A_1052 = arith.constant 29 : i32
      %swap3A_1053 = arith.index_cast %swap3A_1052 : i32 to index
      %swap3A_1054 = arith.index_cast %add3A_599 : i32 to index
      %swap3A_1055 = tpu.vector_load %arg8[%swap3A_1053, %swap3A_1054] {strides = array<i32>} : memref<64x256xf32, #tpu.memory_space<vmem>>, vector<16xf32>,
      tpu.vector_store %arg8[%swap3A_1053, %swap3A_1054], %exp3A_1029 {strides = array<i32>} : memref<64x256xf32, #tpu.memory_space<vmem>>, vector<16xf32>,
      %swap3A_1056 = arith.constant 30 : i32
      %swap3A_1057 = arith.index_cast %swap3A_1056 : i32 to index
      %swap3A_1058 = arith.index_cast %add3A_599 : i32 to index
      %swap3A_1059 = tpu.vector_load %arg8[%swap3A_1057, %swap3A_1058] {strides = array<i32>} : memref<64x256xf32, #tpu.memory_space<vmem>>, vector<16xf32>,
      tpu.vector_store %arg8[%swap3A_1057, %swap3A_1058], %exp3A_1030 {strides = array<i32>} : memref<64x256xf32, #tpu.memory_space<vmem>>, vector<16xf32>,
      %swap3A_1060 = arith.constant 31 : i32
      %swap3A_1061 = arith.index_cast %swap3A_1060 : i32 to index
      %swap3A_1062 = arith.index_cast %add3A_599 : i32 to index
      %swap3A_1063 = tpu.vector_load %arg8[%swap3A_1061, %swap3A_1062] {strides = array<i32>} : memref<64x256xf32, #tpu.memory_space<vmem>>, vector<16xf32>,
      tpu.vector_store %arg8[%swap3A_1061, %swap3A_1062], %exp3A_1031 {strides = array<i32>} : memref<64x256xf32, #tpu.memory_space<vmem>>, vector<16xf32>,
      %add3A_1064 = arith.addf %exp3A_1024, %exp3A_1025 : vector<16xf32>
      %add3A_1065 = arith.addf %exp3A_1026, %exp3A_1027 : vector<16xf32>
      %add3A_1066 = arith.addf %add3A_1064, %add3A_1065 : vector<16xf32>
      %add3A_1067 = arith.addf %exp3A_1028, %exp3A_1029 : vector<16xf32>
      %add3A_1068 = arith.addf %exp3A_1030, %exp3A_1031 : vector<16xf32>
      %add3A_1069 = arith.addf %add3A_1067, %add3A_1068 : vector<16xf32>
      %add3A_1070 = arith.addf %add3A_1066, %add3A_1069 : vector<16xf32>
      %add3A_1071 = arith.addf %add3A_951, %add3A_1070 : vector<16xf32>
      %get3A_1072 = arith.constant 32 : i32
      %get3A_1073 = arith.index_cast %get3A_1072 : i32 to index
      %get3A_1074 = arith.index_cast %mul3A_597 : i32 to index
      %get3A_1075 = tpu.vector_load %arg7[%get3A_1073, %get3A_1074] {strides = array<i32>} : memref<64x128xf32, #tpu.memory_space<vmem>>, vector<16xf32>,
      %get3A_1076 = arith.constant 33 : i32
      %get3A_1077 = arith.index_cast %get3A_1076 : i32 to index
      %get3A_1078 = arith.index_cast %mul3A_597 : i32 to index
      %get3A_1079 = tpu.vector_load %arg7[%get3A_1077, %get3A_1078] {strides = array<i32>} : memref<64x128xf32, #tpu.memory_space<vmem>>, vector<16xf32>,
      %get3A_1080 = arith.constant 34 : i32
      %get3A_1081 = arith.index_cast %get3A_1080 : i32 to index
      %get3A_1082 = arith.index_cast %mul3A_597 : i32 to index
      %get3A_1083 = tpu.vector_load %arg7[%get3A_1081, %get3A_1082] {strides = array<i32>} : memref<64x128xf32, #tpu.memory_space<vmem>>, vector<16xf32>,
      %get3A_1084 = arith.constant 35 : i32
      %get3A_1085 = arith.index_cast %get3A_1084 : i32 to index
      %get3A_1086 = arith.index_cast %mul3A_597 : i32 to index
      %get3A_1087 = tpu.vector_load %arg7[%get3A_1085, %get3A_1086] {strides = array<i32>} : memref<64x128xf32, #tpu.memory_space<vmem>>, vector<16xf32>,
      %get3A_1088 = arith.constant 36 : i32
      %get3A_1089 = arith.index_cast %get3A_1088 : i32 to index
      %get3A_1090 = arith.index_cast %mul3A_597 : i32 to index
      %get3A_1091 = tpu.vector_load %arg7[%get3A_1089, %get3A_1090] {strides = array<i32>} : memref<64x128xf32, #tpu.memory_space<vmem>>, vector<16xf32>,
      %get3A_1092 = arith.constant 37 : i32
      %get3A_1093 = arith.index_cast %get3A_1092 : i32 to index
      %get3A_1094 = arith.index_cast %mul3A_597 : i32 to index
      %get3A_1095 = tpu.vector_load %arg7[%get3A_1093, %get3A_1094] {strides = array<i32>} : memref<64x128xf32, #tpu.memory_space<vmem>>, vector<16xf32>,
      %get3A_1096 = arith.constant 38 : i32
      %get3A_1097 = arith.index_cast %get3A_1096 : i32 to index
      %get3A_1098 = arith.index_cast %mul3A_597 : i32 to index
      %get3A_1099 = tpu.vector_load %arg7[%get3A_1097, %get3A_1098] {strides = array<i32>} : memref<64x128xf32, #tpu.memory_space<vmem>>, vector<16xf32>,
      %get3A_1100 = arith.constant 39 : i32
      %get3A_1101 = arith.index_cast %get3A_1100 : i32 to index
      %get3A_1102 = arith.index_cast %mul3A_597 : i32 to index
      %get3A_1103 = tpu.vector_load %arg7[%get3A_1101, %get3A_1102] {strides = array<i32>} : memref<64x128xf32, #tpu.memory_space<vmem>>, vector<16xf32>,
      %broadcast_in_dim3A_1104 = arith.constant 32 : i32
      %broadcast_in_dim3A_1105 = vector.broadcast %broadcast_in_dim3A_1104 : i32 to vector<16xi32>
      %broadcast_in_dim3A_1106 = arith.constant 33 : i32
      %broadcast_in_dim3A_1107 = vector.broadcast %broadcast_in_dim3A_1106 : i32 to vector<16xi32>
      %broadcast_in_dim3A_1108 = arith.constant 34 : i32
      %broadcast_in_dim3A_1109 = vector.broadcast %broadcast_in_dim3A_1108 : i32 to vector<16xi32>
      %broadcast_in_dim3A_1110 = arith.constant 35 : i32
      %broadcast_in_dim3A_1111 = vector.broadcast %broadcast_in_dim3A_1110 : i32 to vector<16xi32>
      %broadcast_in_dim3A_1112 = arith.constant 36 : i32
      %broadcast_in_dim3A_1113 = vector.broadcast %broadcast_in_dim3A_1112 : i32 to vector<16xi32>
      %broadcast_in_dim3A_1114 = arith.constant 37 : i32
      %broadcast_in_dim3A_1115 = vector.broadcast %broadcast_in_dim3A_1114 : i32 to vector<16xi32>
      %broadcast_in_dim3A_1116 = arith.constant 38 : i32
      %broadcast_in_dim3A_1117 = vector.broadcast %broadcast_in_dim3A_1116 : i32 to vector<16xi32>
      %broadcast_in_dim3A_1118 = arith.constant 39 : i32
      %broadcast_in_dim3A_1119 = vector.broadcast %broadcast_in_dim3A_1118 : i32 to vector<16xi32>
      %gt3A_1120 = arith.cmpf ogt, %get3A_1079, %get3A_1075 : vector<16xf32>
      %select_n3A_1121 = arith.select %gt3A_1120, %get3A_1079, %get3A_1075 : vector<16xi1>, vector<16xf32>
      %select_n3A_1122 = arith.select %gt3A_1120, %broadcast_in_dim3A_1107, %broadcast_in_dim3A_1105 : vector<16xi1>, vector<16xi32>
      %gt3A_1123 = arith.cmpf ogt, %get3A_1087, %get3A_1083 : vector<16xf32>
      %select_n3A_1124 = arith.select %gt3A_1123, %get3A_1087, %get3A_1083 : vector<16xi1>, vector<16xf32>
      %select_n3A_1125 = arith.select %gt3A_1123, %broadcast_in_dim3A_1111, %broadcast_in_dim3A_1109 : vector<16xi1>, vector<16xi32>
      %gt3A_1126 = arith.cmpf ogt, %get3A_1095, %get3A_1091 : vector<16xf32>
      %select_n3A_1127 = arith.select %gt3A_1126, %get3A_1095, %get3A_1091 : vector<16xi1>, vector<16xf32>
      %select_n3A_1128 = arith.select %gt3A_1126, %broadcast_in_dim3A_1115, %broadcast_in_dim3A_1113 : vector<16xi1>, vector<16xi32>
      %gt3A_1129 = arith.cmpf ogt, %get3A_1103, %get3A_1099 : vector<16xf32>
      %select_n3A_1130 = arith.select %gt3A_1129, %get3A_1103, %get3A_1099 : vector<16xi1>, vector<16xf32>
      %select_n3A_1131 = arith.select %gt3A_1129, %broadcast_in_dim3A_1119, %broadcast_in_dim3A_1117 : vector<16xi1>, vector<16xi32>
      %gt3A_1132 = arith.cmpf ogt, %select_n3A_1124, %select_n3A_1121 : vector<16xf32>
      %select_n3A_1133 = arith.select %gt3A_1132, %select_n3A_1124, %select_n3A_1121 : vector<16xi1>, vector<16xf32>
      %select_n3A_1134 = arith.select %gt3A_1132, %select_n3A_1125, %select_n3A_1122 : vector<16xi1>, vector<16xi32>
      %gt3A_1135 = arith.cmpf ogt, %select_n3A_1130, %select_n3A_1127 : vector<16xf32>
      %select_n3A_1136 = arith.select %gt3A_1135, %select_n3A_1130, %select_n3A_1127 : vector<16xi1>, vector<16xf32>
      %select_n3A_1137 = arith.select %gt3A_1135, %select_n3A_1131, %select_n3A_1128 : vector<16xi1>, vector<16xi32>
      %gt3A_1138 = arith.cmpf ogt, %select_n3A_1136, %select_n3A_1133 : vector<16xf32>
      %select_n3A_1139 = arith.select %gt3A_1138, %select_n3A_1136, %select_n3A_1133 : vector<16xi1>, vector<16xf32>
      %select_n3A_1140 = arith.select %gt3A_1138, %select_n3A_1137, %select_n3A_1134 : vector<16xi1>, vector<16xi32>
      %gt3A_1141 = arith.cmpf ogt, %select_n3A_1139, %select_n3A_1022 : vector<16xf32>
      %select_n3A_1142 = arith.select %gt3A_1141, %select_n3A_1139, %select_n3A_1022 : vector<16xi1>, vector<16xf32>
      %select_n3A_1143 = arith.select %gt3A_1141, %select_n3A_1140, %select_n3A_1023 : vector<16xi1>, vector<16xi32>
      %exp3A_1144 = math.exp %get3A_1075 : vector<16xf32>
      %exp3A_1145 = math.exp %get3A_1079 : vector<16xf32>
      %exp3A_1146 = math.exp %get3A_1083 : vector<16xf32>
      %exp3A_1147 = math.exp %get3A_1087 : vector<16xf32>
      %exp3A_1148 = math.exp %get3A_1091 : vector<16xf32>
      %exp3A_1149 = math.exp %get3A_1095 : vector<16xf32>
      %exp3A_1150 = math.exp %get3A_1099 : vector<16xf32>
      %exp3A_1151 = math.exp %get3A_1103 : vector<16xf32>
      %swap3A_1152 = arith.constant 32 : i32
      %swap3A_1153 = arith.index_cast %swap3A_1152 : i32 to index
      %swap3A_1154 = arith.index_cast %add3A_599 : i32 to index
      %swap3A_1155 = tpu.vector_load %arg8[%swap3A_1153, %swap3A_1154] {strides = array<i32>} : memref<64x256xf32, #tpu.memory_space<vmem>>, vector<16xf32>,
      tpu.vector_store %arg8[%swap3A_1153, %swap3A_1154], %exp3A_1144 {strides = array<i32>} : memref<64x256xf32, #tpu.memory_space<vmem>>, vector<16xf32>,
      %swap3A_1156 = arith.constant 33 : i32
      %swap3A_1157 = arith.index_cast %swap3A_1156 : i32 to index
      %swap3A_1158 = arith.index_cast %add3A_599 : i32 to index
      %swap3A_1159 = tpu.vector_load %arg8[%swap3A_1157, %swap3A_1158] {strides = array<i32>} : memref<64x256xf32, #tpu.memory_space<vmem>>, vector<16xf32>,
      tpu.vector_store %arg8[%swap3A_1157, %swap3A_1158], %exp3A_1145 {strides = array<i32>} : memref<64x256xf32, #tpu.memory_space<vmem>>, vector<16xf32>,
      %swap3A_1160 = arith.constant 34 : i32
      %swap3A_1161 = arith.index_cast %swap3A_1160 : i32 to index
      %swap3A_1162 = arith.index_cast %add3A_599 : i32 to index
      %swap3A_1163 = tpu.vector_load %arg8[%swap3A_1161, %swap3A_1162] {strides = array<i32>} : memref<64x256xf32, #tpu.memory_space<vmem>>, vector<16xf32>,
      tpu.vector_store %arg8[%swap3A_1161, %swap3A_1162], %exp3A_1146 {strides = array<i32>} : memref<64x256xf32, #tpu.memory_space<vmem>>, vector<16xf32>,
      %swap3A_1164 = arith.constant 35 : i32
      %swap3A_1165 = arith.index_cast %swap3A_1164 : i32 to index
      %swap3A_1166 = arith.index_cast %add3A_599 : i32 to index
      %swap3A_1167 = tpu.vector_load %arg8[%swap3A_1165, %swap3A_1166] {strides = array<i32>} : memref<64x256xf32, #tpu.memory_space<vmem>>, vector<16xf32>,
      tpu.vector_store %arg8[%swap3A_1165, %swap3A_1166], %exp3A_1147 {strides = array<i32>} : memref<64x256xf32, #tpu.memory_space<vmem>>, vector<16xf32>,
      %swap3A_1168 = arith.constant 36 : i32
      %swap3A_1169 = arith.index_cast %swap3A_1168 : i32 to index
      %swap3A_1170 = arith.index_cast %add3A_599 : i32 to index
      %swap3A_1171 = tpu.vector_load %arg8[%swap3A_1169, %swap3A_1170] {strides = array<i32>} : memref<64x256xf32, #tpu.memory_space<vmem>>, vector<16xf32>,
      tpu.vector_store %arg8[%swap3A_1169, %swap3A_1170], %exp3A_1148 {strides = array<i32>} : memref<64x256xf32, #tpu.memory_space<vmem>>, vector<16xf32>,
      %swap3A_1172 = arith.constant 37 : i32
      %swap3A_1173 = arith.index_cast %swap3A_1172 : i32 to index
      %swap3A_1174 = arith.index_cast %add3A_599 : i32 to index
      %swap3A_1175 = tpu.vector_load %arg8[%swap3A_1173, %swap3A_1174] {strides = array<i32>} : memref<64x256xf32, #tpu.memory_space<vmem>>, vector<16xf32>,
      tpu.vector_store %arg8[%swap3A_1173, %swap3A_1174], %exp3A_1149 {strides = array<i32>} : memref<64x256xf32, #tpu.memory_space<vmem>>, vector<16xf32>,
      %swap3A_1176 = arith.constant 38 : i32
      %swap3A_1177 = arith.index_cast %swap3A_1176 : i32 to index
      %swap3A_1178 = arith.index_cast %add3A_599 : i32 to index
      %swap3A_1179 = tpu.vector_load %arg8[%swap3A_1177, %swap3A_1178] {strides = array<i32>} : memref<64x256xf32, #tpu.memory_space<vmem>>, vector<16xf32>,
      tpu.vector_store %arg8[%swap3A_1177, %swap3A_1178], %exp3A_1150 {strides = array<i32>} : memref<64x256xf32, #tpu.memory_space<vmem>>, vector<16xf32>,
      %swap3A_1180 = arith.constant 39 : i32
      %swap3A_1181 = arith.index_cast %swap3A_1180 : i32 to index
      %swap3A_1182 = arith.index_cast %add3A_599 : i32 to index
      %swap3A_1183 = tpu.vector_load %arg8[%swap3A_1181, %swap3A_1182] {strides = array<i32>} : memref<64x256xf32, #tpu.memory_space<vmem>>, vector<16xf32>,
      tpu.vector_store %arg8[%swap3A_1181, %swap3A_1182], %exp3A_1151 {strides = array<i32>} : memref<64x256xf32, #tpu.memory_space<vmem>>, vector<16xf32>,
      %add3A_1184 = arith.addf %exp3A_1144, %exp3A_1145 : vector<16xf32>
      %add3A_1185 = arith.addf %exp3A_1146, %exp3A_1147 : vector<16xf32>
      %add3A_1186 = arith.addf %add3A_1184, %add3A_1185 : vector<16xf32>
      %add3A_1187 = arith.addf %exp3A_1148, %exp3A_1149 : vector<16xf32>
      %add3A_1188 = arith.addf %exp3A_1150, %exp3A_1151 : vector<16xf32>
      %add3A_1189 = arith.addf %add3A_1187, %add3A_1188 : vector<16xf32>
      %add3A_1190 = arith.addf %add3A_1186, %add3A_1189 : vector<16xf32>
      %add3A_1191 = arith.addf %add3A_1071, %add3A_1190 : vector<16xf32>
      %get3A_1192 = arith.constant 40 : i32
      %get3A_1193 = arith.index_cast %get3A_1192 : i32 to index
      %get3A_1194 = arith.index_cast %mul3A_597 : i32 to index
      %get3A_1195 = tpu.vector_load %arg7[%get3A_1193, %get3A_1194] {strides = array<i32>} : memref<64x128xf32, #tpu.memory_space<vmem>>, vector<16xf32>,
      %get3A_1196 = arith.constant 41 : i32
      %get3A_1197 = arith.index_cast %get3A_1196 : i32 to index
      %get3A_1198 = arith.index_cast %mul3A_597 : i32 to index
      %get3A_1199 = tpu.vector_load %arg7[%get3A_1197, %get3A_1198] {strides = array<i32>} : memref<64x128xf32, #tpu.memory_space<vmem>>, vector<16xf32>,
      %get3A_1200 = arith.constant 42 : i32
      %get3A_1201 = arith.index_cast %get3A_1200 : i32 to index
      %get3A_1202 = arith.index_cast %mul3A_597 : i32 to index
      %get3A_1203 = tpu.vector_load %arg7[%get3A_1201, %get3A_1202] {strides = array<i32>} : memref<64x128xf32, #tpu.memory_space<vmem>>, vector<16xf32>,
      %get3A_1204 = arith.constant 43 : i32
      %get3A_1205 = arith.index_cast %get3A_1204 : i32 to index
      %get3A_1206 = arith.index_cast %mul3A_597 : i32 to index
      %get3A_1207 = tpu.vector_load %arg7[%get3A_1205, %get3A_1206] {strides = array<i32>} : memref<64x128xf32, #tpu.memory_space<vmem>>, vector<16xf32>,
      %get3A_1208 = arith.constant 44 : i32
      %get3A_1209 = arith.index_cast %get3A_1208 : i32 to index
      %get3A_1210 = arith.index_cast %mul3A_597 : i32 to index
      %get3A_1211 = tpu.vector_load %arg7[%get3A_1209, %get3A_1210] {strides = array<i32>} : memref<64x128xf32, #tpu.memory_space<vmem>>, vector<16xf32>,
      %get3A_1212 = arith.constant 45 : i32
      %get3A_1213 = arith.index_cast %get3A_1212 : i32 to index
      %get3A_1214 = arith.index_cast %mul3A_597 : i32 to index
      %get3A_1215 = tpu.vector_load %arg7[%get3A_1213, %get3A_1214] {strides = array<i32>} : memref<64x128xf32, #tpu.memory_space<vmem>>, vector<16xf32>,
      %get3A_1216 = arith.constant 46 : i32
      %get3A_1217 = arith.index_cast %get3A_1216 : i32 to index
      %get3A_1218 = arith.index_cast %mul3A_597 : i32 to index
      %get3A_1219 = tpu.vector_load %arg7[%get3A_1217, %get3A_1218] {strides = array<i32>} : memref<64x128xf32, #tpu.memory_space<vmem>>, vector<16xf32>,
      %get3A_1220 = arith.constant 47 : i32
      %get3A_1221 = arith.index_cast %get3A_1220 : i32 to index
      %get3A_1222 = arith.index_cast %mul3A_597 : i32 to index
      %get3A_1223 = tpu.vector_load %arg7[%get3A_1221, %get3A_1222] {strides = array<i32>} : memref<64x128xf32, #tpu.memory_space<vmem>>, vector<16xf32>,
      %broadcast_in_dim3A_1224 = arith.constant 40 : i32
      %broadcast_in_dim3A_1225 = vector.broadcast %broadcast_in_dim3A_1224 : i32 to vector<16xi32>
      %broadcast_in_dim3A_1226 = arith.constant 41 : i32
      %broadcast_in_dim3A_1227 = vector.broadcast %broadcast_in_dim3A_1226 : i32 to vector<16xi32>
      %broadcast_in_dim3A_1228 = arith.constant 42 : i32
      %broadcast_in_dim3A_1229 = vector.broadcast %broadcast_in_dim3A_1228 : i32 to vector<16xi32>
      %broadcast_in_dim3A_1230 = arith.constant 43 : i32
      %broadcast_in_dim3A_1231 = vector.broadcast %broadcast_in_dim3A_1230 : i32 to vector<16xi32>
      %broadcast_in_dim3A_1232 = arith.constant 44 : i32
      %broadcast_in_dim3A_1233 = vector.broadcast %broadcast_in_dim3A_1232 : i32 to vector<16xi32>
      %broadcast_in_dim3A_1234 = arith.constant 45 : i32
      %broadcast_in_dim3A_1235 = vector.broadcast %broadcast_in_dim3A_1234 : i32 to vector<16xi32>
      %broadcast_in_dim3A_1236 = arith.constant 46 : i32
      %broadcast_in_dim3A_1237 = vector.broadcast %broadcast_in_dim3A_1236 : i32 to vector<16xi32>
      %broadcast_in_dim3A_1238 = arith.constant 47 : i32
      %broadcast_in_dim3A_1239 = vector.broadcast %broadcast_in_dim3A_1238 : i32 to vector<16xi32>
      %gt3A_1240 = arith.cmpf ogt, %get3A_1199, %get3A_1195 : vector<16xf32>
      %select_n3A_1241 = arith.select %gt3A_1240, %get3A_1199, %get3A_1195 : vector<16xi1>, vector<16xf32>
      %select_n3A_1242 = arith.select %gt3A_1240, %broadcast_in_dim3A_1227, %broadcast_in_dim3A_1225 : vector<16xi1>, vector<16xi32>
      %gt3A_1243 = arith.cmpf ogt, %get3A_1207, %get3A_1203 : vector<16xf32>
      %select_n3A_1244 = arith.select %gt3A_1243, %get3A_1207, %get3A_1203 : vector<16xi1>, vector<16xf32>
      %select_n3A_1245 = arith.select %gt3A_1243, %broadcast_in_dim3A_1231, %broadcast_in_dim3A_1229 : vector<16xi1>, vector<16xi32>
      %gt3A_1246 = arith.cmpf ogt, %get3A_1215, %get3A_1211 : vector<16xf32>
      %select_n3A_1247 = arith.select %gt3A_1246, %get3A_1215, %get3A_1211 : vector<16xi1>, vector<16xf32>
      %select_n3A_1248 = arith.select %gt3A_1246, %broadcast_in_dim3A_1235, %broadcast_in_dim3A_1233 : vector<16xi1>, vector<16xi32>
      %gt3A_1249 = arith.cmpf ogt, %get3A_1223, %get3A_1219 : vector<16xf32>
      %select_n3A_1250 = arith.select %gt3A_1249, %get3A_1223, %get3A_1219 : vector<16xi1>, vector<16xf32>
      %select_n3A_1251 = arith.select %gt3A_1249, %broadcast_in_dim3A_1239, %broadcast_in_dim3A_1237 : vector<16xi1>, vector<16xi32>
      %gt3A_1252 = arith.cmpf ogt, %select_n3A_1244, %select_n3A_1241 : vector<16xf32>
      %select_n3A_1253 = arith.select %gt3A_1252, %select_n3A_1244, %select_n3A_1241 : vector<16xi1>, vector<16xf32>
      %select_n3A_1254 = arith.select %gt3A_1252, %select_n3A_1245, %select_n3A_1242 : vector<16xi1>, vector<16xi32>
      %gt3A_1255 = arith.cmpf ogt, %select_n3A_1250, %select_n3A_1247 : vector<16xf32>
      %select_n3A_1256 = arith.select %gt3A_1255, %select_n3A_1250, %select_n3A_1247 : vector<16xi1>, vector<16xf32>
      %select_n3A_1257 = arith.select %gt3A_1255, %select_n3A_1251, %select_n3A_1248 : vector<16xi1>, vector<16xi32>
      %gt3A_1258 = arith.cmpf ogt, %select_n3A_1256, %select_n3A_1253 : vector<16xf32>
      %select_n3A_1259 = arith.select %gt3A_1258, %select_n3A_1256, %select_n3A_1253 : vector<16xi1>, vector<16xf32>
      %select_n3A_1260 = arith.select %gt3A_1258, %select_n3A_1257, %select_n3A_1254 : vector<16xi1>, vector<16xi32>
      %gt3A_1261 = arith.cmpf ogt, %select_n3A_1259, %select_n3A_1142 : vector<16xf32>
      %select_n3A_1262 = arith.select %gt3A_1261, %select_n3A_1259, %select_n3A_1142 : vector<16xi1>, vector<16xf32>
      %select_n3A_1263 = arith.select %gt3A_1261, %select_n3A_1260, %select_n3A_1143 : vector<16xi1>, vector<16xi32>
      %exp3A_1264 = math.exp %get3A_1195 : vector<16xf32>
      %exp3A_1265 = math.exp %get3A_1199 : vector<16xf32>
      %exp3A_1266 = math.exp %get3A_1203 : vector<16xf32>
      %exp3A_1267 = math.exp %get3A_1207 : vector<16xf32>
      %exp3A_1268 = math.exp %get3A_1211 : vector<16xf32>
      %exp3A_1269 = math.exp %get3A_1215 : vector<16xf32>
      %exp3A_1270 = math.exp %get3A_1219 : vector<16xf32>
      %exp3A_1271 = math.exp %get3A_1223 : vector<16xf32>
      %swap3A_1272 = arith.constant 40 : i32
      %swap3A_1273 = arith.index_cast %swap3A_1272 : i32 to index
      %swap3A_1274 = arith.index_cast %add3A_599 : i32 to index
      %swap3A_1275 = tpu.vector_load %arg8[%swap3A_1273, %swap3A_1274] {strides = array<i32>} : memref<64x256xf32, #tpu.memory_space<vmem>>, vector<16xf32>,
      tpu.vector_store %arg8[%swap3A_1273, %swap3A_1274], %exp3A_1264 {strides = array<i32>} : memref<64x256xf32, #tpu.memory_space<vmem>>, vector<16xf32>,
      %swap3A_1276 = arith.constant 41 : i32
      %swap3A_1277 = arith.index_cast %swap3A_1276 : i32 to index
      %swap3A_1278 = arith.index_cast %add3A_599 : i32 to index
      %swap3A_1279 = tpu.vector_load %arg8[%swap3A_1277, %swap3A_1278] {strides = array<i32>} : memref<64x256xf32, #tpu.memory_space<vmem>>, vector<16xf32>,
      tpu.vector_store %arg8[%swap3A_1277, %swap3A_1278], %exp3A_1265 {strides = array<i32>} : memref<64x256xf32, #tpu.memory_space<vmem>>, vector<16xf32>,
      %swap3A_1280 = arith.constant 42 : i32
      %swap3A_1281 = arith.index_cast %swap3A_1280 : i32 to index
      %swap3A_1282 = arith.index_cast %add3A_599 : i32 to index
      %swap3A_1283 = tpu.vector_load %arg8[%swap3A_1281, %swap3A_1282] {strides = array<i32>} : memref<64x256xf32, #tpu.memory_space<vmem>>, vector<16xf32>,
      tpu.vector_store %arg8[%swap3A_1281, %swap3A_1282], %exp3A_1266 {strides = array<i32>} : memref<64x256xf32, #tpu.memory_space<vmem>>, vector<16xf32>,
      %swap3A_1284 = arith.constant 43 : i32
      %swap3A_1285 = arith.index_cast %swap3A_1284 : i32 to index
      %swap3A_1286 = arith.index_cast %add3A_599 : i32 to index
      %swap3A_1287 = tpu.vector_load %arg8[%swap3A_1285, %swap3A_1286] {strides = array<i32>} : memref<64x256xf32, #tpu.memory_space<vmem>>, vector<16xf32>,
      tpu.vector_store %arg8[%swap3A_1285, %swap3A_1286], %exp3A_1267 {strides = array<i32>} : memref<64x256xf32, #tpu.memory_space<vmem>>, vector<16xf32>,
      %swap3A_1288 = arith.constant 44 : i32
      %swap3A_1289 = arith.index_cast %swap3A_1288 : i32 to index
      %swap3A_1290 = arith.index_cast %add3A_599 : i32 to index
      %swap3A_1291 = tpu.vector_load %arg8[%swap3A_1289, %swap3A_1290] {strides = array<i32>} : memref<64x256xf32, #tpu.memory_space<vmem>>, vector<16xf32>,
      tpu.vector_store %arg8[%swap3A_1289, %swap3A_1290], %exp3A_1268 {strides = array<i32>} : memref<64x256xf32, #tpu.memory_space<vmem>>, vector<16xf32>,
      %swap3A_1292 = arith.constant 45 : i32
      %swap3A_1293 = arith.index_cast %swap3A_1292 : i32 to index
      %swap3A_1294 = arith.index_cast %add3A_599 : i32 to index
      %swap3A_1295 = tpu.vector_load %arg8[%swap3A_1293, %swap3A_1294] {strides = array<i32>} : memref<64x256xf32, #tpu.memory_space<vmem>>, vector<16xf32>,
      tpu.vector_store %arg8[%swap3A_1293, %swap3A_1294], %exp3A_1269 {strides = array<i32>} : memref<64x256xf32, #tpu.memory_space<vmem>>, vector<16xf32>,
      %swap3A_1296 = arith.constant 46 : i32
      %swap3A_1297 = arith.index_cast %swap3A_1296 : i32 to index
      %swap3A_1298 = arith.index_cast %add3A_599 : i32 to index
      %swap3A_1299 = tpu.vector_load %arg8[%swap3A_1297, %swap3A_1298] {strides = array<i32>} : memref<64x256xf32, #tpu.memory_space<vmem>>, vector<16xf32>,
      tpu.vector_store %arg8[%swap3A_1297, %swap3A_1298], %exp3A_1270 {strides = array<i32>} : memref<64x256xf32, #tpu.memory_space<vmem>>, vector<16xf32>,
      %swap3A_1300 = arith.constant 47 : i32
      %swap3A_1301 = arith.index_cast %swap3A_1300 : i32 to index
      %swap3A_1302 = arith.index_cast %add3A_599 : i32 to index
      %swap3A_1303 = tpu.vector_load %arg8[%swap3A_1301, %swap3A_1302] {strides = array<i32>} : memref<64x256xf32, #tpu.memory_space<vmem>>, vector<16xf32>,
      tpu.vector_store %arg8[%swap3A_1301, %swap3A_1302], %exp3A_1271 {strides = array<i32>} : memref<64x256xf32, #tpu.memory_space<vmem>>, vector<16xf32>,
      %add3A_1304 = arith.addf %exp3A_1264, %exp3A_1265 : vector<16xf32>
      %add3A_1305 = arith.addf %exp3A_1266, %exp3A_1267 : vector<16xf32>
      %add3A_1306 = arith.addf %add3A_1304, %add3A_1305 : vector<16xf32>
      %add3A_1307 = arith.addf %exp3A_1268, %exp3A_1269 : vector<16xf32>
      %add3A_1308 = arith.addf %exp3A_1270, %exp3A_1271 : vector<16xf32>
      %add3A_1309 = arith.addf %add3A_1307, %add3A_1308 : vector<16xf32>
      %add3A_1310 = arith.addf %add3A_1306, %add3A_1309 : vector<16xf32>
      %add3A_1311 = arith.addf %add3A_1191, %add3A_1310 : vector<16xf32>
      %get3A_1312 = arith.constant 48 : i32
      %get3A_1313 = arith.index_cast %get3A_1312 : i32 to index
      %get3A_1314 = arith.index_cast %mul3A_597 : i32 to index
      %get3A_1315 = tpu.vector_load %arg7[%get3A_1313, %get3A_1314] {strides = array<i32>} : memref<64x128xf32, #tpu.memory_space<vmem>>, vector<16xf32>,
      %get3A_1316 = arith.constant 49 : i32
      %get3A_1317 = arith.index_cast %get3A_1316 : i32 to index
      %get3A_1318 = arith.index_cast %mul3A_597 : i32 to index
      %get3A_1319 = tpu.vector_load %arg7[%get3A_1317, %get3A_1318] {strides = array<i32>} : memref<64x128xf32, #tpu.memory_space<vmem>>, vector<16xf32>,
      %get3A_1320 = arith.constant 50 : i32
      %get3A_1321 = arith.index_cast %get3A_1320 : i32 to index
      %get3A_1322 = arith.index_cast %mul3A_597 : i32 to index
      %get3A_1323 = tpu.vector_load %arg7[%get3A_1321, %get3A_1322] {strides = array<i32>} : memref<64x128xf32, #tpu.memory_space<vmem>>, vector<16xf32>,
      %get3A_1324 = arith.constant 51 : i32
      %get3A_1325 = arith.index_cast %get3A_1324 : i32 to index
      %get3A_1326 = arith.index_cast %mul3A_597 : i32 to index
      %get3A_1327 = tpu.vector_load %arg7[%get3A_1325, %get3A_1326] {strides = array<i32>} : memref<64x128xf32, #tpu.memory_space<vmem>>, vector<16xf32>,
      %get3A_1328 = arith.constant 52 : i32
      %get3A_1329 = arith.index_cast %get3A_1328 : i32 to index
      %get3A_1330 = arith.index_cast %mul3A_597 : i32 to index
      %get3A_1331 = tpu.vector_load %arg7[%get3A_1329, %get3A_1330] {strides = array<i32>} : memref<64x128xf32, #tpu.memory_space<vmem>>, vector<16xf32>,
      %get3A_1332 = arith.constant 53 : i32
      %get3A_1333 = arith.index_cast %get3A_1332 : i32 to index
      %get3A_1334 = arith.index_cast %mul3A_597 : i32 to index
      %get3A_1335 = tpu.vector_load %arg7[%get3A_1333, %get3A_1334] {strides = array<i32>} : memref<64x128xf32, #tpu.memory_space<vmem>>, vector<16xf32>,
      %get3A_1336 = arith.constant 54 : i32
      %get3A_1337 = arith.index_cast %get3A_1336 : i32 to index
      %get3A_1338 = arith.index_cast %mul3A_597 : i32 to index
      %get3A_1339 = tpu.vector_load %arg7[%get3A_1337, %get3A_1338] {strides = array<i32>} : memref<64x128xf32, #tpu.memory_space<vmem>>, vector<16xf32>,
      %get3A_1340 = arith.constant 55 : i32
      %get3A_1341 = arith.index_cast %get3A_1340 : i32 to index
      %get3A_1342 = arith.index_cast %mul3A_597 : i32 to index
      %get3A_1343 = tpu.vector_load %arg7[%get3A_1341, %get3A_1342] {strides = array<i32>} : memref<64x128xf32, #tpu.memory_space<vmem>>, vector<16xf32>,
      %broadcast_in_dim3A_1344 = arith.constant 48 : i32
      %broadcast_in_dim3A_1345 = vector.broadcast %broadcast_in_dim3A_1344 : i32 to vector<16xi32>
      %broadcast_in_dim3A_1346 = arith.constant 49 : i32
      %broadcast_in_dim3A_1347 = vector.broadcast %broadcast_in_dim3A_1346 : i32 to vector<16xi32>
      %broadcast_in_dim3A_1348 = arith.constant 50 : i32
      %broadcast_in_dim3A_1349 = vector.broadcast %broadcast_in_dim3A_1348 : i32 to vector<16xi32>
      %broadcast_in_dim3A_1350 = arith.constant 51 : i32
      %broadcast_in_dim3A_1351 = vector.broadcast %broadcast_in_dim3A_1350 : i32 to vector<16xi32>
      %broadcast_in_dim3A_1352 = arith.constant 52 : i32
      %broadcast_in_dim3A_1353 = vector.broadcast %broadcast_in_dim3A_1352 : i32 to vector<16xi32>
      %broadcast_in_dim3A_1354 = arith.constant 53 : i32
      %broadcast_in_dim3A_1355 = vector.broadcast %broadcast_in_dim3A_1354 : i32 to vector<16xi32>
      %broadcast_in_dim3A_1356 = arith.constant 54 : i32
      %broadcast_in_dim3A_1357 = vector.broadcast %broadcast_in_dim3A_1356 : i32 to vector<16xi32>
      %broadcast_in_dim3A_1358 = arith.constant 55 : i32
      %broadcast_in_dim3A_1359 = vector.broadcast %broadcast_in_dim3A_1358 : i32 to vector<16xi32>
      %gt3A_1360 = arith.cmpf ogt, %get3A_1319, %get3A_1315 : vector<16xf32>
      %select_n3A_1361 = arith.select %gt3A_1360, %get3A_1319, %get3A_1315 : vector<16xi1>, vector<16xf32>
      %select_n3A_1362 = arith.select %gt3A_1360, %broadcast_in_dim3A_1347, %broadcast_in_dim3A_1345 : vector<16xi1>, vector<16xi32>
      %gt3A_1363 = arith.cmpf ogt, %get3A_1327, %get3A_1323 : vector<16xf32>
      %select_n3A_1364 = arith.select %gt3A_1363, %get3A_1327, %get3A_1323 : vector<16xi1>, vector<16xf32>
      %select_n3A_1365 = arith.select %gt3A_1363, %broadcast_in_dim3A_1351, %broadcast_in_dim3A_1349 : vector<16xi1>, vector<16xi32>
      %gt3A_1366 = arith.cmpf ogt, %get3A_1335, %get3A_1331 : vector<16xf32>
      %select_n3A_1367 = arith.select %gt3A_1366, %get3A_1335, %get3A_1331 : vector<16xi1>, vector<16xf32>
      %select_n3A_1368 = arith.select %gt3A_1366, %broadcast_in_dim3A_1355, %broadcast_in_dim3A_1353 : vector<16xi1>, vector<16xi32>
      %gt3A_1369 = arith.cmpf ogt, %get3A_1343, %get3A_1339 : vector<16xf32>
      %select_n3A_1370 = arith.select %gt3A_1369, %get3A_1343, %get3A_1339 : vector<16xi1>, vector<16xf32>
      %select_n3A_1371 = arith.select %gt3A_1369, %broadcast_in_dim3A_1359, %broadcast_in_dim3A_1357 : vector<16xi1>, vector<16xi32>
      %gt3A_1372 = arith.cmpf ogt, %select_n3A_1364, %select_n3A_1361 : vector<16xf32>
      %select_n3A_1373 = arith.select %gt3A_1372, %select_n3A_1364, %select_n3A_1361 : vector<16xi1>, vector<16xf32>
      %select_n3A_1374 = arith.select %gt3A_1372, %select_n3A_1365, %select_n3A_1362 : vector<16xi1>, vector<16xi32>
      %gt3A_1375 = arith.cmpf ogt, %select_n3A_1370, %select_n3A_1367 : vector<16xf32>
      %select_n3A_1376 = arith.select %gt3A_1375, %select_n3A_1370, %select_n3A_1367 : vector<16xi1>, vector<16xf32>
      %select_n3A_1377 = arith.select %gt3A_1375, %select_n3A_1371, %select_n3A_1368 : vector<16xi1>, vector<16xi32>
      %gt3A_1378 = arith.cmpf ogt, %select_n3A_1376, %select_n3A_1373 : vector<16xf32>
      %select_n3A_1379 = arith.select %gt3A_1378, %select_n3A_1376, %select_n3A_1373 : vector<16xi1>, vector<16xf32>
      %select_n3A_1380 = arith.select %gt3A_1378, %select_n3A_1377, %select_n3A_1374 : vector<16xi1>, vector<16xi32>
      %gt3A_1381 = arith.cmpf ogt, %select_n3A_1379, %select_n3A_1262 : vector<16xf32>
      %select_n3A_1382 = arith.select %gt3A_1381, %select_n3A_1379, %select_n3A_1262 : vector<16xi1>, vector<16xf32>
      %select_n3A_1383 = arith.select %gt3A_1381, %select_n3A_1380, %select_n3A_1263 : vector<16xi1>, vector<16xi32>
      %exp3A_1384 = math.exp %get3A_1315 : vector<16xf32>
      %exp3A_1385 = math.exp %get3A_1319 : vector<16xf32>
      %exp3A_1386 = math.exp %get3A_1323 : vector<16xf32>
      %exp3A_1387 = math.exp %get3A_1327 : vector<16xf32>
      %exp3A_1388 = math.exp %get3A_1331 : vector<16xf32>
      %exp3A_1389 = math.exp %get3A_1335 : vector<16xf32>
      %exp3A_1390 = math.exp %get3A_1339 : vector<16xf32>
      %exp3A_1391 = math.exp %get3A_1343 : vector<16xf32>
      %swap3A_1392 = arith.constant 48 : i32
      %swap3A_1393 = arith.index_cast %swap3A_1392 : i32 to index
      %swap3A_1394 = arith.index_cast %add3A_599 : i32 to index
      %swap3A_1395 = tpu.vector_load %arg8[%swap3A_1393, %swap3A_1394] {strides = array<i32>} : memref<64x256xf32, #tpu.memory_space<vmem>>, vector<16xf32>,
      tpu.vector_store %arg8[%swap3A_1393, %swap3A_1394], %exp3A_1384 {strides = array<i32>} : memref<64x256xf32, #tpu.memory_space<vmem>>, vector<16xf32>,
      %swap3A_1396 = arith.constant 49 : i32
      %swap3A_1397 = arith.index_cast %swap3A_1396 : i32 to index
      %swap3A_1398 = arith.index_cast %add3A_599 : i32 to index
      %swap3A_1399 = tpu.vector_load %arg8[%swap3A_1397, %swap3A_1398] {strides = array<i32>} : memref<64x256xf32, #tpu.memory_space<vmem>>, vector<16xf32>,
      tpu.vector_store %arg8[%swap3A_1397, %swap3A_1398], %exp3A_1385 {strides = array<i32>} : memref<64x256xf32, #tpu.memory_space<vmem>>, vector<16xf32>,
      %swap3A_1400 = arith.constant 50 : i32
      %swap3A_1401 = arith.index_cast %swap3A_1400 : i32 to index
      %swap3A_1402 = arith.index_cast %add3A_599 : i32 to index
      %swap3A_1403 = tpu.vector_load %arg8[%swap3A_1401, %swap3A_1402] {strides = array<i32>} : memref<64x256xf32, #tpu.memory_space<vmem>>, vector<16xf32>,
      tpu.vector_store %arg8[%swap3A_1401, %swap3A_1402], %exp3A_1386 {strides = array<i32>} : memref<64x256xf32, #tpu.memory_space<vmem>>, vector<16xf32>,
      %swap3A_1404 = arith.constant 51 : i32
      %swap3A_1405 = arith.index_cast %swap3A_1404 : i32 to index
      %swap3A_1406 = arith.index_cast %add3A_599 : i32 to index
      %swap3A_1407 = tpu.vector_load %arg8[%swap3A_1405, %swap3A_1406] {strides = array<i32>} : memref<64x256xf32, #tpu.memory_space<vmem>>, vector<16xf32>,
      tpu.vector_store %arg8[%swap3A_1405, %swap3A_1406], %exp3A_1387 {strides = array<i32>} : memref<64x256xf32, #tpu.memory_space<vmem>>, vector<16xf32>,
      %swap3A_1408 = arith.constant 52 : i32
      %swap3A_1409 = arith.index_cast %swap3A_1408 : i32 to index
      %swap3A_1410 = arith.index_cast %add3A_599 : i32 to index
      %swap3A_1411 = tpu.vector_load %arg8[%swap3A_1409, %swap3A_1410] {strides = array<i32>} : memref<64x256xf32, #tpu.memory_space<vmem>>, vector<16xf32>,
      tpu.vector_store %arg8[%swap3A_1409, %swap3A_1410], %exp3A_1388 {strides = array<i32>} : memref<64x256xf32, #tpu.memory_space<vmem>>, vector<16xf32>,
      %swap3A_1412 = arith.constant 53 : i32
      %swap3A_1413 = arith.index_cast %swap3A_1412 : i32 to index
      %swap3A_1414 = arith.index_cast %add3A_599 : i32 to index
      %swap3A_1415 = tpu.vector_load %arg8[%swap3A_1413, %swap3A_1414] {strides = array<i32>} : memref<64x256xf32, #tpu.memory_space<vmem>>, vector<16xf32>,
      tpu.vector_store %arg8[%swap3A_1413, %swap3A_1414], %exp3A_1389 {strides = array<i32>} : memref<64x256xf32, #tpu.memory_space<vmem>>, vector<16xf32>,
      %swap3A_1416 = arith.constant 54 : i32
      %swap3A_1417 = arith.index_cast %swap3A_1416 : i32 to index
      %swap3A_1418 = arith.index_cast %add3A_599 : i32 to index
      %swap3A_1419 = tpu.vector_load %arg8[%swap3A_1417, %swap3A_1418] {strides = array<i32>} : memref<64x256xf32, #tpu.memory_space<vmem>>, vector<16xf32>,
      tpu.vector_store %arg8[%swap3A_1417, %swap3A_1418], %exp3A_1390 {strides = array<i32>} : memref<64x256xf32, #tpu.memory_space<vmem>>, vector<16xf32>,
      %swap3A_1420 = arith.constant 55 : i32
      %swap3A_1421 = arith.index_cast %swap3A_1420 : i32 to index
      %swap3A_1422 = arith.index_cast %add3A_599 : i32 to index
      %swap3A_1423 = tpu.vector_load %arg8[%swap3A_1421, %swap3A_1422] {strides = array<i32>} : memref<64x256xf32, #tpu.memory_space<vmem>>, vector<16xf32>,
      tpu.vector_store %arg8[%swap3A_1421, %swap3A_1422], %exp3A_1391 {strides = array<i32>} : memref<64x256xf32, #tpu.memory_space<vmem>>, vector<16xf32>,
      %add3A_1424 = arith.addf %exp3A_1384, %exp3A_1385 : vector<16xf32>
      %add3A_1425 = arith.addf %exp3A_1386, %exp3A_1387 : vector<16xf32>
      %add3A_1426 = arith.addf %add3A_1424, %add3A_1425 : vector<16xf32>
      %add3A_1427 = arith.addf %exp3A_1388, %exp3A_1389 : vector<16xf32>
      %add3A_1428 = arith.addf %exp3A_1390, %exp3A_1391 : vector<16xf32>
      %add3A_1429 = arith.addf %add3A_1427, %add3A_1428 : vector<16xf32>
      %add3A_1430 = arith.addf %add3A_1426, %add3A_1429 : vector<16xf32>
      %add3A_1431 = arith.addf %add3A_1311, %add3A_1430 : vector<16xf32>
      %get3A_1432 = arith.constant 56 : i32
      %get3A_1433 = arith.index_cast %get3A_1432 : i32 to index
      %get3A_1434 = arith.index_cast %mul3A_597 : i32 to index
      %get3A_1435 = tpu.vector_load %arg7[%get3A_1433, %get3A_1434] {strides = array<i32>} : memref<64x128xf32, #tpu.memory_space<vmem>>, vector<16xf32>,
      %get3A_1436 = arith.constant 57 : i32
      %get3A_1437 = arith.index_cast %get3A_1436 : i32 to index
      %get3A_1438 = arith.index_cast %mul3A_597 : i32 to index
      %get3A_1439 = tpu.vector_load %arg7[%get3A_1437, %get3A_1438] {strides = array<i32>} : memref<64x128xf32, #tpu.memory_space<vmem>>, vector<16xf32>,
      %get3A_1440 = arith.constant 58 : i32
      %get3A_1441 = arith.index_cast %get3A_1440 : i32 to index
      %get3A_1442 = arith.index_cast %mul3A_597 : i32 to index
      %get3A_1443 = tpu.vector_load %arg7[%get3A_1441, %get3A_1442] {strides = array<i32>} : memref<64x128xf32, #tpu.memory_space<vmem>>, vector<16xf32>,
      %get3A_1444 = arith.constant 59 : i32
      %get3A_1445 = arith.index_cast %get3A_1444 : i32 to index
      %get3A_1446 = arith.index_cast %mul3A_597 : i32 to index
      %get3A_1447 = tpu.vector_load %arg7[%get3A_1445, %get3A_1446] {strides = array<i32>} : memref<64x128xf32, #tpu.memory_space<vmem>>, vector<16xf32>,
      %get3A_1448 = arith.constant 60 : i32
      %get3A_1449 = arith.index_cast %get3A_1448 : i32 to index
      %get3A_1450 = arith.index_cast %mul3A_597 : i32 to index
      %get3A_1451 = tpu.vector_load %arg7[%get3A_1449, %get3A_1450] {strides = array<i32>} : memref<64x128xf32, #tpu.memory_space<vmem>>, vector<16xf32>,
      %get3A_1452 = arith.constant 61 : i32
      %get3A_1453 = arith.index_cast %get3A_1452 : i32 to index
      %get3A_1454 = arith.index_cast %mul3A_597 : i32 to index
      %get3A_1455 = tpu.vector_load %arg7[%get3A_1453, %get3A_1454] {strides = array<i32>} : memref<64x128xf32, #tpu.memory_space<vmem>>, vector<16xf32>,
      %get3A_1456 = arith.constant 62 : i32
      %get3A_1457 = arith.index_cast %get3A_1456 : i32 to index
      %get3A_1458 = arith.index_cast %mul3A_597 : i32 to index
      %get3A_1459 = tpu.vector_load %arg7[%get3A_1457, %get3A_1458] {strides = array<i32>} : memref<64x128xf32, #tpu.memory_space<vmem>>, vector<16xf32>,
      %get3A_1460 = arith.constant 63 : i32
      %get3A_1461 = arith.index_cast %get3A_1460 : i32 to index
      %get3A_1462 = arith.index_cast %mul3A_597 : i32 to index
      %get3A_1463 = tpu.vector_load %arg7[%get3A_1461, %get3A_1462] {strides = array<i32>} : memref<64x128xf32, #tpu.memory_space<vmem>>, vector<16xf32>,
      %broadcast_in_dim3A_1464 = arith.constant 56 : i32
      %broadcast_in_dim3A_1465 = vector.broadcast %broadcast_in_dim3A_1464 : i32 to vector<16xi32>
      %broadcast_in_dim3A_1466 = arith.constant 57 : i32
      %broadcast_in_dim3A_1467 = vector.broadcast %broadcast_in_dim3A_1466 : i32 to vector<16xi32>
      %broadcast_in_dim3A_1468 = arith.constant 58 : i32
      %broadcast_in_dim3A_1469 = vector.broadcast %broadcast_in_dim3A_1468 : i32 to vector<16xi32>
      %broadcast_in_dim3A_1470 = arith.constant 59 : i32
      %broadcast_in_dim3A_1471 = vector.broadcast %broadcast_in_dim3A_1470 : i32 to vector<16xi32>
      %broadcast_in_dim3A_1472 = arith.constant 60 : i32
      %broadcast_in_dim3A_1473 = vector.broadcast %broadcast_in_dim3A_1472 : i32 to vector<16xi32>
      %broadcast_in_dim3A_1474 = arith.constant 61 : i32
      %broadcast_in_dim3A_1475 = vector.broadcast %broadcast_in_dim3A_1474 : i32 to vector<16xi32>
      %broadcast_in_dim3A_1476 = arith.constant 62 : i32
      %broadcast_in_dim3A_1477 = vector.broadcast %broadcast_in_dim3A_1476 : i32 to vector<16xi32>
      %broadcast_in_dim3A_1478 = arith.constant 63 : i32
      %broadcast_in_dim3A_1479 = vector.broadcast %broadcast_in_dim3A_1478 : i32 to vector<16xi32>
      %gt3A_1480 = arith.cmpf ogt, %get3A_1439, %get3A_1435 : vector<16xf32>
      %select_n3A_1481 = arith.select %gt3A_1480, %get3A_1439, %get3A_1435 : vector<16xi1>, vector<16xf32>
      %select_n3A_1482 = arith.select %gt3A_1480, %broadcast_in_dim3A_1467, %broadcast_in_dim3A_1465 : vector<16xi1>, vector<16xi32>
      %gt3A_1483 = arith.cmpf ogt, %get3A_1447, %get3A_1443 : vector<16xf32>
      %select_n3A_1484 = arith.select %gt3A_1483, %get3A_1447, %get3A_1443 : vector<16xi1>, vector<16xf32>
      %select_n3A_1485 = arith.select %gt3A_1483, %broadcast_in_dim3A_1471, %broadcast_in_dim3A_1469 : vector<16xi1>, vector<16xi32>
      %gt3A_1486 = arith.cmpf ogt, %get3A_1455, %get3A_1451 : vector<16xf32>
      %select_n3A_1487 = arith.select %gt3A_1486, %get3A_1455, %get3A_1451 : vector<16xi1>, vector<16xf32>
      %select_n3A_1488 = arith.select %gt3A_1486, %broadcast_in_dim3A_1475, %broadcast_in_dim3A_1473 : vector<16xi1>, vector<16xi32>
      %gt3A_1489 = arith.cmpf ogt, %get3A_1463, %get3A_1459 : vector<16xf32>
      %select_n3A_1490 = arith.select %gt3A_1489, %get3A_1463, %get3A_1459 : vector<16xi1>, vector<16xf32>
      %select_n3A_1491 = arith.select %gt3A_1489, %broadcast_in_dim3A_1479, %broadcast_in_dim3A_1477 : vector<16xi1>, vector<16xi32>
      %gt3A_1492 = arith.cmpf ogt, %select_n3A_1484, %select_n3A_1481 : vector<16xf32>
      %select_n3A_1493 = arith.select %gt3A_1492, %select_n3A_1484, %select_n3A_1481 : vector<16xi1>, vector<16xf32>
      %select_n3A_1494 = arith.select %gt3A_1492, %select_n3A_1485, %select_n3A_1482 : vector<16xi1>, vector<16xi32>
      %gt3A_1495 = arith.cmpf ogt, %select_n3A_1490, %select_n3A_1487 : vector<16xf32>
      %select_n3A_1496 = arith.select %gt3A_1495, %select_n3A_1490, %select_n3A_1487 : vector<16xi1>, vector<16xf32>
      %select_n3A_1497 = arith.select %gt3A_1495, %select_n3A_1491, %select_n3A_1488 : vector<16xi1>, vector<16xi32>
      %gt3A_1498 = arith.cmpf ogt, %select_n3A_1496, %select_n3A_1493 : vector<16xf32>
      %select_n3A_1499 = arith.select %gt3A_1498, %select_n3A_1496, %select_n3A_1493 : vector<16xi1>, vector<16xf32>
      %select_n3A_1500 = arith.select %gt3A_1498, %select_n3A_1497, %select_n3A_1494 : vector<16xi1>, vector<16xi32>
      %gt3A_1501 = arith.cmpf ogt, %select_n3A_1499, %select_n3A_1382 : vector<16xf32>
      %select_n3A_1502 = arith.select %gt3A_1501, %select_n3A_1499, %select_n3A_1382 : vector<16xi1>, vector<16xf32>
      %select_n3A_1503 = arith.select %gt3A_1501, %select_n3A_1500, %select_n3A_1383 : vector<16xi1>, vector<16xi32>
      %exp3A_1504 = math.exp %get3A_1435 : vector<16xf32>
      %exp3A_1505 = math.exp %get3A_1439 : vector<16xf32>
      %exp3A_1506 = math.exp %get3A_1443 : vector<16xf32>
      %exp3A_1507 = math.exp %get3A_1447 : vector<16xf32>
      %exp3A_1508 = math.exp %get3A_1451 : vector<16xf32>
      %exp3A_1509 = math.exp %get3A_1455 : vector<16xf32>
      %exp3A_1510 = math.exp %get3A_1459 : vector<16xf32>
      %exp3A_1511 = math.exp %get3A_1463 : vector<16xf32>
      %swap3A_1512 = arith.constant 56 : i32
      %swap3A_1513 = arith.index_cast %swap3A_1512 : i32 to index
      %swap3A_1514 = arith.index_cast %add3A_599 : i32 to index
      %swap3A_1515 = tpu.vector_load %arg8[%swap3A_1513, %swap3A_1514] {strides = array<i32>} : memref<64x256xf32, #tpu.memory_space<vmem>>, vector<16xf32>,
      tpu.vector_store %arg8[%swap3A_1513, %swap3A_1514], %exp3A_1504 {strides = array<i32>} : memref<64x256xf32, #tpu.memory_space<vmem>>, vector<16xf32>,
      %swap3A_1516 = arith.constant 57 : i32
      %swap3A_1517 = arith.index_cast %swap3A_1516 : i32 to index
      %swap3A_1518 = arith.index_cast %add3A_599 : i32 to index
      %swap3A_1519 = tpu.vector_load %arg8[%swap3A_1517, %swap3A_1518] {strides = array<i32>} : memref<64x256xf32, #tpu.memory_space<vmem>>, vector<16xf32>,
      tpu.vector_store %arg8[%swap3A_1517, %swap3A_1518], %exp3A_1505 {strides = array<i32>} : memref<64x256xf32, #tpu.memory_space<vmem>>, vector<16xf32>,
      %swap3A_1520 = arith.constant 58 : i32
      %swap3A_1521 = arith.index_cast %swap3A_1520 : i32 to index
      %swap3A_1522 = arith.index_cast %add3A_599 : i32 to index
      %swap3A_1523 = tpu.vector_load %arg8[%swap3A_1521, %swap3A_1522] {strides = array<i32>} : memref<64x256xf32, #tpu.memory_space<vmem>>, vector<16xf32>,
      tpu.vector_store %arg8[%swap3A_1521, %swap3A_1522], %exp3A_1506 {strides = array<i32>} : memref<64x256xf32, #tpu.memory_space<vmem>>, vector<16xf32>,
      %swap3A_1524 = arith.constant 59 : i32
      %swap3A_1525 = arith.index_cast %swap3A_1524 : i32 to index
      %swap3A_1526 = arith.index_cast %add3A_599 : i32 to index
      %swap3A_1527 = tpu.vector_load %arg8[%swap3A_1525, %swap3A_1526] {strides = array<i32>} : memref<64x256xf32, #tpu.memory_space<vmem>>, vector<16xf32>,
      tpu.vector_store %arg8[%swap3A_1525, %swap3A_1526], %exp3A_1507 {strides = array<i32>} : memref<64x256xf32, #tpu.memory_space<vmem>>, vector<16xf32>,
      %swap3A_1528 = arith.constant 60 : i32
      %swap3A_1529 = arith.index_cast %swap3A_1528 : i32 to index
      %swap3A_1530 = arith.index_cast %add3A_599 : i32 to index
      %swap3A_1531 = tpu.vector_load %arg8[%swap3A_1529, %swap3A_1530] {strides = array<i32>} : memref<64x256xf32, #tpu.memory_space<vmem>>, vector<16xf32>,
      tpu.vector_store %arg8[%swap3A_1529, %swap3A_1530], %exp3A_1508 {strides = array<i32>} : memref<64x256xf32, #tpu.memory_space<vmem>>, vector<16xf32>,
      %swap3A_1532 = arith.constant 61 : i32
      %swap3A_1533 = arith.index_cast %swap3A_1532 : i32 to index
      %swap3A_1534 = arith.index_cast %add3A_599 : i32 to index
      %swap3A_1535 = tpu.vector_load %arg8[%swap3A_1533, %swap3A_1534] {strides = array<i32>} : memref<64x256xf32, #tpu.memory_space<vmem>>, vector<16xf32>,
      tpu.vector_store %arg8[%swap3A_1533, %swap3A_1534], %exp3A_1509 {strides = array<i32>} : memref<64x256xf32, #tpu.memory_space<vmem>>, vector<16xf32>,
      %swap3A_1536 = arith.constant 62 : i32
      %swap3A_1537 = arith.index_cast %swap3A_1536 : i32 to index
      %swap3A_1538 = arith.index_cast %add3A_599 : i32 to index
      %swap3A_1539 = tpu.vector_load %arg8[%swap3A_1537, %swap3A_1538] {strides = array<i32>} : memref<64x256xf32, #tpu.memory_space<vmem>>, vector<16xf32>,
      tpu.vector_store %arg8[%swap3A_1537, %swap3A_1538], %exp3A_1510 {strides = array<i32>} : memref<64x256xf32, #tpu.memory_space<vmem>>, vector<16xf32>,
      %swap3A_1540 = arith.constant 63 : i32
      %swap3A_1541 = arith.index_cast %swap3A_1540 : i32 to index
      %swap3A_1542 = arith.index_cast %add3A_599 : i32 to index
      %swap3A_1543 = tpu.vector_load %arg8[%swap3A_1541, %swap3A_1542] {strides = array<i32>} : memref<64x256xf32, #tpu.memory_space<vmem>>, vector<16xf32>,
      tpu.vector_store %arg8[%swap3A_1541, %swap3A_1542], %exp3A_1511 {strides = array<i32>} : memref<64x256xf32, #tpu.memory_space<vmem>>, vector<16xf32>,
      %add3A_1544 = arith.addf %exp3A_1504, %exp3A_1505 : vector<16xf32>
      %add3A_1545 = arith.addf %exp3A_1506, %exp3A_1507 : vector<16xf32>
      %add3A_1546 = arith.addf %add3A_1544, %add3A_1545 : vector<16xf32>
      %add3A_1547 = arith.addf %exp3A_1508, %exp3A_1509 : vector<16xf32>
      %add3A_1548 = arith.addf %exp3A_1510, %exp3A_1511 : vector<16xf32>
      %add3A_1549 = arith.addf %add3A_1547, %add3A_1548 : vector<16xf32>
      %add3A_1550 = arith.addf %add3A_1546, %add3A_1549 : vector<16xf32>
      %add3A_1551 = arith.addf %add3A_1431, %add3A_1550 : vector<16xf32>
      tpu.vector_store_idx %arg11[%select_n3A_1503, %iota3A], %broadcast_in_dim3A_5 {add = true} : memref<64x16xf32, #tpu.memory_space<vmem>>[vector<16xi32>, vector<16xi32>], vector<16xf32>,
      %bitcast_convert_type3A = tpu.bitcast %add3A_1551 : vector<16xf32> -> vector<16xi32>
      %shift_right_arithmetic3A = arith.constant 23 : i32
      %shift_right_arithmetic3A_1552 = vector.broadcast %shift_right_arithmetic3A : i32 to vector<16xi32>
      %shift_right_arithmetic3A_1553 = arith.shrsi %bitcast_convert_type3A, %shift_right_arithmetic3A_1552 : vector<16xi32>
      %sub3A = arith.constant 127 : i32
      %sub3A_1554 = vector.broadcast %sub3A : i32 to vector<16xi32>
      %sub3A_1555 = arith.subi %shift_right_arithmetic3A_1553, %sub3A_1554 : vector<16xi32>
      %and3A = arith.constant 8388607 : i32
      %and3A_1556 = vector.broadcast %and3A : i32 to vector<16xi32>
      %and3A_1557 = arith.andi %bitcast_convert_type3A, %and3A_1556 : vector<16xi32>
      %or3A = arith.constant 1065353216 : i32
      %or3A_1558 = vector.broadcast %or3A : i32 to vector<16xi32>
      %or3A_1559 = arith.ori %and3A_1557, %or3A_1558 : vector<16xi32>
      %bitcast_convert_type3A_1560 = tpu.bitcast %or3A_1559 : vector<16xi32> -> vector<16xf32>
      %sub3A_1561 = arith.constant 1.000000e+00 : f32
      %sub3A_1562 = vector.broadcast %sub3A_1561 : f32 to vector<16xf32>
      %sub3A_1563 = arith.subf %bitcast_convert_type3A_1560, %sub3A_1562 : vector<16xf32>
      %add3A_1564 = arith.constant 1.000000e+00 : f32
      %add3A_1565 = vector.broadcast %add3A_1564 : f32 to vector<16xf32>
      %add3A_1566 = arith.addf %bitcast_convert_type3A_1560, %add3A_1565 : vector<16xf32>
      %div3A = arith.divf %sub3A_1563, %add3A_1566 : vector<16xf32>
      %mul3A_1567 = arith.mulf %div3A, %div3A : vector<16xf32>
      %mul3A_1568 = arith.constant 2.000000e+00 : f32
      %mul3A_1569 = vector.broadcast %mul3A_1568 : f32 to vector<16xf32>
      %mul3A_1570 = arith.mulf %mul3A_1569, %div3A : vector<16xf32>
      %mul3A_1571 = arith.constant 0.111111112 : f32
      %mul3A_1572 = vector.broadcast %mul3A_1571 : f32 to vector<16xf32>
      %mul3A_1573 = arith.mulf %mul3A_1567, %mul3A_1572 : vector<16xf32>
      %add3A_1574 = arith.constant 0.142857149 : f32
      %add3A_1575 = vector.broadcast %add3A_1574 : f32 to vector<16xf32>
      %add3A_1576 = arith.addf %add3A_1575, %mul3A_1573 : vector<16xf32>
      %mul3A_1577 = arith.mulf %mul3A_1567, %add3A_1576 : vector<16xf32>
      %add3A_1578 = arith.constant 2.000000e-01 : f32
      %add3A_1579 = vector.broadcast %add3A_1578 : f32 to vector<16xf32>
      %add3A_1580 = arith.addf %add3A_1579, %mul3A_1577 : vector<16xf32>
      %mul3A_1581 = arith.mulf %mul3A_1567, %add3A_1580 : vector<16xf32>
      %add3A_1582 = arith.constant 0.333333343 : f32
      %add3A_1583 = vector.broadcast %add3A_1582 : f32 to vector<16xf32>
      %add3A_1584 = arith.addf %add3A_1583, %mul3A_1581 : vector<16xf32>
      %mul3A_1585 = arith.mulf %mul3A_1567, %add3A_1584 : vector<16xf32>
      %add3A_1586 = arith.constant 1.000000e+00 : f32
      %add3A_1587 = vector.broadcast %add3A_1586 : f32 to vector<16xf32>
      %add3A_1588 = arith.addf %add3A_1587, %mul3A_1585 : vector<16xf32>
      %mul3A_1589 = arith.mulf %mul3A_1570, %add3A_1588 : vector<16xf32>
      %convert_element_type3A = arith.sitofp %sub3A_1555 : vector<16xi32> to vector<16xf32>
      %mul3A_1590 = arith.constant 0.693147182 : f32
      %mul3A_1591 = vector.broadcast %mul3A_1590 : f32 to vector<16xf32>
      %mul3A_1592 = arith.mulf %convert_element_type3A, %mul3A_1591 : vector<16xf32>
      %add3A_1593 = arith.addf %mul3A_1592, %mul3A_1589 : vector<16xf32>
      %div3A_1594 = arith.constant 1.000000e+00 : f32
      %div3A_1595 = vector.broadcast %div3A_1594 : f32 to vector<16xf32>
      %div3A_1596 = arith.divf %div3A_1595, %add3A_1551 : vector<16xf32>
      %swap3A_1597 = arith.index_cast %add3A_599 : i32 to index
      %swap3A_1598 = tpu.vector_load %arg9[%swap3A_1597] {strides = array<i32>} : memref<256xf32, #tpu.memory_space<vmem>>, vector<16xf32>,
      tpu.vector_store %arg9[%swap3A_1597], %div3A_1596 {strides = array<i32>} : memref<256xf32, #tpu.memory_space<vmem>>, vector<16xf32>,
      %mul3A_1599 = arith.mulf %add3A_1593, %add3A_1593 : vector<16xf32>
      %add3A_1600 = arith.addf %scan3A_595, %mul3A_1599 : vector<16xf32>
      scf.yield %add3A_1600 : vector<16xf32>
    }
    %scan3A_287 = arith.constant 8 : i32
    %swap3A_288 = arith.constant 0 : index
    %swap3A_289 = tpu.vector_load %arg12[%swap3A_288] {strides = array<i32>} : memref<16xf32, #tpu.memory_space<vmem>>, vector<16xf32>,
    tpu.vector_store %arg12[%swap3A_288], %scan3A_286 {strides = array<i32>} : memref<16xf32, #tpu.memory_space<vmem>>, vector<16xf32>,
    %scan3A_290 = arith.constant 0 : i32
    %scan3A_291 = arith.constant 16 : i32
    %scan3A_292 = arith.addi %scan3A_290, %scan3A_291 : i32
    %scan3A_293 = arith.constant 1 : i32
    %scan3A_294:8 = scf.for %scan3A_594 = %scan3A_290 to %scan3A_292 step %scan3A_293 iter_args(%scan3A_595 = %broadcast_in_dim3A_3, %scan3A_596 = %broadcast_in_dim3A_3, %scan3A_597 = %broadcast_in_dim3A_3, %scan3A_598 = %broadcast_in_dim3A_3, %scan3A_599 = %broadcast_in_dim3A_3, %scan3A_600 = %broadcast_in_dim3A_3, %scan3A_601 = %broadcast_in_dim3A_3, %scan3A_602 = %broadcast_in_dim3A_3) -> (vector<16xf32>, vector<16xf32>, vector<16xf32>, vector<16xf32>, vector<16xf32>, vector<16xf32>, vector<16xf32>, vector<16xf32>)  : i32 {
      %mul3A_603 = arith.constant 16 : i32
      %mul3A_604 = arith.muli %scan3A_594, %mul3A_603 : i32
      %get3A = arith.index_cast %mul3A_604 : i32 to index
      %get3A_605 = tpu.vector_load %arg9[%get3A] {strides = array<i32>} : memref<256xf32, #tpu.memory_space<vmem>>, vector<16xf32>,
      %get3A_606 = arith.constant 0 : i32
      %get3A_607 = arith.index_cast %get3A_606 : i32 to index
      %get3A_608 = arith.index_cast %mul3A_604 : i32 to index
      %get3A_609 = tpu.vector_load %arg8[%get3A_607, %get3A_608] {strides = array<i32>} : memref<64x256xf32, #tpu.memory_space<vmem>>, vector<16xf32>,
      %mul3A_610 = arith.mulf %get3A_605, %get3A_609 : vector<16xf32>
      %add3A_611 = arith.addf %scan3A_595, %mul3A_610 : vector<16xf32>
      %get3A_612 = arith.constant 1 : i32
      %get3A_613 = arith.index_cast %get3A_612 : i32 to index
      %get3A_614 = arith.index_cast %mul3A_604 : i32 to index
      %get3A_615 = tpu.vector_load %arg8[%get3A_613, %get3A_614] {strides = array<i32>} : memref<64x256xf32, #tpu.memory_space<vmem>>, vector<16xf32>,
      %mul3A_616 = arith.mulf %get3A_605, %get3A_615 : vector<16xf32>
      %add3A_617 = arith.addf %scan3A_596, %mul3A_616 : vector<16xf32>
      %get3A_618 = arith.constant 2 : i32
      %get3A_619 = arith.index_cast %get3A_618 : i32 to index
      %get3A_620 = arith.index_cast %mul3A_604 : i32 to index
      %get3A_621 = tpu.vector_load %arg8[%get3A_619, %get3A_620] {strides = array<i32>} : memref<64x256xf32, #tpu.memory_space<vmem>>, vector<16xf32>,
      %mul3A_622 = arith.mulf %get3A_605, %get3A_621 : vector<16xf32>
      %add3A_623 = arith.addf %scan3A_597, %mul3A_622 : vector<16xf32>
      %get3A_624 = arith.constant 3 : i32
      %get3A_625 = arith.index_cast %get3A_624 : i32 to index
      %get3A_626 = arith.index_cast %mul3A_604 : i32 to index
      %get3A_627 = tpu.vector_load %arg8[%get3A_625, %get3A_626] {strides = array<i32>} : memref<64x256xf32, #tpu.memory_space<vmem>>, vector<16xf32>,
      %mul3A_628 = arith.mulf %get3A_605, %get3A_627 : vector<16xf32>
      %add3A_629 = arith.addf %scan3A_598, %mul3A_628 : vector<16xf32>
      %get3A_630 = arith.constant 4 : i32
      %get3A_631 = arith.index_cast %get3A_630 : i32 to index
      %get3A_632 = arith.index_cast %mul3A_604 : i32 to index
      %get3A_633 = tpu.vector_load %arg8[%get3A_631, %get3A_632] {strides = array<i32>} : memref<64x256xf32, #tpu.memory_space<vmem>>, vector<16xf32>,
      %mul3A_634 = arith.mulf %get3A_605, %get3A_633 : vector<16xf32>
      %add3A_635 = arith.addf %scan3A_599, %mul3A_634 : vector<16xf32>
      %get3A_636 = arith.constant 5 : i32
      %get3A_637 = arith.index_cast %get3A_636 : i32 to index
      %get3A_638 = arith.index_cast %mul3A_604 : i32 to index
      %get3A_639 = tpu.vector_load %arg8[%get3A_637, %get3A_638] {strides = array<i32>} : memref<64x256xf32, #tpu.memory_space<vmem>>, vector<16xf32>,
      %mul3A_640 = arith.mulf %get3A_605, %get3A_639 : vector<16xf32>
      %add3A_641 = arith.addf %scan3A_600, %mul3A_640 : vector<16xf32>
      %get3A_642 = arith.constant 6 : i32
      %get3A_643 = arith.index_cast %get3A_642 : i32 to index
      %get3A_644 = arith.index_cast %mul3A_604 : i32 to index
      %get3A_645 = tpu.vector_load %arg8[%get3A_643, %get3A_644] {strides = array<i32>} : memref<64x256xf32, #tpu.memory_space<vmem>>, vector<16xf32>,
      %mul3A_646 = arith.mulf %get3A_605, %get3A_645 : vector<16xf32>
      %add3A_647 = arith.addf %scan3A_601, %mul3A_646 : vector<16xf32>
      %get3A_648 = arith.constant 7 : i32
      %get3A_649 = arith.index_cast %get3A_648 : i32 to index
      %get3A_650 = arith.index_cast %mul3A_604 : i32 to index
      %get3A_651 = tpu.vector_load %arg8[%get3A_649, %get3A_650] {strides = array<i32>} : memref<64x256xf32, #tpu.memory_space<vmem>>, vector<16xf32>,
      %mul3A_652 = arith.mulf %get3A_605, %get3A_651 : vector<16xf32>
      %add3A_653 = arith.addf %scan3A_602, %mul3A_652 : vector<16xf32>
      scf.yield %add3A_611, %add3A_617, %add3A_623, %add3A_629, %add3A_635, %add3A_641, %add3A_647, %add3A_653 : vector<16xf32>, vector<16xf32>, vector<16xf32>, vector<16xf32>, vector<16xf32>, vector<16xf32>, vector<16xf32>, vector<16xf32>
    }
    %scan3A_295 = arith.constant 16 : i32
    %swap3A_296 = arith.constant 0 : i32
    %swap3A_297 = arith.index_cast %swap3A_296 : i32 to index
    %swap3A_298 = arith.constant 0 : index
    %swap3A_299 = tpu.vector_load %arg10[%swap3A_297, %swap3A_298] {strides = array<i32>} : memref<64x16xf32, #tpu.memory_space<vmem>>, vector<16xf32>,
    tpu.vector_store %arg10[%swap3A_297, %swap3A_298], %scan3A_294#0 {strides = array<i32>} : memref<64x16xf32, #tpu.memory_space<vmem>>, vector<16xf32>,
    %swap3A_300 = arith.constant 1 : i32
    %swap3A_301 = arith.index_cast %swap3A_300 : i32 to index
    %swap3A_302 = arith.constant 0 : index
    %swap3A_303 = tpu.vector_load %arg10[%swap3A_301, %swap3A_302] {strides = array<i32>} : memref<64x16xf32, #tpu.memory_space<vmem>>, vector<16xf32>,
    tpu.vector_store %arg10[%swap3A_301, %swap3A_302], %scan3A_294#1 {strides = array<i32>} : memref<64x16xf32, #tpu.memory_space<vmem>>, vector<16xf32>,
    %swap3A_304 = arith.constant 2 : i32
    %swap3A_305 = arith.index_cast %swap3A_304 : i32 to index
    %swap3A_306 = arith.constant 0 : index
    %swap3A_307 = tpu.vector_load %arg10[%swap3A_305, %swap3A_306] {strides = array<i32>} : memref<64x16xf32, #tpu.memory_space<vmem>>, vector<16xf32>,
    tpu.vector_store %arg10[%swap3A_305, %swap3A_306], %scan3A_294#2 {strides = array<i32>} : memref<64x16xf32, #tpu.memory_space<vmem>>, vector<16xf32>,
    %swap3A_308 = arith.constant 3 : i32
    %swap3A_309 = arith.index_cast %swap3A_308 : i32 to index
    %swap3A_310 = arith.constant 0 : index
    %swap3A_311 = tpu.vector_load %arg10[%swap3A_309, %swap3A_310] {strides = array<i32>} : memref<64x16xf32, #tpu.memory_space<vmem>>, vector<16xf32>,
    tpu.vector_store %arg10[%swap3A_309, %swap3A_310], %scan3A_294#3 {strides = array<i32>} : memref<64x16xf32, #tpu.memory_space<vmem>>, vector<16xf32>,
    %swap3A_312 = arith.constant 4 : i32
    %swap3A_313 = arith.index_cast %swap3A_312 : i32 to index
    %swap3A_314 = arith.constant 0 : index
    %swap3A_315 = tpu.vector_load %arg10[%swap3A_313, %swap3A_314] {strides = array<i32>} : memref<64x16xf32, #tpu.memory_space<vmem>>, vector<16xf32>,
    tpu.vector_store %arg10[%swap3A_313, %swap3A_314], %scan3A_294#4 {strides = array<i32>} : memref<64x16xf32, #tpu.memory_space<vmem>>, vector<16xf32>,
    %swap3A_316 = arith.constant 5 : i32
    %swap3A_317 = arith.index_cast %swap3A_316 : i32 to index
    %swap3A_318 = arith.constant 0 : index
    %swap3A_319 = tpu.vector_load %arg10[%swap3A_317, %swap3A_318] {strides = array<i32>} : memref<64x16xf32, #tpu.memory_space<vmem>>, vector<16xf32>,
    tpu.vector_store %arg10[%swap3A_317, %swap3A_318], %scan3A_294#5 {strides = array<i32>} : memref<64x16xf32, #tpu.memory_space<vmem>>, vector<16xf32>,
    %swap3A_320 = arith.constant 6 : i32
    %swap3A_321 = arith.index_cast %swap3A_320 : i32 to index
    %swap3A_322 = arith.constant 0 : index
    %swap3A_323 = tpu.vector_load %arg10[%swap3A_321, %swap3A_322] {strides = array<i32>} : memref<64x16xf32, #tpu.memory_space<vmem>>, vector<16xf32>,
    tpu.vector_store %arg10[%swap3A_321, %swap3A_322], %scan3A_294#6 {strides = array<i32>} : memref<64x16xf32, #tpu.memory_space<vmem>>, vector<16xf32>,
    %swap3A_324 = arith.constant 7 : i32
    %swap3A_325 = arith.index_cast %swap3A_324 : i32 to index
    %swap3A_326 = arith.constant 0 : index
    %swap3A_327 = tpu.vector_load %arg10[%swap3A_325, %swap3A_326] {strides = array<i32>} : memref<64x16xf32, #tpu.memory_space<vmem>>, vector<16xf32>,
    tpu.vector_store %arg10[%swap3A_325, %swap3A_326], %scan3A_294#7 {strides = array<i32>} : memref<64x16xf32, #tpu.memory_space<vmem>>, vector<16xf32>,
    %scan3A_328 = arith.constant 0 : i32
    %scan3A_329 = arith.constant 16 : i32
    %scan3A_330 = arith.addi %scan3A_328, %scan3A_329 : i32
    %scan3A_331 = arith.constant 1 : i32
    %scan3A_332:8 = scf.for %scan3A_594 = %scan3A_328 to %scan3A_330 step %scan3A_331 iter_args(%scan3A_595 = %broadcast_in_dim3A_3, %scan3A_596 = %broadcast_in_dim3A_3, %scan3A_597 = %broadcast_in_dim3A_3, %scan3A_598 = %broadcast_in_dim3A_3, %scan3A_599 = %broadcast_in_dim3A_3, %scan3A_600 = %broadcast_in_dim3A_3, %scan3A_601 = %broadcast_in_dim3A_3, %scan3A_602 = %broadcast_in_dim3A_3) -> (vector<16xf32>, vector<16xf32>, vector<16xf32>, vector<16xf32>, vector<16xf32>, vector<16xf32>, vector<16xf32>, vector<16xf32>)  : i32 {
      %mul3A_603 = arith.constant 16 : i32
      %mul3A_604 = arith.muli %scan3A_594, %mul3A_603 : i32
      %get3A = arith.index_cast %mul3A_604 : i32 to index
      %get3A_605 = tpu.vector_load %arg9[%get3A] {strides = array<i32>} : memref<256xf32, #tpu.memory_space<vmem>>, vector<16xf32>,
      %get3A_606 = arith.constant 8 : i32
      %get3A_607 = arith.index_cast %get3A_606 : i32 to index
      %get3A_608 = arith.index_cast %mul3A_604 : i32 to index
      %get3A_609 = tpu.vector_load %arg8[%get3A_607, %get3A_608] {strides = array<i32>} : memref<64x256xf32, #tpu.memory_space<vmem>>, vector<16xf32>,
      %mul3A_610 = arith.mulf %get3A_605, %get3A_609 : vector<16xf32>
      %add3A_611 = arith.addf %scan3A_595, %mul3A_610 : vector<16xf32>
      %get3A_612 = arith.constant 9 : i32
      %get3A_613 = arith.index_cast %get3A_612 : i32 to index
      %get3A_614 = arith.index_cast %mul3A_604 : i32 to index
      %get3A_615 = tpu.vector_load %arg8[%get3A_613, %get3A_614] {strides = array<i32>} : memref<64x256xf32, #tpu.memory_space<vmem>>, vector<16xf32>,
      %mul3A_616 = arith.mulf %get3A_605, %get3A_615 : vector<16xf32>
      %add3A_617 = arith.addf %scan3A_596, %mul3A_616 : vector<16xf32>
      %get3A_618 = arith.constant 10 : i32
      %get3A_619 = arith.index_cast %get3A_618 : i32 to index
      %get3A_620 = arith.index_cast %mul3A_604 : i32 to index
      %get3A_621 = tpu.vector_load %arg8[%get3A_619, %get3A_620] {strides = array<i32>} : memref<64x256xf32, #tpu.memory_space<vmem>>, vector<16xf32>,
      %mul3A_622 = arith.mulf %get3A_605, %get3A_621 : vector<16xf32>
      %add3A_623 = arith.addf %scan3A_597, %mul3A_622 : vector<16xf32>
      %get3A_624 = arith.constant 11 : i32
      %get3A_625 = arith.index_cast %get3A_624 : i32 to index
      %get3A_626 = arith.index_cast %mul3A_604 : i32 to index
      %get3A_627 = tpu.vector_load %arg8[%get3A_625, %get3A_626] {strides = array<i32>} : memref<64x256xf32, #tpu.memory_space<vmem>>, vector<16xf32>,
      %mul3A_628 = arith.mulf %get3A_605, %get3A_627 : vector<16xf32>
      %add3A_629 = arith.addf %scan3A_598, %mul3A_628 : vector<16xf32>
      %get3A_630 = arith.constant 12 : i32
      %get3A_631 = arith.index_cast %get3A_630 : i32 to index
      %get3A_632 = arith.index_cast %mul3A_604 : i32 to index
      %get3A_633 = tpu.vector_load %arg8[%get3A_631, %get3A_632] {strides = array<i32>} : memref<64x256xf32, #tpu.memory_space<vmem>>, vector<16xf32>,
      %mul3A_634 = arith.mulf %get3A_605, %get3A_633 : vector<16xf32>
      %add3A_635 = arith.addf %scan3A_599, %mul3A_634 : vector<16xf32>
      %get3A_636 = arith.constant 13 : i32
      %get3A_637 = arith.index_cast %get3A_636 : i32 to index
      %get3A_638 = arith.index_cast %mul3A_604 : i32 to index
      %get3A_639 = tpu.vector_load %arg8[%get3A_637, %get3A_638] {strides = array<i32>} : memref<64x256xf32, #tpu.memory_space<vmem>>, vector<16xf32>,
      %mul3A_640 = arith.mulf %get3A_605, %get3A_639 : vector<16xf32>
      %add3A_641 = arith.addf %scan3A_600, %mul3A_640 : vector<16xf32>
      %get3A_642 = arith.constant 14 : i32
      %get3A_643 = arith.index_cast %get3A_642 : i32 to index
      %get3A_644 = arith.index_cast %mul3A_604 : i32 to index
      %get3A_645 = tpu.vector_load %arg8[%get3A_643, %get3A_644] {strides = array<i32>} : memref<64x256xf32, #tpu.memory_space<vmem>>, vector<16xf32>,
      %mul3A_646 = arith.mulf %get3A_605, %get3A_645 : vector<16xf32>
      %add3A_647 = arith.addf %scan3A_601, %mul3A_646 : vector<16xf32>
      %get3A_648 = arith.constant 15 : i32
      %get3A_649 = arith.index_cast %get3A_648 : i32 to index
      %get3A_650 = arith.index_cast %mul3A_604 : i32 to index
      %get3A_651 = tpu.vector_load %arg8[%get3A_649, %get3A_650] {strides = array<i32>} : memref<64x256xf32, #tpu.memory_space<vmem>>, vector<16xf32>,
      %mul3A_652 = arith.mulf %get3A_605, %get3A_651 : vector<16xf32>
      %add3A_653 = arith.addf %scan3A_602, %mul3A_652 : vector<16xf32>
      scf.yield %add3A_611, %add3A_617, %add3A_623, %add3A_629, %add3A_635, %add3A_641, %add3A_647, %add3A_653 : vector<16xf32>, vector<16xf32>, vector<16xf32>, vector<16xf32>, vector<16xf32>, vector<16xf32>, vector<16xf32>, vector<16xf32>
    }
    %scan3A_333 = arith.constant 16 : i32
    %swap3A_334 = arith.constant 8 : i32
    %swap3A_335 = arith.index_cast %swap3A_334 : i32 to index
    %swap3A_336 = arith.constant 0 : index
    %swap3A_337 = tpu.vector_load %arg10[%swap3A_335, %swap3A_336] {strides = array<i32>} : memref<64x16xf32, #tpu.memory_space<vmem>>, vector<16xf32>,
    tpu.vector_store %arg10[%swap3A_335, %swap3A_336], %scan3A_332#0 {strides = array<i32>} : memref<64x16xf32, #tpu.memory_space<vmem>>, vector<16xf32>,
    %swap3A_338 = arith.constant 9 : i32
    %swap3A_339 = arith.index_cast %swap3A_338 : i32 to index
    %swap3A_340 = arith.constant 0 : index
    %swap3A_341 = tpu.vector_load %arg10[%swap3A_339, %swap3A_340] {strides = array<i32>} : memref<64x16xf32, #tpu.memory_space<vmem>>, vector<16xf32>,
    tpu.vector_store %arg10[%swap3A_339, %swap3A_340], %scan3A_332#1 {strides = array<i32>} : memref<64x16xf32, #tpu.memory_space<vmem>>, vector<16xf32>,
    %swap3A_342 = arith.constant 10 : i32
    %swap3A_343 = arith.index_cast %swap3A_342 : i32 to index
    %swap3A_344 = arith.constant 0 : index
    %swap3A_345 = tpu.vector_load %arg10[%swap3A_343, %swap3A_344] {strides = array<i32>} : memref<64x16xf32, #tpu.memory_space<vmem>>, vector<16xf32>,
    tpu.vector_store %arg10[%swap3A_343, %swap3A_344], %scan3A_332#2 {strides = array<i32>} : memref<64x16xf32, #tpu.memory_space<vmem>>, vector<16xf32>,
    %swap3A_346 = arith.constant 11 : i32
    %swap3A_347 = arith.index_cast %swap3A_346 : i32 to index
    %swap3A_348 = arith.constant 0 : index
    %swap3A_349 = tpu.vector_load %arg10[%swap3A_347, %swap3A_348] {strides = array<i32>} : memref<64x16xf32, #tpu.memory_space<vmem>>, vector<16xf32>,
    tpu.vector_store %arg10[%swap3A_347, %swap3A_348], %scan3A_332#3 {strides = array<i32>} : memref<64x16xf32, #tpu.memory_space<vmem>>, vector<16xf32>,
    %swap3A_350 = arith.constant 12 : i32
    %swap3A_351 = arith.index_cast %swap3A_350 : i32 to index
    %swap3A_352 = arith.constant 0 : index
    %swap3A_353 = tpu.vector_load %arg10[%swap3A_351, %swap3A_352] {strides = array<i32>} : memref<64x16xf32, #tpu.memory_space<vmem>>, vector<16xf32>,
    tpu.vector_store %arg10[%swap3A_351, %swap3A_352], %scan3A_332#4 {strides = array<i32>} : memref<64x16xf32, #tpu.memory_space<vmem>>, vector<16xf32>,
    %swap3A_354 = arith.constant 13 : i32
    %swap3A_355 = arith.index_cast %swap3A_354 : i32 to index
    %swap3A_356 = arith.constant 0 : index
    %swap3A_357 = tpu.vector_load %arg10[%swap3A_355, %swap3A_356] {strides = array<i32>} : memref<64x16xf32, #tpu.memory_space<vmem>>, vector<16xf32>,
    tpu.vector_store %arg10[%swap3A_355, %swap3A_356], %scan3A_332#5 {strides = array<i32>} : memref<64x16xf32, #tpu.memory_space<vmem>>, vector<16xf32>,
    %swap3A_358 = arith.constant 14 : i32
    %swap3A_359 = arith.index_cast %swap3A_358 : i32 to index
    %swap3A_360 = arith.constant 0 : index
    %swap3A_361 = tpu.vector_load %arg10[%swap3A_359, %swap3A_360] {strides = array<i32>} : memref<64x16xf32, #tpu.memory_space<vmem>>, vector<16xf32>,
    tpu.vector_store %arg10[%swap3A_359, %swap3A_360], %scan3A_332#6 {strides = array<i32>} : memref<64x16xf32, #tpu.memory_space<vmem>>, vector<16xf32>,
    %swap3A_362 = arith.constant 15 : i32
    %swap3A_363 = arith.index_cast %swap3A_362 : i32 to index
    %swap3A_364 = arith.constant 0 : index
    %swap3A_365 = tpu.vector_load %arg10[%swap3A_363, %swap3A_364] {strides = array<i32>} : memref<64x16xf32, #tpu.memory_space<vmem>>, vector<16xf32>,
    tpu.vector_store %arg10[%swap3A_363, %swap3A_364], %scan3A_332#7 {strides = array<i32>} : memref<64x16xf32, #tpu.memory_space<vmem>>, vector<16xf32>,
    %scan3A_366 = arith.constant 0 : i32
    %scan3A_367 = arith.constant 16 : i32
    %scan3A_368 = arith.addi %scan3A_366, %scan3A_367 : i32
    %scan3A_369 = arith.constant 1 : i32
    %scan3A_370:8 = scf.for %scan3A_594 = %scan3A_366 to %scan3A_368 step %scan3A_369 iter_args(%scan3A_595 = %broadcast_in_dim3A_3, %scan3A_596 = %broadcast_in_dim3A_3, %scan3A_597 = %broadcast_in_dim3A_3, %scan3A_598 = %broadcast_in_dim3A_3, %scan3A_599 = %broadcast_in_dim3A_3, %scan3A_600 = %broadcast_in_dim3A_3, %scan3A_601 = %broadcast_in_dim3A_3, %scan3A_602 = %broadcast_in_dim3A_3) -> (vector<16xf32>, vector<16xf32>, vector<16xf32>, vector<16xf32>, vector<16xf32>, vector<16xf32>, vector<16xf32>, vector<16xf32>)  : i32 {
      %mul3A_603 = arith.constant 16 : i32
      %mul3A_604 = arith.muli %scan3A_594, %mul3A_603 : i32
      %get3A = arith.index_cast %mul3A_604 : i32 to index
      %get3A_605 = tpu.vector_load %arg9[%get3A] {strides = array<i32>} : memref<256xf32, #tpu.memory_space<vmem>>, vector<16xf32>,
      %get3A_606 = arith.constant 16 : i32
      %get3A_607 = arith.index_cast %get3A_606 : i32 to index
      %get3A_608 = arith.index_cast %mul3A_604 : i32 to index
      %get3A_609 = tpu.vector_load %arg8[%get3A_607, %get3A_608] {strides = array<i32>} : memref<64x256xf32, #tpu.memory_space<vmem>>, vector<16xf32>,
      %mul3A_610 = arith.mulf %get3A_605, %get3A_609 : vector<16xf32>
      %add3A_611 = arith.addf %scan3A_595, %mul3A_610 : vector<16xf32>
      %get3A_612 = arith.constant 17 : i32
      %get3A_613 = arith.index_cast %get3A_612 : i32 to index
      %get3A_614 = arith.index_cast %mul3A_604 : i32 to index
      %get3A_615 = tpu.vector_load %arg8[%get3A_613, %get3A_614] {strides = array<i32>} : memref<64x256xf32, #tpu.memory_space<vmem>>, vector<16xf32>,
      %mul3A_616 = arith.mulf %get3A_605, %get3A_615 : vector<16xf32>
      %add3A_617 = arith.addf %scan3A_596, %mul3A_616 : vector<16xf32>
      %get3A_618 = arith.constant 18 : i32
      %get3A_619 = arith.index_cast %get3A_618 : i32 to index
      %get3A_620 = arith.index_cast %mul3A_604 : i32 to index
      %get3A_621 = tpu.vector_load %arg8[%get3A_619, %get3A_620] {strides = array<i32>} : memref<64x256xf32, #tpu.memory_space<vmem>>, vector<16xf32>,
      %mul3A_622 = arith.mulf %get3A_605, %get3A_621 : vector<16xf32>
      %add3A_623 = arith.addf %scan3A_597, %mul3A_622 : vector<16xf32>
      %get3A_624 = arith.constant 19 : i32
      %get3A_625 = arith.index_cast %get3A_624 : i32 to index
      %get3A_626 = arith.index_cast %mul3A_604 : i32 to index
      %get3A_627 = tpu.vector_load %arg8[%get3A_625, %get3A_626] {strides = array<i32>} : memref<64x256xf32, #tpu.memory_space<vmem>>, vector<16xf32>,
      %mul3A_628 = arith.mulf %get3A_605, %get3A_627 : vector<16xf32>
      %add3A_629 = arith.addf %scan3A_598, %mul3A_628 : vector<16xf32>
      %get3A_630 = arith.constant 20 : i32
      %get3A_631 = arith.index_cast %get3A_630 : i32 to index
      %get3A_632 = arith.index_cast %mul3A_604 : i32 to index
      %get3A_633 = tpu.vector_load %arg8[%get3A_631, %get3A_632] {strides = array<i32>} : memref<64x256xf32, #tpu.memory_space<vmem>>, vector<16xf32>,
      %mul3A_634 = arith.mulf %get3A_605, %get3A_633 : vector<16xf32>
      %add3A_635 = arith.addf %scan3A_599, %mul3A_634 : vector<16xf32>
      %get3A_636 = arith.constant 21 : i32
      %get3A_637 = arith.index_cast %get3A_636 : i32 to index
      %get3A_638 = arith.index_cast %mul3A_604 : i32 to index
      %get3A_639 = tpu.vector_load %arg8[%get3A_637, %get3A_638] {strides = array<i32>} : memref<64x256xf32, #tpu.memory_space<vmem>>, vector<16xf32>,
      %mul3A_640 = arith.mulf %get3A_605, %get3A_639 : vector<16xf32>
      %add3A_641 = arith.addf %scan3A_600, %mul3A_640 : vector<16xf32>
      %get3A_642 = arith.constant 22 : i32
      %get3A_643 = arith.index_cast %get3A_642 : i32 to index
      %get3A_644 = arith.index_cast %mul3A_604 : i32 to index
      %get3A_645 = tpu.vector_load %arg8[%get3A_643, %get3A_644] {strides = array<i32>} : memref<64x256xf32, #tpu.memory_space<vmem>>, vector<16xf32>,
      %mul3A_646 = arith.mulf %get3A_605, %get3A_645 : vector<16xf32>
      %add3A_647 = arith.addf %scan3A_601, %mul3A_646 : vector<16xf32>
      %get3A_648 = arith.constant 23 : i32
      %get3A_649 = arith.index_cast %get3A_648 : i32 to index
      %get3A_650 = arith.index_cast %mul3A_604 : i32 to index
      %get3A_651 = tpu.vector_load %arg8[%get3A_649, %get3A_650] {strides = array<i32>} : memref<64x256xf32, #tpu.memory_space<vmem>>, vector<16xf32>,
      %mul3A_652 = arith.mulf %get3A_605, %get3A_651 : vector<16xf32>
      %add3A_653 = arith.addf %scan3A_602, %mul3A_652 : vector<16xf32>
      scf.yield %add3A_611, %add3A_617, %add3A_623, %add3A_629, %add3A_635, %add3A_641, %add3A_647, %add3A_653 : vector<16xf32>, vector<16xf32>, vector<16xf32>, vector<16xf32>, vector<16xf32>, vector<16xf32>, vector<16xf32>, vector<16xf32>
    }
    %scan3A_371 = arith.constant 16 : i32
    %swap3A_372 = arith.constant 16 : i32
    %swap3A_373 = arith.index_cast %swap3A_372 : i32 to index
    %swap3A_374 = arith.constant 0 : index
    %swap3A_375 = tpu.vector_load %arg10[%swap3A_373, %swap3A_374] {strides = array<i32>} : memref<64x16xf32, #tpu.memory_space<vmem>>, vector<16xf32>,
    tpu.vector_store %arg10[%swap3A_373, %swap3A_374], %scan3A_370#0 {strides = array<i32>} : memref<64x16xf32, #tpu.memory_space<vmem>>, vector<16xf32>,
    %swap3A_376 = arith.constant 17 : i32
    %swap3A_377 = arith.index_cast %swap3A_376 : i32 to index
    %swap3A_378 = arith.constant 0 : index
    %swap3A_379 = tpu.vector_load %arg10[%swap3A_377, %swap3A_378] {strides = array<i32>} : memref<64x16xf32, #tpu.memory_space<vmem>>, vector<16xf32>,
    tpu.vector_store %arg10[%swap3A_377, %swap3A_378], %scan3A_370#1 {strides = array<i32>} : memref<64x16xf32, #tpu.memory_space<vmem>>, vector<16xf32>,
    %swap3A_380 = arith.constant 18 : i32
    %swap3A_381 = arith.index_cast %swap3A_380 : i32 to index
    %swap3A_382 = arith.constant 0 : index
    %swap3A_383 = tpu.vector_load %arg10[%swap3A_381, %swap3A_382] {strides = array<i32>} : memref<64x16xf32, #tpu.memory_space<vmem>>, vector<16xf32>,
    tpu.vector_store %arg10[%swap3A_381, %swap3A_382], %scan3A_370#2 {strides = array<i32>} : memref<64x16xf32, #tpu.memory_space<vmem>>, vector<16xf32>,
    %swap3A_384 = arith.constant 19 : i32
    %swap3A_385 = arith.index_cast %swap3A_384 : i32 to index
    %swap3A_386 = arith.constant 0 : index
    %swap3A_387 = tpu.vector_load %arg10[%swap3A_385, %swap3A_386] {strides = array<i32>} : memref<64x16xf32, #tpu.memory_space<vmem>>, vector<16xf32>,
    tpu.vector_store %arg10[%swap3A_385, %swap3A_386], %scan3A_370#3 {strides = array<i32>} : memref<64x16xf32, #tpu.memory_space<vmem>>, vector<16xf32>,
    %swap3A_388 = arith.constant 20 : i32
    %swap3A_389 = arith.index_cast %swap3A_388 : i32 to index
    %swap3A_390 = arith.constant 0 : index
    %swap3A_391 = tpu.vector_load %arg10[%swap3A_389, %swap3A_390] {strides = array<i32>} : memref<64x16xf32, #tpu.memory_space<vmem>>, vector<16xf32>,
    tpu.vector_store %arg10[%swap3A_389, %swap3A_390], %scan3A_370#4 {strides = array<i32>} : memref<64x16xf32, #tpu.memory_space<vmem>>, vector<16xf32>,
    %swap3A_392 = arith.constant 21 : i32
    %swap3A_393 = arith.index_cast %swap3A_392 : i32 to index
    %swap3A_394 = arith.constant 0 : index
    %swap3A_395 = tpu.vector_load %arg10[%swap3A_393, %swap3A_394] {strides = array<i32>} : memref<64x16xf32, #tpu.memory_space<vmem>>, vector<16xf32>,
    tpu.vector_store %arg10[%swap3A_393, %swap3A_394], %scan3A_370#5 {strides = array<i32>} : memref<64x16xf32, #tpu.memory_space<vmem>>, vector<16xf32>,
    %swap3A_396 = arith.constant 22 : i32
    %swap3A_397 = arith.index_cast %swap3A_396 : i32 to index
    %swap3A_398 = arith.constant 0 : index
    %swap3A_399 = tpu.vector_load %arg10[%swap3A_397, %swap3A_398] {strides = array<i32>} : memref<64x16xf32, #tpu.memory_space<vmem>>, vector<16xf32>,
    tpu.vector_store %arg10[%swap3A_397, %swap3A_398], %scan3A_370#6 {strides = array<i32>} : memref<64x16xf32, #tpu.memory_space<vmem>>, vector<16xf32>,
    %swap3A_400 = arith.constant 23 : i32
    %swap3A_401 = arith.index_cast %swap3A_400 : i32 to index
    %swap3A_402 = arith.constant 0 : index
    %swap3A_403 = tpu.vector_load %arg10[%swap3A_401, %swap3A_402] {strides = array<i32>} : memref<64x16xf32, #tpu.memory_space<vmem>>, vector<16xf32>,
    tpu.vector_store %arg10[%swap3A_401, %swap3A_402], %scan3A_370#7 {strides = array<i32>} : memref<64x16xf32, #tpu.memory_space<vmem>>, vector<16xf32>,
    %scan3A_404 = arith.constant 0 : i32
    %scan3A_405 = arith.constant 16 : i32
    %scan3A_406 = arith.addi %scan3A_404, %scan3A_405 : i32
    %scan3A_407 = arith.constant 1 : i32
    %scan3A_408:8 = scf.for %scan3A_594 = %scan3A_404 to %scan3A_406 step %scan3A_407 iter_args(%scan3A_595 = %broadcast_in_dim3A_3, %scan3A_596 = %broadcast_in_dim3A_3, %scan3A_597 = %broadcast_in_dim3A_3, %scan3A_598 = %broadcast_in_dim3A_3, %scan3A_599 = %broadcast_in_dim3A_3, %scan3A_600 = %broadcast_in_dim3A_3, %scan3A_601 = %broadcast_in_dim3A_3, %scan3A_602 = %broadcast_in_dim3A_3) -> (vector<16xf32>, vector<16xf32>, vector<16xf32>, vector<16xf32>, vector<16xf32>, vector<16xf32>, vector<16xf32>, vector<16xf32>)  : i32 {
      %mul3A_603 = arith.constant 16 : i32
      %mul3A_604 = arith.muli %scan3A_594, %mul3A_603 : i32
      %get3A = arith.index_cast %mul3A_604 : i32 to index
      %get3A_605 = tpu.vector_load %arg9[%get3A] {strides = array<i32>} : memref<256xf32, #tpu.memory_space<vmem>>, vector<16xf32>,
      %get3A_606 = arith.constant 24 : i32
      %get3A_607 = arith.index_cast %get3A_606 : i32 to index
      %get3A_608 = arith.index_cast %mul3A_604 : i32 to index
      %get3A_609 = tpu.vector_load %arg8[%get3A_607, %get3A_608] {strides = array<i32>} : memref<64x256xf32, #tpu.memory_space<vmem>>, vector<16xf32>,
      %mul3A_610 = arith.mulf %get3A_605, %get3A_609 : vector<16xf32>
      %add3A_611 = arith.addf %scan3A_595, %mul3A_610 : vector<16xf32>
      %get3A_612 = arith.constant 25 : i32
      %get3A_613 = arith.index_cast %get3A_612 : i32 to index
      %get3A_614 = arith.index_cast %mul3A_604 : i32 to index
      %get3A_615 = tpu.vector_load %arg8[%get3A_613, %get3A_614] {strides = array<i32>} : memref<64x256xf32, #tpu.memory_space<vmem>>, vector<16xf32>,
      %mul3A_616 = arith.mulf %get3A_605, %get3A_615 : vector<16xf32>
      %add3A_617 = arith.addf %scan3A_596, %mul3A_616 : vector<16xf32>
      %get3A_618 = arith.constant 26 : i32
      %get3A_619 = arith.index_cast %get3A_618 : i32 to index
      %get3A_620 = arith.index_cast %mul3A_604 : i32 to index
      %get3A_621 = tpu.vector_load %arg8[%get3A_619, %get3A_620] {strides = array<i32>} : memref<64x256xf32, #tpu.memory_space<vmem>>, vector<16xf32>,
      %mul3A_622 = arith.mulf %get3A_605, %get3A_621 : vector<16xf32>
      %add3A_623 = arith.addf %scan3A_597, %mul3A_622 : vector<16xf32>
      %get3A_624 = arith.constant 27 : i32
      %get3A_625 = arith.index_cast %get3A_624 : i32 to index
      %get3A_626 = arith.index_cast %mul3A_604 : i32 to index
      %get3A_627 = tpu.vector_load %arg8[%get3A_625, %get3A_626] {strides = array<i32>} : memref<64x256xf32, #tpu.memory_space<vmem>>, vector<16xf32>,
      %mul3A_628 = arith.mulf %get3A_605, %get3A_627 : vector<16xf32>
      %add3A_629 = arith.addf %scan3A_598, %mul3A_628 : vector<16xf32>
      %get3A_630 = arith.constant 28 : i32
      %get3A_631 = arith.index_cast %get3A_630 : i32 to index
      %get3A_632 = arith.index_cast %mul3A_604 : i32 to index
      %get3A_633 = tpu.vector_load %arg8[%get3A_631, %get3A_632] {strides = array<i32>} : memref<64x256xf32, #tpu.memory_space<vmem>>, vector<16xf32>,
      %mul3A_634 = arith.mulf %get3A_605, %get3A_633 : vector<16xf32>
      %add3A_635 = arith.addf %scan3A_599, %mul3A_634 : vector<16xf32>
      %get3A_636 = arith.constant 29 : i32
      %get3A_637 = arith.index_cast %get3A_636 : i32 to index
      %get3A_638 = arith.index_cast %mul3A_604 : i32 to index
      %get3A_639 = tpu.vector_load %arg8[%get3A_637, %get3A_638] {strides = array<i32>} : memref<64x256xf32, #tpu.memory_space<vmem>>, vector<16xf32>,
      %mul3A_640 = arith.mulf %get3A_605, %get3A_639 : vector<16xf32>
      %add3A_641 = arith.addf %scan3A_600, %mul3A_640 : vector<16xf32>
      %get3A_642 = arith.constant 30 : i32
      %get3A_643 = arith.index_cast %get3A_642 : i32 to index
      %get3A_644 = arith.index_cast %mul3A_604 : i32 to index
      %get3A_645 = tpu.vector_load %arg8[%get3A_643, %get3A_644] {strides = array<i32>} : memref<64x256xf32, #tpu.memory_space<vmem>>, vector<16xf32>,
      %mul3A_646 = arith.mulf %get3A_605, %get3A_645 : vector<16xf32>
      %add3A_647 = arith.addf %scan3A_601, %mul3A_646 : vector<16xf32>
      %get3A_648 = arith.constant 31 : i32
      %get3A_649 = arith.index_cast %get3A_648 : i32 to index
      %get3A_650 = arith.index_cast %mul3A_604 : i32 to index
      %get3A_651 = tpu.vector_load %arg8[%get3A_649, %get3A_650] {strides = array<i32>} : memref<64x256xf32, #tpu.memory_space<vmem>>, vector<16xf32>,
      %mul3A_652 = arith.mulf %get3A_605, %get3A_651 : vector<16xf32>
      %add3A_653 = arith.addf %scan3A_602, %mul3A_652 : vector<16xf32>
      scf.yield %add3A_611, %add3A_617, %add3A_623, %add3A_629, %add3A_635, %add3A_641, %add3A_647, %add3A_653 : vector<16xf32>, vector<16xf32>, vector<16xf32>, vector<16xf32>, vector<16xf32>, vector<16xf32>, vector<16xf32>, vector<16xf32>
    }
    %scan3A_409 = arith.constant 16 : i32
    %swap3A_410 = arith.constant 24 : i32
    %swap3A_411 = arith.index_cast %swap3A_410 : i32 to index
    %swap3A_412 = arith.constant 0 : index
    %swap3A_413 = tpu.vector_load %arg10[%swap3A_411, %swap3A_412] {strides = array<i32>} : memref<64x16xf32, #tpu.memory_space<vmem>>, vector<16xf32>,
    tpu.vector_store %arg10[%swap3A_411, %swap3A_412], %scan3A_408#0 {strides = array<i32>} : memref<64x16xf32, #tpu.memory_space<vmem>>, vector<16xf32>,
    %swap3A_414 = arith.constant 25 : i32
    %swap3A_415 = arith.index_cast %swap3A_414 : i32 to index
    %swap3A_416 = arith.constant 0 : index
    %swap3A_417 = tpu.vector_load %arg10[%swap3A_415, %swap3A_416] {strides = array<i32>} : memref<64x16xf32, #tpu.memory_space<vmem>>, vector<16xf32>,
    tpu.vector_store %arg10[%swap3A_415, %swap3A_416], %scan3A_408#1 {strides = array<i32>} : memref<64x16xf32, #tpu.memory_space<vmem>>, vector<16xf32>,
    %swap3A_418 = arith.constant 26 : i32
    %swap3A_419 = arith.index_cast %swap3A_418 : i32 to index
    %swap3A_420 = arith.constant 0 : index
    %swap3A_421 = tpu.vector_load %arg10[%swap3A_419, %swap3A_420] {strides = array<i32>} : memref<64x16xf32, #tpu.memory_space<vmem>>, vector<16xf32>,
    tpu.vector_store %arg10[%swap3A_419, %swap3A_420], %scan3A_408#2 {strides = array<i32>} : memref<64x16xf32, #tpu.memory_space<vmem>>, vector<16xf32>,
    %swap3A_422 = arith.constant 27 : i32
    %swap3A_423 = arith.index_cast %swap3A_422 : i32 to index
    %swap3A_424 = arith.constant 0 : index
    %swap3A_425 = tpu.vector_load %arg10[%swap3A_423, %swap3A_424] {strides = array<i32>} : memref<64x16xf32, #tpu.memory_space<vmem>>, vector<16xf32>,
    tpu.vector_store %arg10[%swap3A_423, %swap3A_424], %scan3A_408#3 {strides = array<i32>} : memref<64x16xf32, #tpu.memory_space<vmem>>, vector<16xf32>,
    %swap3A_426 = arith.constant 28 : i32
    %swap3A_427 = arith.index_cast %swap3A_426 : i32 to index
    %swap3A_428 = arith.constant 0 : index
    %swap3A_429 = tpu.vector_load %arg10[%swap3A_427, %swap3A_428] {strides = array<i32>} : memref<64x16xf32, #tpu.memory_space<vmem>>, vector<16xf32>,
    tpu.vector_store %arg10[%swap3A_427, %swap3A_428], %scan3A_408#4 {strides = array<i32>} : memref<64x16xf32, #tpu.memory_space<vmem>>, vector<16xf32>,
    %swap3A_430 = arith.constant 29 : i32
    %swap3A_431 = arith.index_cast %swap3A_430 : i32 to index
    %swap3A_432 = arith.constant 0 : index
    %swap3A_433 = tpu.vector_load %arg10[%swap3A_431, %swap3A_432] {strides = array<i32>} : memref<64x16xf32, #tpu.memory_space<vmem>>, vector<16xf32>,
    tpu.vector_store %arg10[%swap3A_431, %swap3A_432], %scan3A_408#5 {strides = array<i32>} : memref<64x16xf32, #tpu.memory_space<vmem>>, vector<16xf32>,
    %swap3A_434 = arith.constant 30 : i32
    %swap3A_435 = arith.index_cast %swap3A_434 : i32 to index
    %swap3A_436 = arith.constant 0 : index
    %swap3A_437 = tpu.vector_load %arg10[%swap3A_435, %swap3A_436] {strides = array<i32>} : memref<64x16xf32, #tpu.memory_space<vmem>>, vector<16xf32>,
    tpu.vector_store %arg10[%swap3A_435, %swap3A_436], %scan3A_408#6 {strides = array<i32>} : memref<64x16xf32, #tpu.memory_space<vmem>>, vector<16xf32>,
    %swap3A_438 = arith.constant 31 : i32
    %swap3A_439 = arith.index_cast %swap3A_438 : i32 to index
    %swap3A_440 = arith.constant 0 : index
    %swap3A_441 = tpu.vector_load %arg10[%swap3A_439, %swap3A_440] {strides = array<i32>} : memref<64x16xf32, #tpu.memory_space<vmem>>, vector<16xf32>,
    tpu.vector_store %arg10[%swap3A_439, %swap3A_440], %scan3A_408#7 {strides = array<i32>} : memref<64x16xf32, #tpu.memory_space<vmem>>, vector<16xf32>,
    %scan3A_442 = arith.constant 0 : i32
    %scan3A_443 = arith.constant 16 : i32
    %scan3A_444 = arith.addi %scan3A_442, %scan3A_443 : i32
    %scan3A_445 = arith.constant 1 : i32
    %scan3A_446:8 = scf.for %scan3A_594 = %scan3A_442 to %scan3A_444 step %scan3A_445 iter_args(%scan3A_595 = %broadcast_in_dim3A_3, %scan3A_596 = %broadcast_in_dim3A_3, %scan3A_597 = %broadcast_in_dim3A_3, %scan3A_598 = %broadcast_in_dim3A_3, %scan3A_599 = %broadcast_in_dim3A_3, %scan3A_600 = %broadcast_in_dim3A_3, %scan3A_601 = %broadcast_in_dim3A_3, %scan3A_602 = %broadcast_in_dim3A_3) -> (vector<16xf32>, vector<16xf32>, vector<16xf32>, vector<16xf32>, vector<16xf32>, vector<16xf32>, vector<16xf32>, vector<16xf32>)  : i32 {
      %mul3A_603 = arith.constant 16 : i32
      %mul3A_604 = arith.muli %scan3A_594, %mul3A_603 : i32
      %get3A = arith.index_cast %mul3A_604 : i32 to index
      %get3A_605 = tpu.vector_load %arg9[%get3A] {strides = array<i32>} : memref<256xf32, #tpu.memory_space<vmem>>, vector<16xf32>,
      %get3A_606 = arith.constant 32 : i32
      %get3A_607 = arith.index_cast %get3A_606 : i32 to index
      %get3A_608 = arith.index_cast %mul3A_604 : i32 to index
      %get3A_609 = tpu.vector_load %arg8[%get3A_607, %get3A_608] {strides = array<i32>} : memref<64x256xf32, #tpu.memory_space<vmem>>, vector<16xf32>,
      %mul3A_610 = arith.mulf %get3A_605, %get3A_609 : vector<16xf32>
      %add3A_611 = arith.addf %scan3A_595, %mul3A_610 : vector<16xf32>
      %get3A_612 = arith.constant 33 : i32
      %get3A_613 = arith.index_cast %get3A_612 : i32 to index
      %get3A_614 = arith.index_cast %mul3A_604 : i32 to index
      %get3A_615 = tpu.vector_load %arg8[%get3A_613, %get3A_614] {strides = array<i32>} : memref<64x256xf32, #tpu.memory_space<vmem>>, vector<16xf32>,
      %mul3A_616 = arith.mulf %get3A_605, %get3A_615 : vector<16xf32>
      %add3A_617 = arith.addf %scan3A_596, %mul3A_616 : vector<16xf32>
      %get3A_618 = arith.constant 34 : i32
      %get3A_619 = arith.index_cast %get3A_618 : i32 to index
      %get3A_620 = arith.index_cast %mul3A_604 : i32 to index
      %get3A_621 = tpu.vector_load %arg8[%get3A_619, %get3A_620] {strides = array<i32>} : memref<64x256xf32, #tpu.memory_space<vmem>>, vector<16xf32>,
      %mul3A_622 = arith.mulf %get3A_605, %get3A_621 : vector<16xf32>
      %add3A_623 = arith.addf %scan3A_597, %mul3A_622 : vector<16xf32>
      %get3A_624 = arith.constant 35 : i32
      %get3A_625 = arith.index_cast %get3A_624 : i32 to index
      %get3A_626 = arith.index_cast %mul3A_604 : i32 to index
      %get3A_627 = tpu.vector_load %arg8[%get3A_625, %get3A_626] {strides = array<i32>} : memref<64x256xf32, #tpu.memory_space<vmem>>, vector<16xf32>,
      %mul3A_628 = arith.mulf %get3A_605, %get3A_627 : vector<16xf32>
      %add3A_629 = arith.addf %scan3A_598, %mul3A_628 : vector<16xf32>
      %get3A_630 = arith.constant 36 : i32
      %get3A_631 = arith.index_cast %get3A_630 : i32 to index
      %get3A_632 = arith.index_cast %mul3A_604 : i32 to index
      %get3A_633 = tpu.vector_load %arg8[%get3A_631, %get3A_632] {strides = array<i32>} : memref<64x256xf32, #tpu.memory_space<vmem>>, vector<16xf32>,
      %mul3A_634 = arith.mulf %get3A_605, %get3A_633 : vector<16xf32>
      %add3A_635 = arith.addf %scan3A_599, %mul3A_634 : vector<16xf32>
      %get3A_636 = arith.constant 37 : i32
      %get3A_637 = arith.index_cast %get3A_636 : i32 to index
      %get3A_638 = arith.index_cast %mul3A_604 : i32 to index
      %get3A_639 = tpu.vector_load %arg8[%get3A_637, %get3A_638] {strides = array<i32>} : memref<64x256xf32, #tpu.memory_space<vmem>>, vector<16xf32>,
      %mul3A_640 = arith.mulf %get3A_605, %get3A_639 : vector<16xf32>
      %add3A_641 = arith.addf %scan3A_600, %mul3A_640 : vector<16xf32>
      %get3A_642 = arith.constant 38 : i32
      %get3A_643 = arith.index_cast %get3A_642 : i32 to index
      %get3A_644 = arith.index_cast %mul3A_604 : i32 to index
      %get3A_645 = tpu.vector_load %arg8[%get3A_643, %get3A_644] {strides = array<i32>} : memref<64x256xf32, #tpu.memory_space<vmem>>, vector<16xf32>,
      %mul3A_646 = arith.mulf %get3A_605, %get3A_645 : vector<16xf32>
      %add3A_647 = arith.addf %scan3A_601, %mul3A_646 : vector<16xf32>
      %get3A_648 = arith.constant 39 : i32
      %get3A_649 = arith.index_cast %get3A_648 : i32 to index
      %get3A_650 = arith.index_cast %mul3A_604 : i32 to index
      %get3A_651 = tpu.vector_load %arg8[%get3A_649, %get3A_650] {strides = array<i32>} : memref<64x256xf32, #tpu.memory_space<vmem>>, vector<16xf32>,
      %mul3A_652 = arith.mulf %get3A_605, %get3A_651 : vector<16xf32>
      %add3A_653 = arith.addf %scan3A_602, %mul3A_652 : vector<16xf32>
      scf.yield %add3A_611, %add3A_617, %add3A_623, %add3A_629, %add3A_635, %add3A_641, %add3A_647, %add3A_653 : vector<16xf32>, vector<16xf32>, vector<16xf32>, vector<16xf32>, vector<16xf32>, vector<16xf32>, vector<16xf32>, vector<16xf32>
    }
    %scan3A_447 = arith.constant 16 : i32
    %swap3A_448 = arith.constant 32 : i32
    %swap3A_449 = arith.index_cast %swap3A_448 : i32 to index
    %swap3A_450 = arith.constant 0 : index
    %swap3A_451 = tpu.vector_load %arg10[%swap3A_449, %swap3A_450] {strides = array<i32>} : memref<64x16xf32, #tpu.memory_space<vmem>>, vector<16xf32>,
    tpu.vector_store %arg10[%swap3A_449, %swap3A_450], %scan3A_446#0 {strides = array<i32>} : memref<64x16xf32, #tpu.memory_space<vmem>>, vector<16xf32>,
    %swap3A_452 = arith.constant 33 : i32
    %swap3A_453 = arith.index_cast %swap3A_452 : i32 to index
    %swap3A_454 = arith.constant 0 : index
    %swap3A_455 = tpu.vector_load %arg10[%swap3A_453, %swap3A_454] {strides = array<i32>} : memref<64x16xf32, #tpu.memory_space<vmem>>, vector<16xf32>,
    tpu.vector_store %arg10[%swap3A_453, %swap3A_454], %scan3A_446#1 {strides = array<i32>} : memref<64x16xf32, #tpu.memory_space<vmem>>, vector<16xf32>,
    %swap3A_456 = arith.constant 34 : i32
    %swap3A_457 = arith.index_cast %swap3A_456 : i32 to index
    %swap3A_458 = arith.constant 0 : index
    %swap3A_459 = tpu.vector_load %arg10[%swap3A_457, %swap3A_458] {strides = array<i32>} : memref<64x16xf32, #tpu.memory_space<vmem>>, vector<16xf32>,
    tpu.vector_store %arg10[%swap3A_457, %swap3A_458], %scan3A_446#2 {strides = array<i32>} : memref<64x16xf32, #tpu.memory_space<vmem>>, vector<16xf32>,
    %swap3A_460 = arith.constant 35 : i32
    %swap3A_461 = arith.index_cast %swap3A_460 : i32 to index
    %swap3A_462 = arith.constant 0 : index
    %swap3A_463 = tpu.vector_load %arg10[%swap3A_461, %swap3A_462] {strides = array<i32>} : memref<64x16xf32, #tpu.memory_space<vmem>>, vector<16xf32>,
    tpu.vector_store %arg10[%swap3A_461, %swap3A_462], %scan3A_446#3 {strides = array<i32>} : memref<64x16xf32, #tpu.memory_space<vmem>>, vector<16xf32>,
    %swap3A_464 = arith.constant 36 : i32
    %swap3A_465 = arith.index_cast %swap3A_464 : i32 to index
    %swap3A_466 = arith.constant 0 : index
    %swap3A_467 = tpu.vector_load %arg10[%swap3A_465, %swap3A_466] {strides = array<i32>} : memref<64x16xf32, #tpu.memory_space<vmem>>, vector<16xf32>,
    tpu.vector_store %arg10[%swap3A_465, %swap3A_466], %scan3A_446#4 {strides = array<i32>} : memref<64x16xf32, #tpu.memory_space<vmem>>, vector<16xf32>,
    %swap3A_468 = arith.constant 37 : i32
    %swap3A_469 = arith.index_cast %swap3A_468 : i32 to index
    %swap3A_470 = arith.constant 0 : index
    %swap3A_471 = tpu.vector_load %arg10[%swap3A_469, %swap3A_470] {strides = array<i32>} : memref<64x16xf32, #tpu.memory_space<vmem>>, vector<16xf32>,
    tpu.vector_store %arg10[%swap3A_469, %swap3A_470], %scan3A_446#5 {strides = array<i32>} : memref<64x16xf32, #tpu.memory_space<vmem>>, vector<16xf32>,
    %swap3A_472 = arith.constant 38 : i32
    %swap3A_473 = arith.index_cast %swap3A_472 : i32 to index
    %swap3A_474 = arith.constant 0 : index
    %swap3A_475 = tpu.vector_load %arg10[%swap3A_473, %swap3A_474] {strides = array<i32>} : memref<64x16xf32, #tpu.memory_space<vmem>>, vector<16xf32>,
    tpu.vector_store %arg10[%swap3A_473, %swap3A_474], %scan3A_446#6 {strides = array<i32>} : memref<64x16xf32, #tpu.memory_space<vmem>>, vector<16xf32>,
    %swap3A_476 = arith.constant 39 : i32
    %swap3A_477 = arith.index_cast %swap3A_476 : i32 to index
    %swap3A_478 = arith.constant 0 : index
    %swap3A_479 = tpu.vector_load %arg10[%swap3A_477, %swap3A_478] {strides = array<i32>} : memref<64x16xf32, #tpu.memory_space<vmem>>, vector<16xf32>,
    tpu.vector_store %arg10[%swap3A_477, %swap3A_478], %scan3A_446#7 {strides = array<i32>} : memref<64x16xf32, #tpu.memory_space<vmem>>, vector<16xf32>,
    %scan3A_480 = arith.constant 0 : i32
    %scan3A_481 = arith.constant 16 : i32
    %scan3A_482 = arith.addi %scan3A_480, %scan3A_481 : i32
    %scan3A_483 = arith.constant 1 : i32
    %scan3A_484:8 = scf.for %scan3A_594 = %scan3A_480 to %scan3A_482 step %scan3A_483 iter_args(%scan3A_595 = %broadcast_in_dim3A_3, %scan3A_596 = %broadcast_in_dim3A_3, %scan3A_597 = %broadcast_in_dim3A_3, %scan3A_598 = %broadcast_in_dim3A_3, %scan3A_599 = %broadcast_in_dim3A_3, %scan3A_600 = %broadcast_in_dim3A_3, %scan3A_601 = %broadcast_in_dim3A_3, %scan3A_602 = %broadcast_in_dim3A_3) -> (vector<16xf32>, vector<16xf32>, vector<16xf32>, vector<16xf32>, vector<16xf32>, vector<16xf32>, vector<16xf32>, vector<16xf32>)  : i32 {
      %mul3A_603 = arith.constant 16 : i32
      %mul3A_604 = arith.muli %scan3A_594, %mul3A_603 : i32
      %get3A = arith.index_cast %mul3A_604 : i32 to index
      %get3A_605 = tpu.vector_load %arg9[%get3A] {strides = array<i32>} : memref<256xf32, #tpu.memory_space<vmem>>, vector<16xf32>,
      %get3A_606 = arith.constant 40 : i32
      %get3A_607 = arith.index_cast %get3A_606 : i32 to index
      %get3A_608 = arith.index_cast %mul3A_604 : i32 to index
      %get3A_609 = tpu.vector_load %arg8[%get3A_607, %get3A_608] {strides = array<i32>} : memref<64x256xf32, #tpu.memory_space<vmem>>, vector<16xf32>,
      %mul3A_610 = arith.mulf %get3A_605, %get3A_609 : vector<16xf32>
      %add3A_611 = arith.addf %scan3A_595, %mul3A_610 : vector<16xf32>
      %get3A_612 = arith.constant 41 : i32
      %get3A_613 = arith.index_cast %get3A_612 : i32 to index
      %get3A_614 = arith.index_cast %mul3A_604 : i32 to index
      %get3A_615 = tpu.vector_load %arg8[%get3A_613, %get3A_614] {strides = array<i32>} : memref<64x256xf32, #tpu.memory_space<vmem>>, vector<16xf32>,
      %mul3A_616 = arith.mulf %get3A_605, %get3A_615 : vector<16xf32>
      %add3A_617 = arith.addf %scan3A_596, %mul3A_616 : vector<16xf32>
      %get3A_618 = arith.constant 42 : i32
      %get3A_619 = arith.index_cast %get3A_618 : i32 to index
      %get3A_620 = arith.index_cast %mul3A_604 : i32 to index
      %get3A_621 = tpu.vector_load %arg8[%get3A_619, %get3A_620] {strides = array<i32>} : memref<64x256xf32, #tpu.memory_space<vmem>>, vector<16xf32>,
      %mul3A_622 = arith.mulf %get3A_605, %get3A_621 : vector<16xf32>
      %add3A_623 = arith.addf %scan3A_597, %mul3A_622 : vector<16xf32>
      %get3A_624 = arith.constant 43 : i32
      %get3A_625 = arith.index_cast %get3A_624 : i32 to index
      %get3A_626 = arith.index_cast %mul3A_604 : i32 to index
      %get3A_627 = tpu.vector_load %arg8[%get3A_625, %get3A_626] {strides = array<i32>} : memref<64x256xf32, #tpu.memory_space<vmem>>, vector<16xf32>,
      %mul3A_628 = arith.mulf %get3A_605, %get3A_627 : vector<16xf32>
      %add3A_629 = arith.addf %scan3A_598, %mul3A_628 : vector<16xf32>
      %get3A_630 = arith.constant 44 : i32
      %get3A_631 = arith.index_cast %get3A_630 : i32 to index
      %get3A_632 = arith.index_cast %mul3A_604 : i32 to index
      %get3A_633 = tpu.vector_load %arg8[%get3A_631, %get3A_632] {strides = array<i32>} : memref<64x256xf32, #tpu.memory_space<vmem>>, vector<16xf32>,
      %mul3A_634 = arith.mulf %get3A_605, %get3A_633 : vector<16xf32>
      %add3A_635 = arith.addf %scan3A_599, %mul3A_634 : vector<16xf32>
      %get3A_636 = arith.constant 45 : i32
      %get3A_637 = arith.index_cast %get3A_636 : i32 to index
      %get3A_638 = arith.index_cast %mul3A_604 : i32 to index
      %get3A_639 = tpu.vector_load %arg8[%get3A_637, %get3A_638] {strides = array<i32>} : memref<64x256xf32, #tpu.memory_space<vmem>>, vector<16xf32>,
      %mul3A_640 = arith.mulf %get3A_605, %get3A_639 : vector<16xf32>
      %add3A_641 = arith.addf %scan3A_600, %mul3A_640 : vector<16xf32>
      %get3A_642 = arith.constant 46 : i32
      %get3A_643 = arith.index_cast %get3A_642 : i32 to index
      %get3A_644 = arith.index_cast %mul3A_604 : i32 to index
      %get3A_645 = tpu.vector_load %arg8[%get3A_643, %get3A_644] {strides = array<i32>} : memref<64x256xf32, #tpu.memory_space<vmem>>, vector<16xf32>,
      %mul3A_646 = arith.mulf %get3A_605, %get3A_645 : vector<16xf32>
      %add3A_647 = arith.addf %scan3A_601, %mul3A_646 : vector<16xf32>
      %get3A_648 = arith.constant 47 : i32
      %get3A_649 = arith.index_cast %get3A_648 : i32 to index
      %get3A_650 = arith.index_cast %mul3A_604 : i32 to index
      %get3A_651 = tpu.vector_load %arg8[%get3A_649, %get3A_650] {strides = array<i32>} : memref<64x256xf32, #tpu.memory_space<vmem>>, vector<16xf32>,
      %mul3A_652 = arith.mulf %get3A_605, %get3A_651 : vector<16xf32>
      %add3A_653 = arith.addf %scan3A_602, %mul3A_652 : vector<16xf32>
      scf.yield %add3A_611, %add3A_617, %add3A_623, %add3A_629, %add3A_635, %add3A_641, %add3A_647, %add3A_653 : vector<16xf32>, vector<16xf32>, vector<16xf32>, vector<16xf32>, vector<16xf32>, vector<16xf32>, vector<16xf32>, vector<16xf32>
    }
    %scan3A_485 = arith.constant 16 : i32
    %swap3A_486 = arith.constant 40 : i32
    %swap3A_487 = arith.index_cast %swap3A_486 : i32 to index
    %swap3A_488 = arith.constant 0 : index
    %swap3A_489 = tpu.vector_load %arg10[%swap3A_487, %swap3A_488] {strides = array<i32>} : memref<64x16xf32, #tpu.memory_space<vmem>>, vector<16xf32>,
    tpu.vector_store %arg10[%swap3A_487, %swap3A_488], %scan3A_484#0 {strides = array<i32>} : memref<64x16xf32, #tpu.memory_space<vmem>>, vector<16xf32>,
    %swap3A_490 = arith.constant 41 : i32
    %swap3A_491 = arith.index_cast %swap3A_490 : i32 to index
    %swap3A_492 = arith.constant 0 : index
    %swap3A_493 = tpu.vector_load %arg10[%swap3A_491, %swap3A_492] {strides = array<i32>} : memref<64x16xf32, #tpu.memory_space<vmem>>, vector<16xf32>,
    tpu.vector_store %arg10[%swap3A_491, %swap3A_492], %scan3A_484#1 {strides = array<i32>} : memref<64x16xf32, #tpu.memory_space<vmem>>, vector<16xf32>,
    %swap3A_494 = arith.constant 42 : i32
    %swap3A_495 = arith.index_cast %swap3A_494 : i32 to index
    %swap3A_496 = arith.constant 0 : index
    %swap3A_497 = tpu.vector_load %arg10[%swap3A_495, %swap3A_496] {strides = array<i32>} : memref<64x16xf32, #tpu.memory_space<vmem>>, vector<16xf32>,
    tpu.vector_store %arg10[%swap3A_495, %swap3A_496], %scan3A_484#2 {strides = array<i32>} : memref<64x16xf32, #tpu.memory_space<vmem>>, vector<16xf32>,
    %swap3A_498 = arith.constant 43 : i32
    %swap3A_499 = arith.index_cast %swap3A_498 : i32 to index
    %swap3A_500 = arith.constant 0 : index
    %swap3A_501 = tpu.vector_load %arg10[%swap3A_499, %swap3A_500] {strides = array<i32>} : memref<64x16xf32, #tpu.memory_space<vmem>>, vector<16xf32>,
    tpu.vector_store %arg10[%swap3A_499, %swap3A_500], %scan3A_484#3 {strides = array<i32>} : memref<64x16xf32, #tpu.memory_space<vmem>>, vector<16xf32>,
    %swap3A_502 = arith.constant 44 : i32
    %swap3A_503 = arith.index_cast %swap3A_502 : i32 to index
    %swap3A_504 = arith.constant 0 : index
    %swap3A_505 = tpu.vector_load %arg10[%swap3A_503, %swap3A_504] {strides = array<i32>} : memref<64x16xf32, #tpu.memory_space<vmem>>, vector<16xf32>,
    tpu.vector_store %arg10[%swap3A_503, %swap3A_504], %scan3A_484#4 {strides = array<i32>} : memref<64x16xf32, #tpu.memory_space<vmem>>, vector<16xf32>,
    %swap3A_506 = arith.constant 45 : i32
    %swap3A_507 = arith.index_cast %swap3A_506 : i32 to index
    %swap3A_508 = arith.constant 0 : index
    %swap3A_509 = tpu.vector_load %arg10[%swap3A_507, %swap3A_508] {strides = array<i32>} : memref<64x16xf32, #tpu.memory_space<vmem>>, vector<16xf32>,
    tpu.vector_store %arg10[%swap3A_507, %swap3A_508], %scan3A_484#5 {strides = array<i32>} : memref<64x16xf32, #tpu.memory_space<vmem>>, vector<16xf32>,
    %swap3A_510 = arith.constant 46 : i32
    %swap3A_511 = arith.index_cast %swap3A_510 : i32 to index
    %swap3A_512 = arith.constant 0 : index
    %swap3A_513 = tpu.vector_load %arg10[%swap3A_511, %swap3A_512] {strides = array<i32>} : memref<64x16xf32, #tpu.memory_space<vmem>>, vector<16xf32>,
    tpu.vector_store %arg10[%swap3A_511, %swap3A_512], %scan3A_484#6 {strides = array<i32>} : memref<64x16xf32, #tpu.memory_space<vmem>>, vector<16xf32>,
    %swap3A_514 = arith.constant 47 : i32
    %swap3A_515 = arith.index_cast %swap3A_514 : i32 to index
    %swap3A_516 = arith.constant 0 : index
    %swap3A_517 = tpu.vector_load %arg10[%swap3A_515, %swap3A_516] {strides = array<i32>} : memref<64x16xf32, #tpu.memory_space<vmem>>, vector<16xf32>,
    tpu.vector_store %arg10[%swap3A_515, %swap3A_516], %scan3A_484#7 {strides = array<i32>} : memref<64x16xf32, #tpu.memory_space<vmem>>, vector<16xf32>,
    %scan3A_518 = arith.constant 0 : i32
    %scan3A_519 = arith.constant 16 : i32
    %scan3A_520 = arith.addi %scan3A_518, %scan3A_519 : i32
    %scan3A_521 = arith.constant 1 : i32
    %scan3A_522:8 = scf.for %scan3A_594 = %scan3A_518 to %scan3A_520 step %scan3A_521 iter_args(%scan3A_595 = %broadcast_in_dim3A_3, %scan3A_596 = %broadcast_in_dim3A_3, %scan3A_597 = %broadcast_in_dim3A_3, %scan3A_598 = %broadcast_in_dim3A_3, %scan3A_599 = %broadcast_in_dim3A_3, %scan3A_600 = %broadcast_in_dim3A_3, %scan3A_601 = %broadcast_in_dim3A_3, %scan3A_602 = %broadcast_in_dim3A_3) -> (vector<16xf32>, vector<16xf32>, vector<16xf32>, vector<16xf32>, vector<16xf32>, vector<16xf32>, vector<16xf32>, vector<16xf32>)  : i32 {
      %mul3A_603 = arith.constant 16 : i32
      %mul3A_604 = arith.muli %scan3A_594, %mul3A_603 : i32
      %get3A = arith.index_cast %mul3A_604 : i32 to index
      %get3A_605 = tpu.vector_load %arg9[%get3A] {strides = array<i32>} : memref<256xf32, #tpu.memory_space<vmem>>, vector<16xf32>,
      %get3A_606 = arith.constant 48 : i32
      %get3A_607 = arith.index_cast %get3A_606 : i32 to index
      %get3A_608 = arith.index_cast %mul3A_604 : i32 to index
      %get3A_609 = tpu.vector_load %arg8[%get3A_607, %get3A_608] {strides = array<i32>} : memref<64x256xf32, #tpu.memory_space<vmem>>, vector<16xf32>,
      %mul3A_610 = arith.mulf %get3A_605, %get3A_609 : vector<16xf32>
      %add3A_611 = arith.addf %scan3A_595, %mul3A_610 : vector<16xf32>
      %get3A_612 = arith.constant 49 : i32
      %get3A_613 = arith.index_cast %get3A_612 : i32 to index
      %get3A_614 = arith.index_cast %mul3A_604 : i32 to index
      %get3A_615 = tpu.vector_load %arg8[%get3A_613, %get3A_614] {strides = array<i32>} : memref<64x256xf32, #tpu.memory_space<vmem>>, vector<16xf32>,
      %mul3A_616 = arith.mulf %get3A_605, %get3A_615 : vector<16xf32>
      %add3A_617 = arith.addf %scan3A_596, %mul3A_616 : vector<16xf32>
      %get3A_618 = arith.constant 50 : i32
      %get3A_619 = arith.index_cast %get3A_618 : i32 to index
      %get3A_620 = arith.index_cast %mul3A_604 : i32 to index
      %get3A_621 = tpu.vector_load %arg8[%get3A_619, %get3A_620] {strides = array<i32>} : memref<64x256xf32, #tpu.memory_space<vmem>>, vector<16xf32>,
      %mul3A_622 = arith.mulf %get3A_605, %get3A_621 : vector<16xf32>
      %add3A_623 = arith.addf %scan3A_597, %mul3A_622 : vector<16xf32>
      %get3A_624 = arith.constant 51 : i32
      %get3A_625 = arith.index_cast %get3A_624 : i32 to index
      %get3A_626 = arith.index_cast %mul3A_604 : i32 to index
      %get3A_627 = tpu.vector_load %arg8[%get3A_625, %get3A_626] {strides = array<i32>} : memref<64x256xf32, #tpu.memory_space<vmem>>, vector<16xf32>,
      %mul3A_628 = arith.mulf %get3A_605, %get3A_627 : vector<16xf32>
      %add3A_629 = arith.addf %scan3A_598, %mul3A_628 : vector<16xf32>
      %get3A_630 = arith.constant 52 : i32
      %get3A_631 = arith.index_cast %get3A_630 : i32 to index
      %get3A_632 = arith.index_cast %mul3A_604 : i32 to index
      %get3A_633 = tpu.vector_load %arg8[%get3A_631, %get3A_632] {strides = array<i32>} : memref<64x256xf32, #tpu.memory_space<vmem>>, vector<16xf32>,
      %mul3A_634 = arith.mulf %get3A_605, %get3A_633 : vector<16xf32>
      %add3A_635 = arith.addf %scan3A_599, %mul3A_634 : vector<16xf32>
      %get3A_636 = arith.constant 53 : i32
      %get3A_637 = arith.index_cast %get3A_636 : i32 to index
      %get3A_638 = arith.index_cast %mul3A_604 : i32 to index
      %get3A_639 = tpu.vector_load %arg8[%get3A_637, %get3A_638] {strides = array<i32>} : memref<64x256xf32, #tpu.memory_space<vmem>>, vector<16xf32>,
      %mul3A_640 = arith.mulf %get3A_605, %get3A_639 : vector<16xf32>
      %add3A_641 = arith.addf %scan3A_600, %mul3A_640 : vector<16xf32>
      %get3A_642 = arith.constant 54 : i32
      %get3A_643 = arith.index_cast %get3A_642 : i32 to index
      %get3A_644 = arith.index_cast %mul3A_604 : i32 to index
      %get3A_645 = tpu.vector_load %arg8[%get3A_643, %get3A_644] {strides = array<i32>} : memref<64x256xf32, #tpu.memory_space<vmem>>, vector<16xf32>,
      %mul3A_646 = arith.mulf %get3A_605, %get3A_645 : vector<16xf32>
      %add3A_647 = arith.addf %scan3A_601, %mul3A_646 : vector<16xf32>
      %get3A_648 = arith.constant 55 : i32
      %get3A_649 = arith.index_cast %get3A_648 : i32 to index
      %get3A_650 = arith.index_cast %mul3A_604 : i32 to index
      %get3A_651 = tpu.vector_load %arg8[%get3A_649, %get3A_650] {strides = array<i32>} : memref<64x256xf32, #tpu.memory_space<vmem>>, vector<16xf32>,
      %mul3A_652 = arith.mulf %get3A_605, %get3A_651 : vector<16xf32>
      %add3A_653 = arith.addf %scan3A_602, %mul3A_652 : vector<16xf32>
      scf.yield %add3A_611, %add3A_617, %add3A_623, %add3A_629, %add3A_635, %add3A_641, %add3A_647, %add3A_653 : vector<16xf32>, vector<16xf32>, vector<16xf32>, vector<16xf32>, vector<16xf32>, vector<16xf32>, vector<16xf32>, vector<16xf32>
    }
    %scan3A_523 = arith.constant 16 : i32
    %swap3A_524 = arith.constant 48 : i32
    %swap3A_525 = arith.index_cast %swap3A_524 : i32 to index
    %swap3A_526 = arith.constant 0 : index
    %swap3A_527 = tpu.vector_load %arg10[%swap3A_525, %swap3A_526] {strides = array<i32>} : memref<64x16xf32, #tpu.memory_space<vmem>>, vector<16xf32>,
    tpu.vector_store %arg10[%swap3A_525, %swap3A_526], %scan3A_522#0 {strides = array<i32>} : memref<64x16xf32, #tpu.memory_space<vmem>>, vector<16xf32>,
    %swap3A_528 = arith.constant 49 : i32
    %swap3A_529 = arith.index_cast %swap3A_528 : i32 to index
    %swap3A_530 = arith.constant 0 : index
    %swap3A_531 = tpu.vector_load %arg10[%swap3A_529, %swap3A_530] {strides = array<i32>} : memref<64x16xf32, #tpu.memory_space<vmem>>, vector<16xf32>,
    tpu.vector_store %arg10[%swap3A_529, %swap3A_530], %scan3A_522#1 {strides = array<i32>} : memref<64x16xf32, #tpu.memory_space<vmem>>, vector<16xf32>,
    %swap3A_532 = arith.constant 50 : i32
    %swap3A_533 = arith.index_cast %swap3A_532 : i32 to index
    %swap3A_534 = arith.constant 0 : index
    %swap3A_535 = tpu.vector_load %arg10[%swap3A_533, %swap3A_534] {strides = array<i32>} : memref<64x16xf32, #tpu.memory_space<vmem>>, vector<16xf32>,
    tpu.vector_store %arg10[%swap3A_533, %swap3A_534], %scan3A_522#2 {strides = array<i32>} : memref<64x16xf32, #tpu.memory_space<vmem>>, vector<16xf32>,
    %swap3A_536 = arith.constant 51 : i32
    %swap3A_537 = arith.index_cast %swap3A_536 : i32 to index
    %swap3A_538 = arith.constant 0 : index
    %swap3A_539 = tpu.vector_load %arg10[%swap3A_537, %swap3A_538] {strides = array<i32>} : memref<64x16xf32, #tpu.memory_space<vmem>>, vector<16xf32>,
    tpu.vector_store %arg10[%swap3A_537, %swap3A_538], %scan3A_522#3 {strides = array<i32>} : memref<64x16xf32, #tpu.memory_space<vmem>>, vector<16xf32>,
    %swap3A_540 = arith.constant 52 : i32
    %swap3A_541 = arith.index_cast %swap3A_540 : i32 to index
    %swap3A_542 = arith.constant 0 : index
    %swap3A_543 = tpu.vector_load %arg10[%swap3A_541, %swap3A_542] {strides = array<i32>} : memref<64x16xf32, #tpu.memory_space<vmem>>, vector<16xf32>,
    tpu.vector_store %arg10[%swap3A_541, %swap3A_542], %scan3A_522#4 {strides = array<i32>} : memref<64x16xf32, #tpu.memory_space<vmem>>, vector<16xf32>,
    %swap3A_544 = arith.constant 53 : i32
    %swap3A_545 = arith.index_cast %swap3A_544 : i32 to index
    %swap3A_546 = arith.constant 0 : index
    %swap3A_547 = tpu.vector_load %arg10[%swap3A_545, %swap3A_546] {strides = array<i32>} : memref<64x16xf32, #tpu.memory_space<vmem>>, vector<16xf32>,
    tpu.vector_store %arg10[%swap3A_545, %swap3A_546], %scan3A_522#5 {strides = array<i32>} : memref<64x16xf32, #tpu.memory_space<vmem>>, vector<16xf32>,
    %swap3A_548 = arith.constant 54 : i32
    %swap3A_549 = arith.index_cast %swap3A_548 : i32 to index
    %swap3A_550 = arith.constant 0 : index
    %swap3A_551 = tpu.vector_load %arg10[%swap3A_549, %swap3A_550] {strides = array<i32>} : memref<64x16xf32, #tpu.memory_space<vmem>>, vector<16xf32>,
    tpu.vector_store %arg10[%swap3A_549, %swap3A_550], %scan3A_522#6 {strides = array<i32>} : memref<64x16xf32, #tpu.memory_space<vmem>>, vector<16xf32>,
    %swap3A_552 = arith.constant 55 : i32
    %swap3A_553 = arith.index_cast %swap3A_552 : i32 to index
    %swap3A_554 = arith.constant 0 : index
    %swap3A_555 = tpu.vector_load %arg10[%swap3A_553, %swap3A_554] {strides = array<i32>} : memref<64x16xf32, #tpu.memory_space<vmem>>, vector<16xf32>,
    tpu.vector_store %arg10[%swap3A_553, %swap3A_554], %scan3A_522#7 {strides = array<i32>} : memref<64x16xf32, #tpu.memory_space<vmem>>, vector<16xf32>,
    %scan3A_556 = arith.constant 0 : i32
    %scan3A_557 = arith.constant 16 : i32
    %scan3A_558 = arith.addi %scan3A_556, %scan3A_557 : i32
    %scan3A_559 = arith.constant 1 : i32
    %scan3A_560:8 = scf.for %scan3A_594 = %scan3A_556 to %scan3A_558 step %scan3A_559 iter_args(%scan3A_595 = %broadcast_in_dim3A_3, %scan3A_596 = %broadcast_in_dim3A_3, %scan3A_597 = %broadcast_in_dim3A_3, %scan3A_598 = %broadcast_in_dim3A_3, %scan3A_599 = %broadcast_in_dim3A_3, %scan3A_600 = %broadcast_in_dim3A_3, %scan3A_601 = %broadcast_in_dim3A_3, %scan3A_602 = %broadcast_in_dim3A_3) -> (vector<16xf32>, vector<16xf32>, vector<16xf32>, vector<16xf32>, vector<16xf32>, vector<16xf32>, vector<16xf32>, vector<16xf32>)  : i32 {
      %mul3A_603 = arith.constant 16 : i32
      %mul3A_604 = arith.muli %scan3A_594, %mul3A_603 : i32
      %get3A = arith.index_cast %mul3A_604 : i32 to index
      %get3A_605 = tpu.vector_load %arg9[%get3A] {strides = array<i32>} : memref<256xf32, #tpu.memory_space<vmem>>, vector<16xf32>,
      %get3A_606 = arith.constant 56 : i32
      %get3A_607 = arith.index_cast %get3A_606 : i32 to index
      %get3A_608 = arith.index_cast %mul3A_604 : i32 to index
      %get3A_609 = tpu.vector_load %arg8[%get3A_607, %get3A_608] {strides = array<i32>} : memref<64x256xf32, #tpu.memory_space<vmem>>, vector<16xf32>,
      %mul3A_610 = arith.mulf %get3A_605, %get3A_609 : vector<16xf32>
      %add3A_611 = arith.addf %scan3A_595, %mul3A_610 : vector<16xf32>
      %get3A_612 = arith.constant 57 : i32
      %get3A_613 = arith.index_cast %get3A_612 : i32 to index
      %get3A_614 = arith.index_cast %mul3A_604 : i32 to index
      %get3A_615 = tpu.vector_load %arg8[%get3A_613, %get3A_614] {strides = array<i32>} : memref<64x256xf32, #tpu.memory_space<vmem>>, vector<16xf32>,
      %mul3A_616 = arith.mulf %get3A_605, %get3A_615 : vector<16xf32>
      %add3A_617 = arith.addf %scan3A_596, %mul3A_616 : vector<16xf32>
      %get3A_618 = arith.constant 58 : i32
      %get3A_619 = arith.index_cast %get3A_618 : i32 to index
      %get3A_620 = arith.index_cast %mul3A_604 : i32 to index
      %get3A_621 = tpu.vector_load %arg8[%get3A_619, %get3A_620] {strides = array<i32>} : memref<64x256xf32, #tpu.memory_space<vmem>>, vector<16xf32>,
      %mul3A_622 = arith.mulf %get3A_605, %get3A_621 : vector<16xf32>
      %add3A_623 = arith.addf %scan3A_597, %mul3A_622 : vector<16xf32>
      %get3A_624 = arith.constant 59 : i32
      %get3A_625 = arith.index_cast %get3A_624 : i32 to index
      %get3A_626 = arith.index_cast %mul3A_604 : i32 to index
      %get3A_627 = tpu.vector_load %arg8[%get3A_625, %get3A_626] {strides = array<i32>} : memref<64x256xf32, #tpu.memory_space<vmem>>, vector<16xf32>,
      %mul3A_628 = arith.mulf %get3A_605, %get3A_627 : vector<16xf32>
      %add3A_629 = arith.addf %scan3A_598, %mul3A_628 : vector<16xf32>
      %get3A_630 = arith.constant 60 : i32
      %get3A_631 = arith.index_cast %get3A_630 : i32 to index
      %get3A_632 = arith.index_cast %mul3A_604 : i32 to index
      %get3A_633 = tpu.vector_load %arg8[%get3A_631, %get3A_632] {strides = array<i32>} : memref<64x256xf32, #tpu.memory_space<vmem>>, vector<16xf32>,
      %mul3A_634 = arith.mulf %get3A_605, %get3A_633 : vector<16xf32>
      %add3A_635 = arith.addf %scan3A_599, %mul3A_634 : vector<16xf32>
      %get3A_636 = arith.constant 61 : i32
      %get3A_637 = arith.index_cast %get3A_636 : i32 to index
      %get3A_638 = arith.index_cast %mul3A_604 : i32 to index
      %get3A_639 = tpu.vector_load %arg8[%get3A_637, %get3A_638] {strides = array<i32>} : memref<64x256xf32, #tpu.memory_space<vmem>>, vector<16xf32>,
      %mul3A_640 = arith.mulf %get3A_605, %get3A_639 : vector<16xf32>
      %add3A_641 = arith.addf %scan3A_600, %mul3A_640 : vector<16xf32>
      %get3A_642 = arith.constant 62 : i32
      %get3A_643 = arith.index_cast %get3A_642 : i32 to index
      %get3A_644 = arith.index_cast %mul3A_604 : i32 to index
      %get3A_645 = tpu.vector_load %arg8[%get3A_643, %get3A_644] {strides = array<i32>} : memref<64x256xf32, #tpu.memory_space<vmem>>, vector<16xf32>,
      %mul3A_646 = arith.mulf %get3A_605, %get3A_645 : vector<16xf32>
      %add3A_647 = arith.addf %scan3A_601, %mul3A_646 : vector<16xf32>
      %get3A_648 = arith.constant 63 : i32
      %get3A_649 = arith.index_cast %get3A_648 : i32 to index
      %get3A_650 = arith.index_cast %mul3A_604 : i32 to index
      %get3A_651 = tpu.vector_load %arg8[%get3A_649, %get3A_650] {strides = array<i32>} : memref<64x256xf32, #tpu.memory_space<vmem>>, vector<16xf32>,
      %mul3A_652 = arith.mulf %get3A_605, %get3A_651 : vector<16xf32>
      %add3A_653 = arith.addf %scan3A_602, %mul3A_652 : vector<16xf32>
      scf.yield %add3A_611, %add3A_617, %add3A_623, %add3A_629, %add3A_635, %add3A_641, %add3A_647, %add3A_653 : vector<16xf32>, vector<16xf32>, vector<16xf32>, vector<16xf32>, vector<16xf32>, vector<16xf32>, vector<16xf32>, vector<16xf32>
    }
    %scan3A_561 = arith.constant 16 : i32
    %swap3A_562 = arith.constant 56 : i32
    %swap3A_563 = arith.index_cast %swap3A_562 : i32 to index
    %swap3A_564 = arith.constant 0 : index
    %swap3A_565 = tpu.vector_load %arg10[%swap3A_563, %swap3A_564] {strides = array<i32>} : memref<64x16xf32, #tpu.memory_space<vmem>>, vector<16xf32>,
    tpu.vector_store %arg10[%swap3A_563, %swap3A_564], %scan3A_560#0 {strides = array<i32>} : memref<64x16xf32, #tpu.memory_space<vmem>>, vector<16xf32>,
    %swap3A_566 = arith.constant 57 : i32
    %swap3A_567 = arith.index_cast %swap3A_566 : i32 to index
    %swap3A_568 = arith.constant 0 : index
    %swap3A_569 = tpu.vector_load %arg10[%swap3A_567, %swap3A_568] {strides = array<i32>} : memref<64x16xf32, #tpu.memory_space<vmem>>, vector<16xf32>,
    tpu.vector_store %arg10[%swap3A_567, %swap3A_568], %scan3A_560#1 {strides = array<i32>} : memref<64x16xf32, #tpu.memory_space<vmem>>, vector<16xf32>,
    %swap3A_570 = arith.constant 58 : i32
    %swap3A_571 = arith.index_cast %swap3A_570 : i32 to index
    %swap3A_572 = arith.constant 0 : index
    %swap3A_573 = tpu.vector_load %arg10[%swap3A_571, %swap3A_572] {strides = array<i32>} : memref<64x16xf32, #tpu.memory_space<vmem>>, vector<16xf32>,
    tpu.vector_store %arg10[%swap3A_571, %swap3A_572], %scan3A_560#2 {strides = array<i32>} : memref<64x16xf32, #tpu.memory_space<vmem>>, vector<16xf32>,
    %swap3A_574 = arith.constant 59 : i32
    %swap3A_575 = arith.index_cast %swap3A_574 : i32 to index
    %swap3A_576 = arith.constant 0 : index
    %swap3A_577 = tpu.vector_load %arg10[%swap3A_575, %swap3A_576] {strides = array<i32>} : memref<64x16xf32, #tpu.memory_space<vmem>>, vector<16xf32>,
    tpu.vector_store %arg10[%swap3A_575, %swap3A_576], %scan3A_560#3 {strides = array<i32>} : memref<64x16xf32, #tpu.memory_space<vmem>>, vector<16xf32>,
    %swap3A_578 = arith.constant 60 : i32
    %swap3A_579 = arith.index_cast %swap3A_578 : i32 to index
    %swap3A_580 = arith.constant 0 : index
    %swap3A_581 = tpu.vector_load %arg10[%swap3A_579, %swap3A_580] {strides = array<i32>} : memref<64x16xf32, #tpu.memory_space<vmem>>, vector<16xf32>,
    tpu.vector_store %arg10[%swap3A_579, %swap3A_580], %scan3A_560#4 {strides = array<i32>} : memref<64x16xf32, #tpu.memory_space<vmem>>, vector<16xf32>,
    %swap3A_582 = arith.constant 61 : i32
    %swap3A_583 = arith.index_cast %swap3A_582 : i32 to index
    %swap3A_584 = arith.constant 0 : index
    %swap3A_585 = tpu.vector_load %arg10[%swap3A_583, %swap3A_584] {strides = array<i32>} : memref<64x16xf32, #tpu.memory_space<vmem>>, vector<16xf32>,
    tpu.vector_store %arg10[%swap3A_583, %swap3A_584], %scan3A_560#5 {strides = array<i32>} : memref<64x16xf32, #tpu.memory_space<vmem>>, vector<16xf32>,
    %swap3A_586 = arith.constant 62 : i32
    %swap3A_587 = arith.index_cast %swap3A_586 : i32 to index
    %swap3A_588 = arith.constant 0 : index
    %swap3A_589 = tpu.vector_load %arg10[%swap3A_587, %swap3A_588] {strides = array<i32>} : memref<64x16xf32, #tpu.memory_space<vmem>>, vector<16xf32>,
    tpu.vector_store %arg10[%swap3A_587, %swap3A_588], %scan3A_560#6 {strides = array<i32>} : memref<64x16xf32, #tpu.memory_space<vmem>>, vector<16xf32>,
    %swap3A_590 = arith.constant 63 : i32
    %swap3A_591 = arith.index_cast %swap3A_590 : i32 to index
    %swap3A_592 = arith.constant 0 : index
    %swap3A_593 = tpu.vector_load %arg10[%swap3A_591, %swap3A_592] {strides = array<i32>} : memref<64x16xf32, #tpu.memory_space<vmem>>, vector<16xf32>,
    tpu.vector_store %arg10[%swap3A_591, %swap3A_592], %scan3A_560#7 {strides = array<i32>} : memref<64x16xf32, #tpu.memory_space<vmem>>, vector<16xf32>,
    "tpu.region"() ({
      %run_scoped3A = tpu.sem_alloc : memref<!tpu.dma_semaphore, #tpu.memory_space<semaphore_mem>>
      %dma_start3A_594 = arith.constant 0 : i32
      %dma_start3A_595 = arith.constant 0 : i32
      %dma_start3A_596 = tpu.memref_slice %arg3[%add3A, %dma_start3A_594, %dma_start3A_595] : memref<32x64x16xf32, #tpu.memory_space<hbm>> -> memref<1x64x16xf32, #tpu.memory_space<hbm>>
      %dma_start3A_597 = tpu.memref_squeeze %dma_start3A_596 : memref<1x64x16xf32, #tpu.memory_space<hbm>> -> memref<64x16xf32, #tpu.memory_space<hbm>>
      %dma_start3A_598 = arith.constant 0 : i32
      %dma_start3A_599 = arith.constant 0 : i32
      %dma_start3A_600 = tpu.memref_slice %arg3[%add3A, %dma_start3A_598, %dma_start3A_599] : memref<32x64x16xf32, #tpu.memory_space<hbm>> -> memref<1x64x16xf32, #tpu.memory_space<hbm>>
      %dma_start3A_601 = tpu.memref_squeeze %dma_start3A_600 : memref<1x64x16xf32, #tpu.memory_space<hbm>> -> memref<64x16xf32, #tpu.memory_space<hbm>>
      tpu.enqueue_dma source(%arg11 : memref<64x16xf32, #tpu.memory_space<vmem>>) target(%dma_start3A_601 : memref<64x16xf32, #tpu.memory_space<hbm>>) target_semaphore(%run_scoped3A : memref<!tpu.dma_semaphore, #tpu.memory_space<semaphore_mem>>)
      %dma_wait3A_602 = arith.constant 0 : i32
      %dma_wait3A_603 = arith.constant 0 : i32
      %dma_wait3A_604 = tpu.memref_slice %arg3[%add3A, %dma_wait3A_602, %dma_wait3A_603] : memref<32x64x16xf32, #tpu.memory_space<hbm>> -> memref<1x64x16xf32, #tpu.memory_space<hbm>>
      %dma_wait3A_605 = tpu.memref_squeeze %dma_wait3A_604 : memref<1x64x16xf32, #tpu.memory_space<hbm>> -> memref<64x16xf32, #tpu.memory_space<hbm>>
      %dma_wait3A_606 = arith.constant 0 : i32
      %dma_wait3A_607 = arith.constant 0 : i32
      %dma_wait3A_608 = tpu.memref_slice %arg3[%add3A, %dma_wait3A_606, %dma_wait3A_607] : memref<32x64x16xf32, #tpu.memory_space<hbm>> -> memref<1x64x16xf32, #tpu.memory_space<hbm>>
      %dma_wait3A_609 = tpu.memref_squeeze %dma_wait3A_608 : memref<1x64x16xf32, #tpu.memory_space<hbm>> -> memref<64x16xf32, #tpu.memory_space<hbm>>
      tpu.wait_dma2 semaphore(%run_scoped3A : memref<!tpu.dma_semaphore, #tpu.memory_space<semaphore_mem>>) src(%arg11 : memref<64x16xf32, #tpu.memory_space<vmem>>) dst(%dma_wait3A_609 : memref<64x16xf32, #tpu.memory_space<hbm>>)
      tpu.yield
    }) : () -> ()
    "tpu.region"() ({
      %run_scoped3A = tpu.sem_alloc : memref<!tpu.dma_semaphore, #tpu.memory_space<semaphore_mem>>
      %dma_start3A_594 = arith.constant 0 : i32
      %dma_start3A_595 = arith.constant 0 : i32
      %dma_start3A_596 = tpu.memref_slice %arg4[%add3A, %dma_start3A_594, %dma_start3A_595] : memref<32x64x16xf32, #tpu.memory_space<hbm>> -> memref<1x64x16xf32, #tpu.memory_space<hbm>>
      %dma_start3A_597 = tpu.memref_squeeze %dma_start3A_596 : memref<1x64x16xf32, #tpu.memory_space<hbm>> -> memref<64x16xf32, #tpu.memory_space<hbm>>
      %dma_start3A_598 = arith.constant 0 : i32
      %dma_start3A_599 = arith.constant 0 : i32
      %dma_start3A_600 = tpu.memref_slice %arg4[%add3A, %dma_start3A_598, %dma_start3A_599] : memref<32x64x16xf32, #tpu.memory_space<hbm>> -> memref<1x64x16xf32, #tpu.memory_space<hbm>>
      %dma_start3A_601 = tpu.memref_squeeze %dma_start3A_600 : memref<1x64x16xf32, #tpu.memory_space<hbm>> -> memref<64x16xf32, #tpu.memory_space<hbm>>
      tpu.enqueue_dma source(%arg10 : memref<64x16xf32, #tpu.memory_space<vmem>>) target(%dma_start3A_601 : memref<64x16xf32, #tpu.memory_space<hbm>>) target_semaphore(%run_scoped3A : memref<!tpu.dma_semaphore, #tpu.memory_space<semaphore_mem>>)
      %dma_wait3A_602 = arith.constant 0 : i32
      %dma_wait3A_603 = arith.constant 0 : i32
      %dma_wait3A_604 = tpu.memref_slice %arg4[%add3A, %dma_wait3A_602, %dma_wait3A_603] : memref<32x64x16xf32, #tpu.memory_space<hbm>> -> memref<1x64x16xf32, #tpu.memory_space<hbm>>
      %dma_wait3A_605 = tpu.memref_squeeze %dma_wait3A_604 : memref<1x64x16xf32, #tpu.memory_space<hbm>> -> memref<64x16xf32, #tpu.memory_space<hbm>>
      %dma_wait3A_606 = arith.constant 0 : i32
      %dma_wait3A_607 = arith.constant 0 : i32
      %dma_wait3A_608 = tpu.memref_slice %arg4[%add3A, %dma_wait3A_606, %dma_wait3A_607] : memref<32x64x16xf32, #tpu.memory_space<hbm>> -> memref<1x64x16xf32, #tpu.memory_space<hbm>>
      %dma_wait3A_609 = tpu.memref_squeeze %dma_wait3A_608 : memref<1x64x16xf32, #tpu.memory_space<hbm>> -> memref<64x16xf32, #tpu.memory_space<hbm>>
      tpu.wait_dma2 semaphore(%run_scoped3A : memref<!tpu.dma_semaphore, #tpu.memory_space<semaphore_mem>>) src(%arg10 : memref<64x16xf32, #tpu.memory_space<vmem>>) dst(%dma_wait3A_609 : memref<64x16xf32, #tpu.memory_space<hbm>>)
      tpu.yield
    }) : () -> ()
    "tpu.region"() ({
      %run_scoped3A = tpu.sem_alloc : memref<!tpu.dma_semaphore, #tpu.memory_space<semaphore_mem>>
      %dma_start3A_594 = arith.constant 0 : i32
      %dma_start3A_595 = tpu.memref_slice %arg5[%add3A, %dma_start3A_594] : memref<32x16xf32, #tpu.memory_space<hbm>> -> memref<1x16xf32, #tpu.memory_space<hbm>>
      %dma_start3A_596 = tpu.memref_squeeze %dma_start3A_595 : memref<1x16xf32, #tpu.memory_space<hbm>> -> memref<16xf32, #tpu.memory_space<hbm>>
      %dma_start3A_597 = arith.constant 0 : i32
      %dma_start3A_598 = tpu.memref_slice %arg5[%add3A, %dma_start3A_597] : memref<32x16xf32, #tpu.memory_space<hbm>> -> memref<1x16xf32, #tpu.memory_space<hbm>>
      %dma_start3A_599 = tpu.memref_squeeze %dma_start3A_598 : memref<1x16xf32, #tpu.memory_space<hbm>> -> memref<16xf32, #tpu.memory_space<hbm>>
      tpu.enqueue_dma source(%arg12 : memref<16xf32, #tpu.memory_space<vmem>>) target(%dma_start3A_599 : memref<16xf32, #tpu.memory_space<hbm>>) target_semaphore(%run_scoped3A : memref<!tpu.dma_semaphore, #tpu.memory_space<semaphore_mem>>)
      %dma_wait3A_600 = arith.constant 0 : i32
      %dma_wait3A_601 = tpu.memref_slice %arg5[%add3A, %dma_wait3A_600] : memref<32x16xf32, #tpu.memory_space<hbm>> -> memref<1x16xf32, #tpu.memory_space<hbm>>
      %dma_wait3A_602 = tpu.memref_squeeze %dma_wait3A_601 : memref<1x16xf32, #tpu.memory_space<hbm>> -> memref<16xf32, #tpu.memory_space<hbm>>
      %dma_wait3A_603 = arith.constant 0 : i32
      %dma_wait3A_604 = tpu.memref_slice %arg5[%add3A, %dma_wait3A_603] : memref<32x16xf32, #tpu.memory_space<hbm>> -> memref<1x16xf32, #tpu.memory_space<hbm>>
      %dma_wait3A_605 = tpu.memref_squeeze %dma_wait3A_604 : memref<1x16xf32, #tpu.memory_space<hbm>> -> memref<16xf32, #tpu.memory_space<hbm>>
      tpu.wait_dma2 semaphore(%run_scoped3A : memref<!tpu.dma_semaphore, #tpu.memory_space<semaphore_mem>>) src(%arg12 : memref<16xf32, #tpu.memory_space<vmem>>) dst(%dma_wait3A_605 : memref<16xf32, #tpu.memory_space<hbm>>)
      tpu.yield
    }) : () -> ()
    return
  }
}

module attributes {stable_mosaic.version = 14 : i64} {
  func.func @_tc_body(%arg0: i32, %arg1: memref<64x512xf32, #tpu.memory_space<vmem>>, %arg2: memref<64x512xf32, #tpu.memory_space<vmem>>, %arg3: memref<64x512xf32, #tpu.memory_space<vmem>>, %arg4: memref<1x512xf32, #tpu.memory_space<vmem>>) attributes {dimension_semantics = [#tpu.dimension_semantics<arbitrary>], iteration_bounds = array<i64: 16>, scalar_prefetch = 0 : i64, scratch_operands = 0 : i64, tpu.core_type = #tpu.core_type<tc>, window_params = [{transform_indices = @transform_0, window_bounds = array<i64: 64, 512>}, {pipeline_mode = #tpu.pipeline_mode<synchronous>, transform_indices = @transform_1, window_bounds = array<i64: 64, 512>}, {pipeline_mode = #tpu.pipeline_mode<synchronous>, transform_indices = @transform_2, window_bounds = array<i64: 64, 512>}, {pipeline_mode = #tpu.pipeline_mode<synchronous>, transform_indices = @transform_3, window_bounds = array<i64: 1, 512>}]} {
    %get3A = arith.constant 0 : index
    %get3A_0 = arith.constant 0 : index
    %get3A_1 = vector.load %arg1[%get3A, %get3A_0] : memref<64x512xf32, #tpu.memory_space<vmem>>, vector<64x512xf32>
    %exp3A = math.exp %get3A_1 : vector<64x512xf32>
    %reduce_sum3A = arith.constant dense<0.000000e+00> : vector<512xf32>
    %reduce_sum3A_2 = vector.multi_reduction <add>, %exp3A, %reduce_sum3A [0] : vector<64x512xf32> to vector<512xf32>
    %broadcast_in_dim3A = vector.shape_cast %reduce_sum3A_2 : vector<512xf32> to vector<1x512xf32>
    %log3A = math.log %broadcast_in_dim3A : vector<1x512xf32>
    %div3A = arith.constant 1.000000e+00 : f32
    %div3A_3 = vector.broadcast %div3A : f32 to vector<1x512xf32>
    %div3A_4 = arith.divf %div3A_3, %broadcast_in_dim3A : vector<1x512xf32>
    %mul3A = vector.broadcast %div3A_4 : vector<1x512xf32> to vector<64x512xf32>
    %mul3A_5 = arith.mulf %exp3A, %mul3A : vector<64x512xf32>
    %reduce_max3A = arith.constant dense<0xFF800000> : vector<512xf32>
    %reduce_max3A_6 = vector.multi_reduction <maximumf>, %get3A_1, %reduce_max3A [0] : vector<64x512xf32> to vector<512xf32>
    %broadcast_in_dim3A_7 = vector.shape_cast %reduce_max3A_6 : vector<512xf32> to vector<1x512xf32>
    %iota3A = tpu.iota {dimensions = array<i32: 0>} : vector<64x512xi32>
    %eq3A = vector.broadcast %broadcast_in_dim3A_7 : vector<1x512xf32> to vector<64x512xf32>
    %eq3A_8 = arith.cmpf oeq, %get3A_1, %eq3A : vector<64x512xf32>
    %jit3A = arith.constant 64 : i32
    %broadcast_in_dim3A_9 = vector.broadcast %jit3A : i32 to vector<64x512xi32>
    %select_n3A = arith.select %eq3A_8, %iota3A, %broadcast_in_dim3A_9 : vector<64x512xi1>, vector<64x512xi32>
    %reduce_min3A = arith.constant dense<2147483647> : vector<512xi32>
    %reduce_min3A_10 = vector.multi_reduction <minsi>, %select_n3A, %reduce_min3A [0] : vector<64x512xi32> to vector<512xi32>
    %broadcast_in_dim3A_11 = vector.shape_cast %reduce_min3A_10 : vector<512xi32> to vector<1x512xi32>
    %eq3A_12 = vector.broadcast %broadcast_in_dim3A_11 : vector<1x512xi32> to vector<64x512xi32>
    %eq3A_13 = arith.cmpi eq, %iota3A, %eq3A_12 : vector<64x512xi32>
    %convert_element_type3A = arith.extui %eq3A_13 : vector<64x512xi1> to vector<64x512xi32>
    %convert_element_type3A_14 = arith.sitofp %convert_element_type3A : vector<64x512xi32> to vector<64x512xf32>
    %eq3A_15 = arith.constant 0 : i32
    %eq3A_16 = arith.cmpi eq, %arg0, %eq3A_15 : i32
    %convert_element_type3A_17 = arith.extui %eq3A_16 : i1 to i32
    %cond3A = arith.constant 0 : i32
    %cond3A_18 = arith.cmpi ne, %convert_element_type3A_17, %cond3A : i32
    scf.if %cond3A_18 {
      %broadcast_in_dim3A_39 = arith.constant 0.000000e+00 : f32
      %broadcast_in_dim3A_40 = vector.broadcast %broadcast_in_dim3A_39 : f32 to vector<64x512xf32>
      %swap3A_41 = arith.constant 0 : index
      %swap3A_42 = arith.constant 0 : index
      %swap3A_43 = vector.load %arg2[%swap3A_41, %swap3A_42] : memref<64x512xf32, #tpu.memory_space<vmem>>, vector<64x512xf32>
      tpu.vector_store %arg2[%swap3A_41, %swap3A_42], %broadcast_in_dim3A_40 {strides = array<i32>} : memref<64x512xf32, #tpu.memory_space<vmem>>, vector<64x512xf32>,
      %broadcast_in_dim3A_44 = arith.constant 0.000000e+00 : f32
      %broadcast_in_dim3A_45 = vector.broadcast %broadcast_in_dim3A_44 : f32 to vector<64x512xf32>
      %swap3A_46 = arith.constant 0 : index
      %swap3A_47 = arith.constant 0 : index
      %swap3A_48 = vector.load %arg3[%swap3A_46, %swap3A_47] : memref<64x512xf32, #tpu.memory_space<vmem>>, vector<64x512xf32>
      tpu.vector_store %arg3[%swap3A_46, %swap3A_47], %broadcast_in_dim3A_45 {strides = array<i32>} : memref<64x512xf32, #tpu.memory_space<vmem>>, vector<64x512xf32>,
      %broadcast_in_dim3A_49 = arith.constant 0.000000e+00 : f32
      %broadcast_in_dim3A_50 = vector.broadcast %broadcast_in_dim3A_49 : f32 to vector<1x512xf32>
      %swap3A_51 = arith.constant 0 : index
      %swap3A_52 = arith.constant 0 : index
      %swap3A_53 = vector.load %arg4[%swap3A_51, %swap3A_52] : memref<1x512xf32, #tpu.memory_space<vmem>>, vector<1x512xf32>
      tpu.vector_store %arg4[%swap3A_51, %swap3A_52], %broadcast_in_dim3A_50 {strides = array<i32>} : memref<1x512xf32, #tpu.memory_space<vmem>>, vector<1x512xf32>,
    } else {
    }
    %get3A_19 = arith.constant 0 : index
    %get3A_20 = arith.constant 0 : index
    %get3A_21 = vector.load %arg2[%get3A_19, %get3A_20] : memref<64x512xf32, #tpu.memory_space<vmem>>, vector<64x512xf32>
    %add3A = arith.addf %get3A_21, %convert_element_type3A_14 : vector<64x512xf32>
    %swap3A = arith.constant 0 : index
    %swap3A_22 = arith.constant 0 : index
    %swap3A_23 = vector.load %arg2[%swap3A, %swap3A_22] : memref<64x512xf32, #tpu.memory_space<vmem>>, vector<64x512xf32>
    tpu.vector_store %arg2[%swap3A, %swap3A_22], %add3A {strides = array<i32>} : memref<64x512xf32, #tpu.memory_space<vmem>>, vector<64x512xf32>,
    %get3A_24 = arith.constant 0 : index
    %get3A_25 = arith.constant 0 : index
    %get3A_26 = vector.load %arg3[%get3A_24, %get3A_25] : memref<64x512xf32, #tpu.memory_space<vmem>>, vector<64x512xf32>
    %add3A_27 = arith.addf %get3A_26, %mul3A_5 : vector<64x512xf32>
    %swap3A_28 = arith.constant 0 : index
    %swap3A_29 = arith.constant 0 : index
    %swap3A_30 = vector.load %arg3[%swap3A_28, %swap3A_29] : memref<64x512xf32, #tpu.memory_space<vmem>>, vector<64x512xf32>
    tpu.vector_store %arg3[%swap3A_28, %swap3A_29], %add3A_27 {strides = array<i32>} : memref<64x512xf32, #tpu.memory_space<vmem>>, vector<64x512xf32>,
    %get3A_31 = arith.constant 0 : index
    %get3A_32 = arith.constant 0 : index
    %get3A_33 = vector.load %arg4[%get3A_31, %get3A_32] : memref<1x512xf32, #tpu.memory_space<vmem>>, vector<1x512xf32>
    %mul3A_34 = arith.mulf %log3A, %log3A : vector<1x512xf32>
    %add3A_35 = arith.addf %get3A_33, %mul3A_34 : vector<1x512xf32>
    %swap3A_36 = arith.constant 0 : index
    %swap3A_37 = arith.constant 0 : index
    %swap3A_38 = vector.load %arg4[%swap3A_36, %swap3A_37] : memref<1x512xf32, #tpu.memory_space<vmem>>, vector<1x512xf32>
    tpu.vector_store %arg4[%swap3A_36, %swap3A_37], %add3A_35 {strides = array<i32>} : memref<1x512xf32, #tpu.memory_space<vmem>>, vector<1x512xf32>,
    return
  }
  func.func @transform_0(%arg0: i32) -> (i32, i32) {
    %add3A = arith.constant 16 : i32
    %add3A_0 = arith.addi %add3A, %arg0 : i32
    %c0_i32 = arith.constant 0 : i32
    %c0_i32_1 = arith.constant 0 : i32
    return %c0_i32, %add3A_0 : i32, i32
  }
  func.func @transform_1(%arg0: i32) -> (i32, i32) {
    %c0_i32 = arith.constant 0 : i32
    %c0_i32_0 = arith.constant 0 : i32
    %c0_i32_1 = arith.constant 0 : i32
    return %c0_i32, %c0_i32_0 : i32, i32
  }
  func.func @transform_2(%arg0: i32) -> (i32, i32) {
    %c0_i32 = arith.constant 0 : i32
    %c0_i32_0 = arith.constant 0 : i32
    %c0_i32_1 = arith.constant 0 : i32
    return %c0_i32, %c0_i32_0 : i32, i32
  }
  func.func @transform_3(%arg0: i32) -> (i32, i32) {
    %c0_i32 = arith.constant 0 : i32
    %c0_i32_0 = arith.constant 0 : i32
    %c0_i32_1 = arith.constant 0 : i32
    return %c0_i32, %c0_i32_0 : i32, i32
  }
}

module attributes {stable_mosaic.version = 14 : i64} {
  func.func @_fin_body(%arg0: memref<32x64x16xf32, #tpu.memory_space<vmem>>, %arg1: memref<32x64x16xf32, #tpu.memory_space<vmem>>, %arg2: memref<32x16xf32, #tpu.memory_space<vmem>>, %arg3: memref<64x512xf32, #tpu.memory_space<vmem>>, %arg4: memref<64x512xf32, #tpu.memory_space<vmem>>, %arg5: memref<1x512xf32, #tpu.memory_space<vmem>>, %arg6: memref<1x1xf32, #tpu.memory_space<vmem>>) attributes {dimension_semantics = [], scalar_prefetch = 0 : i64, scratch_operands = 0 : i64, tpu.core_type = #tpu.core_type<tc>} {
    %get3A = arith.constant 0 : index
    %get3A_0 = arith.constant 0 : index
    %get3A_1 = arith.constant 0 : index
    %get3A_2 = vector.load %arg0[%get3A, %get3A_0, %get3A_1] : memref<32x64x16xf32, #tpu.memory_space<vmem>>, vector<32x64x16xf32>
    %reduce_sum3A = arith.constant dense<0.000000e+00> : vector<64x16xf32>
    %reduce_sum3A_3 = vector.multi_reduction <add>, %get3A_2, %reduce_sum3A [0] : vector<32x64x16xf32> to vector<64x16xf32>
    %reduce_sum3A_4 = arith.constant dense<0.000000e+00> : vector<64xf32>
    %reduce_sum3A_5 = vector.multi_reduction <add>, %reduce_sum3A_3, %reduce_sum3A_4 [1] : vector<64x16xf32> to vector<64xf32>
    %get3A_6 = arith.constant 0 : index
    %get3A_7 = arith.constant 0 : index
    %get3A_8 = vector.load %arg3[%get3A_6, %get3A_7] : memref<64x512xf32, #tpu.memory_space<vmem>>, vector<64x512xf32>
    %reduce_sum3A_9 = arith.constant dense<0.000000e+00> : vector<64xf32>
    %reduce_sum3A_10 = vector.multi_reduction <add>, %get3A_8, %reduce_sum3A_9 [1] : vector<64x512xf32> to vector<64xf32>
    %add3A = arith.addf %reduce_sum3A_5, %reduce_sum3A_10 : vector<64xf32>
    %get3A_11 = arith.constant 0 : index
    %get3A_12 = arith.constant 0 : index
    %get3A_13 = arith.constant 0 : index
    %get3A_14 = vector.load %arg1[%get3A_11, %get3A_12, %get3A_13] : memref<32x64x16xf32, #tpu.memory_space<vmem>>, vector<32x64x16xf32>
    %reduce_sum3A_15 = arith.constant dense<0.000000e+00> : vector<64x16xf32>
    %reduce_sum3A_16 = vector.multi_reduction <add>, %get3A_14, %reduce_sum3A_15 [0] : vector<32x64x16xf32> to vector<64x16xf32>
    %reduce_sum3A_17 = arith.constant dense<0.000000e+00> : vector<64xf32>
    %reduce_sum3A_18 = vector.multi_reduction <add>, %reduce_sum3A_16, %reduce_sum3A_17 [1] : vector<64x16xf32> to vector<64xf32>
    %get3A_19 = arith.constant 0 : index
    %get3A_20 = arith.constant 0 : index
    %get3A_21 = vector.load %arg4[%get3A_19, %get3A_20] : memref<64x512xf32, #tpu.memory_space<vmem>>, vector<64x512xf32>
    %reduce_sum3A_22 = arith.constant dense<0.000000e+00> : vector<64xf32>
    %reduce_sum3A_23 = vector.multi_reduction <add>, %get3A_21, %reduce_sum3A_22 [1] : vector<64x512xf32> to vector<64xf32>
    %add3A_24 = arith.addf %reduce_sum3A_18, %reduce_sum3A_23 : vector<64xf32>
    %get3A_25 = arith.constant 0 : index
    %get3A_26 = arith.constant 0 : index
    %get3A_27 = vector.load %arg2[%get3A_25, %get3A_26] : memref<32x16xf32, #tpu.memory_space<vmem>>, vector<32x16xf32>
    %reduce_sum3A_28 = vector.shape_cast %get3A_27 : vector<32x16xf32> to vector<1x32x16xf32>
    %reduce_sum3A_29 = arith.constant dense<0.000000e+00> : vector<1xf32>
    %reduce_sum3A_30 = vector.multi_reduction <add>, %reduce_sum3A_28, %reduce_sum3A_29 [1, 2] : vector<1x32x16xf32> to vector<1xf32>
    %reduce_sum3A_31 = vector.shape_cast %reduce_sum3A_30 : vector<1xf32> to vector<1x1x1xf32>
    %reduce_sum3A_32 = vector.extract %reduce_sum3A_31[0, 0, 0] : f32 from vector<1x1x1xf32>
    %get3A_33 = arith.constant 0 : index
    %get3A_34 = arith.constant 0 : index
    %get3A_35 = vector.load %arg5[%get3A_33, %get3A_34] : memref<1x512xf32, #tpu.memory_space<vmem>>, vector<1x512xf32>
    %reduce_sum3A_36 = vector.shape_cast %get3A_35 : vector<1x512xf32> to vector<1x1x512xf32>
    %reduce_sum3A_37 = arith.constant dense<0.000000e+00> : vector<1xf32>
    %reduce_sum3A_38 = vector.multi_reduction <add>, %reduce_sum3A_36, %reduce_sum3A_37 [1, 2] : vector<1x1x512xf32> to vector<1xf32>
    %reduce_sum3A_39 = vector.shape_cast %reduce_sum3A_38 : vector<1xf32> to vector<1x1x1xf32>
    %reduce_sum3A_40 = vector.extract %reduce_sum3A_39[0, 0, 0] : f32 from vector<1x1x1xf32>
    %add3A_41 = arith.addf %reduce_sum3A_32, %reduce_sum3A_40 : f32
    %div3A = arith.constant 1.638400e+04 : f32
    %div3A_42 = arith.divf %add3A_41, %div3A : f32
    %div3A_43 = arith.constant 1.638400e+04 : f32
    %div3A_44 = vector.broadcast %div3A_43 : f32 to vector<64xf32>
    %div3A_45 = arith.divf %add3A, %div3A_44 : vector<64xf32>
    %div3A_46 = arith.constant 1.638400e+04 : f32
    %div3A_47 = vector.broadcast %div3A_46 : f32 to vector<64xf32>
    %div3A_48 = arith.divf %add3A_24, %div3A_47 : vector<64xf32>
    %mul3A = arith.mulf %div3A_45, %div3A_48 : vector<64xf32>
    %reduce_sum3A_49 = vector.shape_cast %mul3A : vector<64xf32> to vector<1x64xf32>
    %reduce_sum3A_50 = arith.constant dense<0.000000e+00> : vector<1xf32>
    %reduce_sum3A_51 = vector.multi_reduction <add>, %reduce_sum3A_49, %reduce_sum3A_50 [1] : vector<1x64xf32> to vector<1xf32>
    %reduce_sum3A_52 = vector.shape_cast %reduce_sum3A_51 : vector<1xf32> to vector<1x1xf32>
    %reduce_sum3A_53 = vector.extract %reduce_sum3A_52[0, 0] : f32 from vector<1x1xf32>
    %mul3A_54 = arith.constant 6.400000e+01 : f32
    %mul3A_55 = arith.mulf %reduce_sum3A_53, %mul3A_54 : f32
    %mul3A_56 = arith.constant 1.000000e-03 : f32
    %mul3A_57 = arith.mulf %mul3A_56, %div3A_42 : f32
    %mul3A_58 = arith.constant 1.000000e-03 : f32
    %mul3A_59 = arith.mulf %mul3A_58, %mul3A_55 : f32
    %add3A_60 = arith.addf %mul3A_57, %mul3A_59 : f32
    %reshape3A = vector.broadcast %add3A_60 : f32 to vector<1x1xf32>
    %swap3A = arith.constant 0 : index
    %swap3A_61 = arith.constant 0 : index
    %swap3A_62 = vector.load %arg6[%swap3A, %swap3A_61] : memref<1x1xf32, #tpu.memory_space<vmem>>, vector<1x1xf32>
    tpu.vector_store %arg6[%swap3A, %swap3A_61], %reshape3A {strides = array<i32>} : memref<1x1xf32, #tpu.memory_space<vmem>>, vector<1x1xf32>,
    return
  }
}

</mosaic_0001>

<sc_bundles>
// kernel: kernel.5.cloned.1.call-start
scs
__scs_entry_jumppad:
0x0: {  	(pc) =	sbr.rel $0x88, $3  }
0x1: {  	(tag) =	ssettag $0x0;
	lr =	simm.s32 $0x1  }
0x2: {  	[smem:$0x3FA0] =	sst lr;
	_ =	strace $0xD0000000  }
0x3: {  	_ = 	snop  }
0x4: {  	_ = 	snop  }
0x5: {  	_ = 	snop  }
0x6: {  	_ = 	snop  }
0x7: {  	_ = 	snop  }
__scs_overlays_trampoline_lowered:
0x8: {  	[smem:$0x3FAF] =	sst s0  }
0x9: {  	[smem:$0x3FB0] =	sst s1  }
0xa: {  	[smem:$0x3FB1] =	sst s2  }
0xb: {  	[smem:$0x3FB2] =	sst s3  }
0xc: {  	[smem:$0x3FB3] =	sst s4  }
0xd: {  	[smem:$0x3FB4] =	sst s5  }
0xe: {  	[smem:$0x3FB5] =	sst s6  }
0xf: {  	[smem:$0x3FB6] =	sst s7  }
0x10: {  	[smem:$0x3FB7] =	sst s8  }
0x11: {  	[smem:$0x3FB8] =	sst s9;
	s0 =	simm.s32 @!p0 $0x0  }
0x12: {  	s1 =	sld [smem:$0x3F9E];
	s0 =	simm.s32 @p0 $0x1  }
0x13: {  	[smem:$0x3FB9] =	sst s0;
	s0 =	simm.s32 @!p1 $0x0  }
0x14: {  	s2 =	sld [smem:$0x3F9D];
	s0 =	simm.s32 @p1 $0x1  }
0x15: {  	[smem:$0x3FBA] =	sst s0;
	s0 =	simm.s32 @!p2 $0x0  }
0x16: {  	s3 =	sld [smem:$0x3FDB];
	s0 =	simm.s32 @p2 $0x1  }
0x17: {  	s4 =	simm.s32 $0x1BF5;
	[smem:$0x3FBC] =	sst s0  }
0x18: {  	s0 =	sld [smem:$0x3F9F];
	_ =	swait.ge [sflag:s4], $0x0  }
0x19: {  	s7 =	sld [smem:$0x3FA0]  }
0x1a: {  	s8 =	sadd.s32 $0xFFFFE003, lr  }
0x1b: {  	s9 =	sadd.s32 $0xFFFFFEF7, lr;
	s5 =	simm.s32 $0xFFFFFFFF;
	p2 =	slt.u32 s8, $0xFFFFF086  }
0x1c: {  	p1 =	slt.u32 s9, $0xF7A;
	s5 =	simm.s32 @!p2 $0x0  }
0x1d: {  	s5 =	simm.s32 @p1 $0x1;
	p0 =	seq.s32 s7, s2  }
0x1e: {  	s7 =	smul.u32 @!p0 $0xF7A, s2;
	p2 =	seq.s32 @!p0 s5, $0x0  }
0x1f: {  	s9 =	smul.u32 $0xF7A, s1;
	s8 =	simm.s32 @!p0 $0x1BF5;
	p2 =	por !p2, p0  }
0x20: {  	[sflag:s8] =	ssyncset.s32 @!p0 $0xFFFFF086;
	s6 =	sadd.s32 @!p0 s3, s7;
	s7 =	simm.s32 @!p0 $0x108  }
0x21: {  	s3 =	sadd.s32 s3, s9;
	s6 =	sadd.s32 @!p0 $0x88, s6;
	s7 =	simm.s32 @p2 $0x1082  }
0x22: {  	[simem:s7], [sflag:s8] =	dma.local @!p0 [hbm:s6], $0xF7A  }
0x23: {  	s9 =	sor.u32 $0xD0000000, s2;
	s6 =	simm.s32 $0x108;
	_ =	swait.ge @!p0 [sflag:s8], $0x0  }
0x24: {  	s3 =	sadd.s32 $0x88, s3;
	s6 =	simm.s32 @!p1 $0x1082;
	[sflag:s4] =	ssyncset.s32 $0xFFFFF086  }
0x25: {  	[simem:s6], [sflag:s4] =	dma.local [hbm:s3], $0xF7A  }
0x26: {  	[smem:$0x3FA0] =	sst s1;
	(tag) =	ssettag s2;
	_ =	strace s9  }
0x27: {  	s1 =	sld [smem:$0x3FB0]  }
0x28: {  	s2 =	sld [smem:$0x3FB1]  }
0x29: {  	s4 =	sld [smem:$0x3FB3]  }
0x2a: {  	p0 =	seq.s32 s5, $0x0;
	s5 =	sld [smem:$0x3FB4]  }
0x2b: {  	s6 =	sld [smem:$0x3FB5]  }
0x2c: {  	s7 =	sld [smem:$0x3FB6]  }
0x2d: {  	s3 =	simm.s32 $0x108;
	s8 =	sld [smem:$0x3FB7]  }
0x2e: {  	s3 =	simm.s32 @!p0 $0x1082;
	s9 =	sld [smem:$0x3FB8]  }
0x2f: {  	lr =	sadd.s32 s0, s3;
	s0 =	sld [smem:$0x3FAF]  }
0x30: {  	s3 =	sld [smem:$0x3FB2]  }
0x31: {  	[smem:$0x3FBB] =	sst s10  }
0x32: {  	s10 =	sld [smem:$0x3FB9];
	_ =	sdelay $0x3  }
0x33: {  	p0 =	seq.s32 s10, $0x1;
	s10 =	sld [smem:$0x3FBB];
	_ =	sdelay $0x3  }
0x34: {  	[smem:$0x3FBB] =	sst s10  }
0x35: {  	s10 =	sld [smem:$0x3FBA];
	_ =	sdelay $0x3  }
0x36: {  	p1 =	seq.s32 s10, $0x1;
	s10 =	sld [smem:$0x3FBB];
	_ =	sdelay $0x3  }
0x37: {  	[smem:$0x3FBB] =	sst s10  }
0x38: {  	s10 =	sld [smem:$0x3FBC]  }
0x39: {  	_ = 	snop;
	(pc) =	sbr.ind lr, $3  }
0x3a: {  	_ = 	snop  }
0x3b: {  	_ = 	snop  }
0x3c: {  	p2 =	seq.s32 s10, $0x1;
	s10 =	sld [smem:$0x3FBB]  }
0x3d: {  	_ =	shalt  }
0x3e: {  	_ =	shalt  }
0x3f: {  	_ =	shalt  }
0x40: {  	_ =	shalt  }
0x41: {  	_ =	shalt  }
0x42: {  	_ =	shalt  }
0x43: {  	_ =	shalt  }
0x44: {  	_ =	shalt  }
0x45: {  	_ =	shalt  }
0x46: {  	_ =	shalt  }
0x47: {  	_ =	shalt  }
0x48: {  	_ =	shalt  }
0x49: {  	_ =	shalt  }
0x4a: {  	_ =	shalt  }
0x4b: {  	_ =	shalt  }
0x4c: {  	_ =	shalt  }
0x4d: {  	_ =	shalt  }
0x4e: {  	_ =	shalt  }
0x4f: {  	_ =	shalt  }
0x50: {  	_ =	shalt  }
0x51: {  	_ =	shalt  }
0x52: {  	_ =	shalt  }
0x53: {  	_ =	shalt  }
0x54: {  	_ =	shalt  }
0x55: {  	_ =	shalt  }
0x56: {  	_ =	shalt  }
0x57: {  	_ =	shalt  }
0x58: {  	_ =	shalt  }
0x59: {  	_ =	shalt  }
0x5a: {  	_ =	shalt  }
0x5b: {  	_ =	shalt  }
0x5c: {  	_ =	shalt  }
0x5d: {  	_ =	shalt  }
0x5e: {  	_ =	shalt  }
0x5f: {  	_ =	shalt  }
0x60: {  	_ =	shalt  }
0x61: {  	_ =	shalt  }
0x62: {  	_ =	shalt  }
0x63: {  	_ =	shalt  }
0x64: {  	_ =	shalt  }
0x65: {  	_ =	shalt  }
0x66: {  	_ =	shalt  }
0x67: {  	_ =	shalt  }
0x68: {  	_ =	shalt  }
0x69: {  	_ =	shalt  }
0x6a: {  	_ =	shalt  }
0x6b: {  	_ =	shalt  }
0x6c: {  	_ =	shalt  }
0x6d: {  	_ =	shalt  }
0x6e: {  	_ =	shalt  }
0x6f: {  	_ =	shalt  }
0x70: {  	_ =	shalt  }
0x71: {  	_ =	shalt  }
0x72: {  	_ =	shalt  }
0x73: {  	_ =	shalt  }
0x74: {  	_ =	shalt  }
0x75: {  	_ =	shalt  }
0x76: {  	_ =	shalt  }
0x77: {  	_ =	shalt  }
0x78: {  	_ =	shalt  }
0x79: {  	_ =	shalt  }
0x7a: {  	_ =	shalt  }
0x7b: {  	_ =	shalt  }
0x7c: {  	_ =	shalt  }
0x7d: {  	_ =	shalt  }
0x7e: {  	_ =	shalt  }
0x7f: {  	_ =	shalt  }
0x80: {  	_ =	shalt  }
0x81: {  	_ =	shalt  }
0x82: {  	_ =	shalt  }
0x83: {  	_ =	shalt  }
0x84: {  	_ =	shalt  }
0x85: {  	_ =	shalt  }
0x86: {  	_ =	shalt  }
0x87: {  	_ =	shalt  }
.Lfunc_end0:
.L_simem_size_0:
called_computation_lowered:
.L_overlay_start_0:
0x88: {  	s2 =	sld [smem:$0x3FD9]  }
0x89: {  	s3 =	sld [smem:$0x3FFE];
	_ =	sdelay $0x1  }
0x8a: {  	s1 =	srdreg.scid  }
0x8b: {  	s0 =	sand.u32 $0x1, s1  }
0x8c: {  	s17 =	sshll.u32 s0, $0xA;
	s2 =	sadd.s32 s3, s2  }
0x8d: {  	s2 =	sadd.s32 s2, s17  }
0x8e: {  	[smem:$0x3FC7] =	sst s2  }
0x8f: {  	_ = 	snop  }
0x90: {  	s2 =	sld [smem:$0x3FC9];
	(tm) =	ssettm $0x1  }
0x91: {  	s18 =	sld [smem:$0x3FFB];
	_ =	sdelay $0x3  }
0x92: {  	_ =	strace s18  }
0x93: {  	s3 =	sld [smem:$0x3FFC];
	_ =	sdelay $0x3  }
0x94: {  	_ =	strace s3  }
0x95: {  	s3 =	sld [smem:$0x3FFD];
	_ =	sdelay $0x3  }
0x96: {  	_ =	strace s3  }
0x97: {  	_ =	strace $0x8FFFFFFF  }
0x98: {  	s19 =	sld [smem:$0x3FDB];
	_ =	sdelay $0x1  }
0x99: {  	s4 =	simm.s32 $_scs_section_size  }
0x9a: {  	s5 =	simm.s32 $_size__tile_overlayer_lowered;
	s6 =	simm.s32 $_tile_overlayer_lowered  }
0x9b: {  	s22 =	simm.s32 $0x1BFF;
	s21 =	sshll.u32 s6, $0x1;
	s3 =	sadd.s32 s4, s19  }
0x9c: {  	s7 =	simm.s32 $0x0;
	s20 =	sshll.u32 s5, $0x1;
	s5 =	sadd.s32 s21, s3  }
0x9d: {  	[timem:s7], [sflag:s22] =	dma.local [hbm:s5], s20  }
0x9e: {  	_ =	swait.ge [sflag:s22], s20  }
0x9f: {  	s4 =	ssub.s32 $0x0, s20;
	[sflag:s22] =	ssyncset.done $0x0  }
0xa0: {  	[sflag:s22] =	ssyncadd.s32 s4;
	_ =	sdelay $0x1  }
0xa1: {  	s23 =	simm.s32 $0x1B8B  }
0xa2: {  	_ =	swait.ge [sflag:s23], $0x1  }
0xa3: {  	[sflag:s23] =	ssyncset.done $0x0  }
0xa4: {  	s25 =	simm.s32 $0x1B8E;
	s24 =	sld [smem:$0x3FFE];
	[sflag:s23] =	ssyncadd.s32 $0xFFFFFFFF  }
0xa5: {  	s26 =	simm.s32 $execute0_lowered;
	[smem:$0x3FD2] =	sst s25  }
0xa6: {  	s5 =	sshll.u32 s26, $0x1;
	_ =	strace $0x80000046;
	[dreg:$0x1] =	wrdreg $0xFFFFFFFF  }
0xa7: {  	s28 =	simm.s32 $_size_execute0_lowered;
	s3 =	sadd.s32 s3, s5;
	[dreg:$0x0] =	wrdreg $0x0  }
0xa8: {  	s5 =	sshll.u32 s28, $0x1;
	[dreg:$0x2] =	wrdreg s3  }
0xa9: {  	[dreg:$0x3] =	wrdreg s5  }
0xaa: {  	[dreg:$0x4] =	wrdreg $0xC0  }
0xab: {  	_ =	task [dreg:s7], $0x5FFFF  }
0xac: {  	[dreg:$0x1] =	wrdreg $0xFFFFFFFF  }
0xad: {  	[dreg:$0x0] =	wrdreg $0x60  }
0xae: {  	[dreg:$0x2] =	wrdreg s2  }
0xaf: {  	[dreg:$0x3] =	wrdreg s24  }
0xb0: {  	[dreg:$0x4] =	wrdreg $0x9  }
0xb1: {  	_ =	task.clear_ibuf [dreg:s7], $0x5FFFF;
	_ =	strace $0x90000046  }
0xb2: {  	s29 =	simm.s32 $0x9;
	_ =	strace $0x80000048  }
0xb3: {  	_ =	swait.ge [sflag:s29], $0x1  }
0xb4: {  	[sflag:s29] =	ssyncadd.s32 $0xFFFFFFFF  }
0xb5: {  	_ =	strace $0x90000048  }
0xb6: {  	_ =	sfence  }
0xb7: {  	s30 =	sld [smem:$0x0];
	_ =	sdelay $0x2  }
0xb8: {  	s31 =	sshll.u32 s1, $0xD;
	s1 =	sshrl.u32 s1, $0x2  }
0xb9: {  	s3 =	sand.u32 $0x4000, s31;
	s1 =	sadd.s32 s1, s30  }
0xba: {  	s0 =	sor.u32 s3, s0;
	s1 =	sshll.u32 s1, $0x11  }
0xbb: {  	s0 =	sor.u32 s1, s0  }
0xbc: {  	s0 =	sadd.s32 $0x8F2B, s0  }
0xbd: {  	[sflag:s0] =	ssyncadd.remote.s32 $0x1  }
0xbe: {  	_ =	sfence.sel $0xFFFF  }
0xbf: {  	[dreg:$0x0] =	wrdreg $0xFFFFFFFF;
	(pc) =	sbr.abs _section_cstart, $3  }
0xc0: {  	[dreg:$0x1] =	wrdreg $0xFFFFFFFF  }
0xc1: {  	_ =	task.clear_ibuf [dreg:s7], $0x2FFFF;
	_ =	strace $0x9FFFFFFF  }
0xc2: {  	(tm) =	ssettm $0x7FFFFFFF  }
0xc3: {  	_ =	shalt  }
tec
execute0_lowered:
.L_overlay_start_1:
0x0: {  	(tag) =	ssettag $0x1  }
0x1: {  	s3 =	rddreg [dreg:$0x0];
	s1 =	srdreg.scid  }
0x2: {  	s0 =	stileid.u32;
	s4 =	rddreg [dreg:$0x1];
	s2 =	simm.s32 $0x0  }
0x3: {  	s10 =	simm.s32 $0x20000;
	s11 =	simm.s32 $0x1;
	s12 =	simm.s32 $0x2000  }
0x4: {  	s13 =	simm.s32 $0xA100;
	s14 =	simm.s32 $0x2;
	s15 =	simm.s32 $0x3  }
0x5: {  	s16 =	simm.s32 $0x8100;
	s17 =	simm.s32 $0xC100;
	s18 =	simm.s32 $0x0  }
0x6: {  	s5 =	sand.u32 $0x1, s1;
	s6 =	sshll.u32 s0, $0x1;
	[smem:$0x7FF] =	sst s2  }
0x7: {  	s1 =	rddreg [dreg:$0x2];
	s6 =	sor.u32 s5, s6;
	_ =	strace $0x80000047  }
0x8: {  	s5 =	ssub.s32 $0x2, s5;
	s7 =	sshll.u32 s6, $0xA;
	s8 =	sshll.u32 s6, $0x4  }
0x9: {  	s9 =	sshrl.u32 s5, $0x1;
	s6 =	sshll.u32 s6, $0x8;
	s7 =	sadd.s32 s7, s4  }
0xa: {  	v21 =	vimm.s32 $0x0;
	v42 =	vimm.s32 $0x2;
	v23 =	vimm.s32 $0x4;
	s8 =	sadd.s32 s8, s4;
	s9 =	ssub.s32 s5, s9;
	s3 =	sadd.s32 s3, s6  }
0xb: {  	v24 =	vimm.s32 $0x6;
	v25 =	vimm.s32 $0x8;
	v32 =	vimm.s32 $0xA;
	s4 =	sadd.s32 $0x80, s3;
	s5 =	sadd.s32 $0x1200, s7;
	s6 =	sadd.s32 $0x9200, s7  }
0xc: {  	v27 =	vimm.s32 $0xC;
	v28 =	vimm.s32 $0xE;
	v43 =	vimm.s32 $0x10;
	s7 =	sadd.s32 $0x11200, s8;
	s8 =	smax.u32 s9, $0x1;
	s9 =	simm.s32 $0x400  }
.LBB2_1:
0xd: {  	v0 =	vimm.f32 $0.0e+00  }
0xe: {  	[tilespmem:$0xA100] =	vst v0  }
0xf: {  	[tilespmem:$0xA180] =	vst v0  }
0x10: {  	[tilespmem:$0xA200] =	vst v0  }
0x11: {  	[tilespmem:$0xA280] =	vst v0  }
0x12: {  	[tilespmem:$0xA300] =	vst v0  }
0x13: {  	[tilespmem:$0xA380] =	vst v0  }
0x14: {  	[tilespmem:$0xA400] =	vst v0  }
0x15: {  	[tilespmem:$0xA480] =	vst v0  }
0x16: {  	[tilespmem:$0xA500] =	vst v0  }
0x17: {  	[tilespmem:$0xA580] =	vst v0  }
0x18: {  	[tilespmem:$0xA600] =	vst v0  }
0x19: {  	[tilespmem:$0xA680] =	vst v0  }
0x1a: {  	[tilespmem:$0xA700] =	vst v0  }
0x1b: {  	[tilespmem:$0xA780] =	vst v0  }
0x1c: {  	[tilespmem:$0xA800] =	vst v0  }
0x1d: {  	[tilespmem:$0xA880] =	vst v0  }
0x1e: {  	[tilespmem:$0xA900] =	vst v0  }
0x1f: {  	[tilespmem:$0xA980] =	vst v0  }
0x20: {  	[tilespmem:$0xAA00] =	vst v0  }
0x21: {  	[tilespmem:$0xAA80] =	vst v0  }
0x22: {  	[tilespmem:$0xAB00] =	vst v0  }
0x23: {  	[tilespmem:$0xAB80] =	vst v0  }
0x24: {  	[tilespmem:$0xAC00] =	vst v0  }
0x25: {  	[tilespmem:$0xAC80] =	vst v0  }
0x26: {  	[tilespmem:$0xAD00] =	vst v0  }
0x27: {  	[tilespmem:$0xAD80] =	vst v0  }
0x28: {  	[tilespmem:$0xAE00] =	vst v0  }
0x29: {  	[tilespmem:$0xAE80] =	vst v0  }
0x2a: {  	[tilespmem:$0xAF00] =	vst v0  }
0x2b: {  	[tilespmem:$0xAF80] =	vst v0  }
0x2c: {  	[tilespmem:$0xB000] =	vst v0  }
0x2d: {  	[tilespmem:$0xB080] =	vst v0  }
0x2e: {  	[tilespmem:$0xB100] =	vst v0  }
0x2f: {  	[tilespmem:$0xB180] =	vst v0  }
0x30: {  	[tilespmem:$0xB200] =	vst v0  }
0x31: {  	[tilespmem:$0xB280] =	vst v0  }
0x32: {  	[tilespmem:$0xB300] =	vst v0  }
0x33: {  	[tilespmem:$0xB380] =	vst v0  }
0x34: {  	[tilespmem:$0xB400] =	vst v0  }
0x35: {  	[tilespmem:$0xB480] =	vst v0  }
0x36: {  	[tilespmem:$0xB500] =	vst v0  }
0x37: {  	[tilespmem:$0xB580] =	vst v0  }
0x38: {  	[tilespmem:$0xB600] =	vst v0  }
0x39: {  	[tilespmem:$0xB680] =	vst v0  }
0x3a: {  	[tilespmem:$0xB700] =	vst v0  }
0x3b: {  	[tilespmem:$0xB780] =	vst v0  }
0x3c: {  	[tilespmem:$0xB800] =	vst v0  }
0x3d: {  	[tilespmem:$0xB880] =	vst v0  }
0x3e: {  	[tilespmem:$0xB900] =	vst v0  }
0x3f: {  	[tilespmem:$0xB980] =	vst v0  }
0x40: {  	[tilespmem:$0xBA00] =	vst v0  }
0x41: {  	[tilespmem:$0xBA80] =	vst v0  }
0x42: {  	[tilespmem:$0xBB00] =	vst v0  }
0x43: {  	[tilespmem:$0xBB80] =	vst v0  }
0x44: {  	[tilespmem:$0xBC00] =	vst v0  }
0x45: {  	[tilespmem:$0xBC80] =	vst v0  }
0x46: {  	[tilespmem:$0xBD00] =	vst v0  }
0x47: {  	[tilespmem:$0xBD80] =	vst v0  }
0x48: {  	[tilespmem:$0xBE00] =	vst v0  }
0x49: {  	[tilespmem:$0xBE80] =	vst v0  }
0x4a: {  	[tilespmem:$0xBF00] =	vst v0  }
0x4b: {  	[tilespmem:$0xBF80] =	vst v0  }
0x4c: {  	[tilespmem:$0xC000] =	vst v0  }
0x4d: {  	[tilespmem:$0xC080] =	vst v0  }
0x4e: {  	[tilespmem:s2], [sflag:$0x1] =	stream.strided.gather [hbm4b:s3+s9], $0x2000, s10, s9, $0x38;
	[tilespmem:$0xC180] =	vst v63  }
0x4f: {  	_ =	swait.ge [sflag:s11], $0x2000  }
0x50: {  	[sflag:s11] =	ssyncset.done $0x0  }
0x51: {  	s19 =	simm.s32 $0x0;
	[sflag:s11] =	ssyncadd.s32 $0xFFFFE000  }
0x52: {  	[tilespmem:s12], [sflag:$0x2] =	stream.strided.gather [hbm4b:s4+s9], $0x2000, s10, s9, $0x38;
	[tilespmem:$0xC180] =	vst v63  }
.LBB2_2:
0x53: {  	s20 =	sshra.s32 s19, $0x2  }
0x54: {  	[tilespmem:$0x1FFF0] =	vst v0;
	v0 =	vld [tilespmem:s20+$0x0]  }
0x55: {  	v1 =	vld [tilespmem:s20+$0x80]  }
0x56: {  	v2 =	vld [tilespmem:s20+$0x100]  }
0x57: {  	v3 =	vld [tilespmem:s20+$0x180]  }
0x58: {  	v4 =	vld [tilespmem:s20+$0x200]  }
0x59: {  	v5 =	vld [tilespmem:s20+$0x280];
	v6 =	vmul.f32 $1.442695020e+00, v0  }
0x5a: {  	v7 =	vld [tilespmem:s20+$0x300];
	v8 =	vmul.f32 $1.442695020e+00, v1  }
0x5b: {  	v9 =	vld [tilespmem:s20+$0x380];
	v49 =	vmul.f32 $1.442695020e+00, v2;
	(erf) = vpow2.f32 v6  }
0x5c: {  	v50 =	vmul.f32 $1.442695020e+00, v3;
	(erf) = vpow2.f32 v8  }
0x5d: {  	v51 =	vmul.f32 $1.442695020e+00, v4;
	(erf) = vpow2.f32 v49  }
0x5e: {  	v58 =	vld [tilespmem:s20+$0x400];
	v52 =	vmul.f32 $1.442695020e+00, v5;
	(erf) = vpow2.f32 v50  }
0x5f: {  	v60 =	vld [tilespmem:s20+$0x480];
	v53 =	vmul.f32 $1.442695020e+00, v7;
	(erf) = vpow2.f32 v51  }
0x60: {  	v34 =	vld [tilespmem:s20+$0x700];
	v54 =	vmul.f32 $1.442695020e+00, v9;
	(erf) = vpow2.f32 v52  }
0x61: {  	v38 =	vld [tilespmem:s20+$0x780];
	(erf) = vpow2.f32 v53  }
0x62: {  	v18 =	vld [tilespmem:s20+$0x980];
	(erf) = vpow2.f32 v54;
	_ =	sdelay $0x1  }
0x63: {  	vm0 =	vgt.f32 v1, v0;
	v11 =	vpop (erf)  }
0x64: {  	vm13 =	vgt.f32 v3, v2;
	vm14 =	vgt.f32 v5, v4;
	vm15 =	vgt.f32 v9, v7;
	v17 =	vpop (erf)  }
0x65: {  	vm6 =	vgt.f32 v60, v58;
	v37 =	vmul.f32 $1.442695020e+00, v60;
	vm9 =	vgt.f32 v38, v34;
	v16 =	vpop (erf)  }
0x66: {  	v22 =	vmul.f32 $1.442695020e+00, v18;
	v0 =	vsel vm0, v1, v0;
	v1 =	vsel vm0, $0x1, v21;
	v10 =	vpop (erf)  }
0x67: {  	v2 =	vsel vm13, v3, v2;
	v3 =	vsel vm13, $0x3, v42;
	v4 =	vsel vm14, v5, v4;
	v15 =	vpop (erf)  }
0x68: {  	v63 =	vld [tilespmem:s20+$0x500];
	v55 =	vsel vm14, $0x5, v23;
	v56 =	vsel vm15, v9, v7;
	vm4 =	vgt.f32 v2, v0;
	v12 =	vpop (erf)  }
0x69: {  	v47 =	vld [tilespmem:s20+$0xB80];
	vm1 =	vgt.f32 v56, v4;
	v0 =	vsel vm4, v2, v0;
	v1 =	vsel vm4, v3, v1;
	v14 =	vpop (erf)  }
0x6a: {  	v3 =	vsel vm1, v56, v4;
	v4 =	vld [tilespmem:s20+$0xA00];
	v2 =	vadd.f32 v17, v11;
	v59 =	vadd.f32 v10, v16;
	v13 =	vpop (erf)  }
0x6b: {  	v57 =	vsel vm15, $0x7, v24;
	v9 =	vld [tilespmem:s20+$0xD80];
	[tilespmem:$0x1FD00] =	vst v17;
	v61 =	vadd.f32 v12, v15;
	v62 =	vadd.f32 v13, v14  }
0x6c: {  	v35 =	vsel vm6, v60, v58;
	vm5 =	vgt.f32 v3, v0;
	v17 =	vld [tilespmem:s20+$0x580];
	[tilespmem:$0x1FD10] =	vst v16;
	v16 =	vsel vm1, v57, v55  }
0x6d: {  	v5 =	vsel vm5, v16, v1;
	v1 =	vld [tilespmem:s20+$0x600];
	v2 =	vadd.f32 v59, v2;
	v33 =	vadd.f32 v62, v61  }
0x6e: {  	v36 =	vsel vm6, $0x9, v25;
	v20 =	vsel vm5, v3, v0;
	v3 =	vmul.f32 $1.442695020e+00, v58;
	v16 =	vld [tilespmem:s20+$0xA80]  }
0x6f: {  	v50 =	vmul.f32 $1.442695020e+00, v47;
	v48 =	vmul.f32 $1.442695020e+00, v4;
	v0 =	vadd.f32 v33, v2;
	v2 =	vld [tilespmem:s20+$0x680]  }
0x70: {  	v46 =	vsel vm9, v38, v34;
	(erf) = vpow2.f32 v3;
	v3 =	vmul.f32 $1.442695020e+00, v63  }
0x71: {  	v19 =	vsel vm9, $0xF, v28;
	(erf) = vpow2.f32 v37;
	v40 =	vmul.f32 $1.442695020e+00, v17  }
0x72: {  	v55 =	vmul.f32 $1.442695020e+00, v9;
	[tilespmem:$0x1FD30] =	vst v15;
	(erf) = vpow2.f32 v3;
	v15 =	vld [tilespmem:s20+$0x800];
	vm7 =	vgt.f32 v17, v63  }
0x73: {  	v21 =	vld [tilespmem:s20+$0x880];
	v39 =	vsel vm7, v17, v63;
	(erf) = vpow2.f32 v40;
	v3 =	vmul.f32 $1.442695020e+00, v1  }
0x74: {  	[tilespmem:$0x1FD60] =	vst v13;
	v13 =	vld [tilespmem:s20+$0x900];
	v49 =	vmul.f32 $1.442695020e+00, v16;
	vm8 =	vgt.f32 v2, v1;
	v42 =	vmul.f32 $1.442695020e+00, v2  }
0x75: {  	v37 =	vld [tilespmem:s20+$0xF00];
	(erf) = vpow2.f32 v3;
	v44 =	vsel vm8, v2, v1;
	v1 =	vmul.f32 $1.442695020e+00, v34  }
0x76: {  	[tilespmem:$0x1FD50] =	vst v14;
	v14 =	vld [tilespmem:s20+$0xE80];
	vm10 =	vgt.f32 v39, v35;
	v2 =	vmul.f32 $1.442695020e+00, v38;
	(erf) = vpow2.f32 v42  }
0x77: {  	[tilespmem:$0x1FD20] =	vst v10;
	v10 =	vsel vm10, v39, v35;
	v39 =	vld [tilespmem:s20+$0xD00];
	(erf) = vpow2.f32 v1;
	v1 =	vmul.f32 $1.442695020e+00, v15  }
0x78: {  	v41 =	vsel vm7, $0xB, v32;
	v3 =	vld [tilespmem:s20+$0xB00];
	(erf) = vpow2.f32 v2;
	v2 =	vmul.f32 $1.442695020e+00, v21  }
0x79: {  	v23 =	vsel vm10, v41, v36;
	(erf) = vpow2.f32 v1;
	v1 =	vmul.f32 $1.442695020e+00, v13  }
0x7a: {  	v62 =	vmul.f32 $1.442695020e+00, v37;
	vm15 =	vgt.f32 v16, v4;
	vm14 =	vgt.f32 v21, v15  }
0x7b: {  	v4 =	vsel vm15, v16, v4;
	v61 =	vmul.f32 $1.442695020e+00, v14;
	(erf) = vpow2.f32 v2;
	v2 =	vld [tilespmem:s20+$0xC00]  }
0x7c: {  	v7 =	vld [tilespmem:s20+$0xC80];
	vm2 =	vgt.f32 v18, v13;
	v54 =	vmul.f32 $1.442695020e+00, v39;
	(erf) = vpow2.f32 v1  }
0x7d: {  	vm3 =	vgt.f32 v47, v3;
	v45 =	vsel vm8, $0xD, v27;
	(erf) = vpow2.f32 v22;
	v1 =	vpop (erf)  }
0x7e: {  	vm11 =	vgt.f32 v46, v44;
	v22 =	vmul.f32 $1.442695020e+00, v3;
	(erf) = vpow2.f32 v48;
	v25 =	vpop (erf)  }
0x7f: {  	[tilespmem:$0x1FD40] =	vst v12;
	v34 =	vld [tilespmem:s20+$0xE00];
	v12 =	vsel vm11, v46, v44;
	v51 =	vsel vm11, v19, v45;
	(erf) = vpow2.f32 v49;
	v26 =	vpop (erf)  }
0x80: {  	v19 =	vimm.s32 $0x14;
	(erf) = vpow2.f32 v22;
	v52 =	vmul.f32 $1.442695020e+00, v2;
	v27 =	vpop (erf)  }
0x81: {  	v30 =	vld [tilespmem:s20+$0x1180];
	vm12 =	vgt.f32 v12, v10;
	v22 =	vmul.f32 $1.442695020e+00, v7;
	(erf) = vpow2.f32 v50;
	v28 =	vpop (erf)  }
0x82: {  	v35 =	vld [tilespmem:s20+$0xF80];
	v21 =	vsel vm14, v21, v15;
	v24 =	vsel vm12, v12, v10;
	v53 =	vpop (erf);
	(erf) = vpow2.f32 v52  }
0x83: {  	v56 =	vld [tilespmem:s20+$0x1000];
	v23 =	vsel vm12, v51, v23;
	v13 =	vsel vm2, v18, v13;
	v31 =	vpop (erf);
	(erf) = vpow2.f32 v22  }
0x84: {  	v59 =	vld [tilespmem:s20+$0x1080];
	vm13 =	vgt.f32 v24, v20;
	v58 =	vmul.f32 $1.442695020e+00, v34;
	[tilespmem:$0x1FD70] =	vst v1;
	v57 =	vpop (erf);
	(erf) = vpow2.f32 v54  }
0x85: {  	v24 =	vsel vm13, v24, v20;
	[tilespmem:$0x1FD80] =	vst v25;
	v60 =	vadd.f32 v25, v1;
	v1 =	vld [tilespmem:s20+$0x1100];
	v40 =	vpop (erf);
	(erf) = vpow2.f32 v55  }
0x86: {  	v44 =	vld [tilespmem:s20+$0x1680];
	v20 =	vmul.f32 $1.442695020e+00, v30;
	[tilespmem:$0x1FD90] =	vst v26;
	v22 =	vadd.f32 v27, v26;
	v38 =	vpop (erf);
	(erf) = vpow2.f32 v58  }
0x87: {  	v63 =	vld [tilespmem:s20+$0x1200];
	[tilespmem:$0x1FDA0] =	vst v27;
	v25 =	vadd.f32 v53, v28;
	v26 =	vmul.f32 $1.442695020e+00, v35;
	v6 =	vpop (erf);
	(erf) = vpow2.f32 v61  }
0x88: {  	v42 =	vld [tilespmem:s20+$0x1280];
	[tilespmem:$0x1FDB0] =	vst v28;
	v28 =	vmul.f32 $1.442695020e+00, v56;
	v27 =	vadd.f32 v57, v31;
	v29 =	vpop (erf);
	(erf) = vpow2.f32 v62  }
0x89: {  	v51 =	vld [tilespmem:s20+$0x1300];
	v22 =	vadd.f32 v22, v60;
	v12 =	vpop (erf);
	(erf) = vpow2.f32 v26;
	v26 =	vmul.f32 $1.442695020e+00, v59  }
0x8a: {  	v48 =	vld [tilespmem:s20+$0x1380];
	[tilespmem:$0x1FDC0] =	vst v53;
	v25 =	vadd.f32 v27, v25;
	v27 =	vmul.f32 $1.442695020e+00, v1;
	v41 =	vpop (erf);
	(erf) = vpow2.f32 v28  }
0x8b: {  	vm4 =	vgt.f32 v13, v21;
	v46 =	vmul.f32 $1.442695020e+00, v44;
	[tilespmem:$0x1FE40] =	vst v1;
	v1 =	vld [tilespmem:s20+$0x1400];
	v53 =	vpop (erf);
	(erf) = vpow2.f32 v26  }
0x8c: {  	[tilespmem:$0x1FCF0] =	vst v11;
	v22 =	vadd.f32 v25, v22;
	v25 =	vmul.f32 $1.442695020e+00, v63;
	v26 =	vld [tilespmem:s20+$0x1480];
	v28 =	vpop (erf);
	(erf) = vpow2.f32 v27  }
0x8d: {  	[tilespmem:$0x1FE10] =	vst v59;
	v33 =	vld [tilespmem:s20+$0x1500];
	v59 =	vsel vm13, v23, v5;
	v11 =	vpop (erf);
	(erf) = vpow2.f32 v20;
	v20 =	vmul.f32 $1.442695020e+00, v42  }
0x8e: {  	v36 =	vld [tilespmem:s20+$0x1580];
	[tilespmem:$0x1FDE0] =	vst v57;
	v23 =	vadd.f32 v22, v0;
	v0 =	vmul.f32 $1.442695020e+00, v51;
	v57 =	vpop (erf);
	(erf) = vpow2.f32 v25  }
0x8f: {  	v3 =	vsel vm3, v47, v3;
	v22 =	vld [tilespmem:s20+$0x1600];
	v58 =	vpop (erf);
	(erf) = vpow2.f32 v20;
	v20 =	vmul.f32 $1.442695020e+00, v48  }
0x90: {  	vm8 =	vgt.f32 v3, v4;
	v61 =	vld [tilespmem:s20+$0x1700];
	v60 =	vpop (erf);
	(erf) = vpow2.f32 v0;
	v0 =	vmul.f32 $1.442695020e+00, v1  }
0x91: {  	v49 =	vsel vm14, $0x11, v43;
	v45 =	vmul.f32 $1.442695020e+00, v26;
	v54 =	vpop (erf);
	(erf) = vpow2.f32 v20  }
0x92: {  	[tilespmem:$0x1FE60] =	vst v63;
	v3 =	vsel vm8, v3, v4;
	v63 =	vld [tilespmem:s20+$0x1800];
	(erf) = vpow2.f32 v0;
	v0 =	vmul.f32 $1.442695020e+00, v33  }
0x93: {  	[tilespmem:$0x1FEF0] =	vst v33;
	v43 =	vsel vm15, $0x15, v19;
	v50 =	vld [tilespmem:s20+$0x1780];
	v20 =	vmul.f32 $1.442695020e+00, v36;
	v62 =	vpop (erf);
	(erf) = vpow2.f32 v45  }
0x94: {  	v52 =	vld [tilespmem:s20+$0x1880];
	[tilespmem:$0x1FDD0] =	vst v31;
	v55 =	vimm.s32 $0x12;
	v31 =	vpop (erf);
	(erf) = vpow2.f32 v0;
	v0 =	vmul.f32 $1.442695020e+00, v22  }
0x95: {  	[tilespmem:$0x1FF40] =	vst v44;
	v47 =	vmul.f32 $1.442695020e+00, v61;
	v27 =	vadd.f32 v41, v12;
	v10 =	vpop (erf);
	(erf) = vpow2.f32 v20  }
0x96: {  	v44 =	vld [tilespmem:s20+$0x1B00];
	[tilespmem:$0x1FEB0] =	vst v28;
	v28 =	vadd.f32 v28, v53;
	v33 =	vpop (erf);
	v20 =	vsel vm2, $0x13, v55;
	(erf) = vpow2.f32 v0  }
0x97: {  	[tilespmem:$0x1FE00] =	vst v56;
	v56 =	vmul.f32 $1.442695020e+00, v63;
	v32 =	vpop (erf);
	v20 =	vsel vm4, v20, v49;
	v49 =	vld [tilespmem:s20+$0x1900];
	(erf) = vpow2.f32 v46  }
0x98: {  	[tilespmem:$0x1FF00] =	vst v36;
	v0 =	vsel vm4, v13, v21;
	v21 =	vmul.f32 $1.442695020e+00, v50;
	v36 =	vpop (erf);
	(erf) = vpow2.f32 v47;
	v47 =	vld [tilespmem:s20+$0x1980]  }
0x99: {  	v25 =	vmul.f32 $1.442695020e+00, v52;
	v28 =	vadd.f32 v28, v27;
	v46 =	vld [tilespmem:s20+$0x1A00];
	vm9 =	vgt.f32 v3, v0  }
0x9a: {  	[tilespmem:$0x1FE50] =	vst v30;
	v45 =	vld [tilespmem:s20+$0x1A80];
	v55 =	vimm.s32 $0x16;
	v30 =	vpop (erf);
	v0 =	vsel vm9, v3, v0;
	(erf) = vpow2.f32 v21  }
0x9b: {  	[tilespmem:$0x1FE90] =	vst v41;
	v41 =	vld [tilespmem:s20+$0x1D00];
	v21 =	vsel vm3, $0x17, v55;
	v19 =	vpop (erf);
	vm10 =	vgt.f32 v0, v24;
	(erf) = vpow2.f32 v56  }
0x9c: {  	[tilespmem:$0x1FE70] =	vst v29;
	v13 =	vsel vm8, v21, v43;
	v18 =	vpop (erf);
	v43 =	vld [tilespmem:s20+$0x1B80];
	(erf) = vpow2.f32 v25;
	v25 =	vmul.f32 $1.442695020e+00, v49  }
0x9d: {  	[tilespmem:$0x1FEA0] =	vst v53;
	v53 =	vld [tilespmem:s20+$0x1C00];
	v56 =	vadd.f32 v38, v40;
	v21 =	vadd.f32 v29, v6;
	v29 =	vmul.f32 $1.442695020e+00, v47  }
0x9e: {  	[tilespmem:$0x1FED0] =	vst v1;
	v55 =	vld [tilespmem:s20+$0x1C80];
	v27 =	vsel vm10, v0, v24;
	v1 =	vpop (erf);
	(erf) = vpow2.f32 v25;
	v25 =	vmul.f32 $1.442695020e+00, v46  }
0x9f: {  	[tilespmem:$0x1FE20] =	vst v38;
	v38 =	vld [tilespmem:s20+$0x1E00];
	v4 =	vsel vm9, v13, v20;
	v13 =	vpop (erf);
	(erf) = vpow2.f32 v29;
	v29 =	vmul.f32 $1.442695020e+00, v45  }
0xa0: {  	[tilespmem:$0x1FDF0] =	vst v40;
	v21 =	vadd.f32 v21, v56;
	v56 =	vld [tilespmem:s20+$0x1D80];
	v15 =	vpop (erf);
	(erf) = vpow2.f32 v25;
	v25 =	vmul.f32 $1.442695020e+00, v44  }
0xa1: {  	[tilespmem:$0x1FE30] =	vst v6;
	v40 =	vld [tilespmem:s20+$0x1E80];
	v0 =	vsel vm10, v4, v59;
	v8 =	vpop (erf);
	v24 =	vmul.f32 $1.442695020e+00, v43;
	(erf) = vpow2.f32 v29  }
0xa2: {  	vm12 =	vgt.f32 v9, v39;
	[tilespmem:$0x1FEC0] =	vst v0;
	v0 =	vld [tilespmem:$0x1FCF0];
	v5 =	vpop (erf);
	(erf) = vpow2.f32 v25;
	v25 =	vmul.f32 $1.442695020e+00, v53  }
0xa3: {  	vm11 =	vgt.f32 v7, v2;
	[tilespmem:$0x1FE80] =	vst v12;
	v59 =	vmul.f32 $1.442695020e+00, v55;
	v17 =	vpop (erf);
	(erf) = vpow2.f32 v24  }
0xa4: {  	v7 =	vsel vm11, v7, v2;
	[tilespmem:$0x1FEE0] =	vst v26;
	v2 =	vmul.f32 $1.442695020e+00, v41;
	v16 =	vpop (erf);
	(erf) = vpow2.f32 v25  }
0xa5: {  	v9 =	vsel vm12, v9, v39;
	[tilespmem:$0x1FF30] =	vst v22;
	v12 =	vmul.f32 $1.442695020e+00, v56;
	v26 =	vpop (erf);
	(erf) = vpow2.f32 v59  }
0xa6: {  	[tilespmem:$0x1FF10] =	vst v62;
	v21 =	vadd.f32 v28, v21;
	v39 =	vmul.f32 $1.442695020e+00, v38;
	v28 =	vpop (erf);
	(erf) = vpow2.f32 v2  }
0xa7: {  	vm14 =	vgt.f32 v35, v37;
	[tilespmem:s20+$0x4000] =	vst v0;
	v0 =	vld [tilespmem:$0x1FD00];
	v24 =	vmul.f32 $1.442695020e+00, v40;
	v3 =	vpop (erf);
	(erf) = vpow2.f32 v12  }
0xa8: {  	[tilespmem:$0x1FF50] =	vst v10;
	v20 =	vadd.f32 v21, v23;
	v23 =	vadd.f32 v10, v31;
	v22 =	vpop (erf);
	(erf) = vpow2.f32 v39  }
0xa9: {  	[tilespmem:$0x1FF90] =	vst v1;
	v10 =	vsel vm14, v35, v37;
	v37 =	vpop (erf);
	(erf) = vpow2.f32 v24;
	v24 =	vadd.f32 v13, v1;
	v1 =	vld [tilespmem:$0x1FD30]  }
0xaa: {  	[tilespmem:$0x1FF60] =	vst v32  }
0xab: {  	[tilespmem:s20+$0x5A00] =	vst v54  }
0xac: {  	[tilespmem:s20+$0x4080] =	vst v0;
	v0 =	vld [tilespmem:$0x1FD10]  }
0xad: {  	vm13 =	vgt.f32 v14, v34;
	[tilespmem:$0x1FF70] =	vst v30;
	v25 =	vld [tilespmem:s20+$0x1F00]  }
0xae: {  	v6 =	vsel vm13, v14, v34;
	v34 =	vadd.f32 v60, v58;
	[tilespmem:s20+$0x4200] =	vst v1;
	v1 =	vld [tilespmem:$0x1FD40]  }
0xaf: {  	v4 =	vadd.f32 v57, v11;
	[tilespmem:$0x1FFB0] =	vst v15;
	v21 =	vadd.f32 v62, v54;
	v59 =	vld [tilespmem:s20+$0x1F80]  }
0xb0: {  	[tilespmem:$0x1FFE0] =	vst v3;
	v2 =	vadd.f32 v8, v15;
	v15 =	vadd.f32 v3, v28;
	v3 =	vld [tilespmem:$0x1FD70]  }
0xb1: {  	vm15 =	vgt.f32 v9, v7;
	[tilespmem:s20+$0x4100] =	vst v0;
	v0 =	vld [tilespmem:$0x1FD20]  }
0xb2: {  	[tilespmem:$0x1FF80] =	vst v18;
	v4 =	vadd.f32 v34, v4;
	v12 =	vsel vm15, v9, v7;
	v7 =	vadd.f32 v23, v21  }
0xb3: {  	[tilespmem:s20+$0x4280] =	vst v1;
	v1 =	vld [tilespmem:$0x1FD50]  }
0xb4: {  	[tilespmem:$0x1FFC0] =	vst v8;
	v29 =	vmovc v11;
	v9 =	vadd.f32 v32, v33;
	v32 =	vmov v33;
	v33 =	vld [tilespmem:$0x1FDB0];
	v4 =	vadd.f32 v7, v4  }
0xb5: {  	v11 =	vadd.f32 v30, v36;
	v23 =	vadd.f32 v18, v19;
	v62 =	vpop (erf);
	v14 =	vmul.f32 $1.442695020e+00, v25;
	[tilespmem:s20+$0x4800] =	vst v3;
	v3 =	vld [tilespmem:$0x1FD80]  }
0xb6: {  	v18 =	vmov v19;
	v39 =	vpop (erf);
	v8 =	vadd.f32 v4, v20;
	v20 =	vld [tilespmem:$0x1FF60];
	[tilespmem:s20+$0x4180] =	vst v0;
	v0 =	vmul.f32 $1.442695020e+00, v59  }
0xb7: {  	[tilespmem:$0x1FFA0] =	vst v13;
	v7 =	vadd.f32 v11, v9;
	v34 =	vpop (erf);
	(erf) = vpow2.f32 v14;
	v19 =	vadd.f32 v24, v23  }
0xb8: {  	v30 =	vpop (erf);
	(erf) = vpow2.f32 v0;
	v0 =	vimm.s32 $0x18;
	[tilespmem:s20+$0x4300] =	vst v1;
	v1 =	vimm.s32 $0x1A  }
0xb9: {  	v54 =	vld [tilespmem:$0x1FF10];
	[tilespmem:s20+$0x4A00] =	vst v33;
	v0 =	vsel vm11, $0x19, v0;
	v13 =	vsel vm12, $0x1B, v1  }
0xba: {  	v33 =	vld [tilespmem:$0x1FDF0];
	v9 =	vadd.f32 v19, v7;
	[tilespmem:s20+$0x4880] =	vst v3;
	v13 =	vsel vm15, v13, v0;
	v0 =	vadd.f32 v26, v16  }
0xbb: {  	v19 =	vadd.f32 v37, v22;
	v3 =	vadd.f32 v39, v62;
	[tilespmem:s20+$0x6080] =	vst v20;
	v20 =	vld [tilespmem:$0x1FFA0]  }
0xbc: {  	[tilespmem:$0x1FFD0] =	vst v5;
	v1 =	vadd.f32 v17, v5;
	v5 =	vadd.f32 v15, v0;
	v0 =	vld [tilespmem:$0x1FD90]  }
0xbd: {  	v14 =	vld [tilespmem:$0x1FD60]  }
0xbe: {  	[tilespmem:$0x1FF20] =	vst v31;
	v3 =	vadd.f32 v3, v19;
	v19 =	vld [tilespmem:$0x1FDE0]  }
0xbf: {  	v35 =	vpop (erf);
	v8 =	vadd.f32 v9, v8;
	v9 =	vld [tilespmem:$0x1FDC0];
	[tilespmem:s20+$0x5000] =	vst v33  }
0xc0: {  	vm8 =	vgt.f32 v10, v6;
	v31 =	vpop (erf);
	v33 =	vld [tilespmem:$0x1FE20];
	[tilespmem:s20+$0x6380] =	vst v20;
	v7 =	vadd.f32 v1, v2  }
0xc1: {  	v24 =	vpop (erf);
	v20 =	vld [tilespmem:$0x1FFC0];
	v2 =	vadd.f32 v30, v34;
	v1 =	vadd.f32 v31, v35;
	[tilespmem:s20+$0x4900] =	vst v0;
	v0 =	vimm.s32 $0x1C  }
0xc2: {  	v10 =	vsel vm8, v10, v6;
	v23 =	vpop (erf);
	[tilespmem:s20+$0x4380] =	vst v14;
	v6 =	vsel vm13, $0x1D, v0;
	v0 =	vld [tilespmem:$0x1FDA0]  }
0xc3: {  	v14 =	vpop (erf);
	[tilespmem:s20+$0x4B80] =	vst v19;
	v19 =	vld [tilespmem:$0x1FE10];
	v2 =	vadd.f32 v1, v2  }
0xc4: {  	vm9 =	vgt.f32 v10, v12;
	v21 =	vpop (erf);
	[tilespmem:s20+$0x4A80] =	vst v9;
	v9 =	vadd.f32 v23, v24;
	v15 =	vld [tilespmem:$0x1FDD0];
	v5 =	vadd.f32 v5, v7  }
0xc5: {  	v7 =	vsel vm9, v10, v12;
	v10 =	vadd.f32 v21, v14;
	v2 =	vadd.f32 v2, v3;
	v3 =	vld [tilespmem:$0x1FE00]  }
0xc6: {  	[tilespmem:s20+$0x5080] =	vst v33;
	v33 =	vld [tilespmem:$0x1FE70]  }
0xc7: {  	v5 =	vadd.f32 v5, v8;
	v8 =	vadd.f32 v10, v9;
	v9 =	vld [tilespmem:$0x1FE40];
	[tilespmem:s20+$0x4980] =	vst v0;
	v0 =	vimm.s32 $0x1E  }
0xc8: {  	v11 =	vpop (erf);
	v10 =	vld [tilespmem:$0x1FE50];
	v0 =	vsel vm14, $0x1F, v0  }
0xc9: {  	[tilespmem:s20+$0x4B00] =	vst v15;
	v15 =	vld [tilespmem:$0x1FE30];
	vm13 =	vgt.f32 v48, v51;
	v0 =	vsel vm8, v0, v6;
	v6 =	vpop (erf)  }
0xca: {  	v48 =	vsel vm13, v48, v51;
	v51 =	vld [tilespmem:$0x1FE80];
	vm10 =	vgt.f32 v19, v3;
	v1 =	vpop (erf)  }
0xcb: {  	[tilespmem:s20+$0x6100] =	vst v36;
	v3 =	vsel vm10, v19, v3;
	v19 =	vld [tilespmem:$0x1FE60];
	v4 =	vpop (erf)  }
0xcc: {  	[tilespmem:s20+$0x5A80] =	vst v54;
	v12 =	vsel vm9, v0, v13;
	v0 =	vadd.f32 v6, v11;
	v13 =	vadd.f32 v4, v1  }
0xcd: {  	v36 =	vimm.s32 $0x32;
	v54 =	vimm.s32 $0x2A;
	[tilespmem:s20+$0x6880] =	vst v20;
	vm11 =	vgt.f32 v10, v9  }
0xce: {  	v20 =	vimm.s32 $0x3C;
	[tilespmem:s20+$0x5100] =	vst v15;
	v9 =	vsel vm11, v10, v9;
	v15 =	vld [tilespmem:$0x1FEA0];
	v0 =	vadd.f32 v13, v0  }
0xcf: {  	[tilespmem:s20+$0x5180] =	vst v33;
	v33 =	vimm.s32 $0x20;
	v2 =	vadd.f32 v2, v5;
	vm5 =	vgt.f32 v9, v3  }
0xd0: {  	[tilespmem:s20+$0x5200] =	vst v51;
	vm14 =	vgt.f32 v7, v27;
	v51 =	vld [tilespmem:$0x1FEC0];
	vm12 =	vgt.f32 v42, v19;
	v0 =	vadd.f32 v0, v8  }
0xd1: {  	v3 =	vsel vm5, v9, v3;
	v5 =	vsel vm14, v7, v27;
	v19 =	vsel vm12, v42, v19;
	v8 =	vld [tilespmem:$0x1FE90]  }
0xd2: {  	[tilespmem:s20+$0x5880] =	vst v57;
	v42 =	vimm.s32 $0x24;
	vm6 =	vgt.f32 v48, v19;
	v0 =	vadd.f32 v0, v2;
	v2 =	vld [tilespmem:$0x1FEB0]  }
0xd3: {  	[tilespmem:s20+$0x5300] =	vst v15;
	v15 =	vimm.s32 $0x28;
	v57 =	vsel vm12, $0x25, v42;
	v19 =	vsel vm6, v48, v19  }
0xd4: {  	vm12 =	vgt.f32 v47, v49;
	v48 =	vimm.s32 $0x22;
	vm7 =	vgt.f32 v19, v3  }
0xd5: {  	v9 =	vsel vm14, v12, v51;
	v51 =	vld [tilespmem:$0x1FF00];
	vm14 =	vgt.f32 v43, v44;
	v3 =	vsel vm7, v19, v3  }
0xd6: {  	v49 =	vsel vm12, v47, v49;
	vm15 =	vgt.f32 v3, v5;
	[tilespmem:s20+$0x5280] =	vst v8;
	v8 =	vsel vm11, $0x23, v48;
	v48 =	vld [tilespmem:$0x1FEF0]  }
0xd7: {  	v42 =	vld [tilespmem:$0x1FEE0];
	v3 =	vsel vm15, v3, v5;
	[tilespmem:s20+$0x5380] =	vst v2;
	v2 =	vsel vm10, $0x21, v33;
	v33 =	vimm.s32 $0x26  }
0xd8: {  	v13 =	vand.u32 $0x7FFFFF, v0;
	vm11 =	vgt.f32 v52, v63;
	v12 =	vsel vm13, $0x27, v33;
	v33 =	vld [tilespmem:$0x1FED0]  }
0xd9: {  	v2 =	vsel vm5, v8, v2;
	v8 =	vor.u32 $0x3F800000, v13;
	vm13 =	vgt.f32 v45, v46  }
0xda: {  	[tilespmem:s20+$0x5900] =	vst v58;
	v58 =	vld [tilespmem:$0x1FF20];
	v7 =	vsel vm6, v12, v57;
	v19 =	vadd.f32 $1.000000000e+00, v8;
	v8 =	vadd.f32 $-1.000000000e+00, v8  }
0xdb: {  	v2 =	vsel vm7, v7, v2;
	vm5 =	vgt.f32 v51, v48;
	vm7 =	vgt.f32 v50, v61  }
0xdc: {  	[tilespmem:s20+$0x5980] =	vst v60;
	v60 =	vld [tilespmem:$0x1FF30];
	v2 =	vsel vm15, v2, v9;
	v57 =	vsel vm5, v51, v48;
	(erf) = vrcp.f32 v19  }
0xdd: {  	v19 =	vld [tilespmem:$0x1FF40];
	v48 =	vimm.s32 $0x30;
	v51 =	vimm.s32 $0x2C;
	vm4 =	vgt.f32 v42, v33  }
0xde: {  	v13 =	vsel vm5, $0x2B, v54;
	v54 =	vsel vm12, $0x33, v36;
	v7 =	vsel vm4, v42, v33  }
0xdf: {  	[tilespmem:s20+$0x5B00] =	vst v58;
	v5 =	vsel vm4, $0x29, v15;
	v42 =	vsel vm7, v50, v61;
	v50 =	vimm.s32 $0x2E  }
0xe0: {  	[tilespmem:s20+$0x5800] =	vst v29;
	v61 =	vsel vm11, v52, v63;
	v63 =	vimm.s32 $0x34;
	vm8 =	vgt.f32 v57, v7  }
0xe1: {  	[tilespmem:s20+$0x6980] =	vst v17;
	v58 =	vsel vm7, $0x2F, v50;
	v50 =	vsel vm13, v45, v46;
	vm15 =	vgt.f32 v49, v61  }
0xe2: {  	[tilespmem:s20+$0x6A00] =	vst v16;
	vm7 =	vgt.f32 v55, v53;
	vm6 =	vgt.f32 v19, v60;
	v7 =	vsel vm8, v57, v7  }
0xe3: {  	[tilespmem:s20+$0x6000] =	vst v32;
	v5 =	vsel vm8, v13, v5;
	v9 =	vsel vm15, v49, v61;
	v61 =	vimm.s32 $0x36  }
0xe4: {  	[tilespmem:s20+$0x6200] =	vst v18;
	vm8 =	vgt.f32 v56, v41;
	v10 =	vsel vm6, v19, v60;
	v15 =	vsel vm6, $0x2D, v51  }
0xe5: {  	[tilespmem:s20+$0x6A80] =	vst v26;
	v51 =	vsel vm14, v43, v44;
	v43 =	vsel vm14, $0x37, v61;
	vm9 =	vgt.f32 v42, v10  }
0xe6: {  	[tilespmem:s20+$0x6B00] =	vst v28;
	v49 =	vsel vm8, v56, v41;
	vm5 =	vgt.f32 v51, v50;
	v57 =	vsel vm9, v42, v10  }
0xe7: {  	[tilespmem:s20+$0x7000] =	vst v22;
	v60 =	vld [tilespmem:$0x1FF70];
	v10 =	vsel vm9, v58, v15;
	v58 =	vsel vm13, $0x35, v63;
	v36 =	vsel vm5, v51, v50  }
0xe8: {  	[tilespmem:s20+$0x7080] =	vst v37;
	vm9 =	vgt.f32 v40, v38;
	vm10 =	vgt.f32 v57, v7;
	v12 =	vsel vm5, v43, v58  }
0xe9: {  	[tilespmem:s20+$0x7100] =	vst v62;
	v52 =	vpop (erf);
	vm6 =	vgt.f32 v36, v9;
	v51 =	vsel vm9, v40, v38;
	(erf) = vrcp.f32 v0  }
0xea: {  	[tilespmem:s20+$0x7180] =	vst v39;
	v7 =	vsel vm10, v57, v7;
	v5 =	vsel vm10, v10, v5;
	v8 =	vmul.f32 v52, v8  }
0xeb: {  	[tilespmem:s20+$0x7200] =	vst v34;
	v10 =	vsel vm11, $0x31, v48;
	v45 =	vsel vm6, v36, v9;
	vm10 =	vgt.f32 v59, v25  }
0xec: {  	v48 =	vld [tilespmem:$0x1FF90];
	[tilespmem:s20+$0x6180] =	vst v60;
	v60 =	vimm.s32 $0x38;
	vm4 =	vgt.f32 v7, v3;
	v18 =	vmul.f32 v8, v8  }
0xed: {  	[tilespmem:s20+$0x7280] =	vst v30;
	v10 =	vsel vm15, v54, v10;
	v54 =	vimm.s32 $0x3A;
	v3 =	vsel vm4, v7, v3  }
0xee: {  	[tilespmem:s20+$0x7300] =	vst v35;
	v57 =	vld [tilespmem:$0x1FFB0];
	v2 =	vsel vm4, v5, v2;
	v46 =	vsel vm6, v12, v10;
	v44 =	vmul.f32 $1.111111120e-01, v18  }
0xef: {  	[tilespmem:s20+$0x7380] =	vst v31;
	v52 =	vsel vm7, $0x39, v60;
	v19 =	vsel vm8, $0x3B, v54;
	vm13 =	vgt.f32 v45, v3  }
0xf0: {  	[tilespmem:s20+$0x7800] =	vst v24;
	v3 =	vsel vm13, v45, v3;
	v2 =	vsel vm13, v46, v2;
	v47 =	vadd.f32 $1.428571490e-01, v44  }
0xf1: {  	[tilespmem:s20+$0x6300] =	vst v48;
	v48 =	vsel vm7, v55, v53;
	v53 =	vimm.s32 $0x3E;
	v55 =	vsel vm10, v59, v25  }
0xf2: {  	[tilespmem:s20+$0x7880] =	vst v23;
	vm11 =	vgt.f32 v49, v48;
	vm12 =	vgt.f32 v55, v51;
	v9 =	vmul.f32 v47, v18  }
0xf3: {  	[tilespmem:s20+$0x6800] =	vst v57;
	v57 =	vsel vm9, $0x3D, v20;
	v10 =	vsel vm11, v49, v48;
	v13 =	vsel vm12, v55, v51  }
0xf4: {  	[tilespmem:s20+$0x7900] =	vst v14;
	v58 =	vsel vm10, $0x3F, v53;
	vm14 =	vgt.f32 v13, v10;
	v9 =	vadd.f32 $2.000000030e-01, v9  }
0xf5: {  	[tilespmem:s20+$0x7980] =	vst v21;
	v63 =	vld [tilespmem:$0x1FFD0];
	v56 =	vsel vm11, v19, v52;
	v15 =	vsel vm12, v58, v57;
	v61 =	vsel vm14, v13, v10  }
0xf6: {  	[tilespmem:s20+$0x7A00] =	vst v11;
	v33 =	vld [tilespmem:$0x1FF50];
	v62 =	vsel vm14, v15, v56;
	vm15 =	vgt.f32 v61, v3;
	v9 =	vmul.f32 v9, v18  }
0xf7: {  	[tilespmem:s20+$0x7A80] =	vst v6;
	v42 =	vld [tilespmem:$0x1FF80];
	v3 =	vshra.s32 v0, $0x17;
	v0 =	vsel vm15, v62, v2  }
0xf8: {  	[tilespmem:s20+$0x7B00] =	vst v1;
	v50 =	vld [tilespmem:$0x1FFE0];
	v60 =	vlaneseq.u32;
	v0 =	vshll.u32 v0, $0x7;
	v9 =	vadd.f32 $3.333333430e-01, v9  }
0xf9: {  	[tilespmem:s20+$0x7B80] =	vst v4;
	v0 =	vor.u32 v60, v0  }
0xfa: {  	[tilespmem:s20+$0x6900] =	vst v63;
	v63 =	vmul.f32 v9, v18  }
0xfb: {  	[tilespmem:s20+$0x5B80] =	vst v33;
	v2 =	vadd.s32 $0xFFFFFF81, v3  }
0xfc: {  	[tilespmem:s20+$0x6280] =	vst v42;
	v3 =	vadd.f32 v8, v8;
	v2 =	vcvt.s32.f32 v2;
	v5 =	vadd.f32 $1.000000000e+00, v63  }
0xfd: {  	[tilespmem:s20+$0x6B80] =	vst v50;
	v59 =	vimm.f32 $1.000000000e+00  }
0xfe: {  	v2 =	vmul.f32 $6.931471820e-01, v2;
	[tilespmem:v0+s13+$0x0] =	vst.idx.add.f32.msk $0xffff, v59;
	v0 =	vpop (erf);
	v3 =	vmul.f32 v5, v3  }
0xff: {  	p0 =	sne.s32 s19, $0x1C0;
	[tilespmem:s20+$0x8000] =	vst v0;
	v0 =	vld [tilespmem:$0x1FFF0]  }
.Ltmp0:
0x100: {  	v2 =	vadd.f32 v3, v2;
	(pc) =	sbr.rel @p0 .LBB2_2-.Ltmp0, $4  }
0x101: {  	v32 =	vimm.s32 $0xA;
	v28 =	vimm.s32 $0xE  }
0x102: {  	v24 =	vimm.s32 $0x6;
	v23 =	vimm.s32 $0x4;
	v1 =	vmul.f32 v2, v2  }
0x103: {  	v21 =	vimm.s32 $0x0;
	v27 =	vimm.s32 $0xC;
	v43 =	vimm.s32 $0x10  }
0x104: {  	s19 =	sadd.s32 $0x40, s19;
	v42 =	vimm.s32 $0x2;
	v25 =	vimm.s32 $0x8;
	v0 =	vadd.f32 v1, v0  }
0x105: {  	_ =	swait.ge [sflag:s14], $0x2000  }
0x106: {  	[sflag:s14] =	ssyncset.done $0x0  }
0x107: {  	s19 =	simm.s32 $0x0;
	[sflag:s14] =	ssyncadd.s32 $0xFFFFE000  }
.LBB2_4:
0x108: {  	s20 =	sshra.s32 s19, $0x2  }
0x109: {  	[tilespmem:$0x1FFF0] =	vst v0;
	v0 =	vld [tilespmem:s20+$0x2000]  }
0x10a: {  	v1 =	vld [tilespmem:s20+$0x2080]  }
0x10b: {  	v2 =	vld [tilespmem:s20+$0x2100]  }
0x10c: {  	v3 =	vld [tilespmem:s20+$0x2180]  }
0x10d: {  	v4 =	vld [tilespmem:s20+$0x2200]  }
0x10e: {  	v5 =	vld [tilespmem:s20+$0x2280];
	v6 =	vmul.f32 $1.442695020e+00, v0  }
0x10f: {  	v7 =	vld [tilespmem:s20+$0x2300];
	v8 =	vmul.f32 $1.442695020e+00, v1  }
0x110: {  	v9 =	vld [tilespmem:s20+$0x2380];
	v51 =	vmul.f32 $1.442695020e+00, v2;
	(erf) = vpow2.f32 v6  }
0x111: {  	v60 =	vld [tilespmem:s20+$0x2400];
	v52 =	vmul.f32 $1.442695020e+00, v3;
	(erf) = vpow2.f32 v8  }
0x112: {  	v62 =	vld [tilespmem:s20+$0x2480];
	v53 =	vmul.f32 $1.442695020e+00, v4;
	(erf) = vpow2.f32 v51  }
0x113: {  	v36 =	vld [tilespmem:s20+$0x2700];
	v54 =	vmul.f32 $1.442695020e+00, v5;
	(erf) = vpow2.f32 v52  }
0x114: {  	v40 =	vld [tilespmem:s20+$0x2780];
	v55 =	vmul.f32 $1.442695020e+00, v7;
	(erf) = vpow2.f32 v53  }
0x115: {  	v18 =	vld [tilespmem:s20+$0x2980];
	v56 =	vmul.f32 $1.442695020e+00, v9;
	(erf) = vpow2.f32 v54  }
0x116: {  	(erf) = vpow2.f32 v55  }
0x117: {  	(erf) = vpow2.f32 v56  }
0x118: {  	vm0 =	vgt.f32 v1, v0;
	vm13 =	vgt.f32 v3, v2;
	vm14 =	vgt.f32 v5, v4  }
0x119: {  	vm15 =	vgt.f32 v9, v7;
	vm6 =	vgt.f32 v62, v60;
	v39 =	vmul.f32 $1.442695020e+00, v62;
	v11 =	vpop (erf)  }
0x11a: {  	vm9 =	vgt.f32 v40, v36;
	v22 =	vmul.f32 $1.442695020e+00, v18;
	v0 =	vsel vm0, v1, v0;
	v17 =	vpop (erf)  }
0x11b: {  	v1 =	vsel vm0, $0x1, v21;
	v2 =	vsel vm13, v3, v2;
	v3 =	vsel vm13, $0x3, v42;
	v16 =	vpop (erf)  }
0x11c: {  	v4 =	vsel vm14, v5, v4;
	v58 =	vsel vm15, v9, v7;
	vm4 =	vgt.f32 v2, v0;
	v10 =	vpop (erf)  }
0x11d: {  	v34 =	vld [tilespmem:s20+$0x2580];
	v57 =	vsel vm14, $0x5, v23;
	vm1 =	vgt.f32 v58, v4;
	v0 =	vsel vm4, v2, v0;
	v15 =	vpop (erf)  }
0x11e: {  	v1 =	vsel vm4, v3, v1;
	v3 =	vsel vm1, v58, v4;
	[tilespmem:$0x1F9F0] =	vst v17;
	v2 =	vadd.f32 v17, v11;
	v17 =	vld [tilespmem:s20+$0x2500];
	v12 =	vpop (erf)  }
0x11f: {  	v31 =	vld [tilespmem:s20+$0x2E00];
	v59 =	vsel vm15, $0x7, v24;
	v37 =	vsel vm6, v62, v60;
	vm5 =	vgt.f32 v3, v0;
	v14 =	vpop (erf)  }
0x120: {  	v9 =	vld [tilespmem:s20+$0x2D80];
	v20 =	vsel vm5, v3, v0;
	v3 =	vmul.f32 $1.442695020e+00, v60;
	v61 =	vadd.f32 v10, v16;
	v13 =	vpop (erf)  }
0x121: {  	v33 =	vsel vm1, v59, v57;
	v4 =	vld [tilespmem:s20+$0x2A00];
	[tilespmem:$0x1FA00] =	vst v16;
	v63 =	vadd.f32 v12, v15;
	v16 =	vadd.f32 v13, v14  }
0x122: {  	v38 =	vsel vm6, $0x9, v25;
	v5 =	vsel vm5, v33, v1;
	v1 =	vld [tilespmem:s20+$0x2600];
	(erf) = vpow2.f32 v3  }
0x123: {  	v8 =	vld [tilespmem:s20+$0x2B80];
	v2 =	vadd.f32 v61, v2;
	v3 =	vmul.f32 $1.442695020e+00, v17;
	v35 =	vadd.f32 v16, v63  }
0x124: {  	v42 =	vmul.f32 $1.442695020e+00, v34;
	v48 =	vsel vm9, v40, v36;
	(erf) = vpow2.f32 v39;
	v16 =	vld [tilespmem:s20+$0x2A80]  }
0x125: {  	v19 =	vsel vm9, $0xF, v28;
	(erf) = vpow2.f32 v3;
	v0 =	vadd.f32 v35, v2;
	v2 =	vld [tilespmem:s20+$0x2680]  }
0x126: {  	v33 =	vmul.f32 $1.442695020e+00, v31;
	vm7 =	vgt.f32 v34, v17;
	(erf) = vpow2.f32 v42;
	v42 =	vld [tilespmem:s20+$0x2D00]  }
0x127: {  	v21 =	vld [tilespmem:s20+$0x2880];
	v57 =	vmul.f32 $1.442695020e+00, v9;
	v41 =	vsel vm7, v34, v17;
	v3 =	vmul.f32 $1.442695020e+00, v1  }
0x128: {  	v49 =	vmul.f32 $1.442695020e+00, v4;
	[tilespmem:$0x1FA20] =	vst v15;
	v15 =	vld [tilespmem:s20+$0x2800];
	v44 =	vsel vm7, $0xB, v32;
	vm10 =	vgt.f32 v41, v37  }
0x129: {  	v51 =	vmul.f32 $1.442695020e+00, v8;
	[tilespmem:$0x1FA50] =	vst v13;
	v13 =	vld [tilespmem:s20+$0x2900];
	v23 =	vsel vm10, v44, v38;
	(erf) = vpow2.f32 v3  }
0x12a: {  	v38 =	vld [tilespmem:s20+$0x2F00];
	v50 =	vmul.f32 $1.442695020e+00, v16;
	vm8 =	vgt.f32 v2, v1;
	v45 =	vmul.f32 $1.442695020e+00, v2  }
0x12b: {  	v3 =	vld [tilespmem:s20+$0x2B00];
	v55 =	vmul.f32 $1.442695020e+00, v42;
	v46 =	vsel vm8, v2, v1;
	v1 =	vmul.f32 $1.442695020e+00, v36  }
0x12c: {  	[tilespmem:$0x1FA10] =	vst v10;
	v10 =	vsel vm10, v41, v37;
	v2 =	vmul.f32 $1.442695020e+00, v40;
	(erf) = vpow2.f32 v45  }
0x12d: {  	[tilespmem:$0x1FA40] =	vst v14;
	v14 =	vld [tilespmem:s20+$0x2E80];
	vm14 =	vgt.f32 v21, v15;
	(erf) = vpow2.f32 v1;
	v1 =	vmul.f32 $1.442695020e+00, v15  }
0x12e: {  	vm2 =	vgt.f32 v18, v13;
	(erf) = vpow2.f32 v2;
	v2 =	vmul.f32 $1.442695020e+00, v21  }
0x12f: {  	vm15 =	vgt.f32 v16, v4;
	(erf) = vpow2.f32 v1;
	v1 =	vmul.f32 $1.442695020e+00, v13  }
0x130: {  	v44 =	vld [tilespmem:s20+$0x3480];
	v41 =	vmul.f32 $1.442695020e+00, v38;
	v4 =	vsel vm15, v16, v4;
	vm3 =	vgt.f32 v8, v3  }
0x131: {  	v47 =	vsel vm8, $0xD, v27;
	vm11 =	vgt.f32 v48, v46;
	(erf) = vpow2.f32 v2;
	v2 =	vld [tilespmem:s20+$0x2C00]  }
0x132: {  	v7 =	vld [tilespmem:s20+$0x2C80];
	[tilespmem:$0x1FA30] =	vst v12;
	v40 =	vmul.f32 $1.442695020e+00, v14;
	v12 =	vsel vm11, v48, v46;
	(erf) = vpow2.f32 v1  }
0x133: {  	v52 =	vsel vm11, v19, v47;
	vm12 =	vgt.f32 v12, v10;
	(erf) = vpow2.f32 v22;
	v1 =	vpop (erf)  }
0x134: {  	v21 =	vsel vm14, v21, v15;
	v22 =	vmul.f32 $1.442695020e+00, v3;
	(erf) = vpow2.f32 v49;
	v25 =	vpop (erf)  }
0x135: {  	v30 =	vld [tilespmem:s20+$0x3180];
	v23 =	vsel vm12, v52, v23;
	v52 =	vmul.f32 $1.442695020e+00, v44;
	(erf) = vpow2.f32 v50;
	v26 =	vpop (erf)  }
0x136: {  	v24 =	vsel vm12, v12, v10;
	(erf) = vpow2.f32 v22;
	v53 =	vmul.f32 $1.442695020e+00, v2;
	v27 =	vpop (erf)  }
0x137: {  	v13 =	vsel vm2, v18, v13;
	v22 =	vmul.f32 $1.442695020e+00, v7;
	(erf) = vpow2.f32 v51;
	v28 =	vpop (erf)  }
0x138: {  	v34 =	vld [tilespmem:s20+$0x2F80];
	vm12 =	vgt.f32 v9, v42;
	vm13 =	vgt.f32 v24, v20;
	v54 =	vpop (erf);
	(erf) = vpow2.f32 v53  }
0x139: {  	v58 =	vld [tilespmem:s20+$0x3000];
	vm4 =	vgt.f32 v13, v21;
	v9 =	vsel vm12, v9, v42;
	v56 =	vpop (erf);
	(erf) = vpow2.f32 v22  }
0x13a: {  	v29 =	vld [tilespmem:s20+$0x3080];
	v24 =	vsel vm13, v24, v20;
	v20 =	vmul.f32 $1.442695020e+00, v30;
	[tilespmem:$0x1FA60] =	vst v1;
	v59 =	vpop (erf);
	(erf) = vpow2.f32 v55  }
0x13b: {  	v3 =	vsel vm3, v8, v3;
	[tilespmem:$0x1FA70] =	vst v25;
	v35 =	vadd.f32 v25, v1;
	v1 =	vld [tilespmem:s20+$0x3100];
	v39 =	vpop (erf);
	(erf) = vpow2.f32 v57  }
0x13c: {  	v60 =	vld [tilespmem:s20+$0x3700];
	vm8 =	vgt.f32 v3, v4;
	[tilespmem:$0x1FA80] =	vst v26;
	v22 =	vadd.f32 v27, v26;
	v37 =	vpop (erf);
	(erf) = vpow2.f32 v33  }
0x13d: {  	v61 =	vld [tilespmem:s20+$0x3200];
	[tilespmem:$0x1FA90] =	vst v27;
	v25 =	vadd.f32 v54, v28;
	v26 =	vmul.f32 $1.442695020e+00, v34;
	v6 =	vpop (erf);
	(erf) = vpow2.f32 v40  }
0x13e: {  	[tilespmem:$0x1FAA0] =	vst v28;
	v53 =	vld [tilespmem:s20+$0x3280];
	v28 =	vmul.f32 $1.442695020e+00, v58;
	v27 =	vadd.f32 v59, v56;
	v17 =	vpop (erf);
	(erf) = vpow2.f32 v41  }
0x13f: {  	v50 =	vld [tilespmem:s20+$0x3300];
	v22 =	vadd.f32 v22, v35;
	v12 =	vpop (erf);
	(erf) = vpow2.f32 v26;
	v26 =	vmul.f32 $1.442695020e+00, v29  }
0x140: {  	[tilespmem:$0x1FB00] =	vst v29;
	v47 =	vld [tilespmem:s20+$0x3380];
	v25 =	vadd.f32 v27, v25;
	v27 =	vmul.f32 $1.442695020e+00, v1;
	v36 =	vpop (erf);
	(erf) = vpow2.f32 v28  }
0x141: {  	[tilespmem:$0x1FB30] =	vst v1;
	v33 =	vsel vm13, v23, v5;
	v5 =	vmul.f32 $1.442695020e+00, v60;
	v1 =	vld [tilespmem:s20+$0x3400];
	v29 =	vpop (erf);
	(erf) = vpow2.f32 v26  }
0x142: {  	v63 =	vld [tilespmem:s20+$0x3800];
	v22 =	vadd.f32 v25, v22;
	v25 =	vmul.f32 $1.442695020e+00, v61;
	v28 =	vpop (erf);
	(erf) = vpow2.f32 v27  }
0x143: {  	v45 =	vld [tilespmem:s20+$0x3500];
	v3 =	vsel vm8, v3, v4;
	[tilespmem:$0x1FAC0] =	vst v56;
	v56 =	vpop (erf);
	(erf) = vpow2.f32 v20;
	v20 =	vmul.f32 $1.442695020e+00, v53  }
0x144: {  	[tilespmem:$0x1F9E0] =	vst v11;
	v23 =	vadd.f32 v22, v0;
	v0 =	vmul.f32 $1.442695020e+00, v50;
	v22 =	vld [tilespmem:s20+$0x3580];
	v11 =	vpop (erf);
	(erf) = vpow2.f32 v25  }
0x145: {  	v46 =	vld [tilespmem:s20+$0x3600];
	vm11 =	vgt.f32 v7, v2;
	v55 =	vpop (erf);
	(erf) = vpow2.f32 v20;
	v20 =	vmul.f32 $1.442695020e+00, v47  }
0x146: {  	[tilespmem:$0x1FAD0] =	vst v59;
	v40 =	vsel vm14, $0x11, v43;
	v25 =	vld [tilespmem:s20+$0x3680];
	v59 =	vpop (erf);
	(erf) = vpow2.f32 v0;
	v0 =	vmul.f32 $1.442695020e+00, v1  }
0x147: {  	[tilespmem:$0x1FAB0] =	vst v54;
	v43 =	vmul.f32 $1.442695020e+00, v63;
	v8 =	vadd.f32 v37, v39;
	v54 =	vpop (erf);
	(erf) = vpow2.f32 v20  }
0x148: {  	v49 =	vld [tilespmem:s20+$0x3780];
	v27 =	vadd.f32 v36, v12;
	(erf) = vpow2.f32 v0;
	v0 =	vmul.f32 $1.442695020e+00, v45  }
0x149: {  	v51 =	vld [tilespmem:s20+$0x3880];
	[tilespmem:$0x1FB90] =	vst v28;
	v28 =	vadd.f32 v28, v29;
	v20 =	vmul.f32 $1.442695020e+00, v22;
	v62 =	vpop (erf);
	(erf) = vpow2.f32 v52  }
0x14a: {  	[tilespmem:$0x1FAF0] =	vst v58;
	v41 =	vimm.s32 $0x12;
	v26 =	vpop (erf);
	(erf) = vpow2.f32 v0;
	v0 =	vmul.f32 $1.442695020e+00, v46  }
0x14b: {  	[tilespmem:$0x1FBC0] =	vst v44;
	v48 =	vld [tilespmem:s20+$0x3900];
	v28 =	vadd.f32 v28, v27;
	v57 =	vmul.f32 $1.442695020e+00, v25;
	v10 =	vpop (erf);
	(erf) = vpow2.f32 v20  }
0x14c: {  	v44 =	vld [tilespmem:s20+$0x3A80];
	[tilespmem:$0x1FBD0] =	vst v45;
	v52 =	vimm.s32 $0x14;
	v58 =	vpop (erf);
	v20 =	vsel vm2, $0x13, v41;
	(erf) = vpow2.f32 v0  }
0x14d: {  	[tilespmem:$0x1FC10] =	vst v46;
	v46 =	vld [tilespmem:s20+$0x3980];
	v19 =	vpop (erf);
	v0 =	vsel vm4, v13, v21;
	v21 =	vmul.f32 $1.442695020e+00, v49;
	(erf) = vpow2.f32 v57  }
0x14e: {  	v45 =	vld [tilespmem:s20+$0x3A00];
	[tilespmem:$0x1FC20] =	vst v25;
	v25 =	vmul.f32 $1.442695020e+00, v51;
	v20 =	vsel vm4, v20, v40;
	v32 =	vpop (erf);
	(erf) = vpow2.f32 v5  }
0x14f: {  	[tilespmem:$0x1FB10] =	vst v37;
	v37 =	vld [tilespmem:s20+$0x3B80];
	v57 =	vsel vm15, $0x15, v52;
	vm9 =	vgt.f32 v3, v0;
	v35 =	vpop (erf);
	(erf) = vpow2.f32 v21  }
0x150: {  	[tilespmem:$0x1FB40] =	vst v30;
	v5 =	vimm.s32 $0x16;
	v0 =	vsel vm9, v3, v0;
	v18 =	vpop (erf);
	(erf) = vpow2.f32 v43;
	v43 =	vld [tilespmem:s20+$0x3B00]  }
0x151: {  	[tilespmem:$0x1FAE0] =	vst v39;
	v39 =	vld [tilespmem:s20+$0x3E00];
	v21 =	vsel vm3, $0x17, v5;
	v30 =	vpop (erf);
	(erf) = vpow2.f32 v25;
	v25 =	vmul.f32 $1.442695020e+00, v48  }
0x152: {  	[tilespmem:$0x1FB80] =	vst v29;
	v52 =	vld [tilespmem:s20+$0x3C00];
	v29 =	vmul.f32 $1.442695020e+00, v46;
	vm10 =	vgt.f32 v0, v24;
	v13 =	vsel vm8, v21, v57  }
0x153: {  	[tilespmem:$0x1FBB0] =	vst v1;
	v40 =	vld [tilespmem:s20+$0x3C80];
	v21 =	vadd.f32 v17, v6;
	v1 =	vpop (erf);
	(erf) = vpow2.f32 v25;
	v25 =	vmul.f32 $1.442695020e+00, v45  }
0x154: {  	[tilespmem:$0x1FB70] =	vst v36;
	v27 =	vld [tilespmem:s20+$0x3D00];
	v4 =	vsel vm9, v13, v20;
	v36 =	vpop (erf);
	(erf) = vpow2.f32 v29;
	v29 =	vmul.f32 $1.442695020e+00, v44  }
0x155: {  	[tilespmem:$0x1FB50] =	vst v17;
	v57 =	vld [tilespmem:s20+$0x3D80];
	v20 =	vsel vm10, v0, v24;
	v17 =	vpop (erf);
	(erf) = vpow2.f32 v25;
	v25 =	vmul.f32 $1.442695020e+00, v43  }
0x156: {  	v41 =	vld [tilespmem:s20+$0x3E80];
	v24 =	vmul.f32 $1.442695020e+00, v37;
	v0 =	vsel vm10, v4, v33;
	v15 =	vpop (erf);
	(erf) = vpow2.f32 v29  }
0x157: {  	v7 =	vsel vm11, v7, v2;
	[tilespmem:$0x1FBA0] =	vst v0;
	v0 =	vld [tilespmem:$0x1F9E0];
	v5 =	vpop (erf);
	(erf) = vpow2.f32 v25;
	v25 =	vmul.f32 $1.442695020e+00, v52  }
0x158: {  	vm13 =	vgt.f32 v14, v31;
	[tilespmem:$0x1FBE0] =	vst v22;
	v4 =	vmul.f32 $1.442695020e+00, v40;
	v22 =	vpop (erf);
	(erf) = vpow2.f32 v24  }
0x159: {  	[tilespmem:$0x1FB20] =	vst v6;
	v2 =	vmul.f32 $1.442695020e+00, v27;
	v21 =	vadd.f32 v21, v8;
	v16 =	vpop (erf);
	(erf) = vpow2.f32 v25  }
0x15a: {  	[tilespmem:$0x1FB60] =	vst v12;
	v6 =	vsel vm13, v14, v31;
	v13 =	vmul.f32 $1.442695020e+00, v57;
	v12 =	vpop (erf);
	(erf) = vpow2.f32 v4  }
0x15b: {  	[tilespmem:$0x1FC00] =	vst v26;
	v14 =	vmul.f32 $1.442695020e+00, v39;
	v21 =	vadd.f32 v28, v21;
	v3 =	vpop (erf);
	(erf) = vpow2.f32 v2  }
0x15c: {  	vm14 =	vgt.f32 v34, v38;
	v24 =	vmul.f32 $1.442695020e+00, v41;
	[tilespmem:s20+$0x4400] =	vst v0;
	v0 =	vld [tilespmem:$0x1F9F0];
	v42 =	vpop (erf);
	(erf) = vpow2.f32 v13  }
0x15d: {  	[tilespmem:$0x1FC30] =	vst v10;
	v33 =	vadd.f32 v21, v23;
	v23 =	vadd.f32 v10, v26;
	v26 =	vpop (erf);
	(erf) = vpow2.f32 v14  }
0x15e: {  	[tilespmem:$0x1FC60] =	vst v1;
	v10 =	vsel vm14, v34, v38;
	v38 =	vpop (erf);
	(erf) = vpow2.f32 v24;
	v24 =	vadd.f32 v36, v1;
	v1 =	vld [tilespmem:$0x1FA20];
	_ =	sdelay $0x2  }
0x15f: {  	[tilespmem:s20+$0x4480] =	vst v0;
	v0 =	vld [tilespmem:$0x1FA00];
	_ =	sdelay $0x1  }
0x160: {  	[tilespmem:s20+$0x4600] =	vst v1;
	v1 =	vld [tilespmem:$0x1FA30]  }
0x161: {  	v31 =	vld [tilespmem:s20+$0x3F00]  }
0x162: {  	vm15 =	vgt.f32 v9, v7;
	v28 =	vld [tilespmem:s20+$0x3F80];
	v21 =	vadd.f32 v62, v54  }
0x163: {  	v4 =	vadd.f32 v11, v56;
	v25 =	vmov v11;
	v11 =	vadd.f32 v59, v55;
	[tilespmem:s20+$0x4500] =	vst v0;
	v0 =	vld [tilespmem:$0x1FA10]  }
0x164: {  	[tilespmem:$0x1FC40] =	vst v19;
	v13 =	vsel vm15, v9, v7;
	v7 =	vadd.f32 v23, v21;
	v9 =	vadd.f32 v19, v58  }
0x165: {  	v19 =	vadd.f32 v35, v32;
	v4 =	vadd.f32 v11, v4;
	[tilespmem:s20+$0x4680] =	vst v1;
	v1 =	vld [tilespmem:$0x1FA40]  }
0x166: {  	[tilespmem:$0x1FBF0] =	vst v62  }
0x167: {  	[tilespmem:$0x1FC50] =	vst v30;
	v34 =	vmul.f32 $1.442695020e+00, v31;
	v62 =	vpop (erf);
	v4 =	vadd.f32 v7, v4;
	v7 =	vadd.f32 v19, v9;
	v19 =	vld [tilespmem:$0x1FA50]  }
0x168: {  	v8 =	vpop (erf);
	[tilespmem:s20+$0x4580] =	vst v0;
	v0 =	vmul.f32 $1.442695020e+00, v28  }
0x169: {  	[tilespmem:$0x1FC70] =	vst v36;
	v23 =	vadd.f32 v30, v18;
	v36 =	vpop (erf);
	(erf) = vpow2.f32 v34  }
0x16a: {  	v30 =	vpop (erf);
	(erf) = vpow2.f32 v0;
	v0 =	vimm.s32 $0x18;
	[tilespmem:s20+$0x4700] =	vst v1;
	v1 =	vimm.s32 $0x1A  }
0x16b: {  	[tilespmem:$0x1FCC0] =	vst v3;
	v0 =	vsel vm11, $0x19, v0;
	v14 =	vsel vm12, $0x1B, v1  }
0x16c: {  	[tilespmem:s20+$0x4780] =	vst v19;
	v19 =	vsel vm15, v14, v0;
	v0 =	vadd.f32 v12, v16;
	v14 =	vadd.f32 v42, v3;
	v3 =	vld [tilespmem:$0x1FA60];
	_ =	sdelay $0x1  }
0x16d: {  	[tilespmem:$0x1FCA0] =	vst v5;
	v1 =	vadd.f32 v22, v5;
	v5 =	vadd.f32 v14, v0;
	v0 =	vld [tilespmem:$0x1FA80];
	_ =	sdelay $0x2  }
0x16e: {  	[tilespmem:s20+$0x4C00] =	vst v3;
	v3 =	vld [tilespmem:$0x1FA70]  }
0x16f: {  	[tilespmem:$0x1FC80] =	vst v17;
	v9 =	vadd.f32 v24, v23  }
0x170: {  	v2 =	vadd.f32 v15, v17;
	v17 =	vadd.f32 v4, v33;
	v33 =	vld [tilespmem:$0x1FAA0];
	[tilespmem:s20+$0x4D00] =	vst v0;
	v0 =	vimm.s32 $0x1C  }
0x171: {  	[tilespmem:$0x1FCD0] =	vst v42;
	v34 =	vpop (erf);
	v4 =	vadd.f32 v38, v26;
	v9 =	vadd.f32 v9, v7;
	v42 =	vsel vm13, $0x1D, v0;
	v0 =	vld [tilespmem:$0x1FA90]  }
0x172: {  	v29 =	vpop (erf);
	v7 =	vadd.f32 v1, v2;
	v2 =	vadd.f32 v30, v36  }
0x173: {  	v24 =	vpop (erf);
	v1 =	vadd.f32 v29, v34;
	[tilespmem:s20+$0x4C80] =	vst v3;
	v3 =	vadd.f32 v8, v62  }
0x174: {  	[tilespmem:$0x1FCB0] =	vst v12;
	v23 =	vpop (erf)  }
0x175: {  	[tilespmem:s20+$0x4E00] =	vst v33;
	v12 =	vld [tilespmem:$0x1FAB0];
	v2 =	vadd.f32 v1, v2;
	v14 =	vpop (erf);
	v3 =	vadd.f32 v3, v4  }
0x176: {  	vm8 =	vgt.f32 v10, v6;
	v33 =	vld [tilespmem:$0x1FB00];
	v21 =	vpop (erf);
	[tilespmem:s20+$0x4D80] =	vst v0;
	v0 =	vimm.s32 $0x1E  }
0x177: {  	v10 =	vsel vm8, v10, v6;
	v11 =	vpop (erf);
	v0 =	vsel vm14, $0x1F, v0;
	v2 =	vadd.f32 v2, v3;
	v3 =	vld [tilespmem:$0x1FAF0]  }
0x178: {  	vm9 =	vgt.f32 v10, v13;
	v6 =	vpop (erf);
	v0 =	vsel vm8, v0, v42;
	v42 =	vadd.f32 v9, v17;
	v17 =	vld [tilespmem:$0x1FAD0]  }
0x179: {  	[tilespmem:$0x1FC90] =	vst v15;
	v15 =	vld [tilespmem:$0x1FAC0];
	v5 =	vadd.f32 v5, v7;
	v7 =	vsel vm9, v10, v13;
	v1 =	vpop (erf)  }
0x17a: {  	[tilespmem:s20+$0x4E80] =	vst v12;
	v10 =	vadd.f32 v21, v14;
	v4 =	vpop (erf);
	v9 =	vadd.f32 v23, v24;
	v12 =	vsel vm9, v0, v19;
	v19 =	vld [tilespmem:$0x1FAE0]  }
0x17b: {  	vm12 =	vgt.f32 v53, v61;
	v13 =	vadd.f32 v4, v1;
	v5 =	vadd.f32 v5, v42;
	v42 =	vld [tilespmem:$0x1FB10]  }
0x17c: {  	[tilespmem:$0x1FCE0] =	vst v8;
	v0 =	vadd.f32 v6, v11;
	v8 =	vadd.f32 v10, v9;
	v10 =	vsel vm12, v53, v61;
	v61 =	vld [tilespmem:$0x1FB60]  }
0x17d: {  	vm10 =	vgt.f32 v33, v3;
	[tilespmem:s20+$0x4F80] =	vst v17;
	v17 =	vld [tilespmem:$0x1FB20]  }
0x17e: {  	[tilespmem:s20+$0x5E00] =	vst v54;
	v0 =	vadd.f32 v13, v0;
	v3 =	vsel vm10, v33, v3;
	v33 =	vld [tilespmem:$0x1FB40]  }
0x17f: {  	[tilespmem:s20+$0x5400] =	vst v19;
	v19 =	vld [tilespmem:$0x1FB30]  }
0x180: {  	vm13 =	vgt.f32 v47, v50;
	v2 =	vadd.f32 v2, v5;
	v0 =	vadd.f32 v0, v8;
	[tilespmem:s20+$0x5480] =	vst v42;
	v42 =	vld [tilespmem:$0x1FB50]  }
0x181: {  	v54 =	vld [tilespmem:$0x1FBD0];
	[tilespmem:s20+$0x4F00] =	vst v15;
	v15 =	vimm.s32 $0x28;
	v53 =	vsel vm13, v47, v50  }
0x182: {  	[tilespmem:s20+$0x5D00] =	vst v55;
	vm14 =	vgt.f32 v7, v20;
	vm6 =	vgt.f32 v53, v10;
	v0 =	vadd.f32 v0, v2;
	v2 =	vld [tilespmem:$0x1FB90]  }
0x183: {  	v55 =	vld [tilespmem:$0x1FBE0];
	v50 =	vimm.s32 $0x26;
	v5 =	vsel vm14, v7, v20;
	v47 =	vsel vm6, v53, v10;
	[tilespmem:s20+$0x5600] =	vst v61  }
0x184: {  	v53 =	vimm.s32 $0x24;
	v20 =	vimm.s32 $0x3C;
	[tilespmem:s20+$0x5500] =	vst v17;
	v17 =	vld [tilespmem:$0x1FBA0];
	vm11 =	vgt.f32 v33, v19  }
0x185: {  	v61 =	vimm.s32 $0x22;
	[tilespmem:s20+$0x5580] =	vst v42;
	v9 =	vsel vm11, v33, v19;
	v42 =	vimm.s32 $0x20;
	v19 =	vld [tilespmem:$0x1FB70]  }
0x186: {  	v33 =	vld [tilespmem:$0x1FB80];
	v8 =	vsel vm11, $0x23, v61;
	vm11 =	vgt.f32 v51, v63;
	vm5 =	vgt.f32 v9, v3  }
0x187: {  	[tilespmem:s20+$0x5780] =	vst v2;
	v2 =	vsel vm10, $0x21, v42;
	v42 =	vand.u32 $0x7FFFFF, v0;
	v3 =	vsel vm5, v9, v3  }
0x188: {  	v2 =	vsel vm5, v8, v2;
	v8 =	vor.u32 $0x3F800000, v42;
	vm5 =	vgt.f32 v55, v54  }
0x189: {  	[tilespmem:s20+$0x5C00] =	vst v56;
	v56 =	vld [tilespmem:$0x1FBF0];
	vm7 =	vgt.f32 v47, v3;
	v9 =	vsel vm14, v12, v17;
	vm14 =	vgt.f32 v37, v43  }
0x18a: {  	v42 =	vld [tilespmem:$0x1FC20];
	v3 =	vsel vm7, v47, v3;
	v47 =	vadd.f32 $1.000000000e+00, v8;
	v8 =	vadd.f32 $-1.000000000e+00, v8;
	[tilespmem:s20+$0x5680] =	vst v19  }
0x18b: {  	[tilespmem:s20+$0x5700] =	vst v33;
	v19 =	vsel vm12, $0x25, v53;
	v33 =	vsel vm13, $0x27, v50;
	vm15 =	vgt.f32 v3, v5;
	v50 =	vld [tilespmem:$0x1FBB0]  }
0x18c: {  	[tilespmem:s20+$0x5D80] =	vst v59;
	v53 =	vld [tilespmem:$0x1FBC0];
	vm12 =	vgt.f32 v46, v48;
	vm13 =	vgt.f32 v44, v45;
	v7 =	vsel vm6, v33, v19  }
0x18d: {  	[tilespmem:s20+$0x6400] =	vst v58;
	v3 =	vsel vm15, v3, v5;
	(erf) = vrcp.f32 v47;
	v33 =	vld [tilespmem:$0x1FC10];
	v2 =	vsel vm7, v7, v2  }
0x18e: {  	[tilespmem:s20+$0x6500] =	vst v32;
	v59 =	vld [tilespmem:$0x1FC00];
	vm7 =	vgt.f32 v49, v60;
	v2 =	vsel vm15, v2, v9;
	v9 =	vsel vm5, v55, v54  }
0x18f: {  	[tilespmem:s20+$0x5E80] =	vst v56;
	v56 =	vld [tilespmem:$0x1FC40];
	v49 =	vsel vm7, v49, v60;
	v54 =	vimm.s32 $0x2C;
	v55 =	vimm.s32 $0x2A  }
0x190: {  	[tilespmem:s20+$0x6580] =	vst v35;
	v60 =	vsel vm11, v51, v63;
	v63 =	vimm.s32 $0x32;
	v51 =	vsel vm14, v37, v43  }
0x191: {  	[tilespmem:s20+$0x6600] =	vst v18;
	v13 =	vsel vm5, $0x2B, v55;
	v55 =	vsel vm12, $0x33, v63;
	vm4 =	vgt.f32 v53, v50  }
0x192: {  	[tilespmem:s20+$0x6D80] =	vst v22;
	v7 =	vsel vm4, v53, v50;
	v61 =	vsel vm4, $0x29, v15;
	vm6 =	vgt.f32 v42, v33  }
0x193: {  	[tilespmem:s20+$0x5F00] =	vst v59;
	v47 =	vld [tilespmem:$0x1FC30];
	v50 =	vimm.s32 $0x30;
	v53 =	vimm.s32 $0x2E;
	v10 =	vsel vm6, v42, v33  }
0x194: {  	[tilespmem:s20+$0x6480] =	vst v56;
	v56 =	vld [tilespmem:$0x1FC80];
	v15 =	vsel vm6, $0x2D, v54;
	vm8 =	vgt.f32 v9, v7;
	v59 =	vsel vm7, $0x2F, v53  }
0x195: {  	[tilespmem:s20+$0x6E00] =	vst v16;
	vm7 =	vgt.f32 v40, v52;
	vm9 =	vgt.f32 v49, v10;
	v7 =	vsel vm8, v9, v7  }
0x196: {  	[tilespmem:s20+$0x5C80] =	vst v25;
	v5 =	vsel vm8, v13, v61;
	v61 =	vimm.s32 $0x34;
	vm8 =	vgt.f32 v57, v27  }
0x197: {  	[tilespmem:s20+$0x7400] =	vst v26;
	v58 =	vsel vm9, v49, v10;
	v10 =	vsel vm9, v59, v15;
	v49 =	vsel vm12, v46, v48  }
0x198: {  	[tilespmem:s20+$0x5F80] =	vst v47;
	v47 =	vld [tilespmem:$0x1FC60];
	v59 =	vimm.s32 $0x38;
	v48 =	vsel vm8, v57, v27;
	vm9 =	vgt.f32 v41, v39  }
0x199: {  	[tilespmem:s20+$0x6C00] =	vst v56;
	vm10 =	vgt.f32 v58, v7;
	vm15 =	vgt.f32 v49, v60;
	v56 =	vsel vm9, $0x3D, v20  }
0x19a: {  	[tilespmem:s20+$0x7480] =	vst v38;
	v53 =	vpop (erf);
	(erf) = vrcp.f32 v0;
	v7 =	vsel vm10, v58, v7;
	v5 =	vsel vm10, v10, v5  }
0x19b: {  	[tilespmem:s20+$0x7500] =	vst v62;
	v54 =	vld [tilespmem:$0x1FC70];
	v10 =	vsel vm11, $0x31, v50;
	v50 =	vsel vm13, v44, v45;
	v8 =	vmul.f32 v53, v8  }
0x19c: {  	[tilespmem:s20+$0x7600] =	vst v36;
	v9 =	vsel vm15, v49, v60;
	v58 =	vsel vm13, $0x35, v61;
	v60 =	vimm.s32 $0x36  }
0x19d: {  	[tilespmem:s20+$0x6700] =	vst v47;
	v47 =	vsel vm7, v40, v52;
	v52 =	vimm.s32 $0x3E;
	v53 =	vimm.s32 $0x3A  }
0x19e: {  	[tilespmem:s20+$0x7680] =	vst v30;
	vm10 =	vgt.f32 v28, v31;
	vm4 =	vgt.f32 v7, v3;
	v10 =	vsel vm15, v55, v10  }
0x19f: {  	[tilespmem:s20+$0x7700] =	vst v34;
	vm5 =	vgt.f32 v51, v50;
	v19 =	vsel vm14, $0x37, v60;
	v18 =	vmul.f32 v8, v8  }
0x1a0: {  	[tilespmem:s20+$0x6780] =	vst v54;
	vm11 =	vgt.f32 v48, v47;
	v54 =	vsel vm10, v28, v31;
	v3 =	vsel vm4, v7, v3  }
0x1a1: {  	[tilespmem:s20+$0x7780] =	vst v29;
	v17 =	vsel vm5, v51, v50;
	v12 =	vsel vm5, v19, v58;
	v35 =	vmul.f32 $1.111111120e-01, v18  }
0x1a2: {  	[tilespmem:s20+$0x7C00] =	vst v24;
	v2 =	vsel vm4, v5, v2;
	v50 =	vsel vm9, v41, v39;
	v51 =	vsel vm7, $0x39, v59  }
0x1a3: {  	[tilespmem:s20+$0x7C80] =	vst v23;
	v61 =	vld [tilespmem:$0x1FC90];
	v19 =	vsel vm8, $0x3B, v53;
	v58 =	vsel vm10, $0x3F, v52;
	v45 =	vadd.f32 $1.428571490e-01, v35  }
0x1a4: {  	[tilespmem:s20+$0x7D00] =	vst v14;
	vm6 =	vgt.f32 v17, v9;
	v55 =	vsel vm11, v19, v51;
	vm12 =	vgt.f32 v54, v50  }
0x1a5: {  	[tilespmem:s20+$0x7D80] =	vst v21;
	v37 =	vsel vm6, v17, v9;
	v43 =	vsel vm6, v12, v10;
	v9 =	vmul.f32 v45, v18  }
0x1a6: {  	[tilespmem:s20+$0x7E00] =	vst v11;
	v63 =	vld [tilespmem:$0x1FCA0];
	v10 =	vsel vm11, v48, v47;
	v13 =	vsel vm12, v54, v50;
	v15 =	vsel vm12, v58, v56  }
0x1a7: {  	[tilespmem:s20+$0x7E80] =	vst v6;
	v42 =	vld [tilespmem:$0x1FC50];
	vm13 =	vgt.f32 v37, v3;
	vm14 =	vgt.f32 v13, v10;
	v9 =	vadd.f32 $2.000000030e-01, v9  }
0x1a8: {  	v46 =	vld [tilespmem:$0x1FCC0];
	[tilespmem:s20+$0x6C80] =	vst v61;
	v3 =	vsel vm13, v37, v3;
	v61 =	vsel vm14, v13, v10;
	v2 =	vsel vm13, v43, v2  }
0x1a9: {  	[tilespmem:s20+$0x7F00] =	vst v1;
	v57 =	vld [tilespmem:$0x1FCE0];
	v62 =	vsel vm14, v15, v55;
	vm15 =	vgt.f32 v61, v3;
	v9 =	vmul.f32 v9, v18  }
0x1aa: {  	[tilespmem:s20+$0x7F80] =	vst v4;
	v44 =	vld [tilespmem:$0x1FCB0];
	v3 =	vshra.s32 v0, $0x17;
	v0 =	vsel vm15, v62, v2  }
0x1ab: {  	[tilespmem:s20+$0x6D00] =	vst v63;
	v49 =	vld [tilespmem:$0x1FCD0];
	v60 =	vlaneseq.u32;
	v0 =	vshll.u32 v0, $0x7;
	v9 =	vadd.f32 $3.333333430e-01, v9  }
0x1ac: {  	[tilespmem:s20+$0x6680] =	vst v42;
	v0 =	vor.u32 v60, v0  }
0x1ad: {  	[tilespmem:s20+$0x6F00] =	vst v46;
	v63 =	vmul.f32 v9, v18  }
0x1ae: {  	[tilespmem:s20+$0x7580] =	vst v57;
	v2 =	vadd.s32 $0xFFFFFF81, v3  }
0x1af: {  	[tilespmem:s20+$0x6E80] =	vst v44;
	v3 =	vadd.f32 v8, v8;
	v2 =	vcvt.s32.f32 v2;
	v5 =	vadd.f32 $1.000000000e+00, v63  }
0x1b0: {  	v59 =	vimm.f32 $1.000000000e+00;
	[tilespmem:s20+$0x6F80] =	vst v49  }
0x1b1: {  	v2 =	vmul.f32 $6.931471820e-01, v2;
	[tilespmem:v0+s13+$0x0] =	vst.idx.add.f32.msk $0xffff, v59;
	v0 =	vpop (erf);
	v3 =	vmul.f32 v5, v3  }
0x1b2: {  	p0 =	sne.s32 s19, $0x1C0;
	[tilespmem:s20+$0x8080] =	vst v0;
	v0 =	vld [tilespmem:$0x1FFF0]  }
.Ltmp1:
0x1b3: {  	v2 =	vadd.f32 v3, v2;
	(pc) =	sbr.rel @p0 .LBB2_4-.Ltmp1, $4  }
0x1b4: {  	v32 =	vimm.s32 $0xA;
	v25 =	vimm.s32 $0x8  }
0x1b5: {  	v21 =	vimm.s32 $0x0;
	v24 =	vimm.s32 $0x6;
	v1 =	vmul.f32 v2, v2  }
0x1b6: {  	v23 =	vimm.s32 $0x4;
	v27 =	vimm.s32 $0xC;
	v42 =	vimm.s32 $0x2  }
0x1b7: {  	s19 =	sadd.s32 $0x40, s19;
	v28 =	vimm.s32 $0xE;
	v43 =	vimm.s32 $0x10;
	v0 =	vadd.f32 v1, v0  }
0x1b8: {  	s19 =	simm.s32 $0x0  }
0x1b9: {  	s20 =	simm.s32 $0x8000;
	[tilespmem:$0xC100] =	vst v0;
	s21 =	sor.u32 s19, s19  }
0x1ba: {  	s22 =	sand.u32 $0x70, s19;
	s19 =	sand.u32 $0x400, s19;
	v1 =	vld [tilespmem:s20+$0x0];
	s30 =	sor.u32 $0x380, s21  }
0x1bb: {  	s24 =	sor.u32 s22, s19;
	v0 =	vld [tilespmem:s30+$0x4000]  }
0x1bc: {  	v2 =	vld [tilespmem:s24+$0x4000]  }
0x1bd: {  	v3 =	vld [tilespmem:s24+$0x4080];
	_ =	sdelay $0x1  }
0x1be: {  	v10 =	vld [tilespmem:s24+$0x4100]  }
0x1bf: {  	v4 =	vimm.f32 $0.0e+00;
	v8 =	vimm.f32 $0.0e+00;
	v12 =	vld [tilespmem:s24+$0x4180]  }
0x1c0: {  	s31 =	simm.s32 $0x10;
	v6 =	vimm.f32 $0.0e+00;
	v5 =	vimm.f32 $0.0e+00;
	v11 =	vld [tilespmem:s24+$0x4200];
	v0 =	vmul.f32 v0, v1  }
0x1c1: {  	v7 =	vimm.f32 $0.0e+00;
	s22 =	sand.u32 $0x70, s31;
	s19 =	simm.s32 $0x80;
	v9 =	vld [tilespmem:s24+$0x4280];
	v15 =	vmul.f32 v2, v1;
	v14 =	vmul.f32 v3, v1  }
0x1c2: {  	s21 =	simm.s32 $0x20;
	s20 =	simm.s32 $0x8010;
	s23 =	sor.u32 s19, s31;
	v13 =	vld [tilespmem:s24+$0x4300];
	v3 =	vimm.f32 $0.0e+00;
	v2 =	vimm.f32 $0.0e+00;
	v0 =	vadd.f32 v0, v4  }
.LBB2_6:
0x1c3: {  	p0 =	sne.s32 s21, $0xF0;
	v16 =	vld [tilespmem:s20+$0x0];
	s24 =	sand.u32 $0x400, s19;
	s23 =	sor.u32 $0x380, s23;
	v4 =	vadd.f32 v15, v4;
	v10 =	vmul.f32 v10, v1  }
0x1c4: {  	s24 =	sor.u32 s22, s24;
	v15 =	vld [tilespmem:s23+$0x4000];
	v8 =	vadd.f32 v14, v8;
	v12 =	vmul.f32 v12, v1  }
0x1c5: {  	v14 =	vld [tilespmem:s24+$0x4000];
	v6 =	vadd.f32 v10, v6;
	v11 =	vmul.f32 v11, v1  }
0x1c6: {  	v17 =	vld [tilespmem:s24+$0x4080];
	v5 =	vadd.f32 v12, v5;
	v9 =	vmul.f32 v9, v1  }
.Ltmp2:
0x1c7: {  	v10 =	vld [tilespmem:s24+$0x4100];
	v7 =	vadd.f32 v11, v7;
	v13 =	vmul.f32 v13, v1;
	(pc) =	sbr.rel @p0 .LBB2_6-.Ltmp2, $4  }
0x1c8: {  	v12 =	vld [tilespmem:s24+$0x4180];
	v3 =	vadd.f32 v9, v3;
	v1 =	vmov v16  }
0x1c9: {  	v11 =	vld [tilespmem:s24+$0x4200];
	v16 =	vmul.f32 v15, v1;
	v2 =	vadd.f32 v13, v2  }
0x1ca: {  	s19 =	sadd.s32 $0x80, s19;
	s22 =	sand.u32 $0x70, s21;
	v15 =	vmul.f32 v14, v1;
	v9 =	vld [tilespmem:s24+$0x4280]  }
0x1cb: {  	s20 =	sadd.s32 $0x10, s20;
	s23 =	sor.u32 s19, s21;
	s21 =	sadd.s32 $0x10, s21;
	v14 =	vmul.f32 v17, v1;
	v13 =	vld [tilespmem:s24+$0x4300];
	v0 =	vadd.f32 v16, v0  }
0x1cc: {  	s19 =	sand.u32 $0x400, s19  }
0x1cd: {  	v16 =	vld [tilespmem:s20+$0x0];
	s19 =	sor.u32 s22, s19  }
0x1ce: {  	v17 =	vld [tilespmem:s19+$0x4000]  }
0x1cf: {  	v18 =	vld [tilespmem:s19+$0x4080]  }
0x1d0: {  	v4 =	vadd.f32 v15, v4;
	v15 =	vld [tilespmem:s19+$0x4200]  }
0x1d1: {  	v10 =	vmul.f32 v10, v1;
	v12 =	vmul.f32 v12, v1;
	v19 =	vld [tilespmem:s19+$0x4100]  }
0x1d2: {  	v8 =	vadd.f32 v14, v8;
	v20 =	vld [tilespmem:s19+$0x4180];
	v11 =	vmul.f32 v11, v1  }
0x1d3: {  	v6 =	vadd.f32 v10, v6;
	v5 =	vadd.f32 v12, v5;
	v12 =	vld [tilespmem:s19+$0x4300];
	v14 =	vmul.f32 v17, v16  }
0x1d4: {  	s28 =	sor.u32 $0x380, s23;
	v9 =	vmul.f32 v9, v1;
	v7 =	vadd.f32 v11, v7;
	v17 =	vld [tilespmem:s19+$0x4280];
	v10 =	vmul.f32 v18, v16  }
0x1d5: {  	v11 =	vld [tilespmem:s28+$0x4000];
	v1 =	vmul.f32 v13, v1;
	v13 =	vmul.f32 v15, v16;
	v4 =	vadd.f32 v14, v4  }
0x1d6: {  	v14 =	vmul.f32 v19, v16;
	v8 =	vadd.f32 v10, v8  }
0x1d7: {  	v1 =	vadd.f32 v1, v2;
	v10 =	vmul.f32 v20, v16;
	v2 =	vadd.f32 v13, v7;
	[tilespmem:$0x8100] =	vst v4  }
0x1d8: {  	v7 =	vmul.f32 v12, v16;
	v6 =	vadd.f32 v14, v6;
	[tilespmem:$0x8180] =	vst v8  }
0x1d9: {  	v3 =	vadd.f32 v9, v3;
	v4 =	vadd.f32 v10, v5;
	[tilespmem:$0x8300] =	vst v2;
	v5 =	vmul.f32 v17, v16  }
0x1da: {  	v1 =	vadd.f32 v7, v1;
	[tilespmem:$0x8200] =	vst v6;
	v6 =	vmul.f32 v11, v16  }
0x1db: {  	[tilespmem:$0x8280] =	vst v4;
	v3 =	vadd.f32 v5, v3  }
0x1dc: {  	[tilespmem:$0x8400] =	vst v1;
	v0 =	vadd.f32 v6, v0  }
0x1dd: {  	s29 =	simm.s32 $0x0;
	[tilespmem:$0x8380] =	vst v3  }
0x1de: {  	s30 =	simm.s32 $0x8000;
	s21 =	sand.u32 $0x70, s29;
	s19 =	sand.u32 $0x400, s29;
	[tilespmem:$0x8480] =	vst v0  }
0x1df: {  	s24 =	sor.u32 s21, s19;
	v1 =	vld [tilespmem:s30+$0x0]  }
0x1e0: {  	v0 =	vld [tilespmem:s24+$0x4B80]  }
0x1e1: {  	v2 =	vld [tilespmem:s24+$0x4800]  }
0x1e2: {  	v3 =	vld [tilespmem:s24+$0x4880];
	_ =	sdelay $0x1  }
0x1e3: {  	v10 =	vld [tilespmem:s24+$0x4900]  }
0x1e4: {  	v9 =	vimm.f32 $0.0e+00;
	v8 =	vimm.f32 $0.0e+00;
	v12 =	vld [tilespmem:s24+$0x4980]  }
0x1e5: {  	s31 =	simm.s32 $0x10;
	v4 =	vimm.f32 $0.0e+00;
	v5 =	vimm.f32 $0.0e+00;
	v11 =	vld [tilespmem:s24+$0x4A00];
	v0 =	vmul.f32 v0, v1  }
0x1e6: {  	s20 =	simm.s32 $0x80;
	s22 =	sand.u32 $0x70, s31;
	v6 =	vimm.f32 $0.0e+00;
	v7 =	vld [tilespmem:s24+$0x4A80];
	v14 =	vmul.f32 v2, v1;
	v15 =	vmul.f32 v3, v1  }
0x1e7: {  	s23 =	sand.u32 $0x400, s20;
	s19 =	simm.s32 $0x8010;
	s21 =	simm.s32 $0x20;
	v13 =	vld [tilespmem:s24+$0x4B00];
	v3 =	vimm.f32 $0.0e+00;
	v2 =	vimm.f32 $0.0e+00;
	v0 =	vadd.f32 v0, v4  }
.LBB2_8:
0x1e8: {  	p0 =	sne.s32 s21, $0xF0;
	v16 =	vld [tilespmem:s19+$0x0];
	s24 =	sor.u32 s22, s23;
	v4 =	vadd.f32 v14, v4;
	v10 =	vmul.f32 v10, v1  }
0x1e9: {  	v14 =	vld [tilespmem:s24+$0x4B80];
	v9 =	vadd.f32 v15, v9;
	v12 =	vmul.f32 v12, v1  }
0x1ea: {  	v15 =	vld [tilespmem:s24+$0x4800];
	v5 =	vadd.f32 v10, v5;
	v11 =	vmul.f32 v11, v1  }
0x1eb: {  	v17 =	vld [tilespmem:s24+$0x4880];
	v6 =	vadd.f32 v12, v6;
	v7 =	vmul.f32 v7, v1  }
.Ltmp3:
0x1ec: {  	v10 =	vld [tilespmem:s24+$0x4900];
	v8 =	vadd.f32 v11, v8;
	v13 =	vmul.f32 v13, v1;
	(pc) =	sbr.rel @p0 .LBB2_8-.Ltmp3, $4  }
0x1ed: {  	v12 =	vld [tilespmem:s24+$0x4980];
	v3 =	vadd.f32 v7, v3;
	v1 =	vmov v16  }
0x1ee: {  	v11 =	vld [tilespmem:s24+$0x4A00];
	v16 =	vmul.f32 v14, v1;
	v2 =	vadd.f32 v13, v2  }
0x1ef: {  	s20 =	sadd.s32 $0x80, s20;
	s19 =	sadd.s32 $0x10, s19;
	v14 =	vmul.f32 v15, v1;
	v7 =	vld [tilespmem:s24+$0x4A80]  }
0x1f0: {  	s22 =	sand.u32 $0x70, s21;
	s21 =	sadd.s32 $0x10, s21;
	s23 =	sand.u32 $0x400, s20;
	v15 =	vmul.f32 v17, v1;
	v13 =	vld [tilespmem:s24+$0x4B00];
	v0 =	vadd.f32 v16, v0  }
0x1f1: {  	v16 =	vld [tilespmem:s19+$0x0];
	s29 =	sor.u32 s22, s23  }
0x1f2: {  	v17 =	vld [tilespmem:s29+$0x4800]  }
0x1f3: {  	v18 =	vld [tilespmem:s29+$0x4880]  }
0x1f4: {  	v4 =	vadd.f32 v14, v4;
	v14 =	vld [tilespmem:s29+$0x4A00]  }
0x1f5: {  	v10 =	vmul.f32 v10, v1;
	v19 =	vld [tilespmem:s29+$0x4900];
	v12 =	vmul.f32 v12, v1  }
0x1f6: {  	v20 =	vld [tilespmem:s29+$0x4980];
	v9 =	vadd.f32 v15, v9;
	v11 =	vmul.f32 v11, v1  }
0x1f7: {  	v5 =	vadd.f32 v10, v5;
	v6 =	vadd.f32 v12, v6;
	v12 =	vld [tilespmem:s29+$0x4B00];
	v15 =	vmul.f32 v17, v16  }
0x1f8: {  	v7 =	vmul.f32 v7, v1;
	v8 =	vadd.f32 v11, v8;
	v17 =	vld [tilespmem:s29+$0x4A80];
	v10 =	vmul.f32 v18, v16  }
0x1f9: {  	v11 =	vld [tilespmem:s29+$0x4B80];
	v1 =	vmul.f32 v13, v1;
	v13 =	vmul.f32 v14, v16;
	v4 =	vadd.f32 v15, v4  }
0x1fa: {  	v15 =	vmul.f32 v19, v16;
	v9 =	vadd.f32 v10, v9  }
0x1fb: {  	v1 =	vadd.f32 v1, v2;
	v10 =	vmul.f32 v20, v16;
	v2 =	vadd.f32 v13, v8;
	[tilespmem:$0x8500] =	vst v4  }
0x1fc: {  	v3 =	vadd.f32 v7, v3;
	v7 =	vmul.f32 v12, v16;
	v5 =	vadd.f32 v15, v5;
	[tilespmem:$0x8580] =	vst v9  }
0x1fd: {  	v4 =	vadd.f32 v10, v6;
	[tilespmem:$0x8700] =	vst v2;
	v6 =	vmul.f32 v17, v16  }
0x1fe: {  	v1 =	vadd.f32 v7, v1;
	[tilespmem:$0x8600] =	vst v5;
	v5 =	vmul.f32 v11, v16  }
0x1ff: {  	[tilespmem:$0x8680] =	vst v4;
	v3 =	vadd.f32 v6, v3  }
0x200: {  	[tilespmem:$0x8800] =	vst v1;
	v0 =	vadd.f32 v5, v0  }
0x201: {  	s30 =	simm.s32 $0x0;
	[tilespmem:$0x8780] =	vst v3  }
0x202: {  	s20 =	simm.s32 $0x8000;
	s21 =	sand.u32 $0x70, s30;
	s19 =	sand.u32 $0x400, s30;
	[tilespmem:$0x8880] =	vst v0  }
0x203: {  	s24 =	sor.u32 s21, s19;
	v1 =	vld [tilespmem:s20+$0x0]  }
0x204: {  	v0 =	vld [tilespmem:s24+$0x5380]  }
0x205: {  	v2 =	vld [tilespmem:s24+$0x5000]  }
0x206: {  	v3 =	vld [tilespmem:s24+$0x5080];
	_ =	sdelay $0x1  }
0x207: {  	v10 =	vld [tilespmem:s24+$0x5100]  }
0x208: {  	v8 =	vimm.f32 $0.0e+00;
	v9 =	vimm.f32 $0.0e+00;
	v12 =	vld [tilespmem:s24+$0x5180]  }
0x209: {  	s31 =	simm.s32 $0x10;
	v4 =	vimm.f32 $0.0e+00;
	v6 =	vimm.f32 $0.0e+00;
	v11 =	vld [tilespmem:s24+$0x5200];
	v0 =	vmul.f32 v0, v1  }
0x20a: {  	s22 =	sand.u32 $0x70, s31;
	v5 =	vimm.f32 $0.0e+00;
	v7 =	vld [tilespmem:s24+$0x5280];
	s20 =	simm.s32 $0x80;
	v14 =	vmul.f32 v2, v1;
	v15 =	vmul.f32 v3, v1  }
0x20b: {  	s19 =	simm.s32 $0x8010;
	s21 =	simm.s32 $0x20;
	v13 =	vld [tilespmem:s24+$0x5300];
	s23 =	sand.u32 $0x400, s20;
	v3 =	vimm.f32 $0.0e+00;
	v2 =	vimm.f32 $0.0e+00;
	v0 =	vadd.f32 v0, v4  }
.LBB2_10:
0x20c: {  	p0 =	sne.s32 s21, $0xF0;
	v16 =	vld [tilespmem:s19+$0x0];
	s24 =	sor.u32 s22, s23;
	v4 =	vadd.f32 v14, v4;
	v10 =	vmul.f32 v10, v1  }
0x20d: {  	v14 =	vld [tilespmem:s24+$0x5380];
	v9 =	vadd.f32 v15, v9;
	v12 =	vmul.f32 v12, v1  }
0x20e: {  	v15 =	vld [tilespmem:s24+$0x5000];
	v5 =	vadd.f32 v10, v5;
	v11 =	vmul.f32 v11, v1  }
0x20f: {  	v17 =	vld [tilespmem:s24+$0x5080];
	v6 =	vadd.f32 v12, v6;
	v7 =	vmul.f32 v7, v1  }
.Ltmp4:
0x210: {  	v10 =	vld [tilespmem:s24+$0x5100];
	v8 =	vadd.f32 v11, v8;
	v13 =	vmul.f32 v13, v1;
	(pc) =	sbr.rel @p0 .LBB2_10-.Ltmp4, $4  }
0x211: {  	v12 =	vld [tilespmem:s24+$0x5180];
	v3 =	vadd.f32 v7, v3;
	v1 =	vmov v16  }
0x212: {  	v11 =	vld [tilespmem:s24+$0x5200];
	v16 =	vmul.f32 v14, v1;
	v2 =	vadd.f32 v13, v2  }
0x213: {  	s20 =	sadd.s32 $0x80, s20;
	s19 =	sadd.s32 $0x10, s19;
	v14 =	vmul.f32 v15, v1;
	v7 =	vld [tilespmem:s24+$0x5280]  }
0x214: {  	s22 =	sand.u32 $0x70, s21;
	s21 =	sadd.s32 $0x10, s21;
	s23 =	sand.u32 $0x400, s20;
	v15 =	vmul.f32 v17, v1;
	v13 =	vld [tilespmem:s24+$0x5300];
	v0 =	vadd.f32 v16, v0  }
0x215: {  	v16 =	vld [tilespmem:s19+$0x0];
	s29 =	sor.u32 s22, s23  }
0x216: {  	v17 =	vld [tilespmem:s29+$0x5000]  }
0x217: {  	v18 =	vld [tilespmem:s29+$0x5080]  }
0x218: {  	v4 =	vadd.f32 v14, v4;
	v14 =	vld [tilespmem:s29+$0x5200]  }
0x219: {  	v10 =	vmul.f32 v10, v1;
	v19 =	vld [tilespmem:s29+$0x5100];
	v12 =	vmul.f32 v12, v1  }
0x21a: {  	v20 =	vld [tilespmem:s29+$0x5180];
	v9 =	vadd.f32 v15, v9;
	v11 =	vmul.f32 v11, v1  }
0x21b: {  	v5 =	vadd.f32 v10, v5;
	v6 =	vadd.f32 v12, v6;
	v12 =	vld [tilespmem:s29+$0x5300];
	v15 =	vmul.f32 v17, v16  }
0x21c: {  	v7 =	vmul.f32 v7, v1;
	v8 =	vadd.f32 v11, v8;
	v17 =	vld [tilespmem:s29+$0x5280];
	v10 =	vmul.f32 v18, v16  }
0x21d: {  	v11 =	vld [tilespmem:s29+$0x5380];
	v1 =	vmul.f32 v13, v1;
	v13 =	vmul.f32 v14, v16;
	v4 =	vadd.f32 v15, v4  }
0x21e: {  	v15 =	vmul.f32 v19, v16;
	v9 =	vadd.f32 v10, v9  }
0x21f: {  	v1 =	vadd.f32 v1, v2;
	v10 =	vmul.f32 v20, v16;
	v2 =	vadd.f32 v13, v8;
	[tilespmem:$0x8900] =	vst v4  }
0x220: {  	v3 =	vadd.f32 v7, v3;
	v7 =	vmul.f32 v12, v16;
	v5 =	vadd.f32 v15, v5;
	[tilespmem:$0x8980] =	vst v9  }
0x221: {  	v4 =	vadd.f32 v10, v6;
	[tilespmem:$0x8B00] =	vst v2;
	v6 =	vmul.f32 v17, v16  }
0x222: {  	v1 =	vadd.f32 v7, v1;
	[tilespmem:$0x8A00] =	vst v5;
	v5 =	vmul.f32 v11, v16  }
0x223: {  	[tilespmem:$0x8A80] =	vst v4;
	v3 =	vadd.f32 v6, v3  }
0x224: {  	[tilespmem:$0x8C00] =	vst v1;
	v0 =	vadd.f32 v5, v0  }
0x225: {  	s30 =	simm.s32 $0x0;
	[tilespmem:$0x8B80] =	vst v3  }
0x226: {  	s20 =	simm.s32 $0x8000;
	s21 =	sand.u32 $0x70, s30;
	s19 =	sand.u32 $0x400, s30;
	[tilespmem:$0x8C80] =	vst v0  }
0x227: {  	s24 =	sor.u32 s21, s19;
	v1 =	vld [tilespmem:s20+$0x0]  }
0x228: {  	v0 =	vld [tilespmem:s24+$0x5B80]  }
0x229: {  	v2 =	vld [tilespmem:s24+$0x5800]  }
0x22a: {  	v3 =	vld [tilespmem:s24+$0x5880];
	_ =	sdelay $0x1  }
0x22b: {  	v10 =	vld [tilespmem:s24+$0x5900]  }
0x22c: {  	v8 =	vimm.f32 $0.0e+00;
	v9 =	vimm.f32 $0.0e+00;
	v12 =	vld [tilespmem:s24+$0x5980]  }
0x22d: {  	s31 =	simm.s32 $0x10;
	v4 =	vimm.f32 $0.0e+00;
	v6 =	vimm.f32 $0.0e+00;
	v11 =	vld [tilespmem:s24+$0x5A00];
	v0 =	vmul.f32 v0, v1  }
0x22e: {  	s22 =	sand.u32 $0x70, s31;
	v5 =	vimm.f32 $0.0e+00;
	v7 =	vld [tilespmem:s24+$0x5A80];
	s20 =	simm.s32 $0x80;
	v14 =	vmul.f32 v2, v1;
	v15 =	vmul.f32 v3, v1  }
0x22f: {  	s19 =	simm.s32 $0x8010;
	s21 =	simm.s32 $0x20;
	v13 =	vld [tilespmem:s24+$0x5B00];
	s23 =	sand.u32 $0x400, s20;
	v3 =	vimm.f32 $0.0e+00;
	v2 =	vimm.f32 $0.0e+00;
	v0 =	vadd.f32 v0, v4  }
.LBB2_12:
0x230: {  	p0 =	sne.s32 s21, $0xF0;
	v16 =	vld [tilespmem:s19+$0x0];
	s24 =	sor.u32 s22, s23;
	v4 =	vadd.f32 v14, v4;
	v10 =	vmul.f32 v10, v1  }
0x231: {  	v14 =	vld [tilespmem:s24+$0x5B80];
	v9 =	vadd.f32 v15, v9;
	v12 =	vmul.f32 v12, v1  }
0x232: {  	v15 =	vld [tilespmem:s24+$0x5800];
	v5 =	vadd.f32 v10, v5;
	v11 =	vmul.f32 v11, v1  }
0x233: {  	v17 =	vld [tilespmem:s24+$0x5880];
	v6 =	vadd.f32 v12, v6;
	v7 =	vmul.f32 v7, v1  }
.Ltmp5:
0x234: {  	v10 =	vld [tilespmem:s24+$0x5900];
	v8 =	vadd.f32 v11, v8;
	v13 =	vmul.f32 v13, v1;
	(pc) =	sbr.rel @p0 .LBB2_12-.Ltmp5, $4  }
0x235: {  	v12 =	vld [tilespmem:s24+$0x5980];
	v3 =	vadd.f32 v7, v3;
	v1 =	vmov v16  }
0x236: {  	v11 =	vld [tilespmem:s24+$0x5A00];
	v16 =	vmul.f32 v14, v1;
	v2 =	vadd.f32 v13, v2  }
0x237: {  	s20 =	sadd.s32 $0x80, s20;
	s19 =	sadd.s32 $0x10, s19;
	v14 =	vmul.f32 v15, v1;
	v7 =	vld [tilespmem:s24+$0x5A80]  }
0x238: {  	s22 =	sand.u32 $0x70, s21;
	s21 =	sadd.s32 $0x10, s21;
	s23 =	sand.u32 $0x400, s20;
	v15 =	vmul.f32 v17, v1;
	v13 =	vld [tilespmem:s24+$0x5B00];
	v0 =	vadd.f32 v16, v0  }
0x239: {  	v16 =	vld [tilespmem:s19+$0x0];
	s29 =	sor.u32 s22, s23  }
0x23a: {  	v17 =	vld [tilespmem:s29+$0x5800]  }
0x23b: {  	v18 =	vld [tilespmem:s29+$0x5880]  }
0x23c: {  	v4 =	vadd.f32 v14, v4;
	v14 =	vld [tilespmem:s29+$0x5A00]  }
0x23d: {  	v10 =	vmul.f32 v10, v1;
	v19 =	vld [tilespmem:s29+$0x5900];
	v12 =	vmul.f32 v12, v1  }
0x23e: {  	v20 =	vld [tilespmem:s29+$0x5980];
	v9 =	vadd.f32 v15, v9;
	v11 =	vmul.f32 v11, v1  }
0x23f: {  	v5 =	vadd.f32 v10, v5;
	v6 =	vadd.f32 v12, v6;
	v12 =	vld [tilespmem:s29+$0x5B00];
	v15 =	vmul.f32 v17, v16  }
0x240: {  	v7 =	vmul.f32 v7, v1;
	v8 =	vadd.f32 v11, v8;
	v17 =	vld [tilespmem:s29+$0x5A80];
	v10 =	vmul.f32 v18, v16  }
0x241: {  	v11 =	vld [tilespmem:s29+$0x5B80];
	v1 =	vmul.f32 v13, v1;
	v13 =	vmul.f32 v14, v16;
	v4 =	vadd.f32 v15, v4  }
0x242: {  	v15 =	vmul.f32 v19, v16;
	v9 =	vadd.f32 v10, v9  }
0x243: {  	v1 =	vadd.f32 v1, v2;
	v10 =	vmul.f32 v20, v16;
	v2 =	vadd.f32 v13, v8;
	[tilespmem:$0x8D00] =	vst v4  }
0x244: {  	v3 =	vadd.f32 v7, v3;
	v7 =	vmul.f32 v12, v16;
	v5 =	vadd.f32 v15, v5;
	[tilespmem:$0x8D80] =	vst v9  }
0x245: {  	v4 =	vadd.f32 v10, v6;
	[tilespmem:$0x8F00] =	vst v2;
	v6 =	vmul.f32 v17, v16  }
0x246: {  	v1 =	vadd.f32 v7, v1;
	[tilespmem:$0x8E00] =	vst v5;
	v5 =	vmul.f32 v11, v16  }
0x247: {  	[tilespmem:$0x8E80] =	vst v4;
	v3 =	vadd.f32 v6, v3  }
0x248: {  	[tilespmem:$0x9000] =	vst v1;
	v0 =	vadd.f32 v5, v0  }
0x249: {  	s30 =	simm.s32 $0x0;
	[tilespmem:$0x8F80] =	vst v3  }
0x24a: {  	s20 =	simm.s32 $0x8000;
	s21 =	sand.u32 $0x70, s30;
	s19 =	sand.u32 $0x400, s30;
	[tilespmem:$0x9080] =	vst v0  }
0x24b: {  	s24 =	sor.u32 s21, s19;
	v1 =	vld [tilespmem:s20+$0x0]  }
0x24c: {  	v0 =	vld [tilespmem:s24+$0x6380]  }
0x24d: {  	v2 =	vld [tilespmem:s24+$0x6000]  }
0x24e: {  	v3 =	vld [tilespmem:s24+$0x6080];
	_ =	sdelay $0x1  }
0x24f: {  	v10 =	vld [tilespmem:s24+$0x6100]  }
0x250: {  	v8 =	vimm.f32 $0.0e+00;
	v9 =	vimm.f32 $0.0e+00;
	v12 =	vld [tilespmem:s24+$0x6180]  }
0x251: {  	s31 =	simm.s32 $0x10;
	v4 =	vimm.f32 $0.0e+00;
	v6 =	vimm.f32 $0.0e+00;
	v11 =	vld [tilespmem:s24+$0x6200];
	v0 =	vmul.f32 v0, v1  }
0x252: {  	s22 =	sand.u32 $0x70, s31;
	v5 =	vimm.f32 $0.0e+00;
	v7 =	vld [tilespmem:s24+$0x6280];
	s20 =	simm.s32 $0x80;
	v14 =	vmul.f32 v2, v1;
	v15 =	vmul.f32 v3, v1  }
0x253: {  	s19 =	simm.s32 $0x8010;
	s21 =	simm.s32 $0x20;
	v13 =	vld [tilespmem:s24+$0x6300];
	s23 =	sand.u32 $0x400, s20;
	v3 =	vimm.f32 $0.0e+00;
	v2 =	vimm.f32 $0.0e+00;
	v0 =	vadd.f32 v0, v4  }
.LBB2_14:
0x254: {  	p0 =	sne.s32 s21, $0xF0;
	v16 =	vld [tilespmem:s19+$0x0];
	s24 =	sor.u32 s22, s23;
	v4 =	vadd.f32 v14, v4;
	v10 =	vmul.f32 v10, v1  }
0x255: {  	v14 =	vld [tilespmem:s24+$0x6380];
	v9 =	vadd.f32 v15, v9;
	v12 =	vmul.f32 v12, v1  }
0x256: {  	v15 =	vld [tilespmem:s24+$0x6000];
	v5 =	vadd.f32 v10, v5;
	v11 =	vmul.f32 v11, v1  }
0x257: {  	v17 =	vld [tilespmem:s24+$0x6080];
	v6 =	vadd.f32 v12, v6;
	v7 =	vmul.f32 v7, v1  }
.Ltmp6:
0x258: {  	v10 =	vld [tilespmem:s24+$0x6100];
	v8 =	vadd.f32 v11, v8;
	v13 =	vmul.f32 v13, v1;
	(pc) =	sbr.rel @p0 .LBB2_14-.Ltmp6, $4  }
0x259: {  	v12 =	vld [tilespmem:s24+$0x6180];
	v3 =	vadd.f32 v7, v3;
	v1 =	vmov v16  }
0x25a: {  	v11 =	vld [tilespmem:s24+$0x6200];
	v16 =	vmul.f32 v14, v1;
	v2 =	vadd.f32 v13, v2  }
0x25b: {  	s20 =	sadd.s32 $0x80, s20;
	s19 =	sadd.s32 $0x10, s19;
	v14 =	vmul.f32 v15, v1;
	v7 =	vld [tilespmem:s24+$0x6280]  }
0x25c: {  	s22 =	sand.u32 $0x70, s21;
	s21 =	sadd.s32 $0x10, s21;
	s23 =	sand.u32 $0x400, s20;
	v15 =	vmul.f32 v17, v1;
	v13 =	vld [tilespmem:s24+$0x6300];
	v0 =	vadd.f32 v16, v0  }
0x25d: {  	v16 =	vld [tilespmem:s19+$0x0];
	s29 =	sor.u32 s22, s23  }
0x25e: {  	v17 =	vld [tilespmem:s29+$0x6000]  }
0x25f: {  	v18 =	vld [tilespmem:s29+$0x6080]  }
0x260: {  	v4 =	vadd.f32 v14, v4;
	v14 =	vld [tilespmem:s29+$0x6200]  }
0x261: {  	v10 =	vmul.f32 v10, v1;
	v19 =	vld [tilespmem:s29+$0x6100];
	v12 =	vmul.f32 v12, v1  }
0x262: {  	v20 =	vld [tilespmem:s29+$0x6180];
	v9 =	vadd.f32 v15, v9;
	v11 =	vmul.f32 v11, v1  }
0x263: {  	v5 =	vadd.f32 v10, v5;
	v6 =	vadd.f32 v12, v6;
	v12 =	vld [tilespmem:s29+$0x6300];
	v15 =	vmul.f32 v17, v16  }
0x264: {  	v7 =	vmul.f32 v7, v1;
	v8 =	vadd.f32 v11, v8;
	v17 =	vld [tilespmem:s29+$0x6280];
	v10 =	vmul.f32 v18, v16  }
0x265: {  	v11 =	vld [tilespmem:s29+$0x6380];
	v1 =	vmul.f32 v13, v1;
	v13 =	vmul.f32 v14, v16;
	v4 =	vadd.f32 v15, v4  }
0x266: {  	v15 =	vmul.f32 v19, v16;
	v9 =	vadd.f32 v10, v9  }
0x267: {  	v1 =	vadd.f32 v1, v2;
	v10 =	vmul.f32 v20, v16;
	v2 =	vadd.f32 v13, v8;
	[tilespmem:$0x9100] =	vst v4  }
0x268: {  	v3 =	vadd.f32 v7, v3;
	v7 =	vmul.f32 v12, v16;
	v5 =	vadd.f32 v15, v5;
	[tilespmem:$0x9180] =	vst v9  }
0x269: {  	v4 =	vadd.f32 v10, v6;
	[tilespmem:$0x9300] =	vst v2;
	v6 =	vmul.f32 v17, v16  }
0x26a: {  	v1 =	vadd.f32 v7, v1;
	[tilespmem:$0x9200] =	vst v5;
	v5 =	vmul.f32 v11, v16  }
0x26b: {  	[tilespmem:$0x9280] =	vst v4;
	v3 =	vadd.f32 v6, v3  }
0x26c: {  	[tilespmem:$0x9400] =	vst v1;
	v0 =	vadd.f32 v5, v0  }
0x26d: {  	s30 =	simm.s32 $0x0;
	[tilespmem:$0x9380] =	vst v3  }
0x26e: {  	s20 =	simm.s32 $0x8000;
	s21 =	sand.u32 $0x70, s30;
	s19 =	sand.u32 $0x400, s30;
	[tilespmem:$0x9480] =	vst v0  }
0x26f: {  	s24 =	sor.u32 s21, s19;
	v1 =	vld [tilespmem:s20+$0x0]  }
0x270: {  	v0 =	vld [tilespmem:s24+$0x6B80]  }
0x271: {  	v2 =	vld [tilespmem:s24+$0x6800]  }
0x272: {  	v3 =	vld [tilespmem:s24+$0x6880];
	_ =	sdelay $0x1  }
0x273: {  	v10 =	vld [tilespmem:s24+$0x6900]  }
0x274: {  	v8 =	vimm.f32 $0.0e+00;
	v9 =	vimm.f32 $0.0e+00;
	v12 =	vld [tilespmem:s24+$0x6980]  }
0x275: {  	s31 =	simm.s32 $0x10;
	v4 =	vimm.f32 $0.0e+00;
	v6 =	vimm.f32 $0.0e+00;
	v11 =	vld [tilespmem:s24+$0x6A00];
	v0 =	vmul.f32 v0, v1  }
0x276: {  	s22 =	sand.u32 $0x70, s31;
	v5 =	vimm.f32 $0.0e+00;
	v7 =	vld [tilespmem:s24+$0x6A80];
	s20 =	simm.s32 $0x80;
	v14 =	vmul.f32 v2, v1;
	v15 =	vmul.f32 v3, v1  }
0x277: {  	s19 =	simm.s32 $0x8010;
	s21 =	simm.s32 $0x20;
	v13 =	vld [tilespmem:s24+$0x6B00];
	s23 =	sand.u32 $0x400, s20;
	v3 =	vimm.f32 $0.0e+00;
	v2 =	vimm.f32 $0.0e+00;
	v0 =	vadd.f32 v0, v4  }
.LBB2_16:
0x278: {  	p0 =	sne.s32 s21, $0xF0;
	v16 =	vld [tilespmem:s19+$0x0];
	s24 =	sor.u32 s22, s23;
	v4 =	vadd.f32 v14, v4;
	v10 =	vmul.f32 v10, v1  }
0x279: {  	v14 =	vld [tilespmem:s24+$0x6B80];
	v9 =	vadd.f32 v15, v9;
	v12 =	vmul.f32 v12, v1  }
0x27a: {  	v15 =	vld [tilespmem:s24+$0x6800];
	v5 =	vadd.f32 v10, v5;
	v11 =	vmul.f32 v11, v1  }
0x27b: {  	v17 =	vld [tilespmem:s24+$0x6880];
	v6 =	vadd.f32 v12, v6;
	v7 =	vmul.f32 v7, v1  }
.Ltmp7:
0x27c: {  	v10 =	vld [tilespmem:s24+$0x6900];
	v8 =	vadd.f32 v11, v8;
	v13 =	vmul.f32 v13, v1;
	(pc) =	sbr.rel @p0 .LBB2_16-.Ltmp7, $4  }
0x27d: {  	v12 =	vld [tilespmem:s24+$0x6980];
	v3 =	vadd.f32 v7, v3;
	v1 =	vmov v16  }
0x27e: {  	v11 =	vld [tilespmem:s24+$0x6A00];
	v16 =	vmul.f32 v14, v1;
	v2 =	vadd.f32 v13, v2  }
0x27f: {  	s20 =	sadd.s32 $0x80, s20;
	s19 =	sadd.s32 $0x10, s19;
	v14 =	vmul.f32 v15, v1;
	v7 =	vld [tilespmem:s24+$0x6A80]  }
0x280: {  	s22 =	sand.u32 $0x70, s21;
	s21 =	sadd.s32 $0x10, s21;
	s23 =	sand.u32 $0x400, s20;
	v15 =	vmul.f32 v17, v1;
	v13 =	vld [tilespmem:s24+$0x6B00];
	v0 =	vadd.f32 v16, v0  }
0x281: {  	v16 =	vld [tilespmem:s19+$0x0];
	s29 =	sor.u32 s22, s23  }
0x282: {  	v17 =	vld [tilespmem:s29+$0x6800]  }
0x283: {  	v18 =	vld [tilespmem:s29+$0x6880]  }
0x284: {  	v4 =	vadd.f32 v14, v4;
	v14 =	vld [tilespmem:s29+$0x6A00]  }
0x285: {  	v10 =	vmul.f32 v10, v1;
	v19 =	vld [tilespmem:s29+$0x6900];
	v12 =	vmul.f32 v12, v1  }
0x286: {  	v20 =	vld [tilespmem:s29+$0x6980];
	v9 =	vadd.f32 v15, v9;
	v11 =	vmul.f32 v11, v1  }
0x287: {  	v5 =	vadd.f32 v10, v5;
	v6 =	vadd.f32 v12, v6;
	v12 =	vld [tilespmem:s29+$0x6B00];
	v15 =	vmul.f32 v17, v16  }
0x288: {  	v7 =	vmul.f32 v7, v1;
	v8 =	vadd.f32 v11, v8;
	v17 =	vld [tilespmem:s29+$0x6A80];
	v10 =	vmul.f32 v18, v16  }
0x289: {  	v11 =	vld [tilespmem:s29+$0x6B80];
	v1 =	vmul.f32 v13, v1;
	v13 =	vmul.f32 v14, v16;
	v4 =	vadd.f32 v15, v4  }
0x28a: {  	v15 =	vmul.f32 v19, v16;
	v9 =	vadd.f32 v10, v9  }
0x28b: {  	v1 =	vadd.f32 v1, v2;
	v10 =	vmul.f32 v20, v16;
	v2 =	vadd.f32 v13, v8;
	[tilespmem:$0x9500] =	vst v4  }
0x28c: {  	v3 =	vadd.f32 v7, v3;
	v7 =	vmul.f32 v12, v16;
	v5 =	vadd.f32 v15, v5;
	[tilespmem:$0x9580] =	vst v9  }
0x28d: {  	v4 =	vadd.f32 v10, v6;
	[tilespmem:$0x9700] =	vst v2;
	v6 =	vmul.f32 v17, v16  }
0x28e: {  	v1 =	vadd.f32 v7, v1;
	[tilespmem:$0x9600] =	vst v5;
	v5 =	vmul.f32 v11, v16  }
0x28f: {  	[tilespmem:$0x9680] =	vst v4;
	v3 =	vadd.f32 v6, v3  }
0x290: {  	[tilespmem:$0x9800] =	vst v1;
	v0 =	vadd.f32 v5, v0  }
0x291: {  	s30 =	simm.s32 $0x0;
	[tilespmem:$0x9780] =	vst v3  }
0x292: {  	s20 =	simm.s32 $0x8000;
	s21 =	sand.u32 $0x70, s30;
	s19 =	sand.u32 $0x400, s30;
	[tilespmem:$0x9880] =	vst v0  }
0x293: {  	s24 =	sor.u32 s21, s19;
	v1 =	vld [tilespmem:s20+$0x0]  }
0x294: {  	v0 =	vld [tilespmem:s24+$0x7380]  }
0x295: {  	v2 =	vld [tilespmem:s24+$0x7000]  }
0x296: {  	v3 =	vld [tilespmem:s24+$0x7080];
	_ =	sdelay $0x1  }
0x297: {  	v10 =	vld [tilespmem:s24+$0x7100]  }
0x298: {  	v8 =	vimm.f32 $0.0e+00;
	v9 =	vimm.f32 $0.0e+00;
	v12 =	vld [tilespmem:s24+$0x7180]  }
0x299: {  	s31 =	simm.s32 $0x10;
	v4 =	vimm.f32 $0.0e+00;
	v6 =	vimm.f32 $0.0e+00;
	v11 =	vld [tilespmem:s24+$0x7200];
	v0 =	vmul.f32 v0, v1  }
0x29a: {  	s22 =	sand.u32 $0x70, s31;
	v5 =	vimm.f32 $0.0e+00;
	v7 =	vld [tilespmem:s24+$0x7280];
	s20 =	simm.s32 $0x80;
	v14 =	vmul.f32 v2, v1;
	v15 =	vmul.f32 v3, v1  }
0x29b: {  	s19 =	simm.s32 $0x8010;
	s21 =	simm.s32 $0x20;
	v13 =	vld [tilespmem:s24+$0x7300];
	s23 =	sand.u32 $0x400, s20;
	v3 =	vimm.f32 $0.0e+00;
	v2 =	vimm.f32 $0.0e+00;
	v0 =	vadd.f32 v0, v4  }
.LBB2_18:
0x29c: {  	p0 =	sne.s32 s21, $0xF0;
	v16 =	vld [tilespmem:s19+$0x0];
	s24 =	sor.u32 s22, s23;
	v4 =	vadd.f32 v14, v4;
	v10 =	vmul.f32 v10, v1  }
0x29d: {  	v14 =	vld [tilespmem:s24+$0x7380];
	v9 =	vadd.f32 v15, v9;
	v12 =	vmul.f32 v12, v1  }
0x29e: {  	v15 =	vld [tilespmem:s24+$0x7000];
	v5 =	vadd.f32 v10, v5;
	v11 =	vmul.f32 v11, v1  }
0x29f: {  	v17 =	vld [tilespmem:s24+$0x7080];
	v6 =	vadd.f32 v12, v6;
	v7 =	vmul.f32 v7, v1  }
.Ltmp8:
0x2a0: {  	v10 =	vld [tilespmem:s24+$0x7100];
	v8 =	vadd.f32 v11, v8;
	v13 =	vmul.f32 v13, v1;
	(pc) =	sbr.rel @p0 .LBB2_18-.Ltmp8, $4  }
0x2a1: {  	v12 =	vld [tilespmem:s24+$0x7180];
	v3 =	vadd.f32 v7, v3;
	v1 =	vmov v16  }
0x2a2: {  	v11 =	vld [tilespmem:s24+$0x7200];
	v16 =	vmul.f32 v14, v1;
	v2 =	vadd.f32 v13, v2  }
0x2a3: {  	s20 =	sadd.s32 $0x80, s20;
	s19 =	sadd.s32 $0x10, s19;
	v14 =	vmul.f32 v15, v1;
	v7 =	vld [tilespmem:s24+$0x7280]  }
0x2a4: {  	s22 =	sand.u32 $0x70, s21;
	s21 =	sadd.s32 $0x10, s21;
	s23 =	sand.u32 $0x400, s20;
	v15 =	vmul.f32 v17, v1;
	v13 =	vld [tilespmem:s24+$0x7300];
	v0 =	vadd.f32 v16, v0  }
0x2a5: {  	v16 =	vld [tilespmem:s19+$0x0];
	s29 =	sor.u32 s22, s23  }
0x2a6: {  	v17 =	vld [tilespmem:s29+$0x7000]  }
0x2a7: {  	v18 =	vld [tilespmem:s29+$0x7080]  }
0x2a8: {  	v4 =	vadd.f32 v14, v4;
	v14 =	vld [tilespmem:s29+$0x7200]  }
0x2a9: {  	v10 =	vmul.f32 v10, v1;
	v19 =	vld [tilespmem:s29+$0x7100];
	v12 =	vmul.f32 v12, v1  }
0x2aa: {  	v20 =	vld [tilespmem:s29+$0x7180];
	v9 =	vadd.f32 v15, v9;
	v11 =	vmul.f32 v11, v1  }
0x2ab: {  	v5 =	vadd.f32 v10, v5;
	v6 =	vadd.f32 v12, v6;
	v12 =	vld [tilespmem:s29+$0x7300];
	v15 =	vmul.f32 v17, v16  }
0x2ac: {  	v7 =	vmul.f32 v7, v1;
	v8 =	vadd.f32 v11, v8;
	v17 =	vld [tilespmem:s29+$0x7280];
	v10 =	vmul.f32 v18, v16  }
0x2ad: {  	v11 =	vld [tilespmem:s29+$0x7380];
	v1 =	vmul.f32 v13, v1;
	v13 =	vmul.f32 v14, v16;
	v4 =	vadd.f32 v15, v4  }
0x2ae: {  	v15 =	vmul.f32 v19, v16;
	v9 =	vadd.f32 v10, v9  }
0x2af: {  	v1 =	vadd.f32 v1, v2;
	v10 =	vmul.f32 v20, v16;
	v2 =	vadd.f32 v13, v8;
	[tilespmem:$0x9900] =	vst v4  }
0x2b0: {  	v3 =	vadd.f32 v7, v3;
	v7 =	vmul.f32 v12, v16;
	v5 =	vadd.f32 v15, v5;
	[tilespmem:$0x9980] =	vst v9  }
0x2b1: {  	v4 =	vadd.f32 v10, v6;
	[tilespmem:$0x9B00] =	vst v2;
	v6 =	vmul.f32 v17, v16  }
0x2b2: {  	v1 =	vadd.f32 v7, v1;
	[tilespmem:$0x9A00] =	vst v5;
	v5 =	vmul.f32 v11, v16  }
0x2b3: {  	[tilespmem:$0x9A80] =	vst v4;
	v3 =	vadd.f32 v6, v3  }
0x2b4: {  	[tilespmem:$0x9C00] =	vst v1;
	v0 =	vadd.f32 v5, v0  }
0x2b5: {  	s30 =	simm.s32 $0x0;
	[tilespmem:$0x9B80] =	vst v3  }
0x2b6: {  	s20 =	simm.s32 $0x8000;
	s21 =	sand.u32 $0x70, s30;
	s19 =	sand.u32 $0x400, s30;
	[tilespmem:$0x9C80] =	vst v0  }
0x2b7: {  	s24 =	sor.u32 s21, s19;
	v1 =	vld [tilespmem:s20+$0x0]  }
0x2b8: {  	v0 =	vld [tilespmem:s24+$0x7B80]  }
0x2b9: {  	v2 =	vld [tilespmem:s24+$0x7800]  }
0x2ba: {  	v3 =	vld [tilespmem:s24+$0x7880];
	_ =	sdelay $0x1  }
0x2bb: {  	v10 =	vld [tilespmem:s24+$0x7900]  }
0x2bc: {  	v8 =	vimm.f32 $0.0e+00;
	v9 =	vimm.f32 $0.0e+00;
	v12 =	vld [tilespmem:s24+$0x7980]  }
0x2bd: {  	s31 =	simm.s32 $0x10;
	v4 =	vimm.f32 $0.0e+00;
	v6 =	vimm.f32 $0.0e+00;
	v11 =	vld [tilespmem:s24+$0x7A00];
	v0 =	vmul.f32 v0, v1  }
0x2be: {  	s22 =	sand.u32 $0x70, s31;
	v5 =	vimm.f32 $0.0e+00;
	v7 =	vld [tilespmem:s24+$0x7A80];
	s20 =	simm.s32 $0x80;
	v14 =	vmul.f32 v2, v1;
	v15 =	vmul.f32 v3, v1  }
0x2bf: {  	s19 =	simm.s32 $0x8010;
	s21 =	simm.s32 $0x20;
	v13 =	vld [tilespmem:s24+$0x7B00];
	s23 =	sand.u32 $0x400, s20;
	v3 =	vimm.f32 $0.0e+00;
	v2 =	vimm.f32 $0.0e+00;
	v0 =	vadd.f32 v0, v4  }
.LBB2_20:
0x2c0: {  	p0 =	sne.s32 s21, $0xF0;
	v16 =	vld [tilespmem:s19+$0x0];
	s24 =	sor.u32 s22, s23;
	v4 =	vadd.f32 v14, v4;
	v10 =	vmul.f32 v10, v1  }
0x2c1: {  	v14 =	vld [tilespmem:s24+$0x7B80];
	v9 =	vadd.f32 v15, v9;
	v12 =	vmul.f32 v12, v1  }
0x2c2: {  	v15 =	vld [tilespmem:s24+$0x7800];
	v5 =	vadd.f32 v10, v5;
	v11 =	vmul.f32 v11, v1  }
0x2c3: {  	v17 =	vld [tilespmem:s24+$0x7880];
	v6 =	vadd.f32 v12, v6;
	v7 =	vmul.f32 v7, v1  }
.Ltmp9:
0x2c4: {  	v10 =	vld [tilespmem:s24+$0x7900];
	v8 =	vadd.f32 v11, v8;
	v13 =	vmul.f32 v13, v1;
	(pc) =	sbr.rel @p0 .LBB2_20-.Ltmp9, $4  }
0x2c5: {  	v12 =	vld [tilespmem:s24+$0x7980];
	v3 =	vadd.f32 v7, v3;
	v1 =	vmov v16  }
0x2c6: {  	v11 =	vld [tilespmem:s24+$0x7A00];
	v16 =	vmul.f32 v14, v1;
	v2 =	vadd.f32 v13, v2  }
0x2c7: {  	s20 =	sadd.s32 $0x80, s20;
	s19 =	sadd.s32 $0x10, s19;
	v14 =	vmul.f32 v15, v1;
	v7 =	vld [tilespmem:s24+$0x7A80]  }
0x2c8: {  	s22 =	sand.u32 $0x70, s21;
	s21 =	sadd.s32 $0x10, s21;
	s23 =	sand.u32 $0x400, s20;
	v15 =	vmul.f32 v17, v1;
	v13 =	vld [tilespmem:s24+$0x7B00];
	v0 =	vadd.f32 v16, v0  }
0x2c9: {  	v16 =	vld [tilespmem:s19+$0x0];
	s31 =	sor.u32 s22, s23  }
0x2ca: {  	v17 =	vld [tilespmem:s31+$0x7800]  }
0x2cb: {  	v18 =	vld [tilespmem:s31+$0x7880]  }
0x2cc: {  	v19 =	vld [tilespmem:s31+$0x7900]  }
0x2cd: {  	v20 =	vld [tilespmem:s31+$0x7980]  }
0x2ce: {  	v4 =	vadd.f32 v14, v4;
	v10 =	vmul.f32 v10, v1;
	v12 =	vmul.f32 v12, v1;
	v49 =	vld [tilespmem:s31+$0x7A00]  }
0x2cf: {  	v9 =	vadd.f32 v15, v9;
	v51 =	vld [tilespmem:s31+$0x7A80];
	v11 =	vmul.f32 v11, v1;
	v50 =	vmul.f32 v17, v16  }
0x2d0: {  	v53 =	vld [tilespmem:s31+$0x7B00];
	v5 =	vadd.f32 v10, v5;
	v6 =	vadd.f32 v12, v6;
	v52 =	vmul.f32 v18, v16  }
0x2d1: {  	v54 =	vld [tilespmem:s31+$0x7B80];
	v7 =	vmul.f32 v7, v1;
	v55 =	vmul.f32 v19, v16;
	v4 =	vadd.f32 v50, v4  }
0x2d2: {  	v8 =	vadd.f32 v11, v8;
	v56 =	vmul.f32 v20, v16;
	v9 =	vadd.f32 v52, v9  }
0x2d3: {  	v57 =	vmul.f32 v13, v1;
	v58 =	vmul.f32 v49, v16;
	v5 =	vadd.f32 v55, v5;
	[tilespmem:$0x9D00] =	vst v4  }
0x2d4: {  	v3 =	vadd.f32 v7, v3;
	v60 =	vmul.f32 v51, v16;
	v59 =	vadd.f32 v56, v6;
	[tilespmem:$0x9D80] =	vst v9  }
0x2d5: {  	v1 =	vadd.f32 v57, v2;
	v62 =	vmul.f32 v53, v16;
	v61 =	vadd.f32 v58, v8;
	[tilespmem:$0x9E00] =	vst v5  }
0x2d6: {  	v63 =	vmul.f32 v54, v16;
	v3 =	vadd.f32 v60, v3;
	[tilespmem:$0x9E80] =	vst v59  }
0x2d7: {  	v1 =	vadd.f32 v62, v1;
	[tilespmem:$0x9F00] =	vst v61  }
0x2d8: {  	v0 =	vadd.f32 v63, v0;
	[tilespmem:$0x9F80] =	vst v3  }
0x2d9: {  	[tilespmem:$0xA000] =	vst v1  }
0x2da: {  	[tilespmem:$0xA080] =	vst v0  }
0x2db: {  	[hbm4b:s5+s2] =	stream.linear.scatter [tilespmem:s13], [sflag:$0x3], $0x2000, $0x38;
	[tilespmem:$0xC180] =	vst v63  }
0x2dc: {  	_ =	swait.ge [sflag:s15], $0x2000  }
0x2dd: {  	[sflag:s15] =	ssyncset.done $0x0  }
0x2de: {  	[sflag:s15] =	ssyncadd.s32 $0xFFFFE000  }
0x2df: {  	[hbm4b:s6+s2] =	stream.linear.scatter [tilespmem:s16], [sflag:$0x3], $0x2000, $0x38;
	[tilespmem:$0xC180] =	vst v63  }
0x2e0: {  	s18 =	sadd.s32 $0x1, s18;
	_ =	swait.ge [sflag:s15], $0x2000  }
0x2e1: {  	p0 =	sne.s32 s18, s8;
	[sflag:s15] =	ssyncset.done $0x0  }
.Ltmp10:
0x2e2: {  	[sflag:s15] =	ssyncadd.s32 $0xFFFFE000;
	(pc) =	sbr.rel @p0 .LBB2_1-.Ltmp10, $4  }
0x2e3: {  	[hbm4b:s7+s2] =	stream.linear.scatter [tilespmem:s17], [sflag:$0x3], $0x80, $0x38;
	[tilespmem:$0xC180] =	vst v63  }
0x2e4: {  	_ =	swait.ge [sflag:s15], $0x80  }
0x2e5: {  	[sflag:s15] =	ssyncset.done $0x0  }
0x2e6: {  	[sflag:s15] =	ssyncadd.s32 $0xFFFFFF80  }
0x2e7: {  	_ =	sfence.sel $0x180000  }
0x2e8: {  	[bflag:$0x0] =	sbarrier.arrive $0xFFFF  }
0x2e9: {  	p0 =	sne.s32 s0, $0x0;
	_ =	strace $0x90000047  }
0x2ea: {  	s0 =	sadd.s32 @!p0 $0x100000, s1;
	[bflag:$0x2] =	sbarrier.arrive $0xFFFF  }
0x2eb: {  	[sflag:s0] =	ssyncadd.tile.s32 @!p0 $0x1;
	_ =	shalt  }
.Lfunc_end2:
_tile_overlayer_lowered:
.L_overlay_start_2:
0x2ec: {  	(tag) =	ssettag $0x2  }
0x2ed: {  	s0 =	rddreg [dreg:$0x0];
	s2 =	stileid.u32  }
0x2ee: {  	s1 =	rddreg [dreg:$0x1];
	p0 =	sne.s32 s2, $0x0  }
0x2ef: {  	s3 =	rddreg [dreg:$0x2];
	[bflag:$0x3] =	sbarrier.arrive $0xFFFF;
	s2 =	simm.s32 @!p0 $0x1C03  }
0x2f0: {  	[timem:s3], [sflag:s2] =	dma.local @!p0 [hbm:s0], s1  }
0x2f1: {  	s0 =	simm.s32 @!p0 $0x3  }
0x2f2: {  	_ =	swait.ge @!p0 [sflag:s0], s1  }
0x2f3: {  	s1 =	ssub.s32 @!p0 $0x0, s1;
	[sflag:s0] =	ssyncset.done @!p0 $0x0  }
0x2f4: {  	[sflag:s0] =	ssyncadd.s32 @!p0 s1  }
0x2f5: {  	[bflag:$0x3] =	sbarrier.arrive $0xFFFF  }
0x2f6: {  	_ =	shalt  }

</sc_bundles>
